<compile_context>
chip_gen: v7x
topology: tpu7x:2x2x1
jax: 0.10.2.dev20260603
libtpu: 0.0.44.dev20260713+nightly
codegen_flags: <defaults>
</compile_context>

<pallas_src>
import functools

import jax
import jax.numpy as jnp
from jax import lax
from jax.experimental import pallas as pl
from jax.experimental.pallas import tpu as pltpu
from jax.experimental.pallas import tpu_sc as plsc

NW = 32
VT = 256
PD = 128


def _make_convert(V, D):
    n_full = V // VT
    tail = V % VT
    my_n = -(-n_full // NW)
    assert my_n % 2 == 1, "schedule below assumes an odd per-worker count"
    mesh = plsc.VectorSubcoreMesh(core_axis_name="c", subcore_axis_name="s")

    @functools.partial(
        pl.kernel,
        mesh=mesh,
        out_type=jax.ShapeDtypeStruct((V * PD,), jnp.float32),
        scratch_types=[
            pltpu.VMEM((2 * D, VT), jnp.float32),
            pltpu.VMEM((2 * VT * PD,), jnp.float32),
            pltpu.SemaphoreType.DMA((2,)),
            pltpu.SemaphoreType.DMA((2,)),
        ],
        compiler_params=pltpu.CompilerParams(
            use_tc_tiling_on_sc=True, needs_layout_passes=False),
    )
    def convert_kernel(tt_hbm, tail_hbm, out_hbm, in_v, tr_v, isem, osem):
        wid = lax.axis_index("s") * 2 + lax.axis_index("c")
        base = wid * my_n

        lanes = lax.iota(jnp.int32, 16)
        lanes_p = lanes * PD

        def v0(s):
            v = jnp.minimum((base + s) * VT, (n_full - 1) * VT)
            return pl.multiple_of(v, VT)

        def start_in(s, b):
            pltpu.async_copy(
                tt_hbm.at[:, pl.ds(v0(s), VT)],
                in_v.at[pl.ds(b * D, D)], isem.at[b])

        def wait_in(b):
            pltpu.make_async_copy(
                tt_hbm.at[:, pl.ds(0, VT)],
                in_v.at[pl.ds(b * D, D)], isem.at[b]).wait()

        def start_out(s, b):
            pltpu.async_copy(
                tr_v.at[pl.ds(b * VT * PD, VT * PD)],
                out_hbm.at[pl.ds(v0(s) * PD, VT * PD)], osem.at[b])

        def wait_out(b):
            pltpu.make_async_copy(
                tr_v.at[pl.ds(b * VT * PD, VT * PD)],
                out_hbm.at[pl.ds(0, VT * PD)], osem.at[b]).wait()

        def transpose(b):
            @plsc.parallel_loop(0, D, unroll=2)
            def _(d0):
                dd = d0 + lanes
                dd = jnp.where(dd >= D, dd - D, dd)
                rows = dd + b * D
                obase = lanes_p + dd + b * VT * PD
                for k in range(VT // 16):
                    vals = plsc.load_gather(in_v, [rows, k * 16 + lanes])
                    plsc.store_scatter(tr_v, [obase + k * (16 * PD)], vals)
            off = b * VT * PD + VT * PD - 16
            tr_v[pl.ds(off, 16)] = tr_v[pl.ds(off, 16)] + 0.0

        if tail:
            @pl.when(wid == NW - 1)
            def _():
                pltpu.sync_copy(tail_hbm, in_v.at[pl.ds(0, D)])
                @plsc.parallel_loop(0, D, unroll=2)
                def _(d0):
                    dd = d0 + lanes
                    dd = jnp.where(dd >= D, dd - D, dd)
                    obase = lanes_p + dd
                    for k in range(VT // 16):
                        vals = plsc.load_gather(in_v, [dd, k * 16 + lanes])
                        plsc.store_scatter(
                            tr_v, [obase + k * (16 * PD)], vals)
                off = VT * PD - 16
                tr_v[pl.ds(off, 16)] = tr_v[pl.ds(off, 16)] + 0.0
                pltpu.sync_copy(
                    tr_v.at[pl.ds(0, VT * PD)],
                    out_hbm.at[pl.ds((V - VT) * PD, VT * PD)])

        start_in(0, 0)
        start_in(1, 1)

        def pair(s2, _):
            s0 = s2 * 2
            s1 = s0 + 1

            wait_in(0)

            @pl.when(s2 >= 1)
            def _():
                wait_out(0)

            transpose(0)
            start_out(s0, 0)

            @pl.when(s0 + 2 < my_n)
            def _():
                start_in(s0 + 2, 0)

            @pl.when(s1 < my_n)
            def _():
                wait_in(1)

                @pl.when(s2 >= 1)
                def _():
                    wait_out(1)

                transpose(1)
                start_out(s1, 1)

                @pl.when(s1 + 2 < my_n)
                def _():
                    start_in(s1 + 2, 1)

            return 0

        lax.fori_loop(0, (my_n + 1) // 2, pair, 0)

        wait_out(0)
        wait_out(1)

    return convert_kernel


def _make_gather(B, L, V, D):
    bpw = B // NW
    nbb = bpw // 128
    n_chunks = L * nbb
    assert n_chunks % 2 == 0
    mesh = plsc.VectorSubcoreMesh(core_axis_name="c", subcore_axis_name="s")

    @functools.partial(
        pl.kernel,
        mesh=mesh,
        out_type=jax.ShapeDtypeStruct((L, D, B), jnp.float32),
        scratch_types=[
            pltpu.VMEM((L, bpw), jnp.int32),
            pltpu.VMEM((2 * 128, PD), jnp.float32),
            pltpu.VMEM((2, D, 128), jnp.float32),
            pltpu.SemaphoreType.DMA((2,)),
            pltpu.SemaphoreType.DMA((2,)),
        ],
        compiler_params=pltpu.CompilerParams(
            use_tc_tiling_on_sc=True, needs_layout_passes=False),
    )
    def gather_kernel(xt_hbm, table_hbm, out_hbm, idx_v, rows_v, tr_v,
                      gsem, osem):
        wid = lax.axis_index("s") * 2 + lax.axis_index("c")
        b_base = wid * bpw

        lanes = lax.iota(jnp.int32, 16)
        zeros = lanes * 0

        pltpu.sync_copy(xt_hbm.at[:, pl.ds(b_base, bpw)], idx_v)

        def lbb(j):
            return j // nbb, lax.rem(j, nbb)

        def start_gather(j, h):
            l, bb = lbb(j)
            pltpu.async_copy(
                table_hbm.at[idx_v.at[l, pl.ds(bb * 128, 128)]],
                rows_v.at[pl.ds(h * 128, 128)], gsem.at[h])

        def wait_gather(h):
            pltpu.make_async_copy(
                table_hbm.at[idx_v.at[0, pl.ds(0, 128)]],
                rows_v.at[pl.ds(h * 128, 128)], gsem.at[h]).wait()

        def start_out(j, h):
            l, bb = lbb(j)
            pltpu.async_copy(
                tr_v.at[pl.ds(h, 1)],
                out_hbm.at[pl.ds(l, 1), :,
                           pl.ds(b_base + bb * 128, 128)], osem.at[h])

        def wait_out(h):
            pltpu.make_async_copy(
                tr_v.at[pl.ds(h, 1)],
                out_hbm.at[pl.ds(0, 1), :, pl.ds(0, 128)], osem.at[h]).wait()

        def transpose(h):
            @plsc.parallel_loop(0, D, unroll=2)
            def _(d0):
                dd = d0 + lanes
                dd = jnp.where(dd >= D, dd - D, dd)
                hv = zeros + h
                for k in range(128 // 16):
                    ivec = k * 16 + lanes
                    vals = plsc.load_gather(
                        rows_v, [h * 128 + ivec, dd])
                    plsc.store_scatter(tr_v, [hv, dd, ivec], vals)
            off = 128 - 16
            tr_v[h, D - 1, pl.ds(off, 16)] = (
                tr_v[h, D - 1, pl.ds(off, 16)] + 0.0)

        start_gather(0, 0)
        start_gather(1, 1)

        def pair(p, _):
            j0 = p * 2
            for h in range(2):
                j = j0 + h
                wait_gather(h)

                @pl.when(p >= 1)
                def _():
                    wait_out(h)

                transpose(h)
                start_out(j, h)

                @pl.when(j + 2 < n_chunks)
                def _():
                    start_gather(j + 2, h)
            return 0

        lax.fori_loop(0, n_chunks // 2, pair, 0)

        wait_out(0)
        wait_out(1)

    return gather_kernel


def kernel(x, table):
    B, L = x.shape
    V, D = table.shape
    tt = table.T
    tlin = _make_convert(V, D)(tt, tt[:, V - VT:])
    out3 = _make_gather(B, L, V, D)(
        x.T.astype(jnp.int32), tlin.reshape(V, PD))
    return jnp.transpose(out3, (2, 0, 1))

# --- scband reference (transcript-rebuilt; emitter-appended) ---
"""Pipeline reference for scband-token-embed-76656576299331 (READ-ONLY COPY).

The authoritative reference and input builder live on the scoring server;
editing this copy changes nothing except your own understanding.
"""

import jax, jax.numpy as jnp
import numpy as np

VOCAB = 1000000
EMBED = 64
B = 16384
L = 50

def setup_inputs(seed: int = 0) -> dict:
    key = jax.random.key(seed)
    k_idx, k_tab = jax.random.split(key)
    x = jax.random.randint(k_idx, (B, L), 0, VOCAB, dtype=jnp.int64)
    table = jax.random.normal(k_tab, (VOCAB, EMBED), dtype=jnp.float32)
    return {"x": x, "table": table}

def reference(x, table):
    # nn.Embedding forward: gather rows of the table by index
    return jnp.take(table, x, axis=0)

if __name__ == "__main__":
    import jax
    _d = setup_inputs()
    print(jax.jit(kernel)(*tuple(_d.values())))

</pallas_src>

<mosaic_0001>
#map = affine_map<(d0, d1) -> (0, 0)>
#map1 = affine_map<(d0, d1) -> (0)>
module attributes {stable_mosaic.version = 14 : i64} {
  func.func @convert_kernel(%arg0: i32, %arg1: i32, %arg2: memref<64x1000000xf32, #tpu.memory_space<hbm>>, %arg3: memref<64x256xf32, #tpu.memory_space<hbm>>, %arg4: memref<128000000xf32, #tpu.memory_space<hbm>>, %arg5: memref<128x256xf32, #tpu.memory_space<vmem>>, %arg6: memref<65536xf32, #tpu.memory_space<vmem>>, %arg7: memref<2x!tpu.dma_semaphore, #tpu.memory_space<semaphore_mem>>, %arg8: memref<2x!tpu.dma_semaphore, #tpu.memory_space<semaphore_mem>>) attributes {dimension_semantics = [#tpu.dimension_semantics<core_parallel>, #tpu.dimension_semantics<subcore_parallel>], iteration_bounds = array<i64: 2, 16>, scalar_prefetch = 0 : i64, scratch_operands = 4 : i64, tpu.core_type = #tpu.core_type<sc_vector_subcore>, window_params = [{transform_indices = #map}, {transform_indices = #map}, {transform_indices = #map1}]} {
    %mul3A = arith.constant 2 : i32
    %mul3A_0 = arith.muli %arg1, %mul3A : i32
    %add3A = arith.addi %mul3A_0, %arg0 : i32
    %mul3A_1 = arith.constant 123 : i32
    %mul3A_2 = arith.muli %add3A, %mul3A_1 : i32
    %iota3A = tpu.iota {dimensions = array<i32: 0>} : vector<16xi32>
    %mul3A_3 = arith.constant 128 : i32
    %mul3A_4 = vector.broadcast %mul3A_3 : i32 to vector<16xi32>
    %mul3A_5 = arith.muli %iota3A, %mul3A_4 : vector<16xi32>
    %eq3A = arith.constant 31 : i32
    %eq3A_6 = arith.cmpi eq, %add3A, %eq3A : i32
    %convert_element_type3A = arith.extui %eq3A_6 : i1 to i32
    %cond3A = arith.constant 0 : i32
    %cond3A_7 = arith.cmpi ne, %convert_element_type3A, %cond3A : i32
    scf.if %cond3A_7 {
      "tpu.region"() ({
        %run_scoped3A = tpu.sem_alloc : memref<!tpu.dma_semaphore, #tpu.memory_space<semaphore_mem>>
        %dma_start3A_79 = arith.constant 0 : i32
        %dma_start3A_80 = arith.constant 0 : i32
        %dma_start3A_81 = tpu.memref_slice %arg5[%dma_start3A_79, %dma_start3A_80] : memref<128x256xf32, #tpu.memory_space<vmem>> -> memref<64x256xf32, #tpu.memory_space<vmem>>
        %dma_start3A_82 = arith.constant 0 : i32
        %dma_start3A_83 = arith.constant 0 : i32
        %dma_start3A_84 = tpu.memref_slice %arg5[%dma_start3A_82, %dma_start3A_83] : memref<128x256xf32, #tpu.memory_space<vmem>> -> memref<64x256xf32, #tpu.memory_space<vmem>>
        tpu.enqueue_dma source(%arg3 : memref<64x256xf32, #tpu.memory_space<hbm>>) target(%dma_start3A_84 : memref<64x256xf32, #tpu.memory_space<vmem>>) target_semaphore(%run_scoped3A : memref<!tpu.dma_semaphore, #tpu.memory_space<semaphore_mem>>)
        %dma_wait3A_85 = arith.constant 0 : i32
        %dma_wait3A_86 = arith.constant 0 : i32
        %dma_wait3A_87 = tpu.memref_slice %arg5[%dma_wait3A_85, %dma_wait3A_86] : memref<128x256xf32, #tpu.memory_space<vmem>> -> memref<64x256xf32, #tpu.memory_space<vmem>>
        %dma_wait3A_88 = arith.constant 0 : i32
        %dma_wait3A_89 = arith.constant 0 : i32
        %dma_wait3A_90 = tpu.memref_slice %arg5[%dma_wait3A_88, %dma_wait3A_89] : memref<128x256xf32, #tpu.memory_space<vmem>> -> memref<64x256xf32, #tpu.memory_space<vmem>>
        tpu.wait_dma2 semaphore(%run_scoped3A : memref<!tpu.dma_semaphore, #tpu.memory_space<semaphore_mem>>) src(%arg3 : memref<64x256xf32, #tpu.memory_space<hbm>>) dst(%dma_wait3A_90 : memref<64x256xf32, #tpu.memory_space<vmem>>)
        tpu.yield
      }) : () -> ()
      %parallel_loop3A = arith.constant 0 : i32
      %parallel_loop3A_72 = arith.constant 64 : i32
      %parallel_loop3A_73 = arith.constant 1 : i32
      scf.for %parallel_loop3A_79 = %parallel_loop3A to %parallel_loop3A_72 step %parallel_loop3A_73  : i32 {
        %parallel_loop3A_80 = vector.broadcast %parallel_loop3A_79 : i32 to vector<16xi32>
        %parallel_loop3A_81 = arith.addi %parallel_loop3A_80, %iota3A : vector<16xi32>
        %parallel_loop3A_82 = arith.constant 64 : i32
        %parallel_loop3A_83 = vector.broadcast %parallel_loop3A_82 : i32 to vector<16xi32>
        %parallel_loop3A_84 = arith.cmpi sge, %parallel_loop3A_81, %parallel_loop3A_83 : vector<16xi32>
        %parallel_loop3A_85 = arith.constant 64 : i32
        %parallel_loop3A_86 = vector.broadcast %parallel_loop3A_85 : i32 to vector<16xi32>
        %parallel_loop3A_87 = arith.subi %parallel_loop3A_81, %parallel_loop3A_86 : vector<16xi32>
        %parallel_loop3A_88 = arith.select %parallel_loop3A_84, %parallel_loop3A_87, %parallel_loop3A_81 : vector<16xi1>, vector<16xi32>
        %parallel_loop3A_89 = arith.addi %mul3A_5, %parallel_loop3A_88 : vector<16xi32>
        %parallel_loop3A_90 = arith.constant 0 : i32
        %parallel_loop3A_91 = vector.broadcast %parallel_loop3A_90 : i32 to vector<16xi32>
        %parallel_loop3A_92 = arith.addi %parallel_loop3A_91, %iota3A : vector<16xi32>
        %parallel_loop3A_93 = tpu.vector_load_idx %arg5[%parallel_loop3A_88, %parallel_loop3A_92] : memref<128x256xf32, #tpu.memory_space<vmem>>[vector<16xi32>, vector<16xi32>], vector<16xf32>,
        %parallel_loop3A_94 = arith.constant 0 : i32
        %parallel_loop3A_95 = vector.broadcast %parallel_loop3A_94 : i32 to vector<16xi32>
        %parallel_loop3A_96 = arith.addi %parallel_loop3A_89, %parallel_loop3A_95 : vector<16xi32>
        tpu.vector_store_idx %arg6[%parallel_loop3A_96], %parallel_loop3A_93 : memref<65536xf32, #tpu.memory_space<vmem>>[vector<16xi32>], vector<16xf32>,
        %parallel_loop3A_97 = arith.constant 16 : i32
        %parallel_loop3A_98 = vector.broadcast %parallel_loop3A_97 : i32 to vector<16xi32>
        %parallel_loop3A_99 = arith.addi %parallel_loop3A_98, %iota3A : vector<16xi32>
        %parallel_loop3A_100 = tpu.vector_load_idx %arg5[%parallel_loop3A_88, %parallel_loop3A_99] : memref<128x256xf32, #tpu.memory_space<vmem>>[vector<16xi32>, vector<16xi32>], vector<16xf32>,
        %parallel_loop3A_101 = arith.constant 2048 : i32
        %parallel_loop3A_102 = vector.broadcast %parallel_loop3A_101 : i32 to vector<16xi32>
        %parallel_loop3A_103 = arith.addi %parallel_loop3A_89, %parallel_loop3A_102 : vector<16xi32>
        tpu.vector_store_idx %arg6[%parallel_loop3A_103], %parallel_loop3A_100 : memref<65536xf32, #tpu.memory_space<vmem>>[vector<16xi32>], vector<16xf32>,
        %parallel_loop3A_104 = arith.constant 32 : i32
        %parallel_loop3A_105 = vector.broadcast %parallel_loop3A_104 : i32 to vector<16xi32>
        %parallel_loop3A_106 = arith.addi %parallel_loop3A_105, %iota3A : vector<16xi32>
        %parallel_loop3A_107 = tpu.vector_load_idx %arg5[%parallel_loop3A_88, %parallel_loop3A_106] : memref<128x256xf32, #tpu.memory_space<vmem>>[vector<16xi32>, vector<16xi32>], vector<16xf32>,
        %parallel_loop3A_108 = arith.constant 4096 : i32
        %parallel_loop3A_109 = vector.broadcast %parallel_loop3A_108 : i32 to vector<16xi32>
        %parallel_loop3A_110 = arith.addi %parallel_loop3A_89, %parallel_loop3A_109 : vector<16xi32>
        tpu.vector_store_idx %arg6[%parallel_loop3A_110], %parallel_loop3A_107 : memref<65536xf32, #tpu.memory_space<vmem>>[vector<16xi32>], vector<16xf32>,
        %parallel_loop3A_111 = arith.constant 48 : i32
        %parallel_loop3A_112 = vector.broadcast %parallel_loop3A_111 : i32 to vector<16xi32>
        %parallel_loop3A_113 = arith.addi %parallel_loop3A_112, %iota3A : vector<16xi32>
        %parallel_loop3A_114 = tpu.vector_load_idx %arg5[%parallel_loop3A_88, %parallel_loop3A_113] : memref<128x256xf32, #tpu.memory_space<vmem>>[vector<16xi32>, vector<16xi32>], vector<16xf32>,
        %parallel_loop3A_115 = arith.constant 6144 : i32
        %parallel_loop3A_116 = vector.broadcast %parallel_loop3A_115 : i32 to vector<16xi32>
        %parallel_loop3A_117 = arith.addi %parallel_loop3A_89, %parallel_loop3A_116 : vector<16xi32>
        tpu.vector_store_idx %arg6[%parallel_loop3A_117], %parallel_loop3A_114 : memref<65536xf32, #tpu.memory_space<vmem>>[vector<16xi32>], vector<16xf32>,
        %parallel_loop3A_118 = arith.constant 64 : i32
        %parallel_loop3A_119 = vector.broadcast %parallel_loop3A_118 : i32 to vector<16xi32>
        %parallel_loop3A_120 = arith.addi %parallel_loop3A_119, %iota3A : vector<16xi32>
        %parallel_loop3A_121 = tpu.vector_load_idx %arg5[%parallel_loop3A_88, %parallel_loop3A_120] : memref<128x256xf32, #tpu.memory_space<vmem>>[vector<16xi32>, vector<16xi32>], vector<16xf32>,
        %parallel_loop3A_122 = arith.constant 8192 : i32
        %parallel_loop3A_123 = vector.broadcast %parallel_loop3A_122 : i32 to vector<16xi32>
        %parallel_loop3A_124 = arith.addi %parallel_loop3A_89, %parallel_loop3A_123 : vector<16xi32>
        tpu.vector_store_idx %arg6[%parallel_loop3A_124], %parallel_loop3A_121 : memref<65536xf32, #tpu.memory_space<vmem>>[vector<16xi32>], vector<16xf32>,
        %parallel_loop3A_125 = arith.constant 80 : i32
        %parallel_loop3A_126 = vector.broadcast %parallel_loop3A_125 : i32 to vector<16xi32>
        %parallel_loop3A_127 = arith.addi %parallel_loop3A_126, %iota3A : vector<16xi32>
        %parallel_loop3A_128 = tpu.vector_load_idx %arg5[%parallel_loop3A_88, %parallel_loop3A_127] : memref<128x256xf32, #tpu.memory_space<vmem>>[vector<16xi32>, vector<16xi32>], vector<16xf32>,
        %parallel_loop3A_129 = arith.constant 10240 : i32
        %parallel_loop3A_130 = vector.broadcast %parallel_loop3A_129 : i32 to vector<16xi32>
        %parallel_loop3A_131 = arith.addi %parallel_loop3A_89, %parallel_loop3A_130 : vector<16xi32>
        tpu.vector_store_idx %arg6[%parallel_loop3A_131], %parallel_loop3A_128 : memref<65536xf32, #tpu.memory_space<vmem>>[vector<16xi32>], vector<16xf32>,
        %parallel_loop3A_132 = arith.constant 96 : i32
        %parallel_loop3A_133 = vector.broadcast %parallel_loop3A_132 : i32 to vector<16xi32>
        %parallel_loop3A_134 = arith.addi %parallel_loop3A_133, %iota3A : vector<16xi32>
        %parallel_loop3A_135 = tpu.vector_load_idx %arg5[%parallel_loop3A_88, %parallel_loop3A_134] : memref<128x256xf32, #tpu.memory_space<vmem>>[vector<16xi32>, vector<16xi32>], vector<16xf32>,
        %parallel_loop3A_136 = arith.constant 12288 : i32
        %parallel_loop3A_137 = vector.broadcast %parallel_loop3A_136 : i32 to vector<16xi32>
        %parallel_loop3A_138 = arith.addi %parallel_loop3A_89, %parallel_loop3A_137 : vector<16xi32>
        tpu.vector_store_idx %arg6[%parallel_loop3A_138], %parallel_loop3A_135 : memref<65536xf32, #tpu.memory_space<vmem>>[vector<16xi32>], vector<16xf32>,
        %parallel_loop3A_139 = arith.constant 112 : i32
        %parallel_loop3A_140 = vector.broadcast %parallel_loop3A_139 : i32 to vector<16xi32>
        %parallel_loop3A_141 = arith.addi %parallel_loop3A_140, %iota3A : vector<16xi32>
        %parallel_loop3A_142 = tpu.vector_load_idx %arg5[%parallel_loop3A_88, %parallel_loop3A_141] : memref<128x256xf32, #tpu.memory_space<vmem>>[vector<16xi32>, vector<16xi32>], vector<16xf32>,
        %parallel_loop3A_143 = arith.constant 14336 : i32
        %parallel_loop3A_144 = vector.broadcast %parallel_loop3A_143 : i32 to vector<16xi32>
        %parallel_loop3A_145 = arith.addi %parallel_loop3A_89, %parallel_loop3A_144 : vector<16xi32>
        tpu.vector_store_idx %arg6[%parallel_loop3A_145], %parallel_loop3A_142 : memref<65536xf32, #tpu.memory_space<vmem>>[vector<16xi32>], vector<16xf32>,
        %parallel_loop3A_146 = arith.constant 128 : i32
        %parallel_loop3A_147 = vector.broadcast %parallel_loop3A_146 : i32 to vector<16xi32>
        %parallel_loop3A_148 = arith.addi %parallel_loop3A_147, %iota3A : vector<16xi32>
        %parallel_loop3A_149 = tpu.vector_load_idx %arg5[%parallel_loop3A_88, %parallel_loop3A_148] : memref<128x256xf32, #tpu.memory_space<vmem>>[vector<16xi32>, vector<16xi32>], vector<16xf32>,
        %parallel_loop3A_150 = arith.constant 16384 : i32
        %parallel_loop3A_151 = vector.broadcast %parallel_loop3A_150 : i32 to vector<16xi32>
        %parallel_loop3A_152 = arith.addi %parallel_loop3A_89, %parallel_loop3A_151 : vector<16xi32>
        tpu.vector_store_idx %arg6[%parallel_loop3A_152], %parallel_loop3A_149 : memref<65536xf32, #tpu.memory_space<vmem>>[vector<16xi32>], vector<16xf32>,
        %parallel_loop3A_153 = arith.constant 144 : i32
        %parallel_loop3A_154 = vector.broadcast %parallel_loop3A_153 : i32 to vector<16xi32>
        %parallel_loop3A_155 = arith.addi %parallel_loop3A_154, %iota3A : vector<16xi32>
        %parallel_loop3A_156 = tpu.vector_load_idx %arg5[%parallel_loop3A_88, %parallel_loop3A_155] : memref<128x256xf32, #tpu.memory_space<vmem>>[vector<16xi32>, vector<16xi32>], vector<16xf32>,
        %parallel_loop3A_157 = arith.constant 18432 : i32
        %parallel_loop3A_158 = vector.broadcast %parallel_loop3A_157 : i32 to vector<16xi32>
        %parallel_loop3A_159 = arith.addi %parallel_loop3A_89, %parallel_loop3A_158 : vector<16xi32>
        tpu.vector_store_idx %arg6[%parallel_loop3A_159], %parallel_loop3A_156 : memref<65536xf32, #tpu.memory_space<vmem>>[vector<16xi32>], vector<16xf32>,
        %parallel_loop3A_160 = arith.constant 160 : i32
        %parallel_loop3A_161 = vector.broadcast %parallel_loop3A_160 : i32 to vector<16xi32>
        %parallel_loop3A_162 = arith.addi %parallel_loop3A_161, %iota3A : vector<16xi32>
        %parallel_loop3A_163 = tpu.vector_load_idx %arg5[%parallel_loop3A_88, %parallel_loop3A_162] : memref<128x256xf32, #tpu.memory_space<vmem>>[vector<16xi32>, vector<16xi32>], vector<16xf32>,
        %parallel_loop3A_164 = arith.constant 20480 : i32
        %parallel_loop3A_165 = vector.broadcast %parallel_loop3A_164 : i32 to vector<16xi32>
        %parallel_loop3A_166 = arith.addi %parallel_loop3A_89, %parallel_loop3A_165 : vector<16xi32>
        tpu.vector_store_idx %arg6[%parallel_loop3A_166], %parallel_loop3A_163 : memref<65536xf32, #tpu.memory_space<vmem>>[vector<16xi32>], vector<16xf32>,
        %parallel_loop3A_167 = arith.constant 176 : i32
        %parallel_loop3A_168 = vector.broadcast %parallel_loop3A_167 : i32 to vector<16xi32>
        %parallel_loop3A_169 = arith.addi %parallel_loop3A_168, %iota3A : vector<16xi32>
        %parallel_loop3A_170 = tpu.vector_load_idx %arg5[%parallel_loop3A_88, %parallel_loop3A_169] : memref<128x256xf32, #tpu.memory_space<vmem>>[vector<16xi32>, vector<16xi32>], vector<16xf32>,
        %parallel_loop3A_171 = arith.constant 22528 : i32
        %parallel_loop3A_172 = vector.broadcast %parallel_loop3A_171 : i32 to vector<16xi32>
        %parallel_loop3A_173 = arith.addi %parallel_loop3A_89, %parallel_loop3A_172 : vector<16xi32>
        tpu.vector_store_idx %arg6[%parallel_loop3A_173], %parallel_loop3A_170 : memref<65536xf32, #tpu.memory_space<vmem>>[vector<16xi32>], vector<16xf32>,
        %parallel_loop3A_174 = arith.constant 192 : i32
        %parallel_loop3A_175 = vector.broadcast %parallel_loop3A_174 : i32 to vector<16xi32>
        %parallel_loop3A_176 = arith.addi %parallel_loop3A_175, %iota3A : vector<16xi32>
        %parallel_loop3A_177 = tpu.vector_load_idx %arg5[%parallel_loop3A_88, %parallel_loop3A_176] : memref<128x256xf32, #tpu.memory_space<vmem>>[vector<16xi32>, vector<16xi32>], vector<16xf32>,
        %parallel_loop3A_178 = arith.constant 24576 : i32
        %parallel_loop3A_179 = vector.broadcast %parallel_loop3A_178 : i32 to vector<16xi32>
        %parallel_loop3A_180 = arith.addi %parallel_loop3A_89, %parallel_loop3A_179 : vector<16xi32>
        tpu.vector_store_idx %arg6[%parallel_loop3A_180], %parallel_loop3A_177 : memref<65536xf32, #tpu.memory_space<vmem>>[vector<16xi32>], vector<16xf32>,
        %parallel_loop3A_181 = arith.constant 208 : i32
        %parallel_loop3A_182 = vector.broadcast %parallel_loop3A_181 : i32 to vector<16xi32>
        %parallel_loop3A_183 = arith.addi %parallel_loop3A_182, %iota3A : vector<16xi32>
        %parallel_loop3A_184 = tpu.vector_load_idx %arg5[%parallel_loop3A_88, %parallel_loop3A_183] : memref<128x256xf32, #tpu.memory_space<vmem>>[vector<16xi32>, vector<16xi32>], vector<16xf32>,
        %parallel_loop3A_185 = arith.constant 26624 : i32
        %parallel_loop3A_186 = vector.broadcast %parallel_loop3A_185 : i32 to vector<16xi32>
        %parallel_loop3A_187 = arith.addi %parallel_loop3A_89, %parallel_loop3A_186 : vector<16xi32>
        tpu.vector_store_idx %arg6[%parallel_loop3A_187], %parallel_loop3A_184 : memref<65536xf32, #tpu.memory_space<vmem>>[vector<16xi32>], vector<16xf32>,
        %parallel_loop3A_188 = arith.constant 224 : i32
        %parallel_loop3A_189 = vector.broadcast %parallel_loop3A_188 : i32 to vector<16xi32>
        %parallel_loop3A_190 = arith.addi %parallel_loop3A_189, %iota3A : vector<16xi32>
        %parallel_loop3A_191 = tpu.vector_load_idx %arg5[%parallel_loop3A_88, %parallel_loop3A_190] : memref<128x256xf32, #tpu.memory_space<vmem>>[vector<16xi32>, vector<16xi32>], vector<16xf32>,
        %parallel_loop3A_192 = arith.constant 28672 : i32
        %parallel_loop3A_193 = vector.broadcast %parallel_loop3A_192 : i32 to vector<16xi32>
        %parallel_loop3A_194 = arith.addi %parallel_loop3A_89, %parallel_loop3A_193 : vector<16xi32>
        tpu.vector_store_idx %arg6[%parallel_loop3A_194], %parallel_loop3A_191 : memref<65536xf32, #tpu.memory_space<vmem>>[vector<16xi32>], vector<16xf32>,
        %parallel_loop3A_195 = arith.constant 240 : i32
        %parallel_loop3A_196 = vector.broadcast %parallel_loop3A_195 : i32 to vector<16xi32>
        %parallel_loop3A_197 = arith.addi %parallel_loop3A_196, %iota3A : vector<16xi32>
        %parallel_loop3A_198 = tpu.vector_load_idx %arg5[%parallel_loop3A_88, %parallel_loop3A_197] : memref<128x256xf32, #tpu.memory_space<vmem>>[vector<16xi32>, vector<16xi32>], vector<16xf32>,
        %parallel_loop3A_199 = arith.constant 30720 : i32
        %parallel_loop3A_200 = vector.broadcast %parallel_loop3A_199 : i32 to vector<16xi32>
        %parallel_loop3A_201 = arith.addi %parallel_loop3A_89, %parallel_loop3A_200 : vector<16xi32>
        tpu.vector_store_idx %arg6[%parallel_loop3A_201], %parallel_loop3A_198 : memref<65536xf32, #tpu.memory_space<vmem>>[vector<16xi32>], vector<16xf32>,
      } {sc.loop_unroll_factor = 2 : i64, sc.parallel_access}
      %get3A = arith.constant 32752 : index
      %get3A_74 = tpu.vector_load %arg6[%get3A] {strides = array<i32>} : memref<65536xf32, #tpu.memory_space<vmem>>, vector<16xf32>,
      %add3A_75 = arith.constant 0.000000e+00 : f32
      %add3A_76 = vector.broadcast %add3A_75 : f32 to vector<16xf32>
      %add3A_77 = arith.addf %get3A_74, %add3A_76 : vector<16xf32>
      %swap3A = arith.constant 32752 : index
      %swap3A_78 = tpu.vector_load %arg6[%swap3A] {strides = array<i32>} : memref<65536xf32, #tpu.memory_space<vmem>>, vector<16xf32>,
      tpu.vector_store %arg6[%swap3A], %add3A_77 {strides = array<i32>} : memref<65536xf32, #tpu.memory_space<vmem>>, vector<16xf32>,
      "tpu.region"() ({
        %run_scoped3A = tpu.sem_alloc : memref<!tpu.dma_semaphore, #tpu.memory_space<semaphore_mem>>
        %dma_start3A_79 = arith.constant 0 : i32
        %dma_start3A_80 = tpu.memref_slice %arg6[%dma_start3A_79] : memref<65536xf32, #tpu.memory_space<vmem>> -> memref<32768xf32, #tpu.memory_space<vmem>>
        %dma_start3A_81 = arith.constant 127967232 : i32
        %dma_start3A_82 = tpu.memref_slice %arg4[%dma_start3A_81] : memref<128000000xf32, #tpu.memory_space<hbm>> -> memref<32768xf32, #tpu.memory_space<hbm>>
        %dma_start3A_83 = arith.constant 127967232 : i32
        %dma_start3A_84 = tpu.memref_slice %arg4[%dma_start3A_83] : memref<128000000xf32, #tpu.memory_space<hbm>> -> memref<32768xf32, #tpu.memory_space<hbm>>
        %dma_start3A_85 = arith.constant 0 : i32
        %dma_start3A_86 = tpu.memref_slice %arg6[%dma_start3A_85] : memref<65536xf32, #tpu.memory_space<vmem>> -> memref<32768xf32, #tpu.memory_space<vmem>>
        tpu.enqueue_dma source(%dma_start3A_86 : memref<32768xf32, #tpu.memory_space<vmem>>) target(%dma_start3A_84 : memref<32768xf32, #tpu.memory_space<hbm>>) target_semaphore(%run_scoped3A : memref<!tpu.dma_semaphore, #tpu.memory_space<semaphore_mem>>)
        %dma_wait3A_87 = arith.constant 0 : i32
        %dma_wait3A_88 = tpu.memref_slice %arg6[%dma_wait3A_87] : memref<65536xf32, #tpu.memory_space<vmem>> -> memref<32768xf32, #tpu.memory_space<vmem>>
        %dma_wait3A_89 = arith.constant 127967232 : i32
        %dma_wait3A_90 = tpu.memref_slice %arg4[%dma_wait3A_89] : memref<128000000xf32, #tpu.memory_space<hbm>> -> memref<32768xf32, #tpu.memory_space<hbm>>
        %dma_wait3A_91 = arith.constant 127967232 : i32
        %dma_wait3A_92 = tpu.memref_slice %arg4[%dma_wait3A_91] : memref<128000000xf32, #tpu.memory_space<hbm>> -> memref<32768xf32, #tpu.memory_space<hbm>>
        %dma_wait3A_93 = arith.constant 0 : i32
        %dma_wait3A_94 = tpu.memref_slice %arg6[%dma_wait3A_93] : memref<65536xf32, #tpu.memory_space<vmem>> -> memref<32768xf32, #tpu.memory_space<vmem>>
        tpu.wait_dma2 semaphore(%run_scoped3A : memref<!tpu.dma_semaphore, #tpu.memory_space<semaphore_mem>>) src(%dma_wait3A_94 : memref<32768xf32, #tpu.memory_space<vmem>>) dst(%dma_wait3A_92 : memref<32768xf32, #tpu.memory_space<hbm>>)
        tpu.yield
      }) : () -> ()
    } else {
    }
    %add3A_8 = arith.constant 0 : i32
    %add3A_9 = arith.addi %mul3A_2, %add3A_8 : i32
    %mul3A_10 = arith.constant 256 : i32
    %mul3A_11 = arith.muli %add3A_9, %mul3A_10 : i32
    %min3A = arith.constant 999680 : i32
    %min3A_12 = arith.minsi %mul3A_11, %min3A : i32
    %multiple_of3A = tpu.assume_multiple %min3A_12, 256 : i32
    %dma_start3A = arith.constant 0 : i32
    %dma_start3A_13 = arith.constant 0 : i32
    %dma_start3A_14 = arith.constant 0 : i32
    %dma_start3A_15 = tpu.memref_slice %arg5[%dma_start3A_13, %dma_start3A_14] : memref<128x256xf32, #tpu.memory_space<vmem>> -> memref<64x256xf32, #tpu.memory_space<vmem>>
    %dma_start3A_16 = arith.constant 0 : i32
    %dma_start3A_17 = tpu.memref_slice %arg2[%dma_start3A_16, %multiple_of3A] : memref<64x1000000xf32, #tpu.memory_space<hbm>> -> memref<64x256xf32, #tpu.memory_space<hbm>>
    %dma_start3A_18 = tpu.memref_slice %arg7[%dma_start3A] : memref<2x!tpu.dma_semaphore, #tpu.memory_space<semaphore_mem>> -> memref<1x!tpu.dma_semaphore, #tpu.memory_space<semaphore_mem>>
    %dma_start3A_19 = tpu.memref_squeeze %dma_start3A_18 : memref<1x!tpu.dma_semaphore, #tpu.memory_space<semaphore_mem>> -> memref<!tpu.dma_semaphore, #tpu.memory_space<semaphore_mem>>
    %dma_start3A_20 = arith.constant 0 : i32
    %dma_start3A_21 = arith.constant 0 : i32
    %dma_start3A_22 = tpu.memref_slice %arg5[%dma_start3A_20, %dma_start3A_21] : memref<128x256xf32, #tpu.memory_space<vmem>> -> memref<64x256xf32, #tpu.memory_space<vmem>>
    %dma_start3A_23 = arith.constant 0 : i32
    %dma_start3A_24 = tpu.memref_slice %arg2[%dma_start3A_23, %multiple_of3A] : memref<64x1000000xf32, #tpu.memory_space<hbm>> -> memref<64x256xf32, #tpu.memory_space<hbm>>
    tpu.enqueue_dma source(%dma_start3A_24 : memref<64x256xf32, #tpu.memory_space<hbm>>) target(%dma_start3A_22 : memref<64x256xf32, #tpu.memory_space<vmem>>) target_semaphore(%dma_start3A_19 : memref<!tpu.dma_semaphore, #tpu.memory_space<semaphore_mem>>)
    %add3A_25 = arith.constant 1 : i32
    %add3A_26 = arith.addi %mul3A_2, %add3A_25 : i32
    %mul3A_27 = arith.constant 256 : i32
    %mul3A_28 = arith.muli %add3A_26, %mul3A_27 : i32
    %min3A_29 = arith.constant 999680 : i32
    %min3A_30 = arith.minsi %mul3A_28, %min3A_29 : i32
    %multiple_of3A_31 = tpu.assume_multiple %min3A_30, 256 : i32
    %dma_start3A_32 = arith.constant 1 : i32
    %dma_start3A_33 = arith.constant 64 : i32
    %dma_start3A_34 = arith.constant 0 : i32
    %dma_start3A_35 = tpu.memref_slice %arg5[%dma_start3A_33, %dma_start3A_34] : memref<128x256xf32, #tpu.memory_space<vmem>> -> memref<64x256xf32, #tpu.memory_space<vmem>>
    %dma_start3A_36 = arith.constant 0 : i32
    %dma_start3A_37 = tpu.memref_slice %arg2[%dma_start3A_36, %multiple_of3A_31] : memref<64x1000000xf32, #tpu.memory_space<hbm>> -> memref<64x256xf32, #tpu.memory_space<hbm>>
    %dma_start3A_38 = tpu.memref_slice %arg7[%dma_start3A_32] : memref<2x!tpu.dma_semaphore, #tpu.memory_space<semaphore_mem>> -> memref<1x!tpu.dma_semaphore, #tpu.memory_space<semaphore_mem>>
    %dma_start3A_39 = tpu.memref_squeeze %dma_start3A_38 : memref<1x!tpu.dma_semaphore, #tpu.memory_space<semaphore_mem>> -> memref<!tpu.dma_semaphore, #tpu.memory_space<semaphore_mem>>
    %dma_start3A_40 = arith.constant 64 : i32
    %dma_start3A_41 = arith.constant 0 : i32
    %dma_start3A_42 = tpu.memref_slice %arg5[%dma_start3A_40, %dma_start3A_41] : memref<128x256xf32, #tpu.memory_space<vmem>> -> memref<64x256xf32, #tpu.memory_space<vmem>>
    %dma_start3A_43 = arith.constant 0 : i32
    %dma_start3A_44 = tpu.memref_slice %arg2[%dma_start3A_43, %multiple_of3A_31] : memref<64x1000000xf32, #tpu.memory_space<hbm>> -> memref<64x256xf32, #tpu.memory_space<hbm>>
    tpu.enqueue_dma source(%dma_start3A_44 : memref<64x256xf32, #tpu.memory_space<hbm>>) target(%dma_start3A_42 : memref<64x256xf32, #tpu.memory_space<vmem>>) target_semaphore(%dma_start3A_39 : memref<!tpu.dma_semaphore, #tpu.memory_space<semaphore_mem>>)
    %scan3A = arith.constant 0 : i32
    %scan3A_45 = arith.constant 0 : i32
    %scan3A_46 = arith.constant 62 : i32
    %scan3A_47 = arith.addi %scan3A_45, %scan3A_46 : i32
    %scan3A_48 = arith.constant 1 : i32
    %scan3A_49 = scf.for %scan3A_72 = %scan3A_45 to %scan3A_47 step %scan3A_48 iter_args(%scan3A_73 = %scan3A) -> (i32)  : i32 {
      %mul3A_74 = arith.constant 2 : i32
      %mul3A_75 = arith.muli %scan3A_72, %mul3A_74 : i32
      %add3A_76 = arith.constant 1 : i32
      %add3A_77 = arith.addi %mul3A_75, %add3A_76 : i32
      %dma_wait3A_78 = arith.constant 0 : i32
      %dma_wait3A_79 = arith.constant 0 : i32
      %dma_wait3A_80 = arith.constant 0 : i32
      %dma_wait3A_81 = tpu.memref_slice %arg5[%dma_wait3A_79, %dma_wait3A_80] : memref<128x256xf32, #tpu.memory_space<vmem>> -> memref<64x256xf32, #tpu.memory_space<vmem>>
      %dma_wait3A_82 = arith.constant 0 : i32
      %dma_wait3A_83 = arith.constant 0 : i32
      %dma_wait3A_84 = tpu.memref_slice %arg2[%dma_wait3A_82, %dma_wait3A_83] : memref<64x1000000xf32, #tpu.memory_space<hbm>> -> memref<64x256xf32, #tpu.memory_space<hbm>>
      %dma_wait3A_85 = tpu.memref_slice %arg7[%dma_wait3A_78] : memref<2x!tpu.dma_semaphore, #tpu.memory_space<semaphore_mem>> -> memref<1x!tpu.dma_semaphore, #tpu.memory_space<semaphore_mem>>
      %dma_wait3A_86 = tpu.memref_squeeze %dma_wait3A_85 : memref<1x!tpu.dma_semaphore, #tpu.memory_space<semaphore_mem>> -> memref<!tpu.dma_semaphore, #tpu.memory_space<semaphore_mem>>
      %dma_wait3A_87 = arith.constant 0 : i32
      %dma_wait3A_88 = arith.constant 0 : i32
      %dma_wait3A_89 = tpu.memref_slice %arg5[%dma_wait3A_87, %dma_wait3A_88] : memref<128x256xf32, #tpu.memory_space<vmem>> -> memref<64x256xf32, #tpu.memory_space<vmem>>
      %dma_wait3A_90 = arith.constant 0 : i32
      %dma_wait3A_91 = arith.constant 0 : i32
      %dma_wait3A_92 = tpu.memref_slice %arg2[%dma_wait3A_90, %dma_wait3A_91] : memref<64x1000000xf32, #tpu.memory_space<hbm>> -> memref<64x256xf32, #tpu.memory_space<hbm>>
      tpu.wait_dma2 semaphore(%dma_wait3A_86 : memref<!tpu.dma_semaphore, #tpu.memory_space<semaphore_mem>>) src(%dma_wait3A_92 : memref<64x256xf32, #tpu.memory_space<hbm>>) dst(%dma_wait3A_89 : memref<64x256xf32, #tpu.memory_space<vmem>>)
      %ge3A = arith.constant 1 : i32
      %ge3A_93 = arith.cmpi sge, %scan3A_72, %ge3A : i32
      %convert_element_type3A_94 = arith.extui %ge3A_93 : i1 to i32
      %cond3A_95 = arith.constant 0 : i32
      %cond3A_96 = arith.cmpi ne, %convert_element_type3A_94, %cond3A_95 : i32
      scf.if %cond3A_96 {
        %dma_wait3A_133 = arith.constant 0 : i32
        %dma_wait3A_134 = arith.constant 0 : i32
        %dma_wait3A_135 = tpu.memref_slice %arg6[%dma_wait3A_134] : memref<65536xf32, #tpu.memory_space<vmem>> -> memref<32768xf32, #tpu.memory_space<vmem>>
        %dma_wait3A_136 = arith.constant 0 : i32
        %dma_wait3A_137 = tpu.memref_slice %arg4[%dma_wait3A_136] : memref<128000000xf32, #tpu.memory_space<hbm>> -> memref<32768xf32, #tpu.memory_space<hbm>>
        %dma_wait3A_138 = tpu.memref_slice %arg8[%dma_wait3A_133] : memref<2x!tpu.dma_semaphore, #tpu.memory_space<semaphore_mem>> -> memref<1x!tpu.dma_semaphore, #tpu.memory_space<semaphore_mem>>
        %dma_wait3A_139 = tpu.memref_squeeze %dma_wait3A_138 : memref<1x!tpu.dma_semaphore, #tpu.memory_space<semaphore_mem>> -> memref<!tpu.dma_semaphore, #tpu.memory_space<semaphore_mem>>
        %dma_wait3A_140 = arith.constant 0 : i32
        %dma_wait3A_141 = tpu.memref_slice %arg4[%dma_wait3A_140] : memref<128000000xf32, #tpu.memory_space<hbm>> -> memref<32768xf32, #tpu.memory_space<hbm>>
        %dma_wait3A_142 = arith.constant 0 : i32
        %dma_wait3A_143 = tpu.memref_slice %arg6[%dma_wait3A_142] : memref<65536xf32, #tpu.memory_space<vmem>> -> memref<32768xf32, #tpu.memory_space<vmem>>
        tpu.wait_dma2 semaphore(%dma_wait3A_139 : memref<!tpu.dma_semaphore, #tpu.memory_space<semaphore_mem>>) src(%dma_wait3A_143 : memref<32768xf32, #tpu.memory_space<vmem>>) dst(%dma_wait3A_141 : memref<32768xf32, #tpu.memory_space<hbm>>)
      } else {
      }
      %parallel_loop3A = arith.constant 0 : i32
      %parallel_loop3A_97 = arith.constant 64 : i32
      %parallel_loop3A_98 = arith.constant 1 : i32
      scf.for %parallel_loop3A_133 = %parallel_loop3A to %parallel_loop3A_97 step %parallel_loop3A_98  : i32 {
        %parallel_loop3A_134 = vector.broadcast %parallel_loop3A_133 : i32 to vector<16xi32>
        %parallel_loop3A_135 = arith.addi %parallel_loop3A_134, %iota3A : vector<16xi32>
        %parallel_loop3A_136 = arith.constant 64 : i32
        %parallel_loop3A_137 = vector.broadcast %parallel_loop3A_136 : i32 to vector<16xi32>
        %parallel_loop3A_138 = arith.cmpi sge, %parallel_loop3A_135, %parallel_loop3A_137 : vector<16xi32>
        %parallel_loop3A_139 = arith.constant 64 : i32
        %parallel_loop3A_140 = vector.broadcast %parallel_loop3A_139 : i32 to vector<16xi32>
        %parallel_loop3A_141 = arith.subi %parallel_loop3A_135, %parallel_loop3A_140 : vector<16xi32>
        %parallel_loop3A_142 = arith.select %parallel_loop3A_138, %parallel_loop3A_141, %parallel_loop3A_135 : vector<16xi1>, vector<16xi32>
        %parallel_loop3A_143 = arith.constant 0 : i32
        %parallel_loop3A_144 = vector.broadcast %parallel_loop3A_143 : i32 to vector<16xi32>
        %parallel_loop3A_145 = arith.addi %parallel_loop3A_142, %parallel_loop3A_144 : vector<16xi32>
        %parallel_loop3A_146 = arith.addi %mul3A_5, %parallel_loop3A_142 : vector<16xi32>
        %parallel_loop3A_147 = arith.constant 0 : i32
        %parallel_loop3A_148 = vector.broadcast %parallel_loop3A_147 : i32 to vector<16xi32>
        %parallel_loop3A_149 = arith.addi %parallel_loop3A_146, %parallel_loop3A_148 : vector<16xi32>
        %parallel_loop3A_150 = arith.constant 0 : i32
        %parallel_loop3A_151 = vector.broadcast %parallel_loop3A_150 : i32 to vector<16xi32>
        %parallel_loop3A_152 = arith.addi %parallel_loop3A_151, %iota3A : vector<16xi32>
        %parallel_loop3A_153 = tpu.vector_load_idx %arg5[%parallel_loop3A_145, %parallel_loop3A_152] : memref<128x256xf32, #tpu.memory_space<vmem>>[vector<16xi32>, vector<16xi32>], vector<16xf32>,
        %parallel_loop3A_154 = arith.constant 0 : i32
        %parallel_loop3A_155 = vector.broadcast %parallel_loop3A_154 : i32 to vector<16xi32>
        %parallel_loop3A_156 = arith.addi %parallel_loop3A_149, %parallel_loop3A_155 : vector<16xi32>
        tpu.vector_store_idx %arg6[%parallel_loop3A_156], %parallel_loop3A_153 : memref<65536xf32, #tpu.memory_space<vmem>>[vector<16xi32>], vector<16xf32>,
        %parallel_loop3A_157 = arith.constant 16 : i32
        %parallel_loop3A_158 = vector.broadcast %parallel_loop3A_157 : i32 to vector<16xi32>
        %parallel_loop3A_159 = arith.addi %parallel_loop3A_158, %iota3A : vector<16xi32>
        %parallel_loop3A_160 = tpu.vector_load_idx %arg5[%parallel_loop3A_145, %parallel_loop3A_159] : memref<128x256xf32, #tpu.memory_space<vmem>>[vector<16xi32>, vector<16xi32>], vector<16xf32>,
        %parallel_loop3A_161 = arith.constant 2048 : i32
        %parallel_loop3A_162 = vector.broadcast %parallel_loop3A_161 : i32 to vector<16xi32>
        %parallel_loop3A_163 = arith.addi %parallel_loop3A_149, %parallel_loop3A_162 : vector<16xi32>
        tpu.vector_store_idx %arg6[%parallel_loop3A_163], %parallel_loop3A_160 : memref<65536xf32, #tpu.memory_space<vmem>>[vector<16xi32>], vector<16xf32>,
        %parallel_loop3A_164 = arith.constant 32 : i32
        %parallel_loop3A_165 = vector.broadcast %parallel_loop3A_164 : i32 to vector<16xi32>
        %parallel_loop3A_166 = arith.addi %parallel_loop3A_165, %iota3A : vector<16xi32>
        %parallel_loop3A_167 = tpu.vector_load_idx %arg5[%parallel_loop3A_145, %parallel_loop3A_166] : memref<128x256xf32, #tpu.memory_space<vmem>>[vector<16xi32>, vector<16xi32>], vector<16xf32>,
        %parallel_loop3A_168 = arith.constant 4096 : i32
        %parallel_loop3A_169 = vector.broadcast %parallel_loop3A_168 : i32 to vector<16xi32>
        %parallel_loop3A_170 = arith.addi %parallel_loop3A_149, %parallel_loop3A_169 : vector<16xi32>
        tpu.vector_store_idx %arg6[%parallel_loop3A_170], %parallel_loop3A_167 : memref<65536xf32, #tpu.memory_space<vmem>>[vector<16xi32>], vector<16xf32>,
        %parallel_loop3A_171 = arith.constant 48 : i32
        %parallel_loop3A_172 = vector.broadcast %parallel_loop3A_171 : i32 to vector<16xi32>
        %parallel_loop3A_173 = arith.addi %parallel_loop3A_172, %iota3A : vector<16xi32>
        %parallel_loop3A_174 = tpu.vector_load_idx %arg5[%parallel_loop3A_145, %parallel_loop3A_173] : memref<128x256xf32, #tpu.memory_space<vmem>>[vector<16xi32>, vector<16xi32>], vector<16xf32>,
        %parallel_loop3A_175 = arith.constant 6144 : i32
        %parallel_loop3A_176 = vector.broadcast %parallel_loop3A_175 : i32 to vector<16xi32>
        %parallel_loop3A_177 = arith.addi %parallel_loop3A_149, %parallel_loop3A_176 : vector<16xi32>
        tpu.vector_store_idx %arg6[%parallel_loop3A_177], %parallel_loop3A_174 : memref<65536xf32, #tpu.memory_space<vmem>>[vector<16xi32>], vector<16xf32>,
        %parallel_loop3A_178 = arith.constant 64 : i32
        %parallel_loop3A_179 = vector.broadcast %parallel_loop3A_178 : i32 to vector<16xi32>
        %parallel_loop3A_180 = arith.addi %parallel_loop3A_179, %iota3A : vector<16xi32>
        %parallel_loop3A_181 = tpu.vector_load_idx %arg5[%parallel_loop3A_145, %parallel_loop3A_180] : memref<128x256xf32, #tpu.memory_space<vmem>>[vector<16xi32>, vector<16xi32>], vector<16xf32>,
        %parallel_loop3A_182 = arith.constant 8192 : i32
        %parallel_loop3A_183 = vector.broadcast %parallel_loop3A_182 : i32 to vector<16xi32>
        %parallel_loop3A_184 = arith.addi %parallel_loop3A_149, %parallel_loop3A_183 : vector<16xi32>
        tpu.vector_store_idx %arg6[%parallel_loop3A_184], %parallel_loop3A_181 : memref<65536xf32, #tpu.memory_space<vmem>>[vector<16xi32>], vector<16xf32>,
        %parallel_loop3A_185 = arith.constant 80 : i32
        %parallel_loop3A_186 = vector.broadcast %parallel_loop3A_185 : i32 to vector<16xi32>
        %parallel_loop3A_187 = arith.addi %parallel_loop3A_186, %iota3A : vector<16xi32>
        %parallel_loop3A_188 = tpu.vector_load_idx %arg5[%parallel_loop3A_145, %parallel_loop3A_187] : memref<128x256xf32, #tpu.memory_space<vmem>>[vector<16xi32>, vector<16xi32>], vector<16xf32>,
        %parallel_loop3A_189 = arith.constant 10240 : i32
        %parallel_loop3A_190 = vector.broadcast %parallel_loop3A_189 : i32 to vector<16xi32>
        %parallel_loop3A_191 = arith.addi %parallel_loop3A_149, %parallel_loop3A_190 : vector<16xi32>
        tpu.vector_store_idx %arg6[%parallel_loop3A_191], %parallel_loop3A_188 : memref<65536xf32, #tpu.memory_space<vmem>>[vector<16xi32>], vector<16xf32>,
        %parallel_loop3A_192 = arith.constant 96 : i32
        %parallel_loop3A_193 = vector.broadcast %parallel_loop3A_192 : i32 to vector<16xi32>
        %parallel_loop3A_194 = arith.addi %parallel_loop3A_193, %iota3A : vector<16xi32>
        %parallel_loop3A_195 = tpu.vector_load_idx %arg5[%parallel_loop3A_145, %parallel_loop3A_194] : memref<128x256xf32, #tpu.memory_space<vmem>>[vector<16xi32>, vector<16xi32>], vector<16xf32>,
        %parallel_loop3A_196 = arith.constant 12288 : i32
        %parallel_loop3A_197 = vector.broadcast %parallel_loop3A_196 : i32 to vector<16xi32>
        %parallel_loop3A_198 = arith.addi %parallel_loop3A_149, %parallel_loop3A_197 : vector<16xi32>
        tpu.vector_store_idx %arg6[%parallel_loop3A_198], %parallel_loop3A_195 : memref<65536xf32, #tpu.memory_space<vmem>>[vector<16xi32>], vector<16xf32>,
        %parallel_loop3A_199 = arith.constant 112 : i32
        %parallel_loop3A_200 = vector.broadcast %parallel_loop3A_199 : i32 to vector<16xi32>
        %parallel_loop3A_201 = arith.addi %parallel_loop3A_200, %iota3A : vector<16xi32>
        %parallel_loop3A_202 = tpu.vector_load_idx %arg5[%parallel_loop3A_145, %parallel_loop3A_201] : memref<128x256xf32, #tpu.memory_space<vmem>>[vector<16xi32>, vector<16xi32>], vector<16xf32>,
        %parallel_loop3A_203 = arith.constant 14336 : i32
        %parallel_loop3A_204 = vector.broadcast %parallel_loop3A_203 : i32 to vector<16xi32>
        %parallel_loop3A_205 = arith.addi %parallel_loop3A_149, %parallel_loop3A_204 : vector<16xi32>
        tpu.vector_store_idx %arg6[%parallel_loop3A_205], %parallel_loop3A_202 : memref<65536xf32, #tpu.memory_space<vmem>>[vector<16xi32>], vector<16xf32>,
        %parallel_loop3A_206 = arith.constant 128 : i32
        %parallel_loop3A_207 = vector.broadcast %parallel_loop3A_206 : i32 to vector<16xi32>
        %parallel_loop3A_208 = arith.addi %parallel_loop3A_207, %iota3A : vector<16xi32>
        %parallel_loop3A_209 = tpu.vector_load_idx %arg5[%parallel_loop3A_145, %parallel_loop3A_208] : memref<128x256xf32, #tpu.memory_space<vmem>>[vector<16xi32>, vector<16xi32>], vector<16xf32>,
        %parallel_loop3A_210 = arith.constant 16384 : i32
        %parallel_loop3A_211 = vector.broadcast %parallel_loop3A_210 : i32 to vector<16xi32>
        %parallel_loop3A_212 = arith.addi %parallel_loop3A_149, %parallel_loop3A_211 : vector<16xi32>
        tpu.vector_store_idx %arg6[%parallel_loop3A_212], %parallel_loop3A_209 : memref<65536xf32, #tpu.memory_space<vmem>>[vector<16xi32>], vector<16xf32>,
        %parallel_loop3A_213 = arith.constant 144 : i32
        %parallel_loop3A_214 = vector.broadcast %parallel_loop3A_213 : i32 to vector<16xi32>
        %parallel_loop3A_215 = arith.addi %parallel_loop3A_214, %iota3A : vector<16xi32>
        %parallel_loop3A_216 = tpu.vector_load_idx %arg5[%parallel_loop3A_145, %parallel_loop3A_215] : memref<128x256xf32, #tpu.memory_space<vmem>>[vector<16xi32>, vector<16xi32>], vector<16xf32>,
        %parallel_loop3A_217 = arith.constant 18432 : i32
        %parallel_loop3A_218 = vector.broadcast %parallel_loop3A_217 : i32 to vector<16xi32>
        %parallel_loop3A_219 = arith.addi %parallel_loop3A_149, %parallel_loop3A_218 : vector<16xi32>
        tpu.vector_store_idx %arg6[%parallel_loop3A_219], %parallel_loop3A_216 : memref<65536xf32, #tpu.memory_space<vmem>>[vector<16xi32>], vector<16xf32>,
        %parallel_loop3A_220 = arith.constant 160 : i32
        %parallel_loop3A_221 = vector.broadcast %parallel_loop3A_220 : i32 to vector<16xi32>
        %parallel_loop3A_222 = arith.addi %parallel_loop3A_221, %iota3A : vector<16xi32>
        %parallel_loop3A_223 = tpu.vector_load_idx %arg5[%parallel_loop3A_145, %parallel_loop3A_222] : memref<128x256xf32, #tpu.memory_space<vmem>>[vector<16xi32>, vector<16xi32>], vector<16xf32>,
        %parallel_loop3A_224 = arith.constant 20480 : i32
        %parallel_loop3A_225 = vector.broadcast %parallel_loop3A_224 : i32 to vector<16xi32>
        %parallel_loop3A_226 = arith.addi %parallel_loop3A_149, %parallel_loop3A_225 : vector<16xi32>
        tpu.vector_store_idx %arg6[%parallel_loop3A_226], %parallel_loop3A_223 : memref<65536xf32, #tpu.memory_space<vmem>>[vector<16xi32>], vector<16xf32>,
        %parallel_loop3A_227 = arith.constant 176 : i32
        %parallel_loop3A_228 = vector.broadcast %parallel_loop3A_227 : i32 to vector<16xi32>
        %parallel_loop3A_229 = arith.addi %parallel_loop3A_228, %iota3A : vector<16xi32>
        %parallel_loop3A_230 = tpu.vector_load_idx %arg5[%parallel_loop3A_145, %parallel_loop3A_229] : memref<128x256xf32, #tpu.memory_space<vmem>>[vector<16xi32>, vector<16xi32>], vector<16xf32>,
        %parallel_loop3A_231 = arith.constant 22528 : i32
        %parallel_loop3A_232 = vector.broadcast %parallel_loop3A_231 : i32 to vector<16xi32>
        %parallel_loop3A_233 = arith.addi %parallel_loop3A_149, %parallel_loop3A_232 : vector<16xi32>
        tpu.vector_store_idx %arg6[%parallel_loop3A_233], %parallel_loop3A_230 : memref<65536xf32, #tpu.memory_space<vmem>>[vector<16xi32>], vector<16xf32>,
        %parallel_loop3A_234 = arith.constant 192 : i32
        %parallel_loop3A_235 = vector.broadcast %parallel_loop3A_234 : i32 to vector<16xi32>
        %parallel_loop3A_236 = arith.addi %parallel_loop3A_235, %iota3A : vector<16xi32>
        %parallel_loop3A_237 = tpu.vector_load_idx %arg5[%parallel_loop3A_145, %parallel_loop3A_236] : memref<128x256xf32, #tpu.memory_space<vmem>>[vector<16xi32>, vector<16xi32>], vector<16xf32>,
        %parallel_loop3A_238 = arith.constant 24576 : i32
        %parallel_loop3A_239 = vector.broadcast %parallel_loop3A_238 : i32 to vector<16xi32>
        %parallel_loop3A_240 = arith.addi %parallel_loop3A_149, %parallel_loop3A_239 : vector<16xi32>
        tpu.vector_store_idx %arg6[%parallel_loop3A_240], %parallel_loop3A_237 : memref<65536xf32, #tpu.memory_space<vmem>>[vector<16xi32>], vector<16xf32>,
        %parallel_loop3A_241 = arith.constant 208 : i32
        %parallel_loop3A_242 = vector.broadcast %parallel_loop3A_241 : i32 to vector<16xi32>
        %parallel_loop3A_243 = arith.addi %parallel_loop3A_242, %iota3A : vector<16xi32>
        %parallel_loop3A_244 = tpu.vector_load_idx %arg5[%parallel_loop3A_145, %parallel_loop3A_243] : memref<128x256xf32, #tpu.memory_space<vmem>>[vector<16xi32>, vector<16xi32>], vector<16xf32>,
        %parallel_loop3A_245 = arith.constant 26624 : i32
        %parallel_loop3A_246 = vector.broadcast %parallel_loop3A_245 : i32 to vector<16xi32>
        %parallel_loop3A_247 = arith.addi %parallel_loop3A_149, %parallel_loop3A_246 : vector<16xi32>
        tpu.vector_store_idx %arg6[%parallel_loop3A_247], %parallel_loop3A_244 : memref<65536xf32, #tpu.memory_space<vmem>>[vector<16xi32>], vector<16xf32>,
        %parallel_loop3A_248 = arith.constant 224 : i32
        %parallel_loop3A_249 = vector.broadcast %parallel_loop3A_248 : i32 to vector<16xi32>
        %parallel_loop3A_250 = arith.addi %parallel_loop3A_249, %iota3A : vector<16xi32>
        %parallel_loop3A_251 = tpu.vector_load_idx %arg5[%parallel_loop3A_145, %parallel_loop3A_250] : memref<128x256xf32, #tpu.memory_space<vmem>>[vector<16xi32>, vector<16xi32>], vector<16xf32>,
        %parallel_loop3A_252 = arith.constant 28672 : i32
        %parallel_loop3A_253 = vector.broadcast %parallel_loop3A_252 : i32 to vector<16xi32>
        %parallel_loop3A_254 = arith.addi %parallel_loop3A_149, %parallel_loop3A_253 : vector<16xi32>
        tpu.vector_store_idx %arg6[%parallel_loop3A_254], %parallel_loop3A_251 : memref<65536xf32, #tpu.memory_space<vmem>>[vector<16xi32>], vector<16xf32>,
        %parallel_loop3A_255 = arith.constant 240 : i32
        %parallel_loop3A_256 = vector.broadcast %parallel_loop3A_255 : i32 to vector<16xi32>
        %parallel_loop3A_257 = arith.addi %parallel_loop3A_256, %iota3A : vector<16xi32>
        %parallel_loop3A_258 = tpu.vector_load_idx %arg5[%parallel_loop3A_145, %parallel_loop3A_257] : memref<128x256xf32, #tpu.memory_space<vmem>>[vector<16xi32>, vector<16xi32>], vector<16xf32>,
        %parallel_loop3A_259 = arith.constant 30720 : i32
        %parallel_loop3A_260 = vector.broadcast %parallel_loop3A_259 : i32 to vector<16xi32>
        %parallel_loop3A_261 = arith.addi %parallel_loop3A_149, %parallel_loop3A_260 : vector<16xi32>
        tpu.vector_store_idx %arg6[%parallel_loop3A_261], %parallel_loop3A_258 : memref<65536xf32, #tpu.memory_space<vmem>>[vector<16xi32>], vector<16xf32>,
      } {sc.loop_unroll_factor = 2 : i64, sc.parallel_access}
      %get3A = arith.constant 32752 : index
      %get3A_99 = tpu.vector_load %arg6[%get3A] {strides = array<i32>} : memref<65536xf32, #tpu.memory_space<vmem>>, vector<16xf32>,
      %add3A_100 = arith.constant 0.000000e+00 : f32
      %add3A_101 = vector.broadcast %add3A_100 : f32 to vector<16xf32>
      %add3A_102 = arith.addf %get3A_99, %add3A_101 : vector<16xf32>
      %swap3A = arith.constant 32752 : index
      %swap3A_103 = tpu.vector_load %arg6[%swap3A] {strides = array<i32>} : memref<65536xf32, #tpu.memory_space<vmem>>, vector<16xf32>,
      tpu.vector_store %arg6[%swap3A], %add3A_102 {strides = array<i32>} : memref<65536xf32, #tpu.memory_space<vmem>>, vector<16xf32>,
      %add3A_104 = arith.addi %mul3A_2, %mul3A_75 : i32
      %mul3A_105 = arith.constant 256 : i32
      %mul3A_106 = arith.muli %add3A_104, %mul3A_105 : i32
      %min3A_107 = arith.constant 999680 : i32
      %min3A_108 = arith.minsi %mul3A_106, %min3A_107 : i32
      %multiple_of3A_109 = tpu.assume_multiple %min3A_108, 256 : i32
      %mul3A_110 = arith.constant 128 : i32
      %mul3A_111 = arith.muli %multiple_of3A_109, %mul3A_110 : i32
      %dma_start3A_112 = arith.constant 0 : i32
      %dma_start3A_113 = arith.constant 0 : i32
      %dma_start3A_114 = tpu.memref_slice %arg6[%dma_start3A_113] : memref<65536xf32, #tpu.memory_space<vmem>> -> memref<32768xf32, #tpu.memory_space<vmem>>
      %dma_start3A_115 = tpu.memref_slice %arg4[%mul3A_111] : memref<128000000xf32, #tpu.memory_space<hbm>> -> memref<32768xf32, #tpu.memory_space<hbm>>
      %dma_start3A_116 = tpu.memref_slice %arg8[%dma_start3A_112] : memref<2x!tpu.dma_semaphore, #tpu.memory_space<semaphore_mem>> -> memref<1x!tpu.dma_semaphore, #tpu.memory_space<semaphore_mem>>
      %dma_start3A_117 = tpu.memref_squeeze %dma_start3A_116 : memref<1x!tpu.dma_semaphore, #tpu.memory_space<semaphore_mem>> -> memref<!tpu.dma_semaphore, #tpu.memory_space<semaphore_mem>>
      %dma_start3A_118 = tpu.memref_slice %arg4[%mul3A_111] : memref<128000000xf32, #tpu.memory_space<hbm>> -> memref<32768xf32, #tpu.memory_space<hbm>>
      %dma_start3A_119 = arith.constant 0 : i32
      %dma_start3A_120 = tpu.memref_slice %arg6[%dma_start3A_119] : memref<65536xf32, #tpu.memory_space<vmem>> -> memref<32768xf32, #tpu.memory_space<vmem>>
      tpu.enqueue_dma source(%dma_start3A_120 : memref<32768xf32, #tpu.memory_space<vmem>>) target(%dma_start3A_118 : memref<32768xf32, #tpu.memory_space<hbm>>) target_semaphore(%dma_start3A_117 : memref<!tpu.dma_semaphore, #tpu.memory_space<semaphore_mem>>)
      %add3A_121 = arith.constant 2 : i32
      %add3A_122 = arith.addi %mul3A_75, %add3A_121 : i32
      %lt3A = arith.constant 123 : i32
      %lt3A_123 = arith.cmpi slt, %add3A_122, %lt3A : i32
      %convert_element_type3A_124 = arith.extui %lt3A_123 : i1 to i32
      %cond3A_125 = arith.constant 0 : i32
      %cond3A_126 = arith.cmpi ne, %convert_element_type3A_124, %cond3A_125 : i32
      scf.if %cond3A_126 {
        %add3A_133 = arith.constant 2 : i32
        %add3A_134 = arith.addi %mul3A_75, %add3A_133 : i32
        %add3A_135 = arith.addi %mul3A_2, %add3A_134 : i32
        %mul3A_136 = arith.constant 256 : i32
        %mul3A_137 = arith.muli %add3A_135, %mul3A_136 : i32
        %min3A_138 = arith.constant 999680 : i32
        %min3A_139 = arith.minsi %mul3A_137, %min3A_138 : i32
        %multiple_of3A_140 = tpu.assume_multiple %min3A_139, 256 : i32
        %dma_start3A_141 = arith.constant 0 : i32
        %dma_start3A_142 = arith.constant 0 : i32
        %dma_start3A_143 = arith.constant 0 : i32
        %dma_start3A_144 = tpu.memref_slice %arg5[%dma_start3A_142, %dma_start3A_143] : memref<128x256xf32, #tpu.memory_space<vmem>> -> memref<64x256xf32, #tpu.memory_space<vmem>>
        %dma_start3A_145 = arith.constant 0 : i32
        %dma_start3A_146 = tpu.memref_slice %arg2[%dma_start3A_145, %multiple_of3A_140] : memref<64x1000000xf32, #tpu.memory_space<hbm>> -> memref<64x256xf32, #tpu.memory_space<hbm>>
        %dma_start3A_147 = tpu.memref_slice %arg7[%dma_start3A_141] : memref<2x!tpu.dma_semaphore, #tpu.memory_space<semaphore_mem>> -> memref<1x!tpu.dma_semaphore, #tpu.memory_space<semaphore_mem>>
        %dma_start3A_148 = tpu.memref_squeeze %dma_start3A_147 : memref<1x!tpu.dma_semaphore, #tpu.memory_space<semaphore_mem>> -> memref<!tpu.dma_semaphore, #tpu.memory_space<semaphore_mem>>
        %dma_start3A_149 = arith.constant 0 : i32
        %dma_start3A_150 = arith.constant 0 : i32
        %dma_start3A_151 = tpu.memref_slice %arg5[%dma_start3A_149, %dma_start3A_150] : memref<128x256xf32, #tpu.memory_space<vmem>> -> memref<64x256xf32, #tpu.memory_space<vmem>>
        %dma_start3A_152 = arith.constant 0 : i32
        %dma_start3A_153 = tpu.memref_slice %arg2[%dma_start3A_152, %multiple_of3A_140] : memref<64x1000000xf32, #tpu.memory_space<hbm>> -> memref<64x256xf32, #tpu.memory_space<hbm>>
        tpu.enqueue_dma source(%dma_start3A_153 : memref<64x256xf32, #tpu.memory_space<hbm>>) target(%dma_start3A_151 : memref<64x256xf32, #tpu.memory_space<vmem>>) target_semaphore(%dma_start3A_148 : memref<!tpu.dma_semaphore, #tpu.memory_space<semaphore_mem>>)
      } else {
      }
      %lt3A_127 = arith.constant 123 : i32
      %lt3A_128 = arith.cmpi slt, %add3A_77, %lt3A_127 : i32
      %convert_element_type3A_129 = arith.extui %lt3A_128 : i1 to i32
      %cond3A_130 = arith.constant 0 : i32
      %cond3A_131 = arith.cmpi ne, %convert_element_type3A_129, %cond3A_130 : i32
      scf.if %cond3A_131 {
        %dma_wait3A_133 = arith.constant 1 : i32
        %dma_wait3A_134 = arith.constant 64 : i32
        %dma_wait3A_135 = arith.constant 0 : i32
        %dma_wait3A_136 = tpu.memref_slice %arg5[%dma_wait3A_134, %dma_wait3A_135] : memref<128x256xf32, #tpu.memory_space<vmem>> -> memref<64x256xf32, #tpu.memory_space<vmem>>
        %dma_wait3A_137 = arith.constant 0 : i32
        %dma_wait3A_138 = arith.constant 0 : i32
        %dma_wait3A_139 = tpu.memref_slice %arg2[%dma_wait3A_137, %dma_wait3A_138] : memref<64x1000000xf32, #tpu.memory_space<hbm>> -> memref<64x256xf32, #tpu.memory_space<hbm>>
        %dma_wait3A_140 = tpu.memref_slice %arg7[%dma_wait3A_133] : memref<2x!tpu.dma_semaphore, #tpu.memory_space<semaphore_mem>> -> memref<1x!tpu.dma_semaphore, #tpu.memory_space<semaphore_mem>>
        %dma_wait3A_141 = tpu.memref_squeeze %dma_wait3A_140 : memref<1x!tpu.dma_semaphore, #tpu.memory_space<semaphore_mem>> -> memref<!tpu.dma_semaphore, #tpu.memory_space<semaphore_mem>>
        %dma_wait3A_142 = arith.constant 64 : i32
        %dma_wait3A_143 = arith.constant 0 : i32
        %dma_wait3A_144 = tpu.memref_slice %arg5[%dma_wait3A_142, %dma_wait3A_143] : memref<128x256xf32, #tpu.memory_space<vmem>> -> memref<64x256xf32, #tpu.memory_space<vmem>>
        %dma_wait3A_145 = arith.constant 0 : i32
        %dma_wait3A_146 = arith.constant 0 : i32
        %dma_wait3A_147 = tpu.memref_slice %arg2[%dma_wait3A_145, %dma_wait3A_146] : memref<64x1000000xf32, #tpu.memory_space<hbm>> -> memref<64x256xf32, #tpu.memory_space<hbm>>
        tpu.wait_dma2 semaphore(%dma_wait3A_141 : memref<!tpu.dma_semaphore, #tpu.memory_space<semaphore_mem>>) src(%dma_wait3A_147 : memref<64x256xf32, #tpu.memory_space<hbm>>) dst(%dma_wait3A_144 : memref<64x256xf32, #tpu.memory_space<vmem>>)
        %ge3A_148 = arith.constant 1 : i32
        %ge3A_149 = arith.cmpi sge, %scan3A_72, %ge3A_148 : i32
        %convert_element_type3A_150 = arith.extui %ge3A_149 : i1 to i32
        %cond3A_151 = arith.constant 0 : i32
        %cond3A_152 = arith.cmpi ne, %convert_element_type3A_150, %cond3A_151 : i32
        scf.if %cond3A_152 {
          %dma_wait3A_187 = arith.constant 1 : i32
          %dma_wait3A_188 = arith.constant 32768 : i32
          %dma_wait3A_189 = tpu.memref_slice %arg6[%dma_wait3A_188] : memref<65536xf32, #tpu.memory_space<vmem>> -> memref<32768xf32, #tpu.memory_space<vmem>>
          %dma_wait3A_190 = arith.constant 0 : i32
          %dma_wait3A_191 = tpu.memref_slice %arg4[%dma_wait3A_190] : memref<128000000xf32, #tpu.memory_space<hbm>> -> memref<32768xf32, #tpu.memory_space<hbm>>
          %dma_wait3A_192 = tpu.memref_slice %arg8[%dma_wait3A_187] : memref<2x!tpu.dma_semaphore, #tpu.memory_space<semaphore_mem>> -> memref<1x!tpu.dma_semaphore, #tpu.memory_space<semaphore_mem>>
          %dma_wait3A_193 = tpu.memref_squeeze %dma_wait3A_192 : memref<1x!tpu.dma_semaphore, #tpu.memory_space<semaphore_mem>> -> memref<!tpu.dma_semaphore, #tpu.memory_space<semaphore_mem>>
          %dma_wait3A_194 = arith.constant 0 : i32
          %dma_wait3A_195 = tpu.memref_slice %arg4[%dma_wait3A_194] : memref<128000000xf32, #tpu.memory_space<hbm>> -> memref<32768xf32, #tpu.memory_space<hbm>>
          %dma_wait3A_196 = arith.constant 32768 : i32
          %dma_wait3A_197 = tpu.memref_slice %arg6[%dma_wait3A_196] : memref<65536xf32, #tpu.memory_space<vmem>> -> memref<32768xf32, #tpu.memory_space<vmem>>
          tpu.wait_dma2 semaphore(%dma_wait3A_193 : memref<!tpu.dma_semaphore, #tpu.memory_space<semaphore_mem>>) src(%dma_wait3A_197 : memref<32768xf32, #tpu.memory_space<vmem>>) dst(%dma_wait3A_195 : memref<32768xf32, #tpu.memory_space<hbm>>)
        } else {
        }
        %parallel_loop3A_153 = arith.constant 0 : i32
        %parallel_loop3A_154 = arith.constant 64 : i32
        %parallel_loop3A_155 = arith.constant 1 : i32
        scf.for %parallel_loop3A_187 = %parallel_loop3A_153 to %parallel_loop3A_154 step %parallel_loop3A_155  : i32 {
          %parallel_loop3A_188 = vector.broadcast %parallel_loop3A_187 : i32 to vector<16xi32>
          %parallel_loop3A_189 = arith.addi %parallel_loop3A_188, %iota3A : vector<16xi32>
          %parallel_loop3A_190 = arith.constant 64 : i32
          %parallel_loop3A_191 = vector.broadcast %parallel_loop3A_190 : i32 to vector<16xi32>
          %parallel_loop3A_192 = arith.cmpi sge, %parallel_loop3A_189, %parallel_loop3A_191 : vector<16xi32>
          %parallel_loop3A_193 = arith.constant 64 : i32
          %parallel_loop3A_194 = vector.broadcast %parallel_loop3A_193 : i32 to vector<16xi32>
          %parallel_loop3A_195 = arith.subi %parallel_loop3A_189, %parallel_loop3A_194 : vector<16xi32>
          %parallel_loop3A_196 = arith.select %parallel_loop3A_192, %parallel_loop3A_195, %parallel_loop3A_189 : vector<16xi1>, vector<16xi32>
          %parallel_loop3A_197 = arith.constant 64 : i32
          %parallel_loop3A_198 = vector.broadcast %parallel_loop3A_197 : i32 to vector<16xi32>
          %parallel_loop3A_199 = arith.addi %parallel_loop3A_196, %parallel_loop3A_198 : vector<16xi32>
          %parallel_loop3A_200 = arith.addi %mul3A_5, %parallel_loop3A_196 : vector<16xi32>
          %parallel_loop3A_201 = arith.constant 32768 : i32
          %parallel_loop3A_202 = vector.broadcast %parallel_loop3A_201 : i32 to vector<16xi32>
          %parallel_loop3A_203 = arith.addi %parallel_loop3A_200, %parallel_loop3A_202 : vector<16xi32>
          %parallel_loop3A_204 = arith.constant 0 : i32
          %parallel_loop3A_205 = vector.broadcast %parallel_loop3A_204 : i32 to vector<16xi32>
          %parallel_loop3A_206 = arith.addi %parallel_loop3A_205, %iota3A : vector<16xi32>
          %parallel_loop3A_207 = tpu.vector_load_idx %arg5[%parallel_loop3A_199, %parallel_loop3A_206] : memref<128x256xf32, #tpu.memory_space<vmem>>[vector<16xi32>, vector<16xi32>], vector<16xf32>,
          %parallel_loop3A_208 = arith.constant 0 : i32
          %parallel_loop3A_209 = vector.broadcast %parallel_loop3A_208 : i32 to vector<16xi32>
          %parallel_loop3A_210 = arith.addi %parallel_loop3A_203, %parallel_loop3A_209 : vector<16xi32>
          tpu.vector_store_idx %arg6[%parallel_loop3A_210], %parallel_loop3A_207 : memref<65536xf32, #tpu.memory_space<vmem>>[vector<16xi32>], vector<16xf32>,
          %parallel_loop3A_211 = arith.constant 16 : i32
          %parallel_loop3A_212 = vector.broadcast %parallel_loop3A_211 : i32 to vector<16xi32>
          %parallel_loop3A_213 = arith.addi %parallel_loop3A_212, %iota3A : vector<16xi32>
          %parallel_loop3A_214 = tpu.vector_load_idx %arg5[%parallel_loop3A_199, %parallel_loop3A_213] : memref<128x256xf32, #tpu.memory_space<vmem>>[vector<16xi32>, vector<16xi32>], vector<16xf32>,
          %parallel_loop3A_215 = arith.constant 2048 : i32
          %parallel_loop3A_216 = vector.broadcast %parallel_loop3A_215 : i32 to vector<16xi32>
          %parallel_loop3A_217 = arith.addi %parallel_loop3A_203, %parallel_loop3A_216 : vector<16xi32>
          tpu.vector_store_idx %arg6[%parallel_loop3A_217], %parallel_loop3A_214 : memref<65536xf32, #tpu.memory_space<vmem>>[vector<16xi32>], vector<16xf32>,
          %parallel_loop3A_218 = arith.constant 32 : i32
          %parallel_loop3A_219 = vector.broadcast %parallel_loop3A_218 : i32 to vector<16xi32>
          %parallel_loop3A_220 = arith.addi %parallel_loop3A_219, %iota3A : vector<16xi32>
          %parallel_loop3A_221 = tpu.vector_load_idx %arg5[%parallel_loop3A_199, %parallel_loop3A_220] : memref<128x256xf32, #tpu.memory_space<vmem>>[vector<16xi32>, vector<16xi32>], vector<16xf32>,
          %parallel_loop3A_222 = arith.constant 4096 : i32
          %parallel_loop3A_223 = vector.broadcast %parallel_loop3A_222 : i32 to vector<16xi32>
          %parallel_loop3A_224 = arith.addi %parallel_loop3A_203, %parallel_loop3A_223 : vector<16xi32>
          tpu.vector_store_idx %arg6[%parallel_loop3A_224], %parallel_loop3A_221 : memref<65536xf32, #tpu.memory_space<vmem>>[vector<16xi32>], vector<16xf32>,
          %parallel_loop3A_225 = arith.constant 48 : i32
          %parallel_loop3A_226 = vector.broadcast %parallel_loop3A_225 : i32 to vector<16xi32>
          %parallel_loop3A_227 = arith.addi %parallel_loop3A_226, %iota3A : vector<16xi32>
          %parallel_loop3A_228 = tpu.vector_load_idx %arg5[%parallel_loop3A_199, %parallel_loop3A_227] : memref<128x256xf32, #tpu.memory_space<vmem>>[vector<16xi32>, vector<16xi32>], vector<16xf32>,
          %parallel_loop3A_229 = arith.constant 6144 : i32
          %parallel_loop3A_230 = vector.broadcast %parallel_loop3A_229 : i32 to vector<16xi32>
          %parallel_loop3A_231 = arith.addi %parallel_loop3A_203, %parallel_loop3A_230 : vector<16xi32>
          tpu.vector_store_idx %arg6[%parallel_loop3A_231], %parallel_loop3A_228 : memref<65536xf32, #tpu.memory_space<vmem>>[vector<16xi32>], vector<16xf32>,
          %parallel_loop3A_232 = arith.constant 64 : i32
          %parallel_loop3A_233 = vector.broadcast %parallel_loop3A_232 : i32 to vector<16xi32>
          %parallel_loop3A_234 = arith.addi %parallel_loop3A_233, %iota3A : vector<16xi32>
          %parallel_loop3A_235 = tpu.vector_load_idx %arg5[%parallel_loop3A_199, %parallel_loop3A_234] : memref<128x256xf32, #tpu.memory_space<vmem>>[vector<16xi32>, vector<16xi32>], vector<16xf32>,
          %parallel_loop3A_236 = arith.constant 8192 : i32
          %parallel_loop3A_237 = vector.broadcast %parallel_loop3A_236 : i32 to vector<16xi32>
          %parallel_loop3A_238 = arith.addi %parallel_loop3A_203, %parallel_loop3A_237 : vector<16xi32>
          tpu.vector_store_idx %arg6[%parallel_loop3A_238], %parallel_loop3A_235 : memref<65536xf32, #tpu.memory_space<vmem>>[vector<16xi32>], vector<16xf32>,
          %parallel_loop3A_239 = arith.constant 80 : i32
          %parallel_loop3A_240 = vector.broadcast %parallel_loop3A_239 : i32 to vector<16xi32>
          %parallel_loop3A_241 = arith.addi %parallel_loop3A_240, %iota3A : vector<16xi32>
          %parallel_loop3A_242 = tpu.vector_load_idx %arg5[%parallel_loop3A_199, %parallel_loop3A_241] : memref<128x256xf32, #tpu.memory_space<vmem>>[vector<16xi32>, vector<16xi32>], vector<16xf32>,
          %parallel_loop3A_243 = arith.constant 10240 : i32
          %parallel_loop3A_244 = vector.broadcast %parallel_loop3A_243 : i32 to vector<16xi32>
          %parallel_loop3A_245 = arith.addi %parallel_loop3A_203, %parallel_loop3A_244 : vector<16xi32>
          tpu.vector_store_idx %arg6[%parallel_loop3A_245], %parallel_loop3A_242 : memref<65536xf32, #tpu.memory_space<vmem>>[vector<16xi32>], vector<16xf32>,
          %parallel_loop3A_246 = arith.constant 96 : i32
          %parallel_loop3A_247 = vector.broadcast %parallel_loop3A_246 : i32 to vector<16xi32>
          %parallel_loop3A_248 = arith.addi %parallel_loop3A_247, %iota3A : vector<16xi32>
          %parallel_loop3A_249 = tpu.vector_load_idx %arg5[%parallel_loop3A_199, %parallel_loop3A_248] : memref<128x256xf32, #tpu.memory_space<vmem>>[vector<16xi32>, vector<16xi32>], vector<16xf32>,
          %parallel_loop3A_250 = arith.constant 12288 : i32
          %parallel_loop3A_251 = vector.broadcast %parallel_loop3A_250 : i32 to vector<16xi32>
          %parallel_loop3A_252 = arith.addi %parallel_loop3A_203, %parallel_loop3A_251 : vector<16xi32>
          tpu.vector_store_idx %arg6[%parallel_loop3A_252], %parallel_loop3A_249 : memref<65536xf32, #tpu.memory_space<vmem>>[vector<16xi32>], vector<16xf32>,
          %parallel_loop3A_253 = arith.constant 112 : i32
          %parallel_loop3A_254 = vector.broadcast %parallel_loop3A_253 : i32 to vector<16xi32>
          %parallel_loop3A_255 = arith.addi %parallel_loop3A_254, %iota3A : vector<16xi32>
          %parallel_loop3A_256 = tpu.vector_load_idx %arg5[%parallel_loop3A_199, %parallel_loop3A_255] : memref<128x256xf32, #tpu.memory_space<vmem>>[vector<16xi32>, vector<16xi32>], vector<16xf32>,
          %parallel_loop3A_257 = arith.constant 14336 : i32
          %parallel_loop3A_258 = vector.broadcast %parallel_loop3A_257 : i32 to vector<16xi32>
          %parallel_loop3A_259 = arith.addi %parallel_loop3A_203, %parallel_loop3A_258 : vector<16xi32>
          tpu.vector_store_idx %arg6[%parallel_loop3A_259], %parallel_loop3A_256 : memref<65536xf32, #tpu.memory_space<vmem>>[vector<16xi32>], vector<16xf32>,
          %parallel_loop3A_260 = arith.constant 128 : i32
          %parallel_loop3A_261 = vector.broadcast %parallel_loop3A_260 : i32 to vector<16xi32>
          %parallel_loop3A_262 = arith.addi %parallel_loop3A_261, %iota3A : vector<16xi32>
          %parallel_loop3A_263 = tpu.vector_load_idx %arg5[%parallel_loop3A_199, %parallel_loop3A_262] : memref<128x256xf32, #tpu.memory_space<vmem>>[vector<16xi32>, vector<16xi32>], vector<16xf32>,
          %parallel_loop3A_264 = arith.constant 16384 : i32
          %parallel_loop3A_265 = vector.broadcast %parallel_loop3A_264 : i32 to vector<16xi32>
          %parallel_loop3A_266 = arith.addi %parallel_loop3A_203, %parallel_loop3A_265 : vector<16xi32>
          tpu.vector_store_idx %arg6[%parallel_loop3A_266], %parallel_loop3A_263 : memref<65536xf32, #tpu.memory_space<vmem>>[vector<16xi32>], vector<16xf32>,
          %parallel_loop3A_267 = arith.constant 144 : i32
          %parallel_loop3A_268 = vector.broadcast %parallel_loop3A_267 : i32 to vector<16xi32>
          %parallel_loop3A_269 = arith.addi %parallel_loop3A_268, %iota3A : vector<16xi32>
          %parallel_loop3A_270 = tpu.vector_load_idx %arg5[%parallel_loop3A_199, %parallel_loop3A_269] : memref<128x256xf32, #tpu.memory_space<vmem>>[vector<16xi32>, vector<16xi32>], vector<16xf32>,
          %parallel_loop3A_271 = arith.constant 18432 : i32
          %parallel_loop3A_272 = vector.broadcast %parallel_loop3A_271 : i32 to vector<16xi32>
          %parallel_loop3A_273 = arith.addi %parallel_loop3A_203, %parallel_loop3A_272 : vector<16xi32>
          tpu.vector_store_idx %arg6[%parallel_loop3A_273], %parallel_loop3A_270 : memref<65536xf32, #tpu.memory_space<vmem>>[vector<16xi32>], vector<16xf32>,
          %parallel_loop3A_274 = arith.constant 160 : i32
          %parallel_loop3A_275 = vector.broadcast %parallel_loop3A_274 : i32 to vector<16xi32>
          %parallel_loop3A_276 = arith.addi %parallel_loop3A_275, %iota3A : vector<16xi32>
          %parallel_loop3A_277 = tpu.vector_load_idx %arg5[%parallel_loop3A_199, %parallel_loop3A_276] : memref<128x256xf32, #tpu.memory_space<vmem>>[vector<16xi32>, vector<16xi32>], vector<16xf32>,
          %parallel_loop3A_278 = arith.constant 20480 : i32
          %parallel_loop3A_279 = vector.broadcast %parallel_loop3A_278 : i32 to vector<16xi32>
          %parallel_loop3A_280 = arith.addi %parallel_loop3A_203, %parallel_loop3A_279 : vector<16xi32>
          tpu.vector_store_idx %arg6[%parallel_loop3A_280], %parallel_loop3A_277 : memref<65536xf32, #tpu.memory_space<vmem>>[vector<16xi32>], vector<16xf32>,
          %parallel_loop3A_281 = arith.constant 176 : i32
          %parallel_loop3A_282 = vector.broadcast %parallel_loop3A_281 : i32 to vector<16xi32>
          %parallel_loop3A_283 = arith.addi %parallel_loop3A_282, %iota3A : vector<16xi32>
          %parallel_loop3A_284 = tpu.vector_load_idx %arg5[%parallel_loop3A_199, %parallel_loop3A_283] : memref<128x256xf32, #tpu.memory_space<vmem>>[vector<16xi32>, vector<16xi32>], vector<16xf32>,
          %parallel_loop3A_285 = arith.constant 22528 : i32
          %parallel_loop3A_286 = vector.broadcast %parallel_loop3A_285 : i32 to vector<16xi32>
          %parallel_loop3A_287 = arith.addi %parallel_loop3A_203, %parallel_loop3A_286 : vector<16xi32>
          tpu.vector_store_idx %arg6[%parallel_loop3A_287], %parallel_loop3A_284 : memref<65536xf32, #tpu.memory_space<vmem>>[vector<16xi32>], vector<16xf32>,
          %parallel_loop3A_288 = arith.constant 192 : i32
          %parallel_loop3A_289 = vector.broadcast %parallel_loop3A_288 : i32 to vector<16xi32>
          %parallel_loop3A_290 = arith.addi %parallel_loop3A_289, %iota3A : vector<16xi32>
          %parallel_loop3A_291 = tpu.vector_load_idx %arg5[%parallel_loop3A_199, %parallel_loop3A_290] : memref<128x256xf32, #tpu.memory_space<vmem>>[vector<16xi32>, vector<16xi32>], vector<16xf32>,
          %parallel_loop3A_292 = arith.constant 24576 : i32
          %parallel_loop3A_293 = vector.broadcast %parallel_loop3A_292 : i32 to vector<16xi32>
          %parallel_loop3A_294 = arith.addi %parallel_loop3A_203, %parallel_loop3A_293 : vector<16xi32>
          tpu.vector_store_idx %arg6[%parallel_loop3A_294], %parallel_loop3A_291 : memref<65536xf32, #tpu.memory_space<vmem>>[vector<16xi32>], vector<16xf32>,
          %parallel_loop3A_295 = arith.constant 208 : i32
          %parallel_loop3A_296 = vector.broadcast %parallel_loop3A_295 : i32 to vector<16xi32>
          %parallel_loop3A_297 = arith.addi %parallel_loop3A_296, %iota3A : vector<16xi32>
          %parallel_loop3A_298 = tpu.vector_load_idx %arg5[%parallel_loop3A_199, %parallel_loop3A_297] : memref<128x256xf32, #tpu.memory_space<vmem>>[vector<16xi32>, vector<16xi32>], vector<16xf32>,
          %parallel_loop3A_299 = arith.constant 26624 : i32
          %parallel_loop3A_300 = vector.broadcast %parallel_loop3A_299 : i32 to vector<16xi32>
          %parallel_loop3A_301 = arith.addi %parallel_loop3A_203, %parallel_loop3A_300 : vector<16xi32>
          tpu.vector_store_idx %arg6[%parallel_loop3A_301], %parallel_loop3A_298 : memref<65536xf32, #tpu.memory_space<vmem>>[vector<16xi32>], vector<16xf32>,
          %parallel_loop3A_302 = arith.constant 224 : i32
          %parallel_loop3A_303 = vector.broadcast %parallel_loop3A_302 : i32 to vector<16xi32>
          %parallel_loop3A_304 = arith.addi %parallel_loop3A_303, %iota3A : vector<16xi32>
          %parallel_loop3A_305 = tpu.vector_load_idx %arg5[%parallel_loop3A_199, %parallel_loop3A_304] : memref<128x256xf32, #tpu.memory_space<vmem>>[vector<16xi32>, vector<16xi32>], vector<16xf32>,
          %parallel_loop3A_306 = arith.constant 28672 : i32
          %parallel_loop3A_307 = vector.broadcast %parallel_loop3A_306 : i32 to vector<16xi32>
          %parallel_loop3A_308 = arith.addi %parallel_loop3A_203, %parallel_loop3A_307 : vector<16xi32>
          tpu.vector_store_idx %arg6[%parallel_loop3A_308], %parallel_loop3A_305 : memref<65536xf32, #tpu.memory_space<vmem>>[vector<16xi32>], vector<16xf32>,
          %parallel_loop3A_309 = arith.constant 240 : i32
          %parallel_loop3A_310 = vector.broadcast %parallel_loop3A_309 : i32 to vector<16xi32>
          %parallel_loop3A_311 = arith.addi %parallel_loop3A_310, %iota3A : vector<16xi32>
          %parallel_loop3A_312 = tpu.vector_load_idx %arg5[%parallel_loop3A_199, %parallel_loop3A_311] : memref<128x256xf32, #tpu.memory_space<vmem>>[vector<16xi32>, vector<16xi32>], vector<16xf32>,
          %parallel_loop3A_313 = arith.constant 30720 : i32
          %parallel_loop3A_314 = vector.broadcast %parallel_loop3A_313 : i32 to vector<16xi32>
          %parallel_loop3A_315 = arith.addi %parallel_loop3A_203, %parallel_loop3A_314 : vector<16xi32>
          tpu.vector_store_idx %arg6[%parallel_loop3A_315], %parallel_loop3A_312 : memref<65536xf32, #tpu.memory_space<vmem>>[vector<16xi32>], vector<16xf32>,
        } {sc.loop_unroll_factor = 2 : i64, sc.parallel_access}
        %get3A_156 = arith.constant 65520 : index
        %get3A_157 = tpu.vector_load %arg6[%get3A_156] {strides = array<i32>} : memref<65536xf32, #tpu.memory_space<vmem>>, vector<16xf32>,
        %add3A_158 = arith.constant 0.000000e+00 : f32
        %add3A_159 = vector.broadcast %add3A_158 : f32 to vector<16xf32>
        %add3A_160 = arith.addf %get3A_157, %add3A_159 : vector<16xf32>
        %swap3A_161 = arith.constant 65520 : index
        %swap3A_162 = tpu.vector_load %arg6[%swap3A_161] {strides = array<i32>} : memref<65536xf32, #tpu.memory_space<vmem>>, vector<16xf32>,
        tpu.vector_store %arg6[%swap3A_161], %add3A_160 {strides = array<i32>} : memref<65536xf32, #tpu.memory_space<vmem>>, vector<16xf32>,
        %add3A_163 = arith.addi %mul3A_2, %add3A_77 : i32
        %mul3A_164 = arith.constant 256 : i32
        %mul3A_165 = arith.muli %add3A_163, %mul3A_164 : i32
        %min3A_166 = arith.constant 999680 : i32
        %min3A_167 = arith.minsi %mul3A_165, %min3A_166 : i32
        %multiple_of3A_168 = tpu.assume_multiple %min3A_167, 256 : i32
        %mul3A_169 = arith.constant 128 : i32
        %mul3A_170 = arith.muli %multiple_of3A_168, %mul3A_169 : i32
        %dma_start3A_171 = arith.constant 1 : i32
        %dma_start3A_172 = arith.constant 32768 : i32
        %dma_start3A_173 = tpu.memref_slice %arg6[%dma_start3A_172] : memref<65536xf32, #tpu.memory_space<vmem>> -> memref<32768xf32, #tpu.memory_space<vmem>>
        %dma_start3A_174 = tpu.memref_slice %arg4[%mul3A_170] : memref<128000000xf32, #tpu.memory_space<hbm>> -> memref<32768xf32, #tpu.memory_space<hbm>>
        %dma_start3A_175 = tpu.memref_slice %arg8[%dma_start3A_171] : memref<2x!tpu.dma_semaphore, #tpu.memory_space<semaphore_mem>> -> memref<1x!tpu.dma_semaphore, #tpu.memory_space<semaphore_mem>>
        %dma_start3A_176 = tpu.memref_squeeze %dma_start3A_175 : memref<1x!tpu.dma_semaphore, #tpu.memory_space<semaphore_mem>> -> memref<!tpu.dma_semaphore, #tpu.memory_space<semaphore_mem>>
        %dma_start3A_177 = tpu.memref_slice %arg4[%mul3A_170] : memref<128000000xf32, #tpu.memory_space<hbm>> -> memref<32768xf32, #tpu.memory_space<hbm>>
        %dma_start3A_178 = arith.constant 32768 : i32
        %dma_start3A_179 = tpu.memref_slice %arg6[%dma_start3A_178] : memref<65536xf32, #tpu.memory_space<vmem>> -> memref<32768xf32, #tpu.memory_space<vmem>>
        tpu.enqueue_dma source(%dma_start3A_179 : memref<32768xf32, #tpu.memory_space<vmem>>) target(%dma_start3A_177 : memref<32768xf32, #tpu.memory_space<hbm>>) target_semaphore(%dma_start3A_176 : memref<!tpu.dma_semaphore, #tpu.memory_space<semaphore_mem>>)
        %add3A_180 = arith.constant 2 : i32
        %add3A_181 = arith.addi %add3A_77, %add3A_180 : i32
        %lt3A_182 = arith.constant 123 : i32
        %lt3A_183 = arith.cmpi slt, %add3A_181, %lt3A_182 : i32
        %convert_element_type3A_184 = arith.extui %lt3A_183 : i1 to i32
        %cond3A_185 = arith.constant 0 : i32
        %cond3A_186 = arith.cmpi ne, %convert_element_type3A_184, %cond3A_185 : i32
        scf.if %cond3A_186 {
          %add3A_187 = arith.constant 2 : i32
          %add3A_188 = arith.addi %add3A_77, %add3A_187 : i32
          %add3A_189 = arith.addi %mul3A_2, %add3A_188 : i32
          %mul3A_190 = arith.constant 256 : i32
          %mul3A_191 = arith.muli %add3A_189, %mul3A_190 : i32
          %min3A_192 = arith.constant 999680 : i32
          %min3A_193 = arith.minsi %mul3A_191, %min3A_192 : i32
          %multiple_of3A_194 = tpu.assume_multiple %min3A_193, 256 : i32
          %dma_start3A_195 = arith.constant 1 : i32
          %dma_start3A_196 = arith.constant 64 : i32
          %dma_start3A_197 = arith.constant 0 : i32
          %dma_start3A_198 = tpu.memref_slice %arg5[%dma_start3A_196, %dma_start3A_197] : memref<128x256xf32, #tpu.memory_space<vmem>> -> memref<64x256xf32, #tpu.memory_space<vmem>>
          %dma_start3A_199 = arith.constant 0 : i32
          %dma_start3A_200 = tpu.memref_slice %arg2[%dma_start3A_199, %multiple_of3A_194] : memref<64x1000000xf32, #tpu.memory_space<hbm>> -> memref<64x256xf32, #tpu.memory_space<hbm>>
          %dma_start3A_201 = tpu.memref_slice %arg7[%dma_start3A_195] : memref<2x!tpu.dma_semaphore, #tpu.memory_space<semaphore_mem>> -> memref<1x!tpu.dma_semaphore, #tpu.memory_space<semaphore_mem>>
          %dma_start3A_202 = tpu.memref_squeeze %dma_start3A_201 : memref<1x!tpu.dma_semaphore, #tpu.memory_space<semaphore_mem>> -> memref<!tpu.dma_semaphore, #tpu.memory_space<semaphore_mem>>
          %dma_start3A_203 = arith.constant 64 : i32
          %dma_start3A_204 = arith.constant 0 : i32
          %dma_start3A_205 = tpu.memref_slice %arg5[%dma_start3A_203, %dma_start3A_204] : memref<128x256xf32, #tpu.memory_space<vmem>> -> memref<64x256xf32, #tpu.memory_space<vmem>>
          %dma_start3A_206 = arith.constant 0 : i32
          %dma_start3A_207 = tpu.memref_slice %arg2[%dma_start3A_206, %multiple_of3A_194] : memref<64x1000000xf32, #tpu.memory_space<hbm>> -> memref<64x256xf32, #tpu.memory_space<hbm>>
          tpu.enqueue_dma source(%dma_start3A_207 : memref<64x256xf32, #tpu.memory_space<hbm>>) target(%dma_start3A_205 : memref<64x256xf32, #tpu.memory_space<vmem>>) target_semaphore(%dma_start3A_202 : memref<!tpu.dma_semaphore, #tpu.memory_space<semaphore_mem>>)
        } else {
        }
      } else {
      }
      %scan3A_132 = arith.constant 0 : i32
      scf.yield %scan3A_132 : i32
    }
    %scan3A_50 = arith.constant 62 : i32
    %dma_wait3A = arith.constant 0 : i32
    %dma_wait3A_51 = arith.constant 0 : i32
    %dma_wait3A_52 = tpu.memref_slice %arg6[%dma_wait3A_51] : memref<65536xf32, #tpu.memory_space<vmem>> -> memref<32768xf32, #tpu.memory_space<vmem>>
    %dma_wait3A_53 = arith.constant 0 : i32
    %dma_wait3A_54 = tpu.memref_slice %arg4[%dma_wait3A_53] : memref<128000000xf32, #tpu.memory_space<hbm>> -> memref<32768xf32, #tpu.memory_space<hbm>>
    %dma_wait3A_55 = tpu.memref_slice %arg8[%dma_wait3A] : memref<2x!tpu.dma_semaphore, #tpu.memory_space<semaphore_mem>> -> memref<1x!tpu.dma_semaphore, #tpu.memory_space<semaphore_mem>>
    %dma_wait3A_56 = tpu.memref_squeeze %dma_wait3A_55 : memref<1x!tpu.dma_semaphore, #tpu.memory_space<semaphore_mem>> -> memref<!tpu.dma_semaphore, #tpu.memory_space<semaphore_mem>>
    %dma_wait3A_57 = arith.constant 0 : i32
    %dma_wait3A_58 = tpu.memref_slice %arg4[%dma_wait3A_57] : memref<128000000xf32, #tpu.memory_space<hbm>> -> memref<32768xf32, #tpu.memory_space<hbm>>
    %dma_wait3A_59 = arith.constant 0 : i32
    %dma_wait3A_60 = tpu.memref_slice %arg6[%dma_wait3A_59] : memref<65536xf32, #tpu.memory_space<vmem>> -> memref<32768xf32, #tpu.memory_space<vmem>>
    tpu.wait_dma2 semaphore(%dma_wait3A_56 : memref<!tpu.dma_semaphore, #tpu.memory_space<semaphore_mem>>) src(%dma_wait3A_60 : memref<32768xf32, #tpu.memory_space<vmem>>) dst(%dma_wait3A_58 : memref<32768xf32, #tpu.memory_space<hbm>>)
    %dma_wait3A_61 = arith.constant 1 : i32
    %dma_wait3A_62 = arith.constant 32768 : i32
    %dma_wait3A_63 = tpu.memref_slice %arg6[%dma_wait3A_62] : memref<65536xf32, #tpu.memory_space<vmem>> -> memref<32768xf32, #tpu.memory_space<vmem>>
    %dma_wait3A_64 = arith.constant 0 : i32
    %dma_wait3A_65 = tpu.memref_slice %arg4[%dma_wait3A_64] : memref<128000000xf32, #tpu.memory_space<hbm>> -> memref<32768xf32, #tpu.memory_space<hbm>>
    %dma_wait3A_66 = tpu.memref_slice %arg8[%dma_wait3A_61] : memref<2x!tpu.dma_semaphore, #tpu.memory_space<semaphore_mem>> -> memref<1x!tpu.dma_semaphore, #tpu.memory_space<semaphore_mem>>
    %dma_wait3A_67 = tpu.memref_squeeze %dma_wait3A_66 : memref<1x!tpu.dma_semaphore, #tpu.memory_space<semaphore_mem>> -> memref<!tpu.dma_semaphore, #tpu.memory_space<semaphore_mem>>
    %dma_wait3A_68 = arith.constant 0 : i32
    %dma_wait3A_69 = tpu.memref_slice %arg4[%dma_wait3A_68] : memref<128000000xf32, #tpu.memory_space<hbm>> -> memref<32768xf32, #tpu.memory_space<hbm>>
    %dma_wait3A_70 = arith.constant 32768 : i32
    %dma_wait3A_71 = tpu.memref_slice %arg6[%dma_wait3A_70] : memref<65536xf32, #tpu.memory_space<vmem>> -> memref<32768xf32, #tpu.memory_space<vmem>>
    tpu.wait_dma2 semaphore(%dma_wait3A_67 : memref<!tpu.dma_semaphore, #tpu.memory_space<semaphore_mem>>) src(%dma_wait3A_71 : memref<32768xf32, #tpu.memory_space<vmem>>) dst(%dma_wait3A_69 : memref<32768xf32, #tpu.memory_space<hbm>>)
    return
  }
}

#map = affine_map<(d0, d1) -> (0, 0)>
#map1 = affine_map<(d0, d1) -> (0, 0, 0)>
module attributes {stable_mosaic.version = 14 : i64} {
  func.func @gather_kernel(%arg0: i32, %arg1: i32, %arg2: memref<50x16384xi32, #tpu.memory_space<hbm>>, %arg3: memref<1000000x128xf32, #tpu.memory_space<hbm>>, %arg4: memref<50x64x16384xf32, #tpu.memory_space<hbm>>, %arg5: memref<50x512xi32, #tpu.memory_space<vmem>>, %arg6: memref<256x128xf32, #tpu.memory_space<vmem>>, %arg7: memref<2x64x128xf32, #tpu.memory_space<vmem>>, %arg8: memref<2x!tpu.dma_semaphore, #tpu.memory_space<semaphore_mem>>, %arg9: memref<2x!tpu.dma_semaphore, #tpu.memory_space<semaphore_mem>>) attributes {dimension_semantics = [#tpu.dimension_semantics<core_parallel>, #tpu.dimension_semantics<subcore_parallel>], iteration_bounds = array<i64: 2, 16>, scalar_prefetch = 0 : i64, scratch_operands = 5 : i64, tpu.core_type = #tpu.core_type<sc_vector_subcore>, window_params = [{transform_indices = #map}, {transform_indices = #map}, {transform_indices = #map1}]} {
    %mul3A = arith.constant 2 : i32
    %mul3A_0 = arith.muli %arg1, %mul3A : i32
    %add3A = arith.addi %mul3A_0, %arg0 : i32
    %mul3A_1 = arith.constant 512 : i32
    %mul3A_2 = arith.muli %add3A, %mul3A_1 : i32
    %iota3A = tpu.iota {dimensions = array<i32: 0>} : vector<16xi32>
    %mul3A_3 = arith.constant 0 : i32
    %mul3A_4 = vector.broadcast %mul3A_3 : i32 to vector<16xi32>
    %mul3A_5 = arith.muli %iota3A, %mul3A_4 : vector<16xi32>
    "tpu.region"() ({
      %run_scoped3A = tpu.sem_alloc : memref<!tpu.dma_semaphore, #tpu.memory_space<semaphore_mem>>
      %dma_start3A_81 = arith.constant 0 : i32
      %dma_start3A_82 = tpu.memref_slice %arg2[%dma_start3A_81, %mul3A_2] : memref<50x16384xi32, #tpu.memory_space<hbm>> -> memref<50x512xi32, #tpu.memory_space<hbm>>
      %dma_start3A_83 = arith.constant 0 : i32
      %dma_start3A_84 = tpu.memref_slice %arg2[%dma_start3A_83, %mul3A_2] : memref<50x16384xi32, #tpu.memory_space<hbm>> -> memref<50x512xi32, #tpu.memory_space<hbm>>
      tpu.enqueue_dma source(%dma_start3A_84 : memref<50x512xi32, #tpu.memory_space<hbm>>) target(%arg5 : memref<50x512xi32, #tpu.memory_space<vmem>>) target_semaphore(%run_scoped3A : memref<!tpu.dma_semaphore, #tpu.memory_space<semaphore_mem>>)
      %dma_wait3A_85 = arith.constant 0 : i32
      %dma_wait3A_86 = tpu.memref_slice %arg2[%dma_wait3A_85, %mul3A_2] : memref<50x16384xi32, #tpu.memory_space<hbm>> -> memref<50x512xi32, #tpu.memory_space<hbm>>
      %dma_wait3A_87 = arith.constant 0 : i32
      %dma_wait3A_88 = tpu.memref_slice %arg2[%dma_wait3A_87, %mul3A_2] : memref<50x16384xi32, #tpu.memory_space<hbm>> -> memref<50x512xi32, #tpu.memory_space<hbm>>
      tpu.wait_dma2 semaphore(%run_scoped3A : memref<!tpu.dma_semaphore, #tpu.memory_space<semaphore_mem>>) src(%dma_wait3A_88 : memref<50x512xi32, #tpu.memory_space<hbm>>) dst(%arg5 : memref<50x512xi32, #tpu.memory_space<vmem>>)
      tpu.yield
    }) : () -> ()
    %rem3A = arith.constant 0 : i32
    %rem3A_6 = arith.constant 4 : i32
    %rem3A_7 = arith.remsi %rem3A, %rem3A_6 : i32
    %mul3A_8 = arith.constant 128 : i32
    %mul3A_9 = arith.muli %rem3A_7, %mul3A_8 : i32
    %dma_start3A = arith.constant 0 : i32
    %dma_start3A_10 = arith.constant 0 : i32
    %dma_start3A_11 = arith.constant 0 : i32
    %dma_start3A_12 = arith.constant 0 : i32
    %dma_start3A_13 = tpu.memref_slice %arg6[%dma_start3A_11, %dma_start3A_12] : memref<256x128xf32, #tpu.memory_space<vmem>> -> memref<128x128xf32, #tpu.memory_space<vmem>>
    %dma_start3A_14 = tpu.memref_slice %arg5[%dma_start3A, %mul3A_9] : memref<50x512xi32, #tpu.memory_space<vmem>> -> memref<1x128xi32, #tpu.memory_space<vmem>>
    %dma_start3A_15 = tpu.memref_squeeze %dma_start3A_14 : memref<1x128xi32, #tpu.memory_space<vmem>> -> memref<128xi32, #tpu.memory_space<vmem>>
    %dma_start3A_16 = arith.constant 0 : i32
    %dma_start3A_17 = arith.constant 0 : i32
    %dma_start3A_18 = tpu.memref_slice %arg3[%dma_start3A_16, %dma_start3A_17] : memref<1000000x128xf32, #tpu.memory_space<hbm>> -> memref<1000000x128xf32, #tpu.memory_space<hbm>>
    %dma_start3A_19 = tpu.memref_slice %arg8[%dma_start3A_10] : memref<2x!tpu.dma_semaphore, #tpu.memory_space<semaphore_mem>> -> memref<1x!tpu.dma_semaphore, #tpu.memory_space<semaphore_mem>>
    %dma_start3A_20 = tpu.memref_squeeze %dma_start3A_19 : memref<1x!tpu.dma_semaphore, #tpu.memory_space<semaphore_mem>> -> memref<!tpu.dma_semaphore, #tpu.memory_space<semaphore_mem>>
    tpu.enqueue_indirect_dma source(%dma_start3A_18 : memref<1000000x128xf32, #tpu.memory_space<hbm>>) target(%dma_start3A_13 : memref<128x128xf32, #tpu.memory_space<vmem>>) offsets(%dma_start3A_15 : memref<128xi32, #tpu.memory_space<vmem>>) semaphore(%dma_start3A_20 : memref<!tpu.dma_semaphore, #tpu.memory_space<semaphore_mem>>)
    %rem3A_21 = arith.constant 1 : i32
    %rem3A_22 = arith.constant 4 : i32
    %rem3A_23 = arith.remsi %rem3A_21, %rem3A_22 : i32
    %mul3A_24 = arith.constant 128 : i32
    %mul3A_25 = arith.muli %rem3A_23, %mul3A_24 : i32
    %dma_start3A_26 = arith.constant 0 : i32
    %dma_start3A_27 = arith.constant 1 : i32
    %dma_start3A_28 = arith.constant 128 : i32
    %dma_start3A_29 = arith.constant 0 : i32
    %dma_start3A_30 = tpu.memref_slice %arg6[%dma_start3A_28, %dma_start3A_29] : memref<256x128xf32, #tpu.memory_space<vmem>> -> memref<128x128xf32, #tpu.memory_space<vmem>>
    %dma_start3A_31 = tpu.memref_slice %arg5[%dma_start3A_26, %mul3A_25] : memref<50x512xi32, #tpu.memory_space<vmem>> -> memref<1x128xi32, #tpu.memory_space<vmem>>
    %dma_start3A_32 = tpu.memref_squeeze %dma_start3A_31 : memref<1x128xi32, #tpu.memory_space<vmem>> -> memref<128xi32, #tpu.memory_space<vmem>>
    %dma_start3A_33 = arith.constant 0 : i32
    %dma_start3A_34 = arith.constant 0 : i32
    %dma_start3A_35 = tpu.memref_slice %arg3[%dma_start3A_33, %dma_start3A_34] : memref<1000000x128xf32, #tpu.memory_space<hbm>> -> memref<1000000x128xf32, #tpu.memory_space<hbm>>
    %dma_start3A_36 = tpu.memref_slice %arg8[%dma_start3A_27] : memref<2x!tpu.dma_semaphore, #tpu.memory_space<semaphore_mem>> -> memref<1x!tpu.dma_semaphore, #tpu.memory_space<semaphore_mem>>
    %dma_start3A_37 = tpu.memref_squeeze %dma_start3A_36 : memref<1x!tpu.dma_semaphore, #tpu.memory_space<semaphore_mem>> -> memref<!tpu.dma_semaphore, #tpu.memory_space<semaphore_mem>>
    tpu.enqueue_indirect_dma source(%dma_start3A_35 : memref<1000000x128xf32, #tpu.memory_space<hbm>>) target(%dma_start3A_30 : memref<128x128xf32, #tpu.memory_space<vmem>>) offsets(%dma_start3A_32 : memref<128xi32, #tpu.memory_space<vmem>>) semaphore(%dma_start3A_37 : memref<!tpu.dma_semaphore, #tpu.memory_space<semaphore_mem>>)
    %scan3A = arith.constant 0 : i32
    %scan3A_38 = arith.constant 0 : i32
    %scan3A_39 = arith.constant 100 : i32
    %scan3A_40 = arith.addi %scan3A_38, %scan3A_39 : i32
    %scan3A_41 = arith.constant 1 : i32
    %scan3A_42 = scf.for %scan3A_81 = %scan3A_38 to %scan3A_40 step %scan3A_41 iter_args(%scan3A_82 = %scan3A) -> (i32)  : i32 {
      %mul3A_83 = arith.constant 2 : i32
      %mul3A_84 = arith.muli %scan3A_81, %mul3A_83 : i32
      %add3A_85 = arith.constant 0 : i32
      %add3A_86 = arith.addi %mul3A_84, %add3A_85 : i32
      %dma_wait3A_87 = arith.constant 0 : i32
      %dma_wait3A_88 = arith.constant 0 : i32
      %dma_wait3A_89 = arith.constant 0 : i32
      %dma_wait3A_90 = arith.constant 0 : i32
      %dma_wait3A_91 = tpu.memref_slice %arg6[%dma_wait3A_89, %dma_wait3A_90] : memref<256x128xf32, #tpu.memory_space<vmem>> -> memref<128x128xf32, #tpu.memory_space<vmem>>
      %dma_wait3A_92 = arith.constant 0 : i32
      %dma_wait3A_93 = tpu.memref_slice %arg5[%dma_wait3A_87, %dma_wait3A_92] : memref<50x512xi32, #tpu.memory_space<vmem>> -> memref<1x128xi32, #tpu.memory_space<vmem>>
      %dma_wait3A_94 = tpu.memref_squeeze %dma_wait3A_93 : memref<1x128xi32, #tpu.memory_space<vmem>> -> memref<128xi32, #tpu.memory_space<vmem>>
      %dma_wait3A_95 = arith.constant 0 : i32
      %dma_wait3A_96 = arith.constant 0 : i32
      %dma_wait3A_97 = tpu.memref_slice %arg3[%dma_wait3A_95, %dma_wait3A_96] : memref<1000000x128xf32, #tpu.memory_space<hbm>> -> memref<1000000x128xf32, #tpu.memory_space<hbm>>
      %dma_wait3A_98 = tpu.memref_slice %arg8[%dma_wait3A_88] : memref<2x!tpu.dma_semaphore, #tpu.memory_space<semaphore_mem>> -> memref<1x!tpu.dma_semaphore, #tpu.memory_space<semaphore_mem>>
      %dma_wait3A_99 = tpu.memref_squeeze %dma_wait3A_98 : memref<1x!tpu.dma_semaphore, #tpu.memory_space<semaphore_mem>> -> memref<!tpu.dma_semaphore, #tpu.memory_space<semaphore_mem>>
      tpu.wait_indirect_dma semaphore(%dma_wait3A_99 : memref<!tpu.dma_semaphore, #tpu.memory_space<semaphore_mem>>) src(%dma_wait3A_97 : memref<1000000x128xf32, #tpu.memory_space<hbm>>) dst(%dma_wait3A_91 : memref<128x128xf32, #tpu.memory_space<vmem>>)
      %ge3A = arith.constant 1 : i32
      %ge3A_100 = arith.cmpi sge, %scan3A_81, %ge3A : i32
      %convert_element_type3A = arith.extui %ge3A_100 : i1 to i32
      %cond3A = arith.constant 0 : i32
      %cond3A_101 = arith.cmpi ne, %convert_element_type3A, %cond3A : i32
      scf.if %cond3A_101 {
        %dma_wait3A_250 = arith.constant 0 : i32
        %dma_wait3A_251 = arith.constant 0 : i32
        %dma_wait3A_252 = arith.constant 0 : i32
        %dma_wait3A_253 = arith.constant 0 : i32
        %dma_wait3A_254 = tpu.memref_slice %arg7[%dma_wait3A_251, %dma_wait3A_252, %dma_wait3A_253] : memref<2x64x128xf32, #tpu.memory_space<vmem>> -> memref<1x64x128xf32, #tpu.memory_space<vmem>>
        %dma_wait3A_255 = arith.constant 0 : i32
        %dma_wait3A_256 = arith.constant 0 : i32
        %dma_wait3A_257 = arith.constant 0 : i32
        %dma_wait3A_258 = tpu.memref_slice %arg4[%dma_wait3A_255, %dma_wait3A_256, %dma_wait3A_257] : memref<50x64x16384xf32, #tpu.memory_space<hbm>> -> memref<1x64x128xf32, #tpu.memory_space<hbm>>
        %dma_wait3A_259 = tpu.memref_slice %arg9[%dma_wait3A_250] : memref<2x!tpu.dma_semaphore, #tpu.memory_space<semaphore_mem>> -> memref<1x!tpu.dma_semaphore, #tpu.memory_space<semaphore_mem>>
        %dma_wait3A_260 = tpu.memref_squeeze %dma_wait3A_259 : memref<1x!tpu.dma_semaphore, #tpu.memory_space<semaphore_mem>> -> memref<!tpu.dma_semaphore, #tpu.memory_space<semaphore_mem>>
        %dma_wait3A_261 = arith.constant 0 : i32
        %dma_wait3A_262 = arith.constant 0 : i32
        %dma_wait3A_263 = arith.constant 0 : i32
        %dma_wait3A_264 = tpu.memref_slice %arg4[%dma_wait3A_261, %dma_wait3A_262, %dma_wait3A_263] : memref<50x64x16384xf32, #tpu.memory_space<hbm>> -> memref<1x64x128xf32, #tpu.memory_space<hbm>>
        %dma_wait3A_265 = arith.constant 0 : i32
        %dma_wait3A_266 = arith.constant 0 : i32
        %dma_wait3A_267 = arith.constant 0 : i32
        %dma_wait3A_268 = tpu.memref_slice %arg7[%dma_wait3A_265, %dma_wait3A_266, %dma_wait3A_267] : memref<2x64x128xf32, #tpu.memory_space<vmem>> -> memref<1x64x128xf32, #tpu.memory_space<vmem>>
        tpu.wait_dma2 semaphore(%dma_wait3A_260 : memref<!tpu.dma_semaphore, #tpu.memory_space<semaphore_mem>>) src(%dma_wait3A_268 : memref<1x64x128xf32, #tpu.memory_space<vmem>>) dst(%dma_wait3A_264 : memref<1x64x128xf32, #tpu.memory_space<hbm>>)
      } else {
      }
      %parallel_loop3A = arith.constant 0 : i32
      %parallel_loop3A_102 = arith.constant 64 : i32
      %parallel_loop3A_103 = arith.constant 1 : i32
      scf.for %parallel_loop3A_250 = %parallel_loop3A to %parallel_loop3A_102 step %parallel_loop3A_103  : i32 {
        %parallel_loop3A_251 = vector.broadcast %parallel_loop3A_250 : i32 to vector<16xi32>
        %parallel_loop3A_252 = arith.addi %parallel_loop3A_251, %iota3A : vector<16xi32>
        %parallel_loop3A_253 = arith.constant 64 : i32
        %parallel_loop3A_254 = vector.broadcast %parallel_loop3A_253 : i32 to vector<16xi32>
        %parallel_loop3A_255 = arith.cmpi sge, %parallel_loop3A_252, %parallel_loop3A_254 : vector<16xi32>
        %parallel_loop3A_256 = arith.constant 64 : i32
        %parallel_loop3A_257 = vector.broadcast %parallel_loop3A_256 : i32 to vector<16xi32>
        %parallel_loop3A_258 = arith.subi %parallel_loop3A_252, %parallel_loop3A_257 : vector<16xi32>
        %parallel_loop3A_259 = arith.select %parallel_loop3A_255, %parallel_loop3A_258, %parallel_loop3A_252 : vector<16xi1>, vector<16xi32>
        %parallel_loop3A_260 = arith.constant 0 : i32
        %parallel_loop3A_261 = vector.broadcast %parallel_loop3A_260 : i32 to vector<16xi32>
        %parallel_loop3A_262 = arith.addi %mul3A_5, %parallel_loop3A_261 : vector<16xi32>
        %parallel_loop3A_263 = arith.constant 0 : i32
        %parallel_loop3A_264 = vector.broadcast %parallel_loop3A_263 : i32 to vector<16xi32>
        %parallel_loop3A_265 = arith.addi %parallel_loop3A_264, %iota3A : vector<16xi32>
        %parallel_loop3A_266 = arith.constant 0 : i32
        %parallel_loop3A_267 = vector.broadcast %parallel_loop3A_266 : i32 to vector<16xi32>
        %parallel_loop3A_268 = arith.addi %parallel_loop3A_267, %parallel_loop3A_265 : vector<16xi32>
        %parallel_loop3A_269 = tpu.vector_load_idx %arg6[%parallel_loop3A_268, %parallel_loop3A_259] : memref<256x128xf32, #tpu.memory_space<vmem>>[vector<16xi32>, vector<16xi32>], vector<16xf32>,
        tpu.vector_store_idx %arg7[%parallel_loop3A_262, %parallel_loop3A_259, %parallel_loop3A_265], %parallel_loop3A_269 : memref<2x64x128xf32, #tpu.memory_space<vmem>>[vector<16xi32>, vector<16xi32>, vector<16xi32>], vector<16xf32>,
        %parallel_loop3A_270 = arith.constant 16 : i32
        %parallel_loop3A_271 = vector.broadcast %parallel_loop3A_270 : i32 to vector<16xi32>
        %parallel_loop3A_272 = arith.addi %parallel_loop3A_271, %iota3A : vector<16xi32>
        %parallel_loop3A_273 = arith.constant 0 : i32
        %parallel_loop3A_274 = vector.broadcast %parallel_loop3A_273 : i32 to vector<16xi32>
        %parallel_loop3A_275 = arith.addi %parallel_loop3A_274, %parallel_loop3A_272 : vector<16xi32>
        %parallel_loop3A_276 = tpu.vector_load_idx %arg6[%parallel_loop3A_275, %parallel_loop3A_259] : memref<256x128xf32, #tpu.memory_space<vmem>>[vector<16xi32>, vector<16xi32>], vector<16xf32>,
        tpu.vector_store_idx %arg7[%parallel_loop3A_262, %parallel_loop3A_259, %parallel_loop3A_272], %parallel_loop3A_276 : memref<2x64x128xf32, #tpu.memory_space<vmem>>[vector<16xi32>, vector<16xi32>, vector<16xi32>], vector<16xf32>,
        %parallel_loop3A_277 = arith.constant 32 : i32
        %parallel_loop3A_278 = vector.broadcast %parallel_loop3A_277 : i32 to vector<16xi32>
        %parallel_loop3A_279 = arith.addi %parallel_loop3A_278, %iota3A : vector<16xi32>
        %parallel_loop3A_280 = arith.constant 0 : i32
        %parallel_loop3A_281 = vector.broadcast %parallel_loop3A_280 : i32 to vector<16xi32>
        %parallel_loop3A_282 = arith.addi %parallel_loop3A_281, %parallel_loop3A_279 : vector<16xi32>
        %parallel_loop3A_283 = tpu.vector_load_idx %arg6[%parallel_loop3A_282, %parallel_loop3A_259] : memref<256x128xf32, #tpu.memory_space<vmem>>[vector<16xi32>, vector<16xi32>], vector<16xf32>,
        tpu.vector_store_idx %arg7[%parallel_loop3A_262, %parallel_loop3A_259, %parallel_loop3A_279], %parallel_loop3A_283 : memref<2x64x128xf32, #tpu.memory_space<vmem>>[vector<16xi32>, vector<16xi32>, vector<16xi32>], vector<16xf32>,
        %parallel_loop3A_284 = arith.constant 48 : i32
        %parallel_loop3A_285 = vector.broadcast %parallel_loop3A_284 : i32 to vector<16xi32>
        %parallel_loop3A_286 = arith.addi %parallel_loop3A_285, %iota3A : vector<16xi32>
        %parallel_loop3A_287 = arith.constant 0 : i32
        %parallel_loop3A_288 = vector.broadcast %parallel_loop3A_287 : i32 to vector<16xi32>
        %parallel_loop3A_289 = arith.addi %parallel_loop3A_288, %parallel_loop3A_286 : vector<16xi32>
        %parallel_loop3A_290 = tpu.vector_load_idx %arg6[%parallel_loop3A_289, %parallel_loop3A_259] : memref<256x128xf32, #tpu.memory_space<vmem>>[vector<16xi32>, vector<16xi32>], vector<16xf32>,
        tpu.vector_store_idx %arg7[%parallel_loop3A_262, %parallel_loop3A_259, %parallel_loop3A_286], %parallel_loop3A_290 : memref<2x64x128xf32, #tpu.memory_space<vmem>>[vector<16xi32>, vector<16xi32>, vector<16xi32>], vector<16xf32>,
        %parallel_loop3A_291 = arith.constant 64 : i32
        %parallel_loop3A_292 = vector.broadcast %parallel_loop3A_291 : i32 to vector<16xi32>
        %parallel_loop3A_293 = arith.addi %parallel_loop3A_292, %iota3A : vector<16xi32>
        %parallel_loop3A_294 = arith.constant 0 : i32
        %parallel_loop3A_295 = vector.broadcast %parallel_loop3A_294 : i32 to vector<16xi32>
        %parallel_loop3A_296 = arith.addi %parallel_loop3A_295, %parallel_loop3A_293 : vector<16xi32>
        %parallel_loop3A_297 = tpu.vector_load_idx %arg6[%parallel_loop3A_296, %parallel_loop3A_259] : memref<256x128xf32, #tpu.memory_space<vmem>>[vector<16xi32>, vector<16xi32>], vector<16xf32>,
        tpu.vector_store_idx %arg7[%parallel_loop3A_262, %parallel_loop3A_259, %parallel_loop3A_293], %parallel_loop3A_297 : memref<2x64x128xf32, #tpu.memory_space<vmem>>[vector<16xi32>, vector<16xi32>, vector<16xi32>], vector<16xf32>,
        %parallel_loop3A_298 = arith.constant 80 : i32
        %parallel_loop3A_299 = vector.broadcast %parallel_loop3A_298 : i32 to vector<16xi32>
        %parallel_loop3A_300 = arith.addi %parallel_loop3A_299, %iota3A : vector<16xi32>
        %parallel_loop3A_301 = arith.constant 0 : i32
        %parallel_loop3A_302 = vector.broadcast %parallel_loop3A_301 : i32 to vector<16xi32>
        %parallel_loop3A_303 = arith.addi %parallel_loop3A_302, %parallel_loop3A_300 : vector<16xi32>
        %parallel_loop3A_304 = tpu.vector_load_idx %arg6[%parallel_loop3A_303, %parallel_loop3A_259] : memref<256x128xf32, #tpu.memory_space<vmem>>[vector<16xi32>, vector<16xi32>], vector<16xf32>,
        tpu.vector_store_idx %arg7[%parallel_loop3A_262, %parallel_loop3A_259, %parallel_loop3A_300], %parallel_loop3A_304 : memref<2x64x128xf32, #tpu.memory_space<vmem>>[vector<16xi32>, vector<16xi32>, vector<16xi32>], vector<16xf32>,
        %parallel_loop3A_305 = arith.constant 96 : i32
        %parallel_loop3A_306 = vector.broadcast %parallel_loop3A_305 : i32 to vector<16xi32>
        %parallel_loop3A_307 = arith.addi %parallel_loop3A_306, %iota3A : vector<16xi32>
        %parallel_loop3A_308 = arith.constant 0 : i32
        %parallel_loop3A_309 = vector.broadcast %parallel_loop3A_308 : i32 to vector<16xi32>
        %parallel_loop3A_310 = arith.addi %parallel_loop3A_309, %parallel_loop3A_307 : vector<16xi32>
        %parallel_loop3A_311 = tpu.vector_load_idx %arg6[%parallel_loop3A_310, %parallel_loop3A_259] : memref<256x128xf32, #tpu.memory_space<vmem>>[vector<16xi32>, vector<16xi32>], vector<16xf32>,
        tpu.vector_store_idx %arg7[%parallel_loop3A_262, %parallel_loop3A_259, %parallel_loop3A_307], %parallel_loop3A_311 : memref<2x64x128xf32, #tpu.memory_space<vmem>>[vector<16xi32>, vector<16xi32>, vector<16xi32>], vector<16xf32>,
        %parallel_loop3A_312 = arith.constant 112 : i32
        %parallel_loop3A_313 = vector.broadcast %parallel_loop3A_312 : i32 to vector<16xi32>
        %parallel_loop3A_314 = arith.addi %parallel_loop3A_313, %iota3A : vector<16xi32>
        %parallel_loop3A_315 = arith.constant 0 : i32
        %parallel_loop3A_316 = vector.broadcast %parallel_loop3A_315 : i32 to vector<16xi32>
        %parallel_loop3A_317 = arith.addi %parallel_loop3A_316, %parallel_loop3A_314 : vector<16xi32>
        %parallel_loop3A_318 = tpu.vector_load_idx %arg6[%parallel_loop3A_317, %parallel_loop3A_259] : memref<256x128xf32, #tpu.memory_space<vmem>>[vector<16xi32>, vector<16xi32>], vector<16xf32>,
        tpu.vector_store_idx %arg7[%parallel_loop3A_262, %parallel_loop3A_259, %parallel_loop3A_314], %parallel_loop3A_318 : memref<2x64x128xf32, #tpu.memory_space<vmem>>[vector<16xi32>, vector<16xi32>, vector<16xi32>], vector<16xf32>,
      } {sc.loop_unroll_factor = 2 : i64, sc.parallel_access}
      %get3A = arith.constant 0 : i32
      %get3A_104 = arith.constant 63 : i32
      %get3A_105 = arith.index_cast %get3A : i32 to index
      %get3A_106 = arith.index_cast %get3A_104 : i32 to index
      %get3A_107 = arith.constant 112 : index
      %get3A_108 = tpu.vector_load %arg7[%get3A_105, %get3A_106, %get3A_107] {strides = array<i32>} : memref<2x64x128xf32, #tpu.memory_space<vmem>>, vector<16xf32>,
      %add3A_109 = arith.constant 0.000000e+00 : f32
      %add3A_110 = vector.broadcast %add3A_109 : f32 to vector<16xf32>
      %add3A_111 = arith.addf %get3A_108, %add3A_110 : vector<16xf32>
      %swap3A = arith.constant 0 : i32
      %swap3A_112 = arith.constant 63 : i32
      %swap3A_113 = arith.index_cast %swap3A : i32 to index
      %swap3A_114 = arith.index_cast %swap3A_112 : i32 to index
      %swap3A_115 = arith.constant 112 : index
      %swap3A_116 = tpu.vector_load %arg7[%swap3A_113, %swap3A_114, %swap3A_115] {strides = array<i32>} : memref<2x64x128xf32, #tpu.memory_space<vmem>>, vector<16xf32>,
      tpu.vector_store %arg7[%swap3A_113, %swap3A_114, %swap3A_115], %add3A_111 {strides = array<i32>} : memref<2x64x128xf32, #tpu.memory_space<vmem>>, vector<16xf32>,
      %jit3A = arith.constant 4 : i32
      %div3A = arith.divsi %add3A_86, %jit3A : i32
      %sign3A = arith.constant 0 : i32
      %sign3A_117 = arith.cmpi sgt, %add3A_86, %sign3A : i32
      %sign3A_118 = arith.extui %sign3A_117 : i1 to i32
      %sign3A_119 = arith.constant 0 : i32
      %sign3A_120 = arith.cmpi slt, %add3A_86, %sign3A_119 : i32
      %sign3A_121 = arith.extui %sign3A_120 : i1 to i32
      %sign3A_122 = arith.subi %sign3A_118, %sign3A_121 : i32
      %sign3A_123 = arith.constant 0 : i32
      %sign3A_124 = arith.cmpi sgt, %jit3A, %sign3A_123 : i32
      %sign3A_125 = arith.extui %sign3A_124 : i1 to i32
      %sign3A_126 = arith.constant 0 : i32
      %sign3A_127 = arith.cmpi slt, %jit3A, %sign3A_126 : i32
      %sign3A_128 = arith.extui %sign3A_127 : i1 to i32
      %sign3A_129 = arith.subi %sign3A_125, %sign3A_128 : i32
      %ne3A = arith.cmpi ne, %sign3A_122, %sign3A_129 : i32
      %rem3A_130 = arith.remsi %add3A_86, %jit3A : i32
      %ne3A_131 = arith.constant 0 : i32
      %ne3A_132 = arith.cmpi ne, %rem3A_130, %ne3A_131 : i32
      %and3A = arith.andi %ne3A, %ne3A_132 : i1
      %sub3A = arith.constant 1 : i32
      %sub3A_133 = arith.subi %div3A, %sub3A : i32
      %select_n3A = arith.select %and3A, %sub3A_133, %div3A : i32
      %rem3A_134 = arith.constant 4 : i32
      %rem3A_135 = arith.remsi %add3A_86, %rem3A_134 : i32
      %mul3A_136 = arith.constant 128 : i32
      %mul3A_137 = arith.muli %rem3A_135, %mul3A_136 : i32
      %add3A_138 = arith.addi %mul3A_2, %mul3A_137 : i32
      %dma_start3A_139 = arith.constant 0 : i32
      %dma_start3A_140 = arith.constant 0 : i32
      %dma_start3A_141 = arith.constant 0 : i32
      %dma_start3A_142 = arith.constant 0 : i32
      %dma_start3A_143 = tpu.memref_slice %arg7[%dma_start3A_140, %dma_start3A_141, %dma_start3A_142] : memref<2x64x128xf32, #tpu.memory_space<vmem>> -> memref<1x64x128xf32, #tpu.memory_space<vmem>>
      %dma_start3A_144 = arith.constant 0 : i32
      %dma_start3A_145 = tpu.memref_slice %arg4[%select_n3A, %dma_start3A_144, %add3A_138] : memref<50x64x16384xf32, #tpu.memory_space<hbm>> -> memref<1x64x128xf32, #tpu.memory_space<hbm>>
      %dma_start3A_146 = tpu.memref_slice %arg9[%dma_start3A_139] : memref<2x!tpu.dma_semaphore, #tpu.memory_space<semaphore_mem>> -> memref<1x!tpu.dma_semaphore, #tpu.memory_space<semaphore_mem>>
      %dma_start3A_147 = tpu.memref_squeeze %dma_start3A_146 : memref<1x!tpu.dma_semaphore, #tpu.memory_space<semaphore_mem>> -> memref<!tpu.dma_semaphore, #tpu.memory_space<semaphore_mem>>
      %dma_start3A_148 = arith.constant 0 : i32
      %dma_start3A_149 = tpu.memref_slice %arg4[%select_n3A, %dma_start3A_148, %add3A_138] : memref<50x64x16384xf32, #tpu.memory_space<hbm>> -> memref<1x64x128xf32, #tpu.memory_space<hbm>>
      %dma_start3A_150 = arith.constant 0 : i32
      %dma_start3A_151 = arith.constant 0 : i32
      %dma_start3A_152 = arith.constant 0 : i32
      %dma_start3A_153 = tpu.memref_slice %arg7[%dma_start3A_150, %dma_start3A_151, %dma_start3A_152] : memref<2x64x128xf32, #tpu.memory_space<vmem>> -> memref<1x64x128xf32, #tpu.memory_space<vmem>>
      tpu.enqueue_dma source(%dma_start3A_153 : memref<1x64x128xf32, #tpu.memory_space<vmem>>) target(%dma_start3A_149 : memref<1x64x128xf32, #tpu.memory_space<hbm>>) target_semaphore(%dma_start3A_147 : memref<!tpu.dma_semaphore, #tpu.memory_space<semaphore_mem>>)
      %add3A_154 = arith.constant 2 : i32
      %add3A_155 = arith.addi %add3A_86, %add3A_154 : i32
      %lt3A = arith.constant 200 : i32
      %lt3A_156 = arith.cmpi slt, %add3A_155, %lt3A : i32
      %convert_element_type3A_157 = arith.extui %lt3A_156 : i1 to i32
      %cond3A_158 = arith.constant 0 : i32
      %cond3A_159 = arith.cmpi ne, %convert_element_type3A_157, %cond3A_158 : i32
      scf.if %cond3A_159 {
        %add3A_250 = arith.constant 2 : i32
        %add3A_251 = arith.addi %add3A_86, %add3A_250 : i32
        %jit3A_252 = arith.constant 4 : i32
        %div3A_253 = arith.divsi %add3A_251, %jit3A_252 : i32
        %sign3A_254 = arith.constant 0 : i32
        %sign3A_255 = arith.cmpi sgt, %add3A_251, %sign3A_254 : i32
        %sign3A_256 = arith.extui %sign3A_255 : i1 to i32
        %sign3A_257 = arith.constant 0 : i32
        %sign3A_258 = arith.cmpi slt, %add3A_251, %sign3A_257 : i32
        %sign3A_259 = arith.extui %sign3A_258 : i1 to i32
        %sign3A_260 = arith.subi %sign3A_256, %sign3A_259 : i32
        %sign3A_261 = arith.constant 0 : i32
        %sign3A_262 = arith.cmpi sgt, %jit3A_252, %sign3A_261 : i32
        %sign3A_263 = arith.extui %sign3A_262 : i1 to i32
        %sign3A_264 = arith.constant 0 : i32
        %sign3A_265 = arith.cmpi slt, %jit3A_252, %sign3A_264 : i32
        %sign3A_266 = arith.extui %sign3A_265 : i1 to i32
        %sign3A_267 = arith.subi %sign3A_263, %sign3A_266 : i32
        %ne3A_268 = arith.cmpi ne, %sign3A_260, %sign3A_267 : i32
        %rem3A_269 = arith.remsi %add3A_251, %jit3A_252 : i32
        %ne3A_270 = arith.constant 0 : i32
        %ne3A_271 = arith.cmpi ne, %rem3A_269, %ne3A_270 : i32
        %and3A_272 = arith.andi %ne3A_268, %ne3A_271 : i1
        %sub3A_273 = arith.constant 1 : i32
        %sub3A_274 = arith.subi %div3A_253, %sub3A_273 : i32
        %select_n3A_275 = arith.select %and3A_272, %sub3A_274, %div3A_253 : i32
        %rem3A_276 = arith.constant 4 : i32
        %rem3A_277 = arith.remsi %add3A_251, %rem3A_276 : i32
        %mul3A_278 = arith.constant 128 : i32
        %mul3A_279 = arith.muli %rem3A_277, %mul3A_278 : i32
        %dma_start3A_280 = arith.constant 0 : i32
        %dma_start3A_281 = arith.constant 0 : i32
        %dma_start3A_282 = arith.constant 0 : i32
        %dma_start3A_283 = tpu.memref_slice %arg6[%dma_start3A_281, %dma_start3A_282] : memref<256x128xf32, #tpu.memory_space<vmem>> -> memref<128x128xf32, #tpu.memory_space<vmem>>
        %dma_start3A_284 = tpu.memref_slice %arg5[%select_n3A_275, %mul3A_279] : memref<50x512xi32, #tpu.memory_space<vmem>> -> memref<1x128xi32, #tpu.memory_space<vmem>>
        %dma_start3A_285 = tpu.memref_squeeze %dma_start3A_284 : memref<1x128xi32, #tpu.memory_space<vmem>> -> memref<128xi32, #tpu.memory_space<vmem>>
        %dma_start3A_286 = arith.constant 0 : i32
        %dma_start3A_287 = arith.constant 0 : i32
        %dma_start3A_288 = tpu.memref_slice %arg3[%dma_start3A_286, %dma_start3A_287] : memref<1000000x128xf32, #tpu.memory_space<hbm>> -> memref<1000000x128xf32, #tpu.memory_space<hbm>>
        %dma_start3A_289 = tpu.memref_slice %arg8[%dma_start3A_280] : memref<2x!tpu.dma_semaphore, #tpu.memory_space<semaphore_mem>> -> memref<1x!tpu.dma_semaphore, #tpu.memory_space<semaphore_mem>>
        %dma_start3A_290 = tpu.memref_squeeze %dma_start3A_289 : memref<1x!tpu.dma_semaphore, #tpu.memory_space<semaphore_mem>> -> memref<!tpu.dma_semaphore, #tpu.memory_space<semaphore_mem>>
        tpu.enqueue_indirect_dma source(%dma_start3A_288 : memref<1000000x128xf32, #tpu.memory_space<hbm>>) target(%dma_start3A_283 : memref<128x128xf32, #tpu.memory_space<vmem>>) offsets(%dma_start3A_285 : memref<128xi32, #tpu.memory_space<vmem>>) semaphore(%dma_start3A_290 : memref<!tpu.dma_semaphore, #tpu.memory_space<semaphore_mem>>)
      } else {
      }
      %add3A_160 = arith.constant 1 : i32
      %add3A_161 = arith.addi %mul3A_84, %add3A_160 : i32
      %dma_wait3A_162 = arith.constant 0 : i32
      %dma_wait3A_163 = arith.constant 1 : i32
      %dma_wait3A_164 = arith.constant 128 : i32
      %dma_wait3A_165 = arith.constant 0 : i32
      %dma_wait3A_166 = tpu.memref_slice %arg6[%dma_wait3A_164, %dma_wait3A_165] : memref<256x128xf32, #tpu.memory_space<vmem>> -> memref<128x128xf32, #tpu.memory_space<vmem>>
      %dma_wait3A_167 = arith.constant 0 : i32
      %dma_wait3A_168 = tpu.memref_slice %arg5[%dma_wait3A_162, %dma_wait3A_167] : memref<50x512xi32, #tpu.memory_space<vmem>> -> memref<1x128xi32, #tpu.memory_space<vmem>>
      %dma_wait3A_169 = tpu.memref_squeeze %dma_wait3A_168 : memref<1x128xi32, #tpu.memory_space<vmem>> -> memref<128xi32, #tpu.memory_space<vmem>>
      %dma_wait3A_170 = arith.constant 0 : i32
      %dma_wait3A_171 = arith.constant 0 : i32
      %dma_wait3A_172 = tpu.memref_slice %arg3[%dma_wait3A_170, %dma_wait3A_171] : memref<1000000x128xf32, #tpu.memory_space<hbm>> -> memref<1000000x128xf32, #tpu.memory_space<hbm>>
      %dma_wait3A_173 = tpu.memref_slice %arg8[%dma_wait3A_163] : memref<2x!tpu.dma_semaphore, #tpu.memory_space<semaphore_mem>> -> memref<1x!tpu.dma_semaphore, #tpu.memory_space<semaphore_mem>>
      %dma_wait3A_174 = tpu.memref_squeeze %dma_wait3A_173 : memref<1x!tpu.dma_semaphore, #tpu.memory_space<semaphore_mem>> -> memref<!tpu.dma_semaphore, #tpu.memory_space<semaphore_mem>>
      tpu.wait_indirect_dma semaphore(%dma_wait3A_174 : memref<!tpu.dma_semaphore, #tpu.memory_space<semaphore_mem>>) src(%dma_wait3A_172 : memref<1000000x128xf32, #tpu.memory_space<hbm>>) dst(%dma_wait3A_166 : memref<128x128xf32, #tpu.memory_space<vmem>>)
      %ge3A_175 = arith.constant 1 : i32
      %ge3A_176 = arith.cmpi sge, %scan3A_81, %ge3A_175 : i32
      %convert_element_type3A_177 = arith.extui %ge3A_176 : i1 to i32
      %cond3A_178 = arith.constant 0 : i32
      %cond3A_179 = arith.cmpi ne, %convert_element_type3A_177, %cond3A_178 : i32
      scf.if %cond3A_179 {
        %dma_wait3A_250 = arith.constant 1 : i32
        %dma_wait3A_251 = arith.constant 1 : i32
        %dma_wait3A_252 = arith.constant 0 : i32
        %dma_wait3A_253 = arith.constant 0 : i32
        %dma_wait3A_254 = tpu.memref_slice %arg7[%dma_wait3A_251, %dma_wait3A_252, %dma_wait3A_253] : memref<2x64x128xf32, #tpu.memory_space<vmem>> -> memref<1x64x128xf32, #tpu.memory_space<vmem>>
        %dma_wait3A_255 = arith.constant 0 : i32
        %dma_wait3A_256 = arith.constant 0 : i32
        %dma_wait3A_257 = arith.constant 0 : i32
        %dma_wait3A_258 = tpu.memref_slice %arg4[%dma_wait3A_255, %dma_wait3A_256, %dma_wait3A_257] : memref<50x64x16384xf32, #tpu.memory_space<hbm>> -> memref<1x64x128xf32, #tpu.memory_space<hbm>>
        %dma_wait3A_259 = tpu.memref_slice %arg9[%dma_wait3A_250] : memref<2x!tpu.dma_semaphore, #tpu.memory_space<semaphore_mem>> -> memref<1x!tpu.dma_semaphore, #tpu.memory_space<semaphore_mem>>
        %dma_wait3A_260 = tpu.memref_squeeze %dma_wait3A_259 : memref<1x!tpu.dma_semaphore, #tpu.memory_space<semaphore_mem>> -> memref<!tpu.dma_semaphore, #tpu.memory_space<semaphore_mem>>
        %dma_wait3A_261 = arith.constant 0 : i32
        %dma_wait3A_262 = arith.constant 0 : i32
        %dma_wait3A_263 = arith.constant 0 : i32
        %dma_wait3A_264 = tpu.memref_slice %arg4[%dma_wait3A_261, %dma_wait3A_262, %dma_wait3A_263] : memref<50x64x16384xf32, #tpu.memory_space<hbm>> -> memref<1x64x128xf32, #tpu.memory_space<hbm>>
        %dma_wait3A_265 = arith.constant 1 : i32
        %dma_wait3A_266 = arith.constant 0 : i32
        %dma_wait3A_267 = arith.constant 0 : i32
        %dma_wait3A_268 = tpu.memref_slice %arg7[%dma_wait3A_265, %dma_wait3A_266, %dma_wait3A_267] : memref<2x64x128xf32, #tpu.memory_space<vmem>> -> memref<1x64x128xf32, #tpu.memory_space<vmem>>
        tpu.wait_dma2 semaphore(%dma_wait3A_260 : memref<!tpu.dma_semaphore, #tpu.memory_space<semaphore_mem>>) src(%dma_wait3A_268 : memref<1x64x128xf32, #tpu.memory_space<vmem>>) dst(%dma_wait3A_264 : memref<1x64x128xf32, #tpu.memory_space<hbm>>)
      } else {
      }
      %parallel_loop3A_180 = arith.constant 0 : i32
      %parallel_loop3A_181 = arith.constant 64 : i32
      %parallel_loop3A_182 = arith.constant 1 : i32
      scf.for %parallel_loop3A_250 = %parallel_loop3A_180 to %parallel_loop3A_181 step %parallel_loop3A_182  : i32 {
        %parallel_loop3A_251 = vector.broadcast %parallel_loop3A_250 : i32 to vector<16xi32>
        %parallel_loop3A_252 = arith.addi %parallel_loop3A_251, %iota3A : vector<16xi32>
        %parallel_loop3A_253 = arith.constant 64 : i32
        %parallel_loop3A_254 = vector.broadcast %parallel_loop3A_253 : i32 to vector<16xi32>
        %parallel_loop3A_255 = arith.cmpi sge, %parallel_loop3A_252, %parallel_loop3A_254 : vector<16xi32>
        %parallel_loop3A_256 = arith.constant 64 : i32
        %parallel_loop3A_257 = vector.broadcast %parallel_loop3A_256 : i32 to vector<16xi32>
        %parallel_loop3A_258 = arith.subi %parallel_loop3A_252, %parallel_loop3A_257 : vector<16xi32>
        %parallel_loop3A_259 = arith.select %parallel_loop3A_255, %parallel_loop3A_258, %parallel_loop3A_252 : vector<16xi1>, vector<16xi32>
        %parallel_loop3A_260 = arith.constant 1 : i32
        %parallel_loop3A_261 = vector.broadcast %parallel_loop3A_260 : i32 to vector<16xi32>
        %parallel_loop3A_262 = arith.addi %mul3A_5, %parallel_loop3A_261 : vector<16xi32>
        %parallel_loop3A_263 = arith.constant 0 : i32
        %parallel_loop3A_264 = vector.broadcast %parallel_loop3A_263 : i32 to vector<16xi32>
        %parallel_loop3A_265 = arith.addi %parallel_loop3A_264, %iota3A : vector<16xi32>
        %parallel_loop3A_266 = arith.constant 128 : i32
        %parallel_loop3A_267 = vector.broadcast %parallel_loop3A_266 : i32 to vector<16xi32>
        %parallel_loop3A_268 = arith.addi %parallel_loop3A_267, %parallel_loop3A_265 : vector<16xi32>
        %parallel_loop3A_269 = tpu.vector_load_idx %arg6[%parallel_loop3A_268, %parallel_loop3A_259] : memref<256x128xf32, #tpu.memory_space<vmem>>[vector<16xi32>, vector<16xi32>], vector<16xf32>,
        tpu.vector_store_idx %arg7[%parallel_loop3A_262, %parallel_loop3A_259, %parallel_loop3A_265], %parallel_loop3A_269 : memref<2x64x128xf32, #tpu.memory_space<vmem>>[vector<16xi32>, vector<16xi32>, vector<16xi32>], vector<16xf32>,
        %parallel_loop3A_270 = arith.constant 16 : i32
        %parallel_loop3A_271 = vector.broadcast %parallel_loop3A_270 : i32 to vector<16xi32>
        %parallel_loop3A_272 = arith.addi %parallel_loop3A_271, %iota3A : vector<16xi32>
        %parallel_loop3A_273 = arith.constant 128 : i32
        %parallel_loop3A_274 = vector.broadcast %parallel_loop3A_273 : i32 to vector<16xi32>
        %parallel_loop3A_275 = arith.addi %parallel_loop3A_274, %parallel_loop3A_272 : vector<16xi32>
        %parallel_loop3A_276 = tpu.vector_load_idx %arg6[%parallel_loop3A_275, %parallel_loop3A_259] : memref<256x128xf32, #tpu.memory_space<vmem>>[vector<16xi32>, vector<16xi32>], vector<16xf32>,
        tpu.vector_store_idx %arg7[%parallel_loop3A_262, %parallel_loop3A_259, %parallel_loop3A_272], %parallel_loop3A_276 : memref<2x64x128xf32, #tpu.memory_space<vmem>>[vector<16xi32>, vector<16xi32>, vector<16xi32>], vector<16xf32>,
        %parallel_loop3A_277 = arith.constant 32 : i32
        %parallel_loop3A_278 = vector.broadcast %parallel_loop3A_277 : i32 to vector<16xi32>
        %parallel_loop3A_279 = arith.addi %parallel_loop3A_278, %iota3A : vector<16xi32>
        %parallel_loop3A_280 = arith.constant 128 : i32
        %parallel_loop3A_281 = vector.broadcast %parallel_loop3A_280 : i32 to vector<16xi32>
        %parallel_loop3A_282 = arith.addi %parallel_loop3A_281, %parallel_loop3A_279 : vector<16xi32>
        %parallel_loop3A_283 = tpu.vector_load_idx %arg6[%parallel_loop3A_282, %parallel_loop3A_259] : memref<256x128xf32, #tpu.memory_space<vmem>>[vector<16xi32>, vector<16xi32>], vector<16xf32>,
        tpu.vector_store_idx %arg7[%parallel_loop3A_262, %parallel_loop3A_259, %parallel_loop3A_279], %parallel_loop3A_283 : memref<2x64x128xf32, #tpu.memory_space<vmem>>[vector<16xi32>, vector<16xi32>, vector<16xi32>], vector<16xf32>,
        %parallel_loop3A_284 = arith.constant 48 : i32
        %parallel_loop3A_285 = vector.broadcast %parallel_loop3A_284 : i32 to vector<16xi32>
        %parallel_loop3A_286 = arith.addi %parallel_loop3A_285, %iota3A : vector<16xi32>
        %parallel_loop3A_287 = arith.constant 128 : i32
        %parallel_loop3A_288 = vector.broadcast %parallel_loop3A_287 : i32 to vector<16xi32>
        %parallel_loop3A_289 = arith.addi %parallel_loop3A_288, %parallel_loop3A_286 : vector<16xi32>
        %parallel_loop3A_290 = tpu.vector_load_idx %arg6[%parallel_loop3A_289, %parallel_loop3A_259] : memref<256x128xf32, #tpu.memory_space<vmem>>[vector<16xi32>, vector<16xi32>], vector<16xf32>,
        tpu.vector_store_idx %arg7[%parallel_loop3A_262, %parallel_loop3A_259, %parallel_loop3A_286], %parallel_loop3A_290 : memref<2x64x128xf32, #tpu.memory_space<vmem>>[vector<16xi32>, vector<16xi32>, vector<16xi32>], vector<16xf32>,
        %parallel_loop3A_291 = arith.constant 64 : i32
        %parallel_loop3A_292 = vector.broadcast %parallel_loop3A_291 : i32 to vector<16xi32>
        %parallel_loop3A_293 = arith.addi %parallel_loop3A_292, %iota3A : vector<16xi32>
        %parallel_loop3A_294 = arith.constant 128 : i32
        %parallel_loop3A_295 = vector.broadcast %parallel_loop3A_294 : i32 to vector<16xi32>
        %parallel_loop3A_296 = arith.addi %parallel_loop3A_295, %parallel_loop3A_293 : vector<16xi32>
        %parallel_loop3A_297 = tpu.vector_load_idx %arg6[%parallel_loop3A_296, %parallel_loop3A_259] : memref<256x128xf32, #tpu.memory_space<vmem>>[vector<16xi32>, vector<16xi32>], vector<16xf32>,
        tpu.vector_store_idx %arg7[%parallel_loop3A_262, %parallel_loop3A_259, %parallel_loop3A_293], %parallel_loop3A_297 : memref<2x64x128xf32, #tpu.memory_space<vmem>>[vector<16xi32>, vector<16xi32>, vector<16xi32>], vector<16xf32>,
        %parallel_loop3A_298 = arith.constant 80 : i32
        %parallel_loop3A_299 = vector.broadcast %parallel_loop3A_298 : i32 to vector<16xi32>
        %parallel_loop3A_300 = arith.addi %parallel_loop3A_299, %iota3A : vector<16xi32>
        %parallel_loop3A_301 = arith.constant 128 : i32
        %parallel_loop3A_302 = vector.broadcast %parallel_loop3A_301 : i32 to vector<16xi32>
        %parallel_loop3A_303 = arith.addi %parallel_loop3A_302, %parallel_loop3A_300 : vector<16xi32>
        %parallel_loop3A_304 = tpu.vector_load_idx %arg6[%parallel_loop3A_303, %parallel_loop3A_259] : memref<256x128xf32, #tpu.memory_space<vmem>>[vector<16xi32>, vector<16xi32>], vector<16xf32>,
        tpu.vector_store_idx %arg7[%parallel_loop3A_262, %parallel_loop3A_259, %parallel_loop3A_300], %parallel_loop3A_304 : memref<2x64x128xf32, #tpu.memory_space<vmem>>[vector<16xi32>, vector<16xi32>, vector<16xi32>], vector<16xf32>,
        %parallel_loop3A_305 = arith.constant 96 : i32
        %parallel_loop3A_306 = vector.broadcast %parallel_loop3A_305 : i32 to vector<16xi32>
        %parallel_loop3A_307 = arith.addi %parallel_loop3A_306, %iota3A : vector<16xi32>
        %parallel_loop3A_308 = arith.constant 128 : i32
        %parallel_loop3A_309 = vector.broadcast %parallel_loop3A_308 : i32 to vector<16xi32>
        %parallel_loop3A_310 = arith.addi %parallel_loop3A_309, %parallel_loop3A_307 : vector<16xi32>
        %parallel_loop3A_311 = tpu.vector_load_idx %arg6[%parallel_loop3A_310, %parallel_loop3A_259] : memref<256x128xf32, #tpu.memory_space<vmem>>[vector<16xi32>, vector<16xi32>], vector<16xf32>,
        tpu.vector_store_idx %arg7[%parallel_loop3A_262, %parallel_loop3A_259, %parallel_loop3A_307], %parallel_loop3A_311 : memref<2x64x128xf32, #tpu.memory_space<vmem>>[vector<16xi32>, vector<16xi32>, vector<16xi32>], vector<16xf32>,
        %parallel_loop3A_312 = arith.constant 112 : i32
        %parallel_loop3A_313 = vector.broadcast %parallel_loop3A_312 : i32 to vector<16xi32>
        %parallel_loop3A_314 = arith.addi %parallel_loop3A_313, %iota3A : vector<16xi32>
        %parallel_loop3A_315 = arith.constant 128 : i32
        %parallel_loop3A_316 = vector.broadcast %parallel_loop3A_315 : i32 to vector<16xi32>
        %parallel_loop3A_317 = arith.addi %parallel_loop3A_316, %parallel_loop3A_314 : vector<16xi32>
        %parallel_loop3A_318 = tpu.vector_load_idx %arg6[%parallel_loop3A_317, %parallel_loop3A_259] : memref<256x128xf32, #tpu.memory_space<vmem>>[vector<16xi32>, vector<16xi32>], vector<16xf32>,
        tpu.vector_store_idx %arg7[%parallel_loop3A_262, %parallel_loop3A_259, %parallel_loop3A_314], %parallel_loop3A_318 : memref<2x64x128xf32, #tpu.memory_space<vmem>>[vector<16xi32>, vector<16xi32>, vector<16xi32>], vector<16xf32>,
      } {sc.loop_unroll_factor = 2 : i64, sc.parallel_access}
      %get3A_183 = arith.constant 1 : i32
      %get3A_184 = arith.constant 63 : i32
      %get3A_185 = arith.index_cast %get3A_183 : i32 to index
      %get3A_186 = arith.index_cast %get3A_184 : i32 to index
      %get3A_187 = arith.constant 112 : index
      %get3A_188 = tpu.vector_load %arg7[%get3A_185, %get3A_186, %get3A_187] {strides = array<i32>} : memref<2x64x128xf32, #tpu.memory_space<vmem>>, vector<16xf32>,
      %add3A_189 = arith.constant 0.000000e+00 : f32
      %add3A_190 = vector.broadcast %add3A_189 : f32 to vector<16xf32>
      %add3A_191 = arith.addf %get3A_188, %add3A_190 : vector<16xf32>
      %swap3A_192 = arith.constant 1 : i32
      %swap3A_193 = arith.constant 63 : i32
      %swap3A_194 = arith.index_cast %swap3A_192 : i32 to index
      %swap3A_195 = arith.index_cast %swap3A_193 : i32 to index
      %swap3A_196 = arith.constant 112 : index
      %swap3A_197 = tpu.vector_load %arg7[%swap3A_194, %swap3A_195, %swap3A_196] {strides = array<i32>} : memref<2x64x128xf32, #tpu.memory_space<vmem>>, vector<16xf32>,
      tpu.vector_store %arg7[%swap3A_194, %swap3A_195, %swap3A_196], %add3A_191 {strides = array<i32>} : memref<2x64x128xf32, #tpu.memory_space<vmem>>, vector<16xf32>,
      %jit3A_198 = arith.constant 4 : i32
      %div3A_199 = arith.divsi %add3A_161, %jit3A_198 : i32
      %sign3A_200 = arith.constant 0 : i32
      %sign3A_201 = arith.cmpi sgt, %add3A_161, %sign3A_200 : i32
      %sign3A_202 = arith.extui %sign3A_201 : i1 to i32
      %sign3A_203 = arith.constant 0 : i32
      %sign3A_204 = arith.cmpi slt, %add3A_161, %sign3A_203 : i32
      %sign3A_205 = arith.extui %sign3A_204 : i1 to i32
      %sign3A_206 = arith.subi %sign3A_202, %sign3A_205 : i32
      %sign3A_207 = arith.constant 0 : i32
      %sign3A_208 = arith.cmpi sgt, %jit3A_198, %sign3A_207 : i32
      %sign3A_209 = arith.extui %sign3A_208 : i1 to i32
      %sign3A_210 = arith.constant 0 : i32
      %sign3A_211 = arith.cmpi slt, %jit3A_198, %sign3A_210 : i32
      %sign3A_212 = arith.extui %sign3A_211 : i1 to i32
      %sign3A_213 = arith.subi %sign3A_209, %sign3A_212 : i32
      %ne3A_214 = arith.cmpi ne, %sign3A_206, %sign3A_213 : i32
      %rem3A_215 = arith.remsi %add3A_161, %jit3A_198 : i32
      %ne3A_216 = arith.constant 0 : i32
      %ne3A_217 = arith.cmpi ne, %rem3A_215, %ne3A_216 : i32
      %and3A_218 = arith.andi %ne3A_214, %ne3A_217 : i1
      %sub3A_219 = arith.constant 1 : i32
      %sub3A_220 = arith.subi %div3A_199, %sub3A_219 : i32
      %select_n3A_221 = arith.select %and3A_218, %sub3A_220, %div3A_199 : i32
      %rem3A_222 = arith.constant 4 : i32
      %rem3A_223 = arith.remsi %add3A_161, %rem3A_222 : i32
      %mul3A_224 = arith.constant 128 : i32
      %mul3A_225 = arith.muli %rem3A_223, %mul3A_224 : i32
      %add3A_226 = arith.addi %mul3A_2, %mul3A_225 : i32
      %dma_start3A_227 = arith.constant 1 : i32
      %dma_start3A_228 = arith.constant 1 : i32
      %dma_start3A_229 = arith.constant 0 : i32
      %dma_start3A_230 = arith.constant 0 : i32
      %dma_start3A_231 = tpu.memref_slice %arg7[%dma_start3A_228, %dma_start3A_229, %dma_start3A_230] : memref<2x64x128xf32, #tpu.memory_space<vmem>> -> memref<1x64x128xf32, #tpu.memory_space<vmem>>
      %dma_start3A_232 = arith.constant 0 : i32
      %dma_start3A_233 = tpu.memref_slice %arg4[%select_n3A_221, %dma_start3A_232, %add3A_226] : memref<50x64x16384xf32, #tpu.memory_space<hbm>> -> memref<1x64x128xf32, #tpu.memory_space<hbm>>
      %dma_start3A_234 = tpu.memref_slice %arg9[%dma_start3A_227] : memref<2x!tpu.dma_semaphore, #tpu.memory_space<semaphore_mem>> -> memref<1x!tpu.dma_semaphore, #tpu.memory_space<semaphore_mem>>
      %dma_start3A_235 = tpu.memref_squeeze %dma_start3A_234 : memref<1x!tpu.dma_semaphore, #tpu.memory_space<semaphore_mem>> -> memref<!tpu.dma_semaphore, #tpu.memory_space<semaphore_mem>>
      %dma_start3A_236 = arith.constant 0 : i32
      %dma_start3A_237 = tpu.memref_slice %arg4[%select_n3A_221, %dma_start3A_236, %add3A_226] : memref<50x64x16384xf32, #tpu.memory_space<hbm>> -> memref<1x64x128xf32, #tpu.memory_space<hbm>>
      %dma_start3A_238 = arith.constant 1 : i32
      %dma_start3A_239 = arith.constant 0 : i32
      %dma_start3A_240 = arith.constant 0 : i32
      %dma_start3A_241 = tpu.memref_slice %arg7[%dma_start3A_238, %dma_start3A_239, %dma_start3A_240] : memref<2x64x128xf32, #tpu.memory_space<vmem>> -> memref<1x64x128xf32, #tpu.memory_space<vmem>>
      tpu.enqueue_dma source(%dma_start3A_241 : memref<1x64x128xf32, #tpu.memory_space<vmem>>) target(%dma_start3A_237 : memref<1x64x128xf32, #tpu.memory_space<hbm>>) target_semaphore(%dma_start3A_235 : memref<!tpu.dma_semaphore, #tpu.memory_space<semaphore_mem>>)
      %add3A_242 = arith.constant 2 : i32
      %add3A_243 = arith.addi %add3A_161, %add3A_242 : i32
      %lt3A_244 = arith.constant 200 : i32
      %lt3A_245 = arith.cmpi slt, %add3A_243, %lt3A_244 : i32
      %convert_element_type3A_246 = arith.extui %lt3A_245 : i1 to i32
      %cond3A_247 = arith.constant 0 : i32
      %cond3A_248 = arith.cmpi ne, %convert_element_type3A_246, %cond3A_247 : i32
      scf.if %cond3A_248 {
        %add3A_250 = arith.constant 2 : i32
        %add3A_251 = arith.addi %add3A_161, %add3A_250 : i32
        %jit3A_252 = arith.constant 4 : i32
        %div3A_253 = arith.divsi %add3A_251, %jit3A_252 : i32
        %sign3A_254 = arith.constant 0 : i32
        %sign3A_255 = arith.cmpi sgt, %add3A_251, %sign3A_254 : i32
        %sign3A_256 = arith.extui %sign3A_255 : i1 to i32
        %sign3A_257 = arith.constant 0 : i32
        %sign3A_258 = arith.cmpi slt, %add3A_251, %sign3A_257 : i32
        %sign3A_259 = arith.extui %sign3A_258 : i1 to i32
        %sign3A_260 = arith.subi %sign3A_256, %sign3A_259 : i32
        %sign3A_261 = arith.constant 0 : i32
        %sign3A_262 = arith.cmpi sgt, %jit3A_252, %sign3A_261 : i32
        %sign3A_263 = arith.extui %sign3A_262 : i1 to i32
        %sign3A_264 = arith.constant 0 : i32
        %sign3A_265 = arith.cmpi slt, %jit3A_252, %sign3A_264 : i32
        %sign3A_266 = arith.extui %sign3A_265 : i1 to i32
        %sign3A_267 = arith.subi %sign3A_263, %sign3A_266 : i32
        %ne3A_268 = arith.cmpi ne, %sign3A_260, %sign3A_267 : i32
        %rem3A_269 = arith.remsi %add3A_251, %jit3A_252 : i32
        %ne3A_270 = arith.constant 0 : i32
        %ne3A_271 = arith.cmpi ne, %rem3A_269, %ne3A_270 : i32
        %and3A_272 = arith.andi %ne3A_268, %ne3A_271 : i1
        %sub3A_273 = arith.constant 1 : i32
        %sub3A_274 = arith.subi %div3A_253, %sub3A_273 : i32
        %select_n3A_275 = arith.select %and3A_272, %sub3A_274, %div3A_253 : i32
        %rem3A_276 = arith.constant 4 : i32
        %rem3A_277 = arith.remsi %add3A_251, %rem3A_276 : i32
        %mul3A_278 = arith.constant 128 : i32
        %mul3A_279 = arith.muli %rem3A_277, %mul3A_278 : i32
        %dma_start3A_280 = arith.constant 1 : i32
        %dma_start3A_281 = arith.constant 128 : i32
        %dma_start3A_282 = arith.constant 0 : i32
        %dma_start3A_283 = tpu.memref_slice %arg6[%dma_start3A_281, %dma_start3A_282] : memref<256x128xf32, #tpu.memory_space<vmem>> -> memref<128x128xf32, #tpu.memory_space<vmem>>
        %dma_start3A_284 = tpu.memref_slice %arg5[%select_n3A_275, %mul3A_279] : memref<50x512xi32, #tpu.memory_space<vmem>> -> memref<1x128xi32, #tpu.memory_space<vmem>>
        %dma_start3A_285 = tpu.memref_squeeze %dma_start3A_284 : memref<1x128xi32, #tpu.memory_space<vmem>> -> memref<128xi32, #tpu.memory_space<vmem>>
        %dma_start3A_286 = arith.constant 0 : i32
        %dma_start3A_287 = arith.constant 0 : i32
        %dma_start3A_288 = tpu.memref_slice %arg3[%dma_start3A_286, %dma_start3A_287] : memref<1000000x128xf32, #tpu.memory_space<hbm>> -> memref<1000000x128xf32, #tpu.memory_space<hbm>>
        %dma_start3A_289 = tpu.memref_slice %arg8[%dma_start3A_280] : memref<2x!tpu.dma_semaphore, #tpu.memory_space<semaphore_mem>> -> memref<1x!tpu.dma_semaphore, #tpu.memory_space<semaphore_mem>>
        %dma_start3A_290 = tpu.memref_squeeze %dma_start3A_289 : memref<1x!tpu.dma_semaphore, #tpu.memory_space<semaphore_mem>> -> memref<!tpu.dma_semaphore, #tpu.memory_space<semaphore_mem>>
        tpu.enqueue_indirect_dma source(%dma_start3A_288 : memref<1000000x128xf32, #tpu.memory_space<hbm>>) target(%dma_start3A_283 : memref<128x128xf32, #tpu.memory_space<vmem>>) offsets(%dma_start3A_285 : memref<128xi32, #tpu.memory_space<vmem>>) semaphore(%dma_start3A_290 : memref<!tpu.dma_semaphore, #tpu.memory_space<semaphore_mem>>)
      } else {
      }
      %scan3A_249 = arith.constant 0 : i32
      scf.yield %scan3A_249 : i32
    }
    %scan3A_43 = arith.constant 100 : i32
    %dma_wait3A = arith.constant 0 : i32
    %dma_wait3A_44 = arith.constant 0 : i32
    %dma_wait3A_45 = arith.constant 0 : i32
    %dma_wait3A_46 = arith.constant 0 : i32
    %dma_wait3A_47 = tpu.memref_slice %arg7[%dma_wait3A_44, %dma_wait3A_45, %dma_wait3A_46] : memref<2x64x128xf32, #tpu.memory_space<vmem>> -> memref<1x64x128xf32, #tpu.memory_space<vmem>>
    %dma_wait3A_48 = arith.constant 0 : i32
    %dma_wait3A_49 = arith.constant 0 : i32
    %dma_wait3A_50 = arith.constant 0 : i32
    %dma_wait3A_51 = tpu.memref_slice %arg4[%dma_wait3A_48, %dma_wait3A_49, %dma_wait3A_50] : memref<50x64x16384xf32, #tpu.memory_space<hbm>> -> memref<1x64x128xf32, #tpu.memory_space<hbm>>
    %dma_wait3A_52 = tpu.memref_slice %arg9[%dma_wait3A] : memref<2x!tpu.dma_semaphore, #tpu.memory_space<semaphore_mem>> -> memref<1x!tpu.dma_semaphore, #tpu.memory_space<semaphore_mem>>
    %dma_wait3A_53 = tpu.memref_squeeze %dma_wait3A_52 : memref<1x!tpu.dma_semaphore, #tpu.memory_space<semaphore_mem>> -> memref<!tpu.dma_semaphore, #tpu.memory_space<semaphore_mem>>
    %dma_wait3A_54 = arith.constant 0 : i32
    %dma_wait3A_55 = arith.constant 0 : i32
    %dma_wait3A_56 = arith.constant 0 : i32
    %dma_wait3A_57 = tpu.memref_slice %arg4[%dma_wait3A_54, %dma_wait3A_55, %dma_wait3A_56] : memref<50x64x16384xf32, #tpu.memory_space<hbm>> -> memref<1x64x128xf32, #tpu.memory_space<hbm>>
    %dma_wait3A_58 = arith.constant 0 : i32
    %dma_wait3A_59 = arith.constant 0 : i32
    %dma_wait3A_60 = arith.constant 0 : i32
    %dma_wait3A_61 = tpu.memref_slice %arg7[%dma_wait3A_58, %dma_wait3A_59, %dma_wait3A_60] : memref<2x64x128xf32, #tpu.memory_space<vmem>> -> memref<1x64x128xf32, #tpu.memory_space<vmem>>
    tpu.wait_dma2 semaphore(%dma_wait3A_53 : memref<!tpu.dma_semaphore, #tpu.memory_space<semaphore_mem>>) src(%dma_wait3A_61 : memref<1x64x128xf32, #tpu.memory_space<vmem>>) dst(%dma_wait3A_57 : memref<1x64x128xf32, #tpu.memory_space<hbm>>)
    %dma_wait3A_62 = arith.constant 1 : i32
    %dma_wait3A_63 = arith.constant 1 : i32
    %dma_wait3A_64 = arith.constant 0 : i32
    %dma_wait3A_65 = arith.constant 0 : i32
    %dma_wait3A_66 = tpu.memref_slice %arg7[%dma_wait3A_63, %dma_wait3A_64, %dma_wait3A_65] : memref<2x64x128xf32, #tpu.memory_space<vmem>> -> memref<1x64x128xf32, #tpu.memory_space<vmem>>
    %dma_wait3A_67 = arith.constant 0 : i32
    %dma_wait3A_68 = arith.constant 0 : i32
    %dma_wait3A_69 = arith.constant 0 : i32
    %dma_wait3A_70 = tpu.memref_slice %arg4[%dma_wait3A_67, %dma_wait3A_68, %dma_wait3A_69] : memref<50x64x16384xf32, #tpu.memory_space<hbm>> -> memref<1x64x128xf32, #tpu.memory_space<hbm>>
    %dma_wait3A_71 = tpu.memref_slice %arg9[%dma_wait3A_62] : memref<2x!tpu.dma_semaphore, #tpu.memory_space<semaphore_mem>> -> memref<1x!tpu.dma_semaphore, #tpu.memory_space<semaphore_mem>>
    %dma_wait3A_72 = tpu.memref_squeeze %dma_wait3A_71 : memref<1x!tpu.dma_semaphore, #tpu.memory_space<semaphore_mem>> -> memref<!tpu.dma_semaphore, #tpu.memory_space<semaphore_mem>>
    %dma_wait3A_73 = arith.constant 0 : i32
    %dma_wait3A_74 = arith.constant 0 : i32
    %dma_wait3A_75 = arith.constant 0 : i32
    %dma_wait3A_76 = tpu.memref_slice %arg4[%dma_wait3A_73, %dma_wait3A_74, %dma_wait3A_75] : memref<50x64x16384xf32, #tpu.memory_space<hbm>> -> memref<1x64x128xf32, #tpu.memory_space<hbm>>
    %dma_wait3A_77 = arith.constant 1 : i32
    %dma_wait3A_78 = arith.constant 0 : i32
    %dma_wait3A_79 = arith.constant 0 : i32
    %dma_wait3A_80 = tpu.memref_slice %arg7[%dma_wait3A_77, %dma_wait3A_78, %dma_wait3A_79] : memref<2x64x128xf32, #tpu.memory_space<vmem>> -> memref<1x64x128xf32, #tpu.memory_space<vmem>>
    tpu.wait_dma2 semaphore(%dma_wait3A_72 : memref<!tpu.dma_semaphore, #tpu.memory_space<semaphore_mem>>) src(%dma_wait3A_80 : memref<1x64x128xf32, #tpu.memory_space<vmem>>) dst(%dma_wait3A_76 : memref<1x64x128xf32, #tpu.memory_space<hbm>>)
    return
  }
}

</mosaic_0001>

<sc_bundles>
// kernel: kernel.4.cloned.1.call-start
scs
__scs_entry_jumppad:
0x0: {  	(pc) =	sbr.rel $0x88, $3  }
0x1: {  	(tag) =	ssettag $0x0;
	lr =	simm.s32 $0x1  }
0x2: {  	[smem:$0x3F9F] =	sst lr;
	_ =	strace $0xD0000000  }
0x3: {  	_ = 	snop  }
0x4: {  	_ = 	snop  }
0x5: {  	_ = 	snop  }
0x6: {  	_ = 	snop  }
0x7: {  	_ = 	snop  }
__scs_overlays_trampoline_lowered:
0x8: {  	[smem:$0x3FAE] =	sst s0  }
0x9: {  	[smem:$0x3FAF] =	sst s1  }
0xa: {  	[smem:$0x3FB0] =	sst s2  }
0xb: {  	[smem:$0x3FB1] =	sst s3  }
0xc: {  	[smem:$0x3FB2] =	sst s4  }
0xd: {  	[smem:$0x3FB3] =	sst s5  }
0xe: {  	[smem:$0x3FB4] =	sst s6  }
0xf: {  	[smem:$0x3FB5] =	sst s7  }
0x10: {  	[smem:$0x3FB6] =	sst s8  }
0x11: {  	[smem:$0x3FB7] =	sst s9;
	s0 =	simm.s32 @!p0 $0x0  }
0x12: {  	s1 =	sld [smem:$0x3F9D];
	s0 =	simm.s32 @p0 $0x1  }
0x13: {  	[smem:$0x3FB8] =	sst s0;
	s0 =	simm.s32 @!p1 $0x0  }
0x14: {  	s2 =	sld [smem:$0x3F9C];
	s0 =	simm.s32 @p1 $0x1  }
0x15: {  	[smem:$0x3FB9] =	sst s0;
	s0 =	simm.s32 @!p2 $0x0  }
0x16: {  	s3 =	sld [smem:$0x3FDB];
	s0 =	simm.s32 @p2 $0x1  }
0x17: {  	s4 =	simm.s32 $0x1BF5;
	[smem:$0x3FBB] =	sst s0  }
0x18: {  	s0 =	sld [smem:$0x3F9E];
	_ =	swait.ge [sflag:s4], $0x0  }
0x19: {  	s7 =	sld [smem:$0x3F9F]  }
0x1a: {  	s8 =	sadd.s32 $0xFFFFE003, lr  }
0x1b: {  	s9 =	sadd.s32 $0xFFFFFEF7, lr;
	s5 =	simm.s32 $0xFFFFFFFF;
	p2 =	slt.u32 s8, $0xFFFFF086  }
0x1c: {  	p1 =	slt.u32 s9, $0xF7A;
	s5 =	simm.s32 @!p2 $0x0  }
0x1d: {  	s5 =	simm.s32 @p1 $0x1;
	p0 =	seq.s32 s7, s2  }
0x1e: {  	s7 =	smul.u32 @!p0 $0xF7A, s2;
	p2 =	seq.s32 @!p0 s5, $0x0  }
0x1f: {  	s9 =	smul.u32 $0xF7A, s1;
	s8 =	simm.s32 @!p0 $0x1BF5;
	p2 =	por !p2, p0  }
0x20: {  	[sflag:s8] =	ssyncset.s32 @!p0 $0xFFFFF086;
	s6 =	sadd.s32 @!p0 s3, s7;
	s7 =	simm.s32 @!p0 $0x108  }
0x21: {  	s3 =	sadd.s32 s3, s9;
	s6 =	sadd.s32 @!p0 $0x88, s6;
	s7 =	simm.s32 @p2 $0x1082  }
0x22: {  	[simem:s7], [sflag:s8] =	dma.local @!p0 [hbm:s6], $0xF7A  }
0x23: {  	s9 =	sor.u32 $0xD0000000, s2;
	s6 =	simm.s32 $0x108;
	_ =	swait.ge @!p0 [sflag:s8], $0x0  }
0x24: {  	s3 =	sadd.s32 $0x88, s3;
	s6 =	simm.s32 @!p1 $0x1082;
	[sflag:s4] =	ssyncset.s32 $0xFFFFF086  }
0x25: {  	[simem:s6], [sflag:s4] =	dma.local [hbm:s3], $0xF7A  }
0x26: {  	[smem:$0x3F9F] =	sst s1;
	(tag) =	ssettag s2;
	_ =	strace s9  }
0x27: {  	s1 =	sld [smem:$0x3FAF]  }
0x28: {  	s2 =	sld [smem:$0x3FB0]  }
0x29: {  	s4 =	sld [smem:$0x3FB2]  }
0x2a: {  	p0 =	seq.s32 s5, $0x0;
	s5 =	sld [smem:$0x3FB3]  }
0x2b: {  	s6 =	sld [smem:$0x3FB4]  }
0x2c: {  	s7 =	sld [smem:$0x3FB5]  }
0x2d: {  	s3 =	simm.s32 $0x108;
	s8 =	sld [smem:$0x3FB6]  }
0x2e: {  	s3 =	simm.s32 @!p0 $0x1082;
	s9 =	sld [smem:$0x3FB7]  }
0x2f: {  	lr =	sadd.s32 s0, s3;
	s0 =	sld [smem:$0x3FAE]  }
0x30: {  	s3 =	sld [smem:$0x3FB1]  }
0x31: {  	[smem:$0x3FBA] =	sst s10  }
0x32: {  	s10 =	sld [smem:$0x3FB8];
	_ =	sdelay $0x3  }
0x33: {  	p0 =	seq.s32 s10, $0x1;
	s10 =	sld [smem:$0x3FBA];
	_ =	sdelay $0x3  }
0x34: {  	[smem:$0x3FBA] =	sst s10  }
0x35: {  	s10 =	sld [smem:$0x3FB9];
	_ =	sdelay $0x3  }
0x36: {  	p1 =	seq.s32 s10, $0x1;
	s10 =	sld [smem:$0x3FBA];
	_ =	sdelay $0x3  }
0x37: {  	[smem:$0x3FBA] =	sst s10  }
0x38: {  	s10 =	sld [smem:$0x3FBB]  }
0x39: {  	_ = 	snop;
	(pc) =	sbr.ind lr, $3  }
0x3a: {  	_ = 	snop  }
0x3b: {  	_ = 	snop  }
0x3c: {  	p2 =	seq.s32 s10, $0x1;
	s10 =	sld [smem:$0x3FBA]  }
0x3d: {  	_ =	shalt  }
0x3e: {  	_ =	shalt  }
0x3f: {  	_ =	shalt  }
0x40: {  	_ =	shalt  }
0x41: {  	_ =	shalt  }
0x42: {  	_ =	shalt  }
0x43: {  	_ =	shalt  }
0x44: {  	_ =	shalt  }
0x45: {  	_ =	shalt  }
0x46: {  	_ =	shalt  }
0x47: {  	_ =	shalt  }
0x48: {  	_ =	shalt  }
0x49: {  	_ =	shalt  }
0x4a: {  	_ =	shalt  }
0x4b: {  	_ =	shalt  }
0x4c: {  	_ =	shalt  }
0x4d: {  	_ =	shalt  }
0x4e: {  	_ =	shalt  }
0x4f: {  	_ =	shalt  }
0x50: {  	_ =	shalt  }
0x51: {  	_ =	shalt  }
0x52: {  	_ =	shalt  }
0x53: {  	_ =	shalt  }
0x54: {  	_ =	shalt  }
0x55: {  	_ =	shalt  }
0x56: {  	_ =	shalt  }
0x57: {  	_ =	shalt  }
0x58: {  	_ =	shalt  }
0x59: {  	_ =	shalt  }
0x5a: {  	_ =	shalt  }
0x5b: {  	_ =	shalt  }
0x5c: {  	_ =	shalt  }
0x5d: {  	_ =	shalt  }
0x5e: {  	_ =	shalt  }
0x5f: {  	_ =	shalt  }
0x60: {  	_ =	shalt  }
0x61: {  	_ =	shalt  }
0x62: {  	_ =	shalt  }
0x63: {  	_ =	shalt  }
0x64: {  	_ =	shalt  }
0x65: {  	_ =	shalt  }
0x66: {  	_ =	shalt  }
0x67: {  	_ =	shalt  }
0x68: {  	_ =	shalt  }
0x69: {  	_ =	shalt  }
0x6a: {  	_ =	shalt  }
0x6b: {  	_ =	shalt  }
0x6c: {  	_ =	shalt  }
0x6d: {  	_ =	shalt  }
0x6e: {  	_ =	shalt  }
0x6f: {  	_ =	shalt  }
0x70: {  	_ =	shalt  }
0x71: {  	_ =	shalt  }
0x72: {  	_ =	shalt  }
0x73: {  	_ =	shalt  }
0x74: {  	_ =	shalt  }
0x75: {  	_ =	shalt  }
0x76: {  	_ =	shalt  }
0x77: {  	_ =	shalt  }
0x78: {  	_ =	shalt  }
0x79: {  	_ =	shalt  }
0x7a: {  	_ =	shalt  }
0x7b: {  	_ =	shalt  }
0x7c: {  	_ =	shalt  }
0x7d: {  	_ =	shalt  }
0x7e: {  	_ =	shalt  }
0x7f: {  	_ =	shalt  }
0x80: {  	_ =	shalt  }
0x81: {  	_ =	shalt  }
0x82: {  	_ =	shalt  }
0x83: {  	_ =	shalt  }
0x84: {  	_ =	shalt  }
0x85: {  	_ =	shalt  }
0x86: {  	_ =	shalt  }
0x87: {  	_ =	shalt  }
.Lfunc_end0:
.L_simem_size_0:
called_computation_lowered:
.L_overlay_start_0:
0x88: {  	s2 =	sld [smem:$0x3FD9]  }
0x89: {  	s3 =	sld [smem:$0x3FFE];
	_ =	sdelay $0x1  }
0x8a: {  	s1 =	srdreg.scid  }
0x8b: {  	s0 =	sand.u32 $0x1, s1  }
0x8c: {  	s17 =	sshll.u32 s0, $0xA;
	s2 =	sadd.s32 s3, s2  }
0x8d: {  	s2 =	sadd.s32 s2, s17  }
0x8e: {  	[smem:$0x3FC6] =	sst s2  }
0x8f: {  	_ = 	snop  }
0x90: {  	s2 =	sld [smem:$0x3FC8]  }
0x91: {  	s18 =	sld [smem:$0x3FD0];
	(tm) =	ssettm $0x1  }
0x92: {  	s4 =	sld [smem:$0x3FFB];
	_ =	sdelay $0x3  }
0x93: {  	_ =	strace s4  }
0x94: {  	s4 =	sld [smem:$0x3FFC];
	_ =	sdelay $0x3  }
0x95: {  	_ =	strace s4  }
0x96: {  	s4 =	sld [smem:$0x3FFD];
	_ =	sdelay $0x3  }
0x97: {  	_ =	strace s4  }
0x98: {  	_ =	strace $0x8FFFFFFF  }
0x99: {  	s19 =	sld [smem:$0x3FDB];
	_ =	sdelay $0x1  }
0x9a: {  	s5 =	simm.s32 $_scs_section_size  }
0x9b: {  	s6 =	simm.s32 $_size__tile_overlayer_lowered;
	s7 =	simm.s32 $_tile_overlayer_lowered  }
0x9c: {  	s22 =	simm.s32 $0x1BFF;
	s21 =	sshll.u32 s7, $0x1;
	s4 =	sadd.s32 s5, s19  }
0x9d: {  	s8 =	simm.s32 $0x0;
	s20 =	sshll.u32 s6, $0x1;
	s6 =	sadd.s32 s21, s4  }
0x9e: {  	[timem:s8], [sflag:s22] =	dma.local [hbm:s6], s20  }
0x9f: {  	_ =	swait.ge [sflag:s22], s20  }
0xa0: {  	s5 =	ssub.s32 $0x0, s20;
	[sflag:s22] =	ssyncset.done $0x0  }
0xa1: {  	[sflag:s22] =	ssyncadd.s32 s5;
	_ =	sdelay $0x1  }
0xa2: {  	s23 =	simm.s32 $0x1B8B  }
0xa3: {  	_ =	swait.ge [sflag:s23], $0x1  }
0xa4: {  	[sflag:s23] =	ssyncset.done $0x0  }
0xa5: {  	s25 =	simm.s32 $0x1B8E;
	s24 =	sld [smem:$0x3FFE];
	[sflag:s23] =	ssyncadd.s32 $0xFFFFFFFF  }
0xa6: {  	s26 =	simm.s32 $execute0_lowered;
	[smem:$0x3FD2] =	sst s25  }
0xa7: {  	s6 =	sshll.u32 s26, $0x1;
	_ =	strace $0x80000046;
	[dreg:$0x1] =	wrdreg $0xFFFFFFFF  }
0xa8: {  	s28 =	simm.s32 $_size_execute0_lowered;
	s4 =	sadd.s32 s4, s6;
	[dreg:$0x0] =	wrdreg $0x0  }
0xa9: {  	s6 =	sshll.u32 s28, $0x1;
	[dreg:$0x2] =	wrdreg s4  }
0xaa: {  	[dreg:$0x3] =	wrdreg s6  }
0xab: {  	[dreg:$0x4] =	wrdreg $0xC0  }
0xac: {  	_ =	task [dreg:s8], $0x5FFFF  }
0xad: {  	[dreg:$0x1] =	wrdreg $0xFFFFFFFF  }
0xae: {  	[dreg:$0x0] =	wrdreg $0x60  }
0xaf: {  	[dreg:$0x2] =	wrdreg s2  }
0xb0: {  	[dreg:$0x3] =	wrdreg s18  }
0xb1: {  	[dreg:$0x4] =	wrdreg s24  }
0xb2: {  	[dreg:$0x5] =	wrdreg $0x9  }
0xb3: {  	_ =	task.clear_ibuf [dreg:s8], $0x6FFFF;
	_ =	strace $0x90000046  }
0xb4: {  	s29 =	simm.s32 $0x9;
	_ =	strace $0x80000048  }
0xb5: {  	_ =	swait.ge [sflag:s29], $0x1  }
0xb6: {  	[sflag:s29] =	ssyncadd.s32 $0xFFFFFFFF  }
0xb7: {  	_ =	strace $0x90000048  }
0xb8: {  	_ =	sfence  }
0xb9: {  	s30 =	sld [smem:$0x0];
	_ =	sdelay $0x2  }
0xba: {  	s31 =	sshll.u32 s1, $0xD;
	s1 =	sshrl.u32 s1, $0x2  }
0xbb: {  	s3 =	sand.u32 $0x4000, s31;
	s1 =	sadd.s32 s1, s30  }
0xbc: {  	s0 =	sor.u32 s3, s0;
	s1 =	sshll.u32 s1, $0x11  }
0xbd: {  	s0 =	sor.u32 s1, s0  }
0xbe: {  	s0 =	sadd.s32 $0x8F2B, s0  }
0xbf: {  	[sflag:s0] =	ssyncadd.remote.s32 $0x1  }
0xc0: {  	_ =	sfence.sel $0xFFFF  }
0xc1: {  	[dreg:$0x0] =	wrdreg $0xFFFFFFFF;
	(pc) =	sbr.abs _section_cstart, $3  }
0xc2: {  	[dreg:$0x1] =	wrdreg $0xFFFFFFFF  }
0xc3: {  	_ =	task.clear_ibuf [dreg:s8], $0x2FFFF;
	_ =	strace $0x9FFFFFFF  }
0xc4: {  	(tm) =	ssettm $0x7FFFFFFF  }
0xc5: {  	_ =	shalt  }
tec
execute0_lowered:
.L_overlay_start_1:
0x0: {  	(tag) =	ssettag $0x1  }
0x1: {  	s0 =	rddreg [dreg:$0x0]  }
0x2: {  	v38 =	vlaneseq.u32;
	s1 =	rddreg [dreg:$0x1];
	s4 =	simm.s32 $0x0  }
0x3: {  	[smem:$0x7FF] =	sst s4;
	v46 =	vor.u32 $0x440, v38  }
0x4: {  	s8 =	rddreg [dreg:$0x2];
	v44 =	vor.u32 $0x470, v38;
	_ =	strace $0x80000047;
	[tilespmem:$0x1FE00] =	vst v46  }
0x5: {  	v22 =	vor.u32 $0x400, v38;
	[tilespmem:$0x1FE20] =	vst v44  }
0x6: {  	v28 =	vor.u32 $0x410, v38;
	[tilespmem:$0x1FEB0] =	vst v22  }
0x7: {  	v26 =	vor.u32 $0x420, v38;
	[tilespmem:$0x1FED0] =	vst v28  }
0x8: {  	v62 =	vor.u32 $0x430, v38;
	[tilespmem:$0x1FEF0] =	vst v26  }
0x9: {  	v41 =	vor.u32 $0x450, v38;
	[tilespmem:$0x1FF10] =	vst v62  }
0xa: {  	v25 =	vor.u32 $0x460, v38;
	[tilespmem:$0x1FF40] =	vst v41  }
0xb: {  	v24 =	vor.u32 $0xFFFFFFC0, v38;
	[tilespmem:$0x1FF70] =	vst v25  }
0xc: {  	v35 =	vor.u32 $0x60, v38;
	[tilespmem:$0x1FF80] =	vst v24  }
0xd: {  	v39 =	vor.u32 $0x70, v38;
	[tilespmem:$0x1FF90] =	vst v35  }
0xe: {  	v2 =	vor.u32 $0x10, v38;
	[tilespmem:$0x1FFA0] =	vst v39  }
0xf: {  	v16 =	vor.u32 $0x20, v38;
	[tilespmem:$0x1FFB0] =	vst v2  }
0x10: {  	v17 =	vor.u32 $0x30, v38;
	[tilespmem:$0x1FFC0] =	vst v16  }
0x11: {  	v37 =	vor.u32 $0x50, v38;
	[tilespmem:$0x1FFD0] =	vst v17  }
0x12: {  	v3 =	vmul.u32 $0x80, v38;
	v32 =	vor.u32 $0x40, v38;
	[tilespmem:$0x1FFE0] =	vst v37  }
0x13: {  	[tilespmem:$0x1FFF0] =	vst v32  }
0x14: {  	v0 =	vor.u32 $0x6800, v3;
	[tilespmem:$0x1FE30] =	vst v3  }
0x15: {  	v1 =	vor.u32 $0x8000, v3;
	[tilespmem:$0x1FCD0] =	vst v0  }
0x16: {  	v45 =	vor.u32 $0x7000, v3;
	[tilespmem:$0x1FCE0] =	vst v1  }
0x17: {  	v5 =	vor.u32 $0x800, v3;
	[tilespmem:$0x1FE10] =	vst v45  }
0x18: {  	v7 =	vor.u32 $0x1000, v3;
	[tilespmem:$0x1FE40] =	vst v5  }
0x19: {  	v9 =	vor.u32 $0x1800, v3;
	[tilespmem:$0x1FE50] =	vst v7  }
0x1a: {  	v31 =	vor.u32 $0x2000, v3;
	[tilespmem:$0x1FE60] =	vst v9  }
0x1b: {  	v11 =	vor.u32 $0x2800, v3;
	[tilespmem:$0x1FE70] =	vst v31  }
0x1c: {  	v13 =	vor.u32 $0x3000, v3;
	[tilespmem:$0x1FE80] =	vst v11  }
0x1d: {  	v15 =	vor.u32 $0x3800, v3;
	[tilespmem:$0x1FE90] =	vst v13  }
0x1e: {  	v29 =	vor.u32 $0x4000, v3;
	[tilespmem:$0x1FEA0] =	vst v15  }
0x1f: {  	v27 =	vor.u32 $0x4800, v3;
	[tilespmem:$0x1FEC0] =	vst v29  }
0x20: {  	v51 =	vor.u32 $0x5000, v3;
	[tilespmem:$0x1FEE0] =	vst v27  }
0x21: {  	v30 =	vor.u32 $0x5800, v3;
	[tilespmem:$0x1FF00] =	vst v51  }
0x22: {  	v40 =	vor.u32 $0x6000, v3;
	[tilespmem:$0x1FF20] =	vst v30  }
0x23: {  	v23 =	vor.u32 $0x7800, v3;
	[tilespmem:$0x1FF30] =	vst v40  }
0x24: {  	v6 =	vor.u32 $0xA000, v3;
	[tilespmem:$0x1FF50] =	vst v23  }
0x25: {  	v1 =	vor.u32 $0x4000, v38;
	[tilespmem:$0x1FF60] =	vst v6  }
0x26: {  	v0 =	vor.u32 $0xD800, v3;
	[tilespmem:$0x1FCF0] =	vst v1  }
0x27: {  	v1 =	vor.u32 $0x8800, v3;
	[tilespmem:$0x1FDD0] =	vst v0  }
0x28: {  	v0 =	vor.u32 $0x4440, v38;
	[tilespmem:$0x1FD00] =	vst v1  }
0x29: {  	v1 =	vor.u32 $0x9000, v3;
	[tilespmem:$0x1FDE0] =	vst v0  }
0x2a: {  	v0 =	vor.u32 $0xE000, v3;
	[tilespmem:$0x1FD10] =	vst v1  }
0x2b: {  	v1 =	vor.u32 $0x9800, v3;
	[tilespmem:$0x1FDF0] =	vst v0  }
0x2c: {  	[tilespmem:$0x1FD20] =	vst v1;
	v1 =	vor.u32 $0xA800, v3  }
0x2d: {  	s3 =	srdreg.scid;
	s2 =	stileid.u32;
	s14 =	simm.s32 $0x800;
	[tilespmem:$0x1FD30] =	vst v1;
	v1 =	vor.u32 $0xB000, v3  }
0x2e: {  	s15 =	simm.s32 $0x5;
	s16 =	simm.s32 $0x7A1400;
	s17 =	simm.s32 $0x4000;
	[tilespmem:$0x1FD40] =	vst v1;
	v1 =	vor.u32 $0xB800, v3  }
0x2f: {  	s18 =	simm.s32 $0x1;
	s6 =	sand.u32 $0x1, s3;
	s5 =	sshll.u32 s2, $0x1;
	[tilespmem:$0x1FD50] =	vst v1;
	v1 =	vor.u32 $0x4400, v38  }
0x30: {  	s19 =	simm.s32 $0x2;
	s20 =	simm.s32 $0x10000;
	s13 =	sor.u32 s6, s5;
	[tilespmem:$0x1FD60] =	vst v1;
	v1 =	vor.u32 $0xC000, v3  }
0x31: {  	s21 =	simm.s32 $0x3;
	s22 =	simm.s32 $0x4;
	s7 =	smul.u32 $0x7B00, s13;
	[tilespmem:$0x1FD70] =	vst v1;
	v1 =	vor.u32 $0x4410, v38  }
.Ltmp0:
0x32: {  	s23 =	simm.s32 $0x0;
	s5 =	sadd.s32 $0x800, s8;
	[tilespmem:$0x1FD80] =	vst v1;
	v1 =	vor.u32 $0xC800, v3;
	(pc) =	sbr.rel .LBB2_1-.Ltmp0, $4  }
0x33: {  	s9 =	ssub.s32 $0x2, s6;
	s8 =	sadd.s32 $0xF41C00, s8;
	s6 =	smul.u32 $0x7B, s13;
	[tilespmem:$0x1FD90] =	vst v1;
	v1 =	vor.u32 $0x4420, v38  }
0x34: {  	s10 =	sshrl.u32 s9, $0x1;
	p0 =	sne.s32 s13, $0x1F;
	s13 =	simm.s32 $0x8000;
	[tilespmem:$0x1FDA0] =	vst v1;
	v1 =	vor.u32 $0xD000, v3  }
0x35: {  	s12 =	ssub.s32 s9, s10;
	s7 =	sadd.s32 s0, s7;
	s10 =	sadd.s32 $0x2, s6;
	[tilespmem:$0x1FDB0] =	vst v1;
	v1 =	vor.u32 $0x4430, v38  }
0x36: {  	s11 =	sadd.s32 $0x3, s6;
	s12 =	smax.u32 s12, $0x1;
	s9 =	sadd.s32 $0x100, s7;
	v0 =	vmov v2;
	[tilespmem:$0x1FDC0] =	vst v1  }
.LBB2_13:
0x37: {  	s23 =	sadd.s32 $0x1, s23  }
0x38: {  	_ =	swait.ge [sflag:s21], $0x8000;
	p1 =	sne.s32 s23, s12  }
.Ltmp1:
0x39: {  	[sflag:s21] =	ssyncset.done $0x0;
	(pc) =	sbr.rel @!p1 .LBB2_14-.Ltmp1, $4  }
0x3a: {  	[sflag:s21] =	ssyncadd.s32 $0xFFFF8000  }
0x3b: {  	_ =	swait.ge [sflag:s22], $0x8000  }
0x3c: {  	[sflag:s22] =	ssyncset.done $0x0  }
0x3d: {  	[sflag:s22] =	ssyncadd.s32 $0xFFFF8000  }
.LBB2_1:
.Ltmp2:
0x3e: {  	(pc) =	sbr.rel @p0 .LBB2_5-.Ltmp2, $1  }
0x3f: {  	_ =	sdelay $0x3  }
0x40: {  	s24 =	simm.s32 $0x0  }
0x41: {  	v1 =	vadd.s32 s24, v38  }
0x42: {  	s25 =	simm.s32 $0x1;
	v4 =	vadd.s32 s24, v24;
	vm0 =	vgt.u32 v1, $0x3F  }
0x43: {  	v2 =	vmov v24;
	v1 =	vsel vm0, v4, v1;
	v4 =	vadd.s32 s25, v38  }
0x44: {  	v8 =	vadd.s32 s25, v2;
	v6 =	vshll.u32 v1, $0x8;
	vm10 =	vgt.u32 v4, $0x3F  }
0x45: {  	v10 =	vshll.u32 v1, $0x7;
	v6 =	vand.u32 $0xFFFFF800, v6;
	v57 =	vsel vm10, v8, v4  }
0x46: {  	v4 =	vand.u32 $0x380, v10;
	v8 =	vshll.u32 v57, $0x8;
	v10 =	vshll.u32 v57, $0x7  }
0x47: {  	v36 =	vor.u32 v4, v6;
	v4 =	vand.u32 $0xFFFFF800, v8;
	v6 =	vand.u32 $0x380, v10  }
0x48: {  	v8 =	vor.u32 v38, v36;
	v60 =	vor.u32 v6, v4  }
0x49: {  	[tilespmem:s24], [sflag:$0x5] =	stream.linear.gather [hbm4b:s1+s24], $0x4000, $0x38;
	v4 =	vor.u32 v38, v60;
	[tilespmem:$0x18000] =	vst v63  }
0x4a: {  	_ =	swait.ge [sflag:s15], $0x4000  }
0x4b: {  	[sflag:s15] =	ssyncset.done $0x0  }
0x4c: {  	[sflag:s15] =	ssyncadd.s32 $0xFFFFC000  }
0x4d: {  	v6 =	vld.idx.msk [tilespmem:v8+s4+$0x0], $0xffff;
	v8 =	vadd.s32 v3, v1  }
0x4e: {  	v12 =	vadd.s32 v3, v57;
	v10 =	vor.u32 v0, v36;
	v4 =	vld.idx.msk [tilespmem:v4+s4+$0x0], $0xffff  }
0x4f: {  	v14 =	vor.u32 v0, v60;
	_ =	sdelay $0x2  }
0x50: {  	[tilespmem:v8+s13+$0x0] =	vst.idx.msk $0xffff, v6  }
0x51: {  	v6 =	vld.idx.msk [tilespmem:v10+s4+$0x0], $0xffff;
	[tilespmem:v12+s13+$0x0] =	vst.idx.msk $0xffff, v4;
	v4 =	vadd.s32 v5, v1  }
0x52: {  	v10 =	vor.u32 v16, v36;
	v12 =	vadd.s32 v5, v57;
	v8 =	vld.idx.msk [tilespmem:v14+s4+$0x0], $0xffff  }
0x53: {  	v14 =	vor.u32 v16, v60;
	_ =	sdelay $0x2  }
0x54: {  	[tilespmem:v4+s13+$0x0] =	vst.idx.msk $0xffff, v6  }
0x55: {  	v6 =	vadd.s32 v7, v1;
	v4 =	vld.idx.msk [tilespmem:v10+s4+$0x0], $0xffff;
	[tilespmem:v12+s13+$0x0] =	vst.idx.msk $0xffff, v8  }
0x56: {  	v10 =	vor.u32 v17, v36;
	v12 =	vadd.s32 v7, v57;
	v8 =	vld.idx.msk [tilespmem:v14+s4+$0x0], $0xffff  }
0x57: {  	v14 =	vor.u32 v17, v60;
	_ =	sdelay $0x2  }
0x58: {  	s26 =	simm.s32 $0x2;
	v43 =	vmov v16;
	v16 =	vadd.s32 v9, v57;
	[tilespmem:v6+s13+$0x0] =	vst.idx.msk $0xffff, v4  }
0x59: {  	v6 =	vadd.s32 s26, v38;
	v10 =	vld.idx.msk [tilespmem:v10+s4+$0x0], $0xffff;
	[tilespmem:v12+s13+$0x0] =	vst.idx.msk $0xffff, v8;
	v8 =	vadd.s32 v9, v1  }
0x5a: {  	v4 =	vadd.s32 s26, v2;
	vm11 =	vgt.u32 v6, $0x3F;
	v12 =	vld.idx.msk [tilespmem:v14+s4+$0x0], $0xffff;
	v14 =	vor.u32 v32, v36  }
0x5b: {  	s28 =	simm.s32 $0x3;
	v53 =	vsel vm11, v4, v6;
	v4 =	vor.u32 v32, v60  }
0x5c: {  	v50 =	vmovc v17;
	v19 =	vadd.s32 s28, v38;
	v17 =	vshll.u32 v53, $0x8;
	v18 =	vshll.u32 v53, $0x7  }
0x5d: {  	vm12 =	vgt.u32 v19, $0x3F;
	v17 =	vand.u32 $0xFFFFF800, v17;
	v18 =	vand.u32 $0x380, v18  }
0x5e: {  	v6 =	vadd.s32 v31, v1;
	v54 =	vor.u32 v18, v17;
	[tilespmem:v8+s13+$0x0] =	vst.idx.msk $0xffff, v10;
	v8 =	vadd.s32 s28, v2  }
0x5f: {  	v10 =	vld.idx.msk [tilespmem:v14+s4+$0x0], $0xffff;
	[tilespmem:v16+s13+$0x0] =	vst.idx.msk $0xffff, v12;
	v52 =	vsel vm12, v8, v19;
	v8 =	vor.u32 v37, v36  }
0x60: {  	v16 =	vadd.s32 v31, v57;
	v4 =	vld.idx.msk [tilespmem:v4+s4+$0x0], $0xffff;
	v12 =	vshll.u32 v52, $0x8;
	v14 =	vshll.u32 v52, $0x7  }
0x61: {  	v17 =	vor.u32 v37, v60;
	v12 =	vand.u32 $0xFFFFF800, v12;
	v14 =	vand.u32 $0x380, v14  }
0x62: {  	v18 =	vor.u32 v38, v54;
	v55 =	vor.u32 v14, v12  }
0x63: {  	v12 =	vor.u32 v38, v55  }
0x64: {  	[tilespmem:v6+s13+$0x0] =	vst.idx.msk $0xffff, v10  }
0x65: {  	v6 =	vld.idx.msk [tilespmem:v8+s4+$0x0], $0xffff;
	[tilespmem:v16+s13+$0x0] =	vst.idx.msk $0xffff, v4;
	v4 =	vadd.s32 v11, v1  }
0x66: {  	v14 =	vadd.s32 v11, v57;
	v10 =	vor.u32 v35, v36;
	v8 =	vld.idx.msk [tilespmem:v17+s4+$0x0], $0xffff  }
0x67: {  	v16 =	vld.idx.msk [tilespmem:v18+s4+$0x0], $0xffff;
	v18 =	vor.u32 v35, v60;
	v17 =	vadd.s32 v3, v53  }
0x68: {  	v19 =	vor.u32 v0, v54;
	v20 =	vadd.s32 v3, v52;
	v12 =	vld.idx.msk [tilespmem:v12+s4+$0x0], $0xffff  }
0x69: {  	v21 =	vor.u32 v0, v55  }
0x6a: {  	[tilespmem:v4+s13+$0x0] =	vst.idx.msk $0xffff, v6  }
0x6b: {  	v6 =	vadd.s32 v13, v1;
	v4 =	vld.idx.msk [tilespmem:v10+s4+$0x0], $0xffff;
	[tilespmem:v14+s13+$0x0] =	vst.idx.msk $0xffff, v8  }
0x6c: {  	[tilespmem:v17+s13+$0x0] =	vst.idx.msk $0xffff, v16;
	v10 =	vor.u32 v39, v36;
	v14 =	vadd.s32 v13, v57;
	v8 =	vld.idx.msk [tilespmem:v18+s4+$0x0], $0xffff  }
0x6d: {  	v17 =	vor.u32 v39, v60;
	v16 =	vld.idx.msk [tilespmem:v19+s4+$0x0], $0xffff;
	[tilespmem:v20+s13+$0x0] =	vst.idx.msk $0xffff, v12;
	v12 =	vadd.s32 v5, v53  }
0x6e: {  	v19 =	vor.u32 v43, v54;
	v20 =	vadd.s32 v5, v52;
	v18 =	vld.idx.msk [tilespmem:v21+s4+$0x0], $0xffff  }
0x6f: {  	v21 =	vor.u32 v43, v55  }
0x70: {  	[tilespmem:v6+s13+$0x0] =	vst.idx.msk $0xffff, v4  }
0x71: {  	v6 =	vadd.s32 v15, v1;
	v4 =	vld.idx.msk [tilespmem:v10+s4+$0x0], $0xffff;
	[tilespmem:v14+s13+$0x0] =	vst.idx.msk $0xffff, v8  }
0x72: {  	v10 =	vor.u32 v22, v36;
	[tilespmem:v12+s13+$0x0] =	vst.idx.msk $0xffff, v16;
	v8 =	vld.idx.msk [tilespmem:v17+s4+$0x0], $0xffff;
	v12 =	vadd.s32 v15, v57  }
0x73: {  	v16 =	vadd.s32 v7, v53;
	v17 =	vor.u32 v22, v60;
	v14 =	vld.idx.msk [tilespmem:v19+s4+$0x0], $0xffff;
	[tilespmem:v20+s13+$0x0] =	vst.idx.msk $0xffff, v18  }
0x74: {  	s29 =	simm.s32 $0x4;
	v19 =	vor.u32 v50, v54;
	v20 =	vadd.s32 v7, v52;
	v18 =	vld.idx.msk [tilespmem:v21+s4+$0x0], $0xffff  }
0x75: {  	v24 =	vmovc v25;
	v25 =	vmov v22;
	v22 =	vadd.s32 s29, v38;
	v21 =	vor.u32 v50, v55  }
0x76: {  	vm13 =	vgt.u32 v22, $0x3F;
	[tilespmem:v6+s13+$0x0] =	vst.idx.msk $0xffff, v4;
	v4 =	vadd.s32 s29, v2  }
0x77: {  	v6 =	vadd.s32 v29, v1;
	v10 =	vld.idx.msk [tilespmem:v10+s4+$0x0], $0xffff;
	[tilespmem:v12+s13+$0x0] =	vst.idx.msk $0xffff, v8;
	v56 =	vsel vm13, v4, v22  }
0x78: {  	v8 =	vadd.s32 v29, v57;
	[tilespmem:v16+s13+$0x0] =	vst.idx.msk $0xffff, v14;
	v4 =	vld.idx.msk [tilespmem:v17+s4+$0x0], $0xffff;
	v14 =	vor.u32 v28, v36  }
0x79: {  	v16 =	vadd.s32 v9, v53;
	v12 =	vld.idx.msk [tilespmem:v19+s4+$0x0], $0xffff;
	[tilespmem:v20+s13+$0x0] =	vst.idx.msk $0xffff, v18;
	v19 =	vor.u32 v28, v60  }
0x7a: {  	v33 =	vor.u32 v32, v54;
	v34 =	vor.u32 v32, v55;
	v20 =	vadd.s32 v9, v52;
	v18 =	vld.idx.msk [tilespmem:v21+s4+$0x0], $0xffff  }
0x7b: {  	v49 =	vor.u32 v37, v55;
	v17 =	vadd.s32 v27, v1;
	v22 =	vshll.u32 v56, $0x7  }
0x7c: {  	s30 =	simm.s32 $0x5;
	v22 =	vand.u32 $0x380, v22;
	v21 =	vshll.u32 v56, $0x8;
	[tilespmem:v6+s13+$0x0] =	vst.idx.msk $0xffff, v10;
	v6 =	vadd.s32 v31, v53  }
0x7d: {  	v21 =	vand.u32 $0xFFFFF800, v21;
	v10 =	vadd.s32 s30, v38;
	[tilespmem:v8+s13+$0x0] =	vst.idx.msk $0xffff, v4;
	v4 =	vld.idx.msk [tilespmem:v14+s4+$0x0], $0xffff;
	v8 =	vor.u32 v26, v36  }
0x7e: {  	vm14 =	vgt.u32 v10, $0x3F;
	v14 =	vadd.s32 s30, v2;
	[tilespmem:v16+s13+$0x0] =	vst.idx.msk $0xffff, v12;
	v12 =	vld.idx.msk [tilespmem:v19+s4+$0x0], $0xffff;
	v16 =	vadd.s32 v27, v57  }
0x7f: {  	v58 =	vsel vm14, v14, v10;
	v14 =	vor.u32 v26, v60;
	[tilespmem:v20+s13+$0x0] =	vst.idx.msk $0xffff, v18;
	v18 =	vld.idx.msk [tilespmem:v33+s4+$0x0], $0xffff  }
0x80: {  	v59 =	vor.u32 v22, v21;
	v22 =	vadd.s32 v31, v52;
	v10 =	vor.u32 v37, v54  }
0x81: {  	v47 =	vmovc v37;
	v37 =	vor.u32 v38, v59;
	v20 =	vshll.u32 v58, $0x8;
	v21 =	vshll.u32 v58, $0x7;
	v19 =	vld.idx.msk [tilespmem:v34+s4+$0x0], $0xffff  }
0x82: {  	v20 =	vand.u32 $0xFFFFF800, v20;
	v21 =	vand.u32 $0x380, v21;
	[tilespmem:v17+s13+$0x0] =	vst.idx.msk $0xffff, v4  }
0x83: {  	v61 =	vor.u32 v21, v20;
	v8 =	vld.idx.msk [tilespmem:v8+s4+$0x0], $0xffff;
	[tilespmem:v16+s13+$0x0] =	vst.idx.msk $0xffff, v12;
	v12 =	vadd.s32 v51, v1  }
0x84: {  	v4 =	vor.u32 v38, v61;
	v16 =	vadd.s32 v51, v57;
	[tilespmem:v6+s13+$0x0] =	vst.idx.msk $0xffff, v18;
	v6 =	vld.idx.msk [tilespmem:v14+s4+$0x0], $0xffff  }
0x85: {  	v17 =	vadd.s32 v11, v53;
	v14 =	vor.u32 v62, v36;
	v10 =	vld.idx.msk [tilespmem:v10+s4+$0x0], $0xffff  }
0x86: {  	v42 =	vadd.s32 v3, v56;
	v18 =	vor.u32 v62, v60;
	[tilespmem:v22+s13+$0x0] =	vst.idx.msk $0xffff, v19;
	v22 =	vld.idx.msk [tilespmem:v37+s4+$0x0], $0xffff  }
0x87: {  	v20 =	vor.u32 v35, v54;
	v21 =	vadd.s32 v11, v52;
	v19 =	vld.idx.msk [tilespmem:v49+s4+$0x0], $0xffff  }
0x88: {  	v63 =	vmov v32;
	v49 =	vor.u32 v0, v59;
	[tilespmem:v12+s13+$0x0] =	vst.idx.msk $0xffff, v8  }
0x89: {  	v48 =	vor.u32 v35, v55;
	v32 =	vadd.s32 v3, v58;
	v4 =	vld.idx.msk [tilespmem:v4+s4+$0x0], $0xffff;
	[tilespmem:v16+s13+$0x0] =	vst.idx.msk $0xffff, v6  }
0x8a: {  	v8 =	vor.u32 v0, v61;
	v12 =	vld.idx.msk [tilespmem:v14+s4+$0x0], $0xffff;
	[tilespmem:v17+s13+$0x0] =	vst.idx.msk $0xffff, v10;
	v10 =	vadd.s32 v30, v1  }
0x8b: {  	v14 =	vld.idx.msk [tilespmem:v18+s4+$0x0], $0xffff;
	v17 =	vor.u32 v46, v36;
	v18 =	vadd.s32 v30, v57;
	[tilespmem:v42+s13+$0x0] =	vst.idx.msk $0xffff, v22  }
0x8c: {  	s31 =	simm.s32 $0x6;
	v16 =	vld.idx.msk [tilespmem:v20+s4+$0x0], $0xffff;
	[tilespmem:v21+s13+$0x0] =	vst.idx.msk $0xffff, v19;
	v19 =	vadd.s32 v13, v53;
	v21 =	vor.u32 v46, v60  }
0x8d: {  	v33 =	vadd.s32 s31, v38;
	v42 =	vadd.s32 v5, v56;
	v22 =	vld.idx.msk [tilespmem:v49+s4+$0x0], $0xffff  }
0x8e: {  	v34 =	vadd.s32 v13, v52;
	v20 =	vld.idx.msk [tilespmem:v48+s4+$0x0], $0xffff;
	[tilespmem:v32+s13+$0x0] =	vst.idx.msk $0xffff, v4;
	v4 =	vor.u32 v39, v54  }
0x8f: {  	v49 =	vor.u32 v43, v59;
	v8 =	vld.idx.msk [tilespmem:v8+s4+$0x0], $0xffff;
	[tilespmem:v10+s13+$0x0] =	vst.idx.msk $0xffff, v12;
	v10 =	vadd.s32 v5, v58  }
0x90: {  	v48 =	vor.u32 v39, v55;
	[tilespmem:v18+s13+$0x0] =	vst.idx.msk $0xffff, v14;
	v14 =	vadd.s32 v40, v1;
	v12 =	vld.idx.msk [tilespmem:v17+s4+$0x0], $0xffff  }
0x91: {  	v18 =	vadd.s32 v40, v57;
	[tilespmem:v19+s13+$0x0] =	vst.idx.msk $0xffff, v16;
	v16 =	vld.idx.msk [tilespmem:v21+s4+$0x0], $0xffff;
	v17 =	vor.u32 v41, v36  }
0x92: {  	vm15 =	vgt.u32 v33, $0x3F;
	v6 =	vadd.s32 s31, v2;
	[tilespmem:v42+s13+$0x0] =	vst.idx.msk $0xffff, v22  }
0x93: {  	v33 =	vsel vm15, v6, v33;
	v6 =	vor.u32 v43, v61;
	[tilespmem:v34+s13+$0x0] =	vst.idx.msk $0xffff, v20;
	v4 =	vld.idx.msk [tilespmem:v4+s4+$0x0], $0xffff  }
0x94: {  	v22 =	vld.idx.msk [tilespmem:v49+s4+$0x0], $0xffff;
	[tilespmem:v10+s13+$0x0] =	vst.idx.msk $0xffff, v8  }
0x95: {  	v19 =	vadd.s32 v15, v53;
	v20 =	vor.u32 v41, v60;
	v21 =	vld.idx.msk [tilespmem:v48+s4+$0x0], $0xffff;
	[tilespmem:v14+s13+$0x0] =	vst.idx.msk $0xffff, v12  }
0x96: {  	v34 =	vadd.s32 v7, v56;
	v8 =	vor.u32 v25, v54;
	[tilespmem:v18+s13+$0x0] =	vst.idx.msk $0xffff, v16;
	v18 =	vld.idx.msk [tilespmem:v17+s4+$0x0], $0xffff  }
0x97: {  	v28 =	vmov v35;
	v10 =	vadd.s32 v15, v52;
	v17 =	vld [tilespmem:$0x1FCD0]  }
0x98: {  	v44 =	vmov v29;
	v6 =	vld.idx.msk [tilespmem:v6+s4+$0x0], $0xffff;
	v12 =	vor.u32 v50, v59;
	v14 =	vadd.s32 v7, v58  }
0x99: {  	v29 =	vmovc v39;
	v35 =	vadd.s32 v23, v1;
	v38 =	vadd.s32 v45, v1;
	v39 =	vor.u32 v25, v55  }
0x9a: {  	v32 =	vmovc v40;
	v49 =	vmov v15;
	v15 =	vmov v28;
	v28 =	vmov v5;
	[tilespmem:v19+s13+$0x0] =	vst.idx.msk $0xffff, v4;
	v20 =	vld.idx.msk [tilespmem:v20+s4+$0x0], $0xffff  }
0x9b: {  	v5 =	vmov v0;
	v0 =	vmov v41;
	v4 =	vadd.s32 v44, v53;
	[tilespmem:v34+s13+$0x0] =	vst.idx.msk $0xffff, v22;
	v41 =	vld.idx.msk [tilespmem:v8+s4+$0x0], $0xffff  }
0x9c: {  	v19 =	vmov v24;
	[tilespmem:v10+s13+$0x0] =	vst.idx.msk $0xffff, v21;
	v10 =	vor.u32 v24, v36;
	v1 =	vadd.s32 v17, v1  }
0x9d: {  	v24 =	vmov v2;
	[tilespmem:v14+s13+$0x0] =	vst.idx.msk $0xffff, v6;
	v40 =	vadd.s32 v17, v57;
	v2 =	vmov v17;
	v17 =	vld.idx.msk [tilespmem:v12+s4+$0x0], $0xffff  }
0x9e: {  	v12 =	vld [tilespmem:$0x1FED0]  }
0x9f: {  	v16 =	vor.u32 v50, v61  }
0xa0: {  	v44 =	vadd.s32 v44, v52;
	[tilespmem:v4+s13+$0x0] =	vst.idx.msk $0xffff, v41  }
0xa1: {  	v42 =	vor.u32 v19, v60;
	v22 =	vld.idx.msk [tilespmem:v39+s4+$0x0], $0xffff;
	v6 =	vshll.u32 v33, $0x8;
	[tilespmem:v1+s13+$0x0] =	vst.idx.msk $0xffff, v18;
	v1 =	vshll.u32 v33, $0x7  }
0xa2: {  	v23 =	vmovc v29;
	v37 =	vadd.s32 v27, v53;
	v4 =	vand.u32 $0xFFFFF800, v6;
	[tilespmem:v40+s13+$0x0] =	vst.idx.msk $0xffff, v20;
	v1 =	vand.u32 $0x380, v1  }
0xa3: {  	v29 =	vmovc v7;
	v30 =	vmovc v9;
	v7 =	vmov v43;
	v43 =	vor.u32 v12, v54;
	v34 =	vor.u32 v1, v4;
	v1 =	vld [tilespmem:$0x1FE20]  }
0xa4: {  	v9 =	vmovc v50;
	v48 =	vmovc v13;
	v13 =	vmov v47;
	v47 =	vmov v11;
	v11 =	vmov v63;
	v18 =	vld.idx.msk [tilespmem:v16+s4+$0x0], $0xffff  }
0xa5: {  	v63 =	vmovc v27;
	v27 =	vmovc v3;
	v50 =	vmov v25;
	v25 =	vmov v19;
	v19 =	vadd.s32 v30, v56;
	v39 =	vld.idx.msk [tilespmem:v10+s4+$0x0], $0xffff  }
0xa6: {  	v3 =	vlaneseq.u32;
	v21 =	vadd.s32 v30, v58;
	v12 =	vor.u32 v12, v55;
	v14 =	vld.idx.msk [tilespmem:v42+s4+$0x0], $0xffff;
	[tilespmem:v44+s13+$0x0] =	vst.idx.msk $0xffff, v22  }
0xa7: {  	v8 =	vadd.s32 v31, v56;
	v20 =	vor.u32 v11, v59;
	v40 =	vor.u32 v11, v61;
	v22 =	vld [tilespmem:$0x1FE20]  }
0xa8: {  	s24 =	simm.s32 $0x8;
	s25 =	simm.s32 $0x7;
	v16 =	vadd.s32 v45, v57;
	v4 =	vor.u32 v26, v54;
	v10 =	vld.idx.msk [tilespmem:v43+s4+$0x0], $0xffff;
	v6 =	vor.u32 v1, v36  }
.LBB2_3:
0xa9: {  	_ = 	snop  }
0xaa: {  	[tilespmem:v19+s13+$0x0] =	vst.idx.msk $0xffff, v17  }
0xab: {  	v1 =	vadd.s32 s25, v3;
	v12 =	vld.idx.msk [tilespmem:v12+s4+$0x0], $0xffff;
	[tilespmem:v21+s13+$0x0] =	vst.idx.msk $0xffff, v18  }
0xac: {  	v17 =	vor.u32 v22, v60;
	v60 =	vmovc v55;
	v19 =	vadd.s32 s25, v24;
	v18 =	vadd.s32 v63, v52;
	v21 =	vld.idx.msk [tilespmem:v40+s4+$0x0], $0xffff  }
0xad: {  	v41 =	vadd.s32 v31, v58;
	vm0 =	vgt.u32 v1, $0x3F;
	v22 =	vor.u32 v26, v60;
	v40 =	vld [tilespmem:$0x1FF50]  }
0xae: {  	v20 =	vld.idx.msk [tilespmem:v20+s4+$0x0], $0xffff;
	[tilespmem:v16+s13+$0x0] =	vst.idx.msk $0xffff, v14;
	v14 =	vor.u32 v3, v34;
	v1 =	vsel vm0, v19, v1  }
0xaf: {  	v55 =	vmovc v61;
	[tilespmem:v38+s13+$0x0] =	vst.idx.msk $0xffff, v39;
	v39 =	vld [tilespmem:$0x1FF20];
	v19 =	vor.u32 v13, v59;
	v36 =	vshll.u32 v1, $0x8;
	v44 =	vshll.u32 v1, $0x7  }
0xb0: {  	v6 =	vld.idx.msk [tilespmem:v6+s4+$0x0], $0xffff;
	v36 =	vand.u32 $0xFFFFF800, v36;
	v43 =	vand.u32 $0x380, v44;
	v44 =	vor.u32 v13, v55  }
0xb1: {  	[tilespmem:v37+s13+$0x0] =	vst.idx.msk $0xffff, v10;
	v37 =	vor.u32 v15, v59;
	v61 =	vor.u32 v43, v36;
	v10 =	vld.idx.msk [tilespmem:v17+s4+$0x0], $0xffff  }
0xb2: {  	v4 =	vld.idx.msk [tilespmem:v4+s4+$0x0], $0xffff;
	[tilespmem:v18+s13+$0x0] =	vst.idx.msk $0xffff, v12;
	v16 =	vor.u32 v3, v61;
	v12 =	vadd.s32 v40, v57  }
0xb3: {  	[tilespmem:v8+s13+$0x0] =	vst.idx.msk $0xffff, v20;
	v8 =	vadd.s32 v51, v53;
	v17 =	vld.idx.msk [tilespmem:v22+s4+$0x0], $0xffff;
	v57 =	vmov v52  }
0xb4: {  	v36 =	vor.u32 v62, v60;
	v43 =	vor.u32 v23, v55;
	v18 =	vld.idx.msk [tilespmem:v19+s4+$0x0], $0xffff;
	v20 =	vadd.s32 v51, v57  }
0xb5: {  	[tilespmem:v41+s13+$0x0] =	vst.idx.msk $0xffff, v21;
	v21 =	vadd.s32 v47, v56;
	v19 =	vor.u32 v62, v54;
	v14 =	vld.idx.msk [tilespmem:v14+s4+$0x0], $0xffff  }
0xb6: {  	v52 =	vmov v58;
	[tilespmem:v35+s13+$0x0] =	vst.idx.msk $0xffff, v6;
	v6 =	vadd.s32 v27, v33;
	v22 =	vld.idx.msk [tilespmem:v44+s4+$0x0], $0xffff  }
0xb7: {  	v58 =	vmov v1;
	v38 =	vadd.s32 v47, v52;
	v16 =	vld.idx.msk [tilespmem:v16+s4+$0x0], $0xffff;
	[tilespmem:v12+s13+$0x0] =	vst.idx.msk $0xffff, v10  }
0xb8: {  	v44 =	vor.u32 v15, v55;
	v12 =	vadd.s32 v27, v58;
	[tilespmem:v8+s13+$0x0] =	vst.idx.msk $0xffff, v4  }
0xb9: {  	v1 =	vmovc v56;
	v56 =	vmov v33;
	v41 =	vmov v54;
	v10 =	vor.u32 v5, v34;
	[tilespmem:v20+s13+$0x0] =	vst.idx.msk $0xffff, v17  }
0xba: {  	v4 =	vor.u32 v5, v61;
	v8 =	vld.idx.msk [tilespmem:v19+s4+$0x0], $0xffff;
	[tilespmem:v21+s13+$0x0] =	vst.idx.msk $0xffff, v18;
	v18 =	vadd.s32 v39, v53  }
0xbb: {  	v21 =	vor.u32 v46, v41;
	v20 =	vld.idx.msk [tilespmem:v37+s4+$0x0], $0xffff;
	[tilespmem:v6+s13+$0x0] =	vst.idx.msk $0xffff, v14;
	v6 =	vadd.s32 v48, v1  }
0xbc: {  	v54 =	vmov v59;
	v59 =	vmov v34;
	v19 =	vld.idx.msk [tilespmem:v36+s4+$0x0], $0xffff;
	[tilespmem:v38+s13+$0x0] =	vst.idx.msk $0xffff, v22;
	v22 =	vadd.s32 v39, v57  }
0xbd: {  	v34 =	vor.u32 v46, v60;
	v14 =	vld.idx.msk [tilespmem:v44+s4+$0x0], $0xffff;
	[tilespmem:v12+s13+$0x0] =	vst.idx.msk $0xffff, v16;
	v16 =	vadd.s32 v48, v52  }
0xbe: {  	v33 =	vadd.s32 s24, v3;
	v42 =	vadd.s32 v28, v56;
	v10 =	vld.idx.msk [tilespmem:v10+s4+$0x0], $0xffff;
	v12 =	vor.u32 v23, v54  }
0xbf: {  	vm15 =	vgt.u32 v33, $0x3F;
	v17 =	vadd.s32 s24, v24;
	v46 =	vadd.s32 v28, v58;
	v4 =	vld.idx.msk [tilespmem:v4+s4+$0x0], $0xffff;
	[tilespmem:v18+s13+$0x0] =	vst.idx.msk $0xffff, v8  }
0xc0: {  	v33 =	vsel vm15, v17, v33;
	v44 =	vor.u32 v7, v59;
	v17 =	vld.idx.msk [tilespmem:v21+s4+$0x0], $0xffff;
	[tilespmem:v6+s13+$0x0] =	vst.idx.msk $0xffff, v20  }
0xc1: {  	v8 =	vor.u32 v7, v61;
	v6 =	vadd.s32 v32, v53;
	[tilespmem:v22+s13+$0x0] =	vst.idx.msk $0xffff, v19  }
0xc2: {  	v18 =	vld.idx.msk [tilespmem:v34+s4+$0x0], $0xffff;
	[tilespmem:v16+s13+$0x0] =	vst.idx.msk $0xffff, v14;
	v14 =	vor.u32 v0, v41;
	v16 =	vadd.s32 v32, v57  }
0xc3: {  	v12 =	vld.idx.msk [tilespmem:v12+s4+$0x0], $0xffff;
	[tilespmem:v42+s13+$0x0] =	vst.idx.msk $0xffff, v10;
	v10 =	vadd.s32 v49, v1  }
0xc4: {  	v20 =	vor.u32 v0, v60;
	v19 =	vld.idx.msk [tilespmem:v43+s4+$0x0], $0xffff  }
0xc5: {  	v22 =	vadd.s32 v49, v52;
	v21 =	vld.idx.msk [tilespmem:v44+s4+$0x0], $0xffff;
	[tilespmem:v46+s13+$0x0] =	vst.idx.msk $0xffff, v4;
	v4 =	vor.u32 v50, v54  }
0xc6: {  	v35 =	vadd.s32 v40, v53;
	v36 =	vld.idx.msk [tilespmem:v8+s4+$0x0], $0xffff;
	[tilespmem:v6+s13+$0x0] =	vst.idx.msk $0xffff, v17  }
0xc7: {  	v39 =	vor.u32 v50, v55;
	v34 =	vadd.s32 v29, v56;
	v14 =	vld.idx.msk [tilespmem:v14+s4+$0x0], $0xffff;
	[tilespmem:v16+s13+$0x0] =	vst.idx.msk $0xffff, v18  }
0xc8: {  	v40 =	vor.u32 v9, v59;
	v42 =	vadd.s32 v29, v58;
	[tilespmem:v10+s13+$0x0] =	vst.idx.msk $0xffff, v12;
	v12 =	vld [tilespmem:$0x1FEC0]  }
0xc9: {  	v43 =	vadd.s32 v2, v53;
	v6 =	vor.u32 v9, v61;
	v16 =	vld.idx.msk [tilespmem:v20+s4+$0x0], $0xffff  }
0xca: {  	v4 =	vld.idx.msk [tilespmem:v4+s4+$0x0], $0xffff;
	[tilespmem:v22+s13+$0x0] =	vst.idx.msk $0xffff, v19;
	v22 =	vor.u32 v25, v41  }
0xcb: {  	v44 =	vadd.s32 v2, v57;
	v20 =	vld [tilespmem:$0x1FED0]  }
0xcc: {  	v38 =	vadd.s32 v45, v53;
	v46 =	vor.u32 v25, v60;
	[tilespmem:v34+s13+$0x0] =	vst.idx.msk $0xffff, v21;
	v45 =	vld.idx.msk [tilespmem:v39+s4+$0x0], $0xffff  }
0xcd: {  	v17 =	vld.idx.msk [tilespmem:v40+s4+$0x0], $0xffff;
	[tilespmem:v42+s13+$0x0] =	vst.idx.msk $0xffff, v36;
	v42 =	vadd.s32 v12, v52  }
0xce: {  	v18 =	vld.idx.msk [tilespmem:v6+s4+$0x0], $0xffff;
	[tilespmem:v43+s13+$0x0] =	vst.idx.msk $0xffff, v14  }
0xcf: {  	v39 =	vld.idx.msk [tilespmem:v22+s4+$0x0], $0xffff  }
0xd0: {  	[tilespmem:v44+s13+$0x0] =	vst.idx.msk $0xffff, v16;
	v22 =	vld [tilespmem:$0x1FE20]  }
0xd1: {  	v10 =	vadd.s32 v12, v1;
	v14 =	vld.idx.msk [tilespmem:v46+s4+$0x0], $0xffff  }
0xd2: {  	p1 =	slt.u32 s24, $0x3E;
	v37 =	vadd.s32 v63, v1;
	v36 =	vor.u32 v20, v54;
	[tilespmem:v42+s13+$0x0] =	vst.idx.msk $0xffff, v45;
	v45 =	vld [tilespmem:$0x1FE10]  }
.Ltmp3:
0xd3: {  	v8 =	vadd.s32 v31, v56;
	v19 =	vadd.s32 v30, v56;
	v40 =	vshll.u32 v33, $0x8;
	(pc) =	sbr.rel @p1 .LBB2_3-.Ltmp3, $4  }
0xd4: {  	v53 =	vmovc v1;
	v21 =	vadd.s32 v30, v58;
	v6 =	vand.u32 $0xFFFFF800, v40;
	v1 =	vshll.u32 v33, $0x7  }
0xd5: {  	v40 =	vor.u32 v11, v61;
	v12 =	vor.u32 v20, v55;
	v1 =	vand.u32 $0x380, v1  }
0xd6: {  	v20 =	vor.u32 v11, v59;
	v34 =	vor.u32 v1, v6;
	v46 =	vld [tilespmem:$0x1FE00];
	[tilespmem:v10+s13+$0x0] =	vst.idx.msk $0xffff, v4  }
0xd7: {  	s25 =	sadd.s32 $0x1, s24;
	s24 =	sadd.s32 $0x2, s24;
	v4 =	vor.u32 v26, v54;
	v6 =	vor.u32 v22, v41;
	v10 =	vld.idx.msk [tilespmem:v36+s4+$0x0], $0xffff;
	v16 =	vadd.s32 v45, v57  }
0xd8: {  	v1 =	vadd.s32 s25, v3  }
0xd9: {  	v22 =	vadd.s32 s25, v24;
	vm0 =	vgt.u32 v1, $0x3F  }
0xda: {  	v36 =	vsel vm0, v22, v1  }
0xdb: {  	v1 =	vshll.u32 v36, $0x8;
	v22 =	vshll.u32 v36, $0x7  }
0xdc: {  	v1 =	vand.u32 $0xFFFFF800, v1;
	v22 =	vand.u32 $0x380, v22  }
0xdd: {  	v41 =	vor.u32 v3, v34;
	v1 =	vor.u32 v22, v1  }
0xde: {  	v22 =	vor.u32 v3, v1;
	_ =	sdelay $0x3  }
0xdf: {  	v42 =	vadd.s32 v27, v33;
	v41 =	vld.idx.msk [tilespmem:v41+s4+$0x0], $0xffff  }
0xe0: {  	v43 =	vor.u32 v5, v34;
	v44 =	vadd.s32 v27, v36;
	v22 =	vld.idx.msk [tilespmem:v22+s4+$0x0], $0xffff  }
0xe1: {  	v45 =	vor.u32 v5, v1;
	_ =	sdelay $0x2  }
0xe2: {  	[tilespmem:v42+s13+$0x0] =	vst.idx.msk $0xffff, v41  }
0xe3: {  	v41 =	vld.idx.msk [tilespmem:v43+s4+$0x0], $0xffff;
	[tilespmem:v44+s13+$0x0] =	vst.idx.msk $0xffff, v22;
	v22 =	vadd.s32 v28, v33  }
0xe4: {  	v43 =	vor.u32 v7, v34;
	v44 =	vadd.s32 v28, v36;
	v42 =	vld.idx.msk [tilespmem:v45+s4+$0x0], $0xffff  }
0xe5: {  	v45 =	vor.u32 v7, v1;
	_ =	sdelay $0x2  }
0xe6: {  	[tilespmem:v22+s13+$0x0] =	vst.idx.msk $0xffff, v41  }
0xe7: {  	v41 =	vadd.s32 v29, v33;
	v22 =	vld.idx.msk [tilespmem:v43+s4+$0x0], $0xffff;
	[tilespmem:v44+s13+$0x0] =	vst.idx.msk $0xffff, v42  }
0xe8: {  	v43 =	vor.u32 v9, v34;
	v44 =	vadd.s32 v29, v36;
	v42 =	vld.idx.msk [tilespmem:v45+s4+$0x0], $0xffff  }
0xe9: {  	v45 =	vor.u32 v9, v1;
	_ =	sdelay $0x2  }
0xea: {  	[tilespmem:v41+s13+$0x0] =	vst.idx.msk $0xffff, v22  }
0xeb: {  	v41 =	vadd.s32 v30, v33;
	v22 =	vld.idx.msk [tilespmem:v43+s4+$0x0], $0xffff;
	[tilespmem:v44+s13+$0x0] =	vst.idx.msk $0xffff, v42  }
0xec: {  	v43 =	vor.u32 v11, v34;
	v44 =	vadd.s32 v30, v36;
	v42 =	vld.idx.msk [tilespmem:v45+s4+$0x0], $0xffff  }
0xed: {  	v45 =	vor.u32 v11, v1  }
0xee: {  	[tilespmem:v19+s13+$0x0] =	vst.idx.msk $0xffff, v17  }
0xef: {  	[tilespmem:v21+s13+$0x0] =	vst.idx.msk $0xffff, v18;
	v17 =	vld.idx.msk [tilespmem:v20+s4+$0x0], $0xffff  }
0xf0: {  	v18 =	vor.u32 v13, v59;
	v19 =	vld.idx.msk [tilespmem:v40+s4+$0x0], $0xffff;
	v20 =	vadd.s32 v31, v58;
	[tilespmem:v41+s13+$0x0] =	vst.idx.msk $0xffff, v22  }
0xf1: {  	v21 =	vor.u32 v13, v61;
	v22 =	vadd.s32 v31, v33;
	v40 =	vld.idx.msk [tilespmem:v43+s4+$0x0], $0xffff;
	[tilespmem:v44+s13+$0x0] =	vst.idx.msk $0xffff, v42  }
0xf2: {  	v41 =	vor.u32 v13, v34;
	v43 =	vadd.s32 v31, v36;
	v42 =	vld.idx.msk [tilespmem:v45+s4+$0x0], $0xffff  }
0xf3: {  	v44 =	vor.u32 v13, v1  }
0xf4: {  	v45 =	vld [tilespmem:$0x1FE10];
	[tilespmem:v8+s13+$0x0] =	vst.idx.msk $0xffff, v17  }
0xf5: {  	[tilespmem:v20+s13+$0x0] =	vst.idx.msk $0xffff, v19;
	v17 =	vadd.s32 v47, v56;
	v8 =	vld.idx.msk [tilespmem:v18+s4+$0x0], $0xffff  }
0xf6: {  	v19 =	vor.u32 v15, v59;
	v20 =	vadd.s32 v47, v58;
	v18 =	vld.idx.msk [tilespmem:v21+s4+$0x0], $0xffff;
	[tilespmem:v22+s13+$0x0] =	vst.idx.msk $0xffff, v40  }
0xf7: {  	v21 =	vor.u32 v15, v61;
	v22 =	vld.idx.msk [tilespmem:v41+s4+$0x0], $0xffff;
	[tilespmem:v43+s13+$0x0] =	vst.idx.msk $0xffff, v42  }
0xf8: {  	v43 =	vadd.s32 v47, v36;
	v41 =	vld.idx.msk [tilespmem:v44+s4+$0x0], $0xffff  }
0xf9: {  	v40 =	vadd.s32 v47, v33;
	v44 =	vor.u32 v15, v1  }
0xfa: {  	v42 =	vor.u32 v15, v34;
	[tilespmem:v17+s13+$0x0] =	vst.idx.msk $0xffff, v8  }
0xfb: {  	[tilespmem:v20+s13+$0x0] =	vst.idx.msk $0xffff, v18;
	v17 =	vadd.s32 v48, v56;
	v8 =	vld.idx.msk [tilespmem:v19+s4+$0x0], $0xffff  }
0xfc: {  	v20 =	vadd.s32 v48, v58;
	v18 =	vld.idx.msk [tilespmem:v21+s4+$0x0], $0xffff;
	v19 =	vor.u32 v23, v59  }
0xfd: {  	v21 =	vor.u32 v23, v61;
	[tilespmem:v43+s13+$0x0] =	vst.idx.msk $0xffff, v41  }
0xfe: {  	[tilespmem:v40+s13+$0x0] =	vst.idx.msk $0xffff, v22;
	v43 =	vadd.s32 v48, v36;
	v41 =	vld.idx.msk [tilespmem:v44+s4+$0x0], $0xffff  }
0xff: {  	v40 =	vadd.s32 v48, v33;
	v22 =	vld.idx.msk [tilespmem:v42+s4+$0x0], $0xffff;
	v44 =	vor.u32 v23, v1  }
0x100: {  	[tilespmem:v17+s13+$0x0] =	vst.idx.msk $0xffff, v8  }
0x101: {  	[tilespmem:v20+s13+$0x0] =	vst.idx.msk $0xffff, v18;
	v17 =	vadd.s32 v49, v56;
	v8 =	vld.idx.msk [tilespmem:v19+s4+$0x0], $0xffff  }
0x102: {  	[tilespmem:v38+s13+$0x0] =	vst.idx.msk $0xffff, v39;
	v42 =	vor.u32 v23, v34;
	v20 =	vadd.s32 v49, v58;
	v18 =	vld.idx.msk [tilespmem:v21+s4+$0x0], $0xffff  }
0x103: {  	[tilespmem:v43+s13+$0x0] =	vst.idx.msk $0xffff, v41  }
0x104: {  	[tilespmem:v40+s13+$0x0] =	vst.idx.msk $0xffff, v22;
	v38 =	vld.idx.msk [tilespmem:v44+s4+$0x0], $0xffff  }
0x105: {  	v44 =	vld [tilespmem:$0x1FE20];
	[tilespmem:v16+s13+$0x0] =	vst.idx.msk $0xffff, v14  }
0x106: {  	[tilespmem:v17+s13+$0x0] =	vst.idx.msk $0xffff, v8  }
0x107: {  	v19 =	vor.u32 v50, v59;
	v40 =	vadd.s32 v49, v33;
	v22 =	vld.idx.msk [tilespmem:v42+s4+$0x0], $0xffff;
	[tilespmem:v20+s13+$0x0] =	vst.idx.msk $0xffff, v18  }
0x108: {  	v43 =	vld [tilespmem:$0x1FEC0];
	_ =	sdelay $0x1  }
0x109: {  	v41 =	vadd.s32 v49, v36  }
0x10a: {  	v8 =	vld.idx.msk [tilespmem:v12+s4+$0x0], $0xffff  }
0x10b: {  	v12 =	vadd.s32 v63, v52;
	v18 =	vld.idx.msk [tilespmem:v19+s4+$0x0], $0xffff;
	[tilespmem:v40+s13+$0x0] =	vst.idx.msk $0xffff, v22  }
0x10c: {  	v21 =	vor.u32 v50, v61;
	v16 =	vor.u32 v44, v60;
	v60 =	vld [tilespmem:$0x1FED0];
	v17 =	vadd.s32 v43, v56;
	_ =	sdelay $0x1  }
0x10d: {  	v39 =	vor.u32 v50, v34;
	[tilespmem:v41+s13+$0x0] =	vst.idx.msk $0xffff, v38  }
0x10e: {  	v14 =	vor.u32 v50, v1;
	[tilespmem:v37+s13+$0x0] =	vst.idx.msk $0xffff, v10  }
0x10f: {  	[tilespmem:v12+s13+$0x0] =	vst.idx.msk $0xffff, v8  }
0x110: {  	v19 =	vld.idx.msk [tilespmem:v21+s4+$0x0], $0xffff;
	v21 =	vadd.s32 v43, v58;
	v20 =	vor.u32 v60, v59;
	[tilespmem:v17+s13+$0x0] =	vst.idx.msk $0xffff, v18  }
0x111: {  	v3 =	vld [tilespmem:$0x1FF50]  }
0x112: {  	v39 =	vld.idx.msk [tilespmem:v39+s4+$0x0], $0xffff;
	v38 =	vadd.s32 v43, v33;
	v22 =	vor.u32 v60, v61  }
0x113: {  	v10 =	vld.idx.msk [tilespmem:v14+s4+$0x0], $0xffff;
	v42 =	vadd.s32 v43, v36;
	v14 =	vor.u32 v60, v34  }
0x114: {  	v6 =	vld.idx.msk [tilespmem:v6+s4+$0x0], $0xffff;
	v8 =	vor.u32 v60, v1  }
0x115: {  	v17 =	vor.u32 v26, v55;
	v18 =	vadd.s32 v63, v56;
	[tilespmem:v21+s13+$0x0] =	vst.idx.msk $0xffff, v19;
	v19 =	vld.idx.msk [tilespmem:v20+s4+$0x0], $0xffff  }
0x116: {  	v12 =	vld.idx.msk [tilespmem:v16+s4+$0x0], $0xffff;
	v16 =	vadd.s32 v3, v57  }
0x117: {  	[tilespmem:v38+s13+$0x0] =	vst.idx.msk $0xffff, v39;
	v21 =	vld.idx.msk [tilespmem:v22+s4+$0x0], $0xffff;
	v22 =	vadd.s32 v63, v58  }
0x118: {  	v40 =	vadd.s32 v63, v33;
	[tilespmem:v42+s13+$0x0] =	vst.idx.msk $0xffff, v10;
	v14 =	vld.idx.msk [tilespmem:v14+s4+$0x0], $0xffff  }
0x119: {  	v41 =	vadd.s32 v63, v36;
	[tilespmem:v35+s13+$0x0] =	vst.idx.msk $0xffff, v6;
	v8 =	vld.idx.msk [tilespmem:v8+s4+$0x0], $0xffff  }
0x11a: {  	v17 =	vld.idx.msk [tilespmem:v17+s4+$0x0], $0xffff;
	[tilespmem:v18+s13+$0x0] =	vst.idx.msk $0xffff, v19;
	v19 =	vadd.s32 v51, v52  }
0x11b: {  	v4 =	vld.idx.msk [tilespmem:v4+s4+$0x0], $0xffff;
	[tilespmem:v16+s13+$0x0] =	vst.idx.msk $0xffff, v12;
	v12 =	vadd.s32 v51, v53  }
0x11c: {  	[tilespmem:v22+s13+$0x0] =	vst.idx.msk $0xffff, v21  }
0x11d: {  	v20 =	vor.u32 v26, v59;
	[tilespmem:v40+s13+$0x0] =	vst.idx.msk $0xffff, v14  }
0x11e: {  	v10 =	vor.u32 v26, v61;
	[tilespmem:v41+s13+$0x0] =	vst.idx.msk $0xffff, v8  }
0x11f: {  	v6 =	vor.u32 v26, v34;
	[tilespmem:v19+s13+$0x0] =	vst.idx.msk $0xffff, v17  }
0x120: {  	v16 =	vor.u32 v26, v1;
	[tilespmem:v12+s13+$0x0] =	vst.idx.msk $0xffff, v4  }
0x121: {  	v18 =	vor.u32 v62, v54;
	v57 =	vld [tilespmem:$0x1FF20]  }
0x122: {  	v21 =	vor.u32 v62, v55;
	v22 =	vadd.s32 v51, v56;
	v20 =	vld.idx.msk [tilespmem:v20+s4+$0x0], $0xffff  }
0x123: {  	v42 =	vadd.s32 v51, v58;
	v14 =	vor.u32 v62, v59;
	v10 =	vld.idx.msk [tilespmem:v10+s4+$0x0], $0xffff  }
0x124: {  	v8 =	vor.u32 v62, v61;
	v40 =	vadd.s32 v51, v33;
	v6 =	vld.idx.msk [tilespmem:v6+s4+$0x0], $0xffff  }
0x125: {  	v4 =	vld.idx.msk [tilespmem:v16+s4+$0x0], $0xffff;
	v12 =	vor.u32 v62, v34;
	v16 =	vadd.s32 v51, v36  }
0x126: {  	v19 =	vor.u32 v62, v1;
	v18 =	vld.idx.msk [tilespmem:v18+s4+$0x0], $0xffff;
	v17 =	vadd.s32 v57, v53  }
0x127: {  	v21 =	vld.idx.msk [tilespmem:v21+s4+$0x0], $0xffff;
	[tilespmem:v22+s13+$0x0] =	vst.idx.msk $0xffff, v20;
	v20 =	vor.u32 v46, v54;
	v22 =	vadd.s32 v57, v52  }
0x128: {  	[tilespmem:v42+s13+$0x0] =	vst.idx.msk $0xffff, v10;
	v10 =	vor.u32 v46, v55;
	v14 =	vld.idx.msk [tilespmem:v14+s4+$0x0], $0xffff;
	v41 =	vadd.s32 v57, v56  }
0x129: {  	[tilespmem:v40+s13+$0x0] =	vst.idx.msk $0xffff, v6;
	v6 =	vor.u32 v46, v59;
	v8 =	vld.idx.msk [tilespmem:v8+s4+$0x0], $0xffff;
	v42 =	vadd.s32 v57, v58  }
0x12a: {  	[tilespmem:v16+s13+$0x0] =	vst.idx.msk $0xffff, v4;
	v4 =	vor.u32 v46, v61;
	v12 =	vld.idx.msk [tilespmem:v12+s4+$0x0], $0xffff;
	v16 =	vadd.s32 v57, v33  }
0x12b: {  	[tilespmem:v17+s13+$0x0] =	vst.idx.msk $0xffff, v18;
	v17 =	vld.idx.msk [tilespmem:v19+s4+$0x0], $0xffff;
	v18 =	vor.u32 v46, v34;
	v19 =	vadd.s32 v57, v36  }
0x12c: {  	[tilespmem:v22+s13+$0x0] =	vst.idx.msk $0xffff, v21;
	v21 =	vadd.s32 v32, v53;
	v22 =	vor.u32 v46, v1;
	v20 =	vld.idx.msk [tilespmem:v20+s4+$0x0], $0xffff  }
0x12d: {  	v40 =	vadd.s32 v32, v52;
	[tilespmem:v41+s13+$0x0] =	vst.idx.msk $0xffff, v14;
	v14 =	vor.u32 v0, v54;
	v10 =	vld.idx.msk [tilespmem:v10+s4+$0x0], $0xffff  }
0x12e: {  	[tilespmem:v42+s13+$0x0] =	vst.idx.msk $0xffff, v8;
	v8 =	vor.u32 v0, v55;
	v41 =	vadd.s32 v32, v56;
	v6 =	vld.idx.msk [tilespmem:v6+s4+$0x0], $0xffff  }
0x12f: {  	[tilespmem:v16+s13+$0x0] =	vst.idx.msk $0xffff, v12;
	v12 =	vor.u32 v0, v59;
	v16 =	vadd.s32 v32, v58;
	v4 =	vld.idx.msk [tilespmem:v4+s4+$0x0], $0xffff  }
0x130: {  	[tilespmem:v19+s13+$0x0] =	vst.idx.msk $0xffff, v17;
	v17 =	vor.u32 v0, v61;
	v18 =	vld.idx.msk [tilespmem:v18+s4+$0x0], $0xffff;
	v19 =	vadd.s32 v32, v33  }
0x131: {  	[tilespmem:v21+s13+$0x0] =	vst.idx.msk $0xffff, v20;
	v20 =	vld.idx.msk [tilespmem:v22+s4+$0x0], $0xffff;
	v21 =	vor.u32 v0, v34;
	v22 =	vadd.s32 v32, v36  }
0x132: {  	v42 =	vor.u32 v0, v1;
	[tilespmem:v40+s13+$0x0] =	vst.idx.msk $0xffff, v10;
	v10 =	vadd.s32 v2, v53;
	v14 =	vld.idx.msk [tilespmem:v14+s4+$0x0], $0xffff  }
0x133: {  	[tilespmem:v41+s13+$0x0] =	vst.idx.msk $0xffff, v6;
	v6 =	vor.u32 v25, v54;
	v40 =	vadd.s32 v2, v52;
	v8 =	vld.idx.msk [tilespmem:v8+s4+$0x0], $0xffff  }
0x134: {  	[tilespmem:v16+s13+$0x0] =	vst.idx.msk $0xffff, v4;
	v4 =	vor.u32 v25, v55;
	v16 =	vadd.s32 v2, v56;
	v12 =	vld.idx.msk [tilespmem:v12+s4+$0x0], $0xffff  }
0x135: {  	v17 =	vld.idx.msk [tilespmem:v17+s4+$0x0], $0xffff;
	[tilespmem:v19+s13+$0x0] =	vst.idx.msk $0xffff, v18;
	v18 =	vor.u32 v25, v59;
	v19 =	vadd.s32 v2, v58  }
0x136: {  	[tilespmem:v22+s13+$0x0] =	vst.idx.msk $0xffff, v20;
	v20 =	vor.u32 v25, v61;
	v21 =	vld.idx.msk [tilespmem:v21+s4+$0x0], $0xffff;
	v22 =	vadd.s32 v2, v33  }
0x137: {  	v41 =	vadd.s32 v2, v36;
	[tilespmem:v10+s13+$0x0] =	vst.idx.msk $0xffff, v14;
	v10 =	vld.idx.msk [tilespmem:v42+s4+$0x0], $0xffff;
	v14 =	vor.u32 v25, v34  }
0x138: {  	[tilespmem:v40+s13+$0x0] =	vst.idx.msk $0xffff, v8;
	v8 =	vadd.s32 v45, v53;
	v42 =	vor.u32 v25, v1;
	v6 =	vld.idx.msk [tilespmem:v6+s4+$0x0], $0xffff  }
0x139: {  	[tilespmem:v16+s13+$0x0] =	vst.idx.msk $0xffff, v12;
	v12 =	vor.u32 v44, v54;
	v16 =	vadd.s32 v45, v52;
	v4 =	vld.idx.msk [tilespmem:v4+s4+$0x0], $0xffff  }
0x13a: {  	[tilespmem:v19+s13+$0x0] =	vst.idx.msk $0xffff, v17;
	v17 =	vor.u32 v44, v55;
	v19 =	vadd.s32 v45, v56;
	v18 =	vld.idx.msk [tilespmem:v18+s4+$0x0], $0xffff  }
0x13b: {  	[tilespmem:v22+s13+$0x0] =	vst.idx.msk $0xffff, v21;
	v21 =	vor.u32 v44, v59;
	v20 =	vld.idx.msk [tilespmem:v20+s4+$0x0], $0xffff;
	v22 =	vadd.s32 v45, v58  }
0x13c: {  	v59 =	vadd.s32 v45, v33;
	[tilespmem:v41+s13+$0x0] =	vst.idx.msk $0xffff, v10;
	v10 =	vor.u32 v44, v61;
	v14 =	vld.idx.msk [tilespmem:v14+s4+$0x0], $0xffff  }
0x13d: {  	v61 =	vadd.s32 v45, v36;
	[tilespmem:v8+s13+$0x0] =	vst.idx.msk $0xffff, v6;
	v6 =	vor.u32 v44, v34;
	v8 =	vld.idx.msk [tilespmem:v42+s4+$0x0], $0xffff  }
0x13e: {  	v1 =	vor.u32 v44, v1;
	[tilespmem:v16+s13+$0x0] =	vst.idx.msk $0xffff, v4;
	v4 =	vadd.s32 v3, v53;
	v12 =	vld.idx.msk [tilespmem:v12+s4+$0x0], $0xffff  }
0x13f: {  	[tilespmem:v19+s13+$0x0] =	vst.idx.msk $0xffff, v18;
	v16 =	vld.idx.msk [tilespmem:v17+s4+$0x0], $0xffff;
	v17 =	vadd.s32 v3, v52  }
0x140: {  	v18 =	vadd.s32 v3, v56;
	[tilespmem:v22+s13+$0x0] =	vst.idx.msk $0xffff, v20;
	v19 =	vld.idx.msk [tilespmem:v21+s4+$0x0], $0xffff  }
0x141: {  	[tilespmem:v59+s13+$0x0] =	vst.idx.msk $0xffff, v14;
	v10 =	vld.idx.msk [tilespmem:v10+s4+$0x0], $0xffff;
	v14 =	vadd.s32 v3, v58  }
0x142: {  	[tilespmem:v61+s13+$0x0] =	vst.idx.msk $0xffff, v8;
	v8 =	vadd.s32 v3, v33;
	v6 =	vld.idx.msk [tilespmem:v6+s4+$0x0], $0xffff  }
0x143: {  	[tilespmem:v4+s13+$0x0] =	vst.idx.msk $0xffff, v12;
	v1 =	vld.idx.msk [tilespmem:v1+s4+$0x0], $0xffff;
	v4 =	vadd.s32 v3, v36  }
0x144: {  	[tilespmem:v17+s13+$0x0] =	vst.idx.msk $0xffff, v16  }
0x145: {  	[tilespmem:v18+s13+$0x0] =	vst.idx.msk $0xffff, v19  }
0x146: {  	[tilespmem:v14+s13+$0x0] =	vst.idx.msk $0xffff, v10  }
0x147: {  	[tilespmem:v8+s13+$0x0] =	vst.idx.msk $0xffff, v6  }
0x148: {  	[tilespmem:v4+s13+$0x0] =	vst.idx.msk $0xffff, v1  }
0x149: {  	v1 =	vld [tilespmem:$0xFFF0];
	_ =	sdelay $0x4  }
0x14a: {  	v1 =	vadd.f32 $0.0e+00, v1;
	_ =	sdelay $0x1  }
0x14b: {  	v37 =	vmov v13;
	v13 =	vmov v48;
	v38 =	vlaneseq.u32;
	[tilespmem:$0xFFF0] =	vst v1  }
0x14c: {  	v35 =	vmovc v15;
	v39 =	vmovc v23;
	v15 =	vmov v49;
	v23 =	vmov v3;
	v40 =	vmov v32;
	[hbm4b:s8+s4] =	stream.linear.scatter [tilespmem:s13], [sflag:$0x5], $0x8000, $0x38;
	[tilespmem:$0x18000] =	vst v63  }
0x14d: {  	v32 =	vmovc v11;
	v11 =	vmovc v47;
	v41 =	vmov v0;
	v0 =	vmov v5;
	v5 =	vmov v28;
	_ =	swait.ge [sflag:s15], $0x8000  }
0x14e: {  	v28 =	vmovc v60;
	v22 =	vmovc v50;
	v3 =	vmov v27;
	v27 =	vmov v63;
	v16 =	vmov v7;
	[sflag:s15] =	ssyncset.done $0x0  }
0x14f: {  	v17 =	vmovc v9;
	v7 =	vmovc v29;
	v9 =	vmov v30;
	v29 =	vmov v43;
	v30 =	vmov v57;
	[sflag:s15] =	ssyncadd.s32 $0xFFFF8000  }
.LBB2_5:
.Ltmp4:
0x150: {  	(pc) =	sbr.rel .LBB2_6-.Ltmp4, $4  }
0x151: {  	s24 =	simm.s32 $0x0  }
0x152: {  	[tilespmem:s24], [sflag:$0x1] =	stream.strided.gather [hbm4b:s7+s14], $0x4000, s16, s14, $0x38;
	[tilespmem:$0x18000] =	vst v63  }
0x153: {  	s25 =	simm.s32 $0x0  }
0x154: {  	[tilespmem:s17], [sflag:$0x2] =	stream.strided.gather [hbm4b:s9+s14], $0x4000, s16, s14, $0x38;
	[tilespmem:$0x18000] =	vst v63  }
.LBB2_12:
0x155: {  	s25 =	sadd.s32 $0x1, s25  }
0x156: {  	p1 =	sne.s32 s25, $0x3E  }
.Ltmp5:
0x157: {  	_ = 	snop;
	(pc) =	sbr.rel @!p1 .LBB2_13-.Ltmp5, $2  }
0x158: {  	_ =	sdelay $0x2  }
0x159: {  	v23 =	vld [tilespmem:$0x1FF50]  }
.LBB2_6:
0x15a: {  	v1 =	vadd.s32 s24, v38  }
0x15b: {  	v4 =	vadd.s32 s24, v24;
	s26 =	simm.s32 $0x1;
	vm0 =	vgt.u32 v1, $0x3F  }
0x15c: {  	v1 =	vsel vm0, v4, v1;
	v4 =	vadd.s32 s26, v38  }
0x15d: {  	v8 =	vadd.s32 s26, v24;
	v6 =	vshll.u32 v1, $0x8;
	vm10 =	vgt.u32 v4, $0x3F  }
0x15e: {  	v10 =	vshll.u32 v1, $0x7;
	v6 =	vand.u32 $0xFFFFF800, v6;
	v57 =	vsel vm10, v8, v4  }
0x15f: {  	v4 =	vand.u32 $0x380, v10;
	v8 =	vshll.u32 v57, $0x8;
	v10 =	vshll.u32 v57, $0x7  }
0x160: {  	_ =	swait.ge [sflag:s18], $0x4000;
	v36 =	vor.u32 v4, v6;
	v4 =	vand.u32 $0xFFFFF800, v8;
	v6 =	vand.u32 $0x380, v10  }
0x161: {  	p1 =	seq.s32 s25, $0x0;
	[sflag:s18] =	ssyncset.done $0x0;
	v8 =	vor.u32 v38, v36;
	v59 =	vor.u32 v6, v4  }
0x162: {  	[sflag:s18] =	ssyncadd.s32 $0xFFFFC000;
	s26 =	simm.s32 @!p1 $0x3;
	v4 =	vor.u32 v38, v59  }
0x163: {  	_ =	swait.ge @!p1 [sflag:s26], $0x8000  }
0x164: {  	[sflag:s26] =	ssyncset.done @!p1 $0x0  }
0x165: {  	[sflag:s26] =	ssyncadd.s32 @!p1 $0xFFFF8000  }
0x166: {  	v6 =	vld.idx.msk [tilespmem:v8+s4+$0x0], $0xffff;
	v8 =	vadd.s32 v3, v1  }
0x167: {  	v12 =	vadd.s32 v3, v57;
	v10 =	vor.u32 v0, v36;
	v4 =	vld.idx.msk [tilespmem:v4+s4+$0x0], $0xffff  }
0x168: {  	v14 =	vor.u32 v0, v59;
	_ =	sdelay $0x2  }
0x169: {  	[tilespmem:v8+s13+$0x0] =	vst.idx.msk $0xffff, v6  }
0x16a: {  	v6 =	vld.idx.msk [tilespmem:v10+s4+$0x0], $0xffff;
	[tilespmem:v12+s13+$0x0] =	vst.idx.msk $0xffff, v4;
	v4 =	vadd.s32 v5, v1  }
0x16b: {  	v10 =	vor.u32 v16, v36;
	v12 =	vadd.s32 v5, v57;
	v8 =	vld.idx.msk [tilespmem:v14+s4+$0x0], $0xffff  }
0x16c: {  	v14 =	vor.u32 v16, v59;
	_ =	sdelay $0x2  }
0x16d: {  	[tilespmem:v4+s13+$0x0] =	vst.idx.msk $0xffff, v6  }
0x16e: {  	v6 =	vadd.s32 v7, v1;
	v4 =	vld.idx.msk [tilespmem:v10+s4+$0x0], $0xffff;
	[tilespmem:v12+s13+$0x0] =	vst.idx.msk $0xffff, v8  }
0x16f: {  	v10 =	vor.u32 v17, v36;
	v12 =	vadd.s32 v7, v57;
	v8 =	vld.idx.msk [tilespmem:v14+s4+$0x0], $0xffff  }
0x170: {  	v14 =	vor.u32 v17, v59;
	_ =	sdelay $0x2  }
0x171: {  	v42 =	vmov v28;
	s31 =	simm.s32 $0x2;
	v28 =	vmov v16;
	v16 =	vadd.s32 v9, v57;
	[tilespmem:v6+s13+$0x0] =	vst.idx.msk $0xffff, v4  }
0x172: {  	v6 =	vadd.s32 s31, v38;
	v10 =	vld.idx.msk [tilespmem:v10+s4+$0x0], $0xffff;
	[tilespmem:v12+s13+$0x0] =	vst.idx.msk $0xffff, v8;
	v8 =	vadd.s32 v9, v1  }
0x173: {  	v4 =	vadd.s32 s31, v24;
	vm11 =	vgt.u32 v6, $0x3F;
	v12 =	vld.idx.msk [tilespmem:v14+s4+$0x0], $0xffff;
	v14 =	vor.u32 v32, v36  }
0x174: {  	s3 =	simm.s32 $0x3;
	v53 =	vsel vm11, v4, v6;
	v4 =	vor.u32 v32, v59  }
0x175: {  	v43 =	vmovc v29;
	v29 =	vmovc v17;
	v19 =	vadd.s32 s3, v38;
	v17 =	vshll.u32 v53, $0x8;
	v18 =	vshll.u32 v53, $0x7  }
0x176: {  	vm12 =	vgt.u32 v19, $0x3F;
	v17 =	vand.u32 $0xFFFFF800, v17;
	v18 =	vand.u32 $0x380, v18  }
0x177: {  	v6 =	vadd.s32 v31, v1;
	v54 =	vor.u32 v18, v17;
	[tilespmem:v8+s13+$0x0] =	vst.idx.msk $0xffff, v10;
	v8 =	vadd.s32 s3, v24  }
0x178: {  	v10 =	vld.idx.msk [tilespmem:v14+s4+$0x0], $0xffff;
	[tilespmem:v16+s13+$0x0] =	vst.idx.msk $0xffff, v12;
	v52 =	vsel vm12, v8, v19;
	v8 =	vor.u32 v37, v36  }
0x179: {  	v16 =	vadd.s32 v31, v57;
	v4 =	vld.idx.msk [tilespmem:v4+s4+$0x0], $0xffff;
	v12 =	vshll.u32 v52, $0x8;
	v14 =	vshll.u32 v52, $0x7  }
0x17a: {  	v17 =	vor.u32 v37, v59;
	v12 =	vand.u32 $0xFFFFF800, v12;
	v14 =	vand.u32 $0x380, v14  }
0x17b: {  	v18 =	vor.u32 v38, v54;
	v55 =	vor.u32 v14, v12  }
0x17c: {  	v12 =	vor.u32 v38, v55  }
0x17d: {  	[tilespmem:v6+s13+$0x0] =	vst.idx.msk $0xffff, v10  }
0x17e: {  	v6 =	vld.idx.msk [tilespmem:v8+s4+$0x0], $0xffff;
	[tilespmem:v16+s13+$0x0] =	vst.idx.msk $0xffff, v4;
	v4 =	vadd.s32 v11, v1  }
0x17f: {  	v14 =	vadd.s32 v11, v57;
	v10 =	vor.u32 v35, v36;
	v8 =	vld.idx.msk [tilespmem:v17+s4+$0x0], $0xffff  }
0x180: {  	v16 =	vld.idx.msk [tilespmem:v18+s4+$0x0], $0xffff;
	v18 =	vor.u32 v35, v59;
	v17 =	vadd.s32 v3, v53  }
0x181: {  	v19 =	vor.u32 v0, v54;
	v20 =	vadd.s32 v3, v52;
	v12 =	vld.idx.msk [tilespmem:v12+s4+$0x0], $0xffff  }
0x182: {  	v21 =	vor.u32 v0, v55  }
0x183: {  	[tilespmem:v4+s13+$0x0] =	vst.idx.msk $0xffff, v6  }
0x184: {  	v6 =	vadd.s32 v13, v1;
	v4 =	vld.idx.msk [tilespmem:v10+s4+$0x0], $0xffff;
	[tilespmem:v14+s13+$0x0] =	vst.idx.msk $0xffff, v8  }
0x185: {  	[tilespmem:v17+s13+$0x0] =	vst.idx.msk $0xffff, v16;
	v10 =	vor.u32 v39, v36;
	v14 =	vadd.s32 v13, v57;
	v8 =	vld.idx.msk [tilespmem:v18+s4+$0x0], $0xffff  }
0x186: {  	v17 =	vor.u32 v39, v59;
	v16 =	vld.idx.msk [tilespmem:v19+s4+$0x0], $0xffff;
	[tilespmem:v20+s13+$0x0] =	vst.idx.msk $0xffff, v12;
	v12 =	vadd.s32 v5, v53  }
0x187: {  	v19 =	vor.u32 v28, v54;
	v20 =	vadd.s32 v5, v52;
	v18 =	vld.idx.msk [tilespmem:v21+s4+$0x0], $0xffff  }
0x188: {  	v21 =	vor.u32 v28, v55  }
0x189: {  	[tilespmem:v6+s13+$0x0] =	vst.idx.msk $0xffff, v4  }
0x18a: {  	v6 =	vadd.s32 v15, v1;
	v4 =	vld.idx.msk [tilespmem:v10+s4+$0x0], $0xffff;
	[tilespmem:v14+s13+$0x0] =	vst.idx.msk $0xffff, v8  }
0x18b: {  	v10 =	vor.u32 v22, v36;
	[tilespmem:v12+s13+$0x0] =	vst.idx.msk $0xffff, v16;
	v8 =	vld.idx.msk [tilespmem:v17+s4+$0x0], $0xffff;
	v12 =	vadd.s32 v15, v57  }
0x18c: {  	v16 =	vadd.s32 v7, v53;
	v17 =	vor.u32 v22, v59;
	v14 =	vld.idx.msk [tilespmem:v19+s4+$0x0], $0xffff;
	[tilespmem:v20+s13+$0x0] =	vst.idx.msk $0xffff, v18  }
0x18d: {  	s31 =	simm.s32 $0x4;
	v19 =	vor.u32 v29, v54;
	v20 =	vadd.s32 v7, v52;
	v18 =	vld.idx.msk [tilespmem:v21+s4+$0x0], $0xffff  }
0x18e: {  	v50 =	vmov v22;
	v22 =	vadd.s32 s31, v38;
	v21 =	vor.u32 v29, v55  }
0x18f: {  	vm13 =	vgt.u32 v22, $0x3F;
	[tilespmem:v6+s13+$0x0] =	vst.idx.msk $0xffff, v4;
	v4 =	vadd.s32 s31, v24  }
0x190: {  	v6 =	vadd.s32 v43, v1;
	v10 =	vld.idx.msk [tilespmem:v10+s4+$0x0], $0xffff;
	[tilespmem:v12+s13+$0x0] =	vst.idx.msk $0xffff, v8;
	v56 =	vsel vm13, v4, v22  }
0x191: {  	v8 =	vadd.s32 v43, v57;
	[tilespmem:v16+s13+$0x0] =	vst.idx.msk $0xffff, v14;
	v4 =	vld.idx.msk [tilespmem:v17+s4+$0x0], $0xffff;
	v14 =	vor.u32 v42, v36  }
0x192: {  	v16 =	vadd.s32 v9, v53;
	v12 =	vld.idx.msk [tilespmem:v19+s4+$0x0], $0xffff;
	[tilespmem:v20+s13+$0x0] =	vst.idx.msk $0xffff, v18;
	v19 =	vor.u32 v42, v59  }
0x193: {  	v33 =	vor.u32 v32, v54;
	v20 =	vadd.s32 v9, v52;
	v18 =	vld.idx.msk [tilespmem:v21+s4+$0x0], $0xffff  }
0x194: {  	v34 =	vor.u32 v32, v55;
	v17 =	vadd.s32 v27, v1;
	v22 =	vshll.u32 v56, $0x7  }
0x195: {  	s3 =	simm.s32 $0x5;
	v22 =	vand.u32 $0x380, v22;
	v21 =	vshll.u32 v56, $0x8;
	[tilespmem:v6+s13+$0x0] =	vst.idx.msk $0xffff, v10;
	v6 =	vadd.s32 v31, v53  }
0x196: {  	v21 =	vand.u32 $0xFFFFF800, v21;
	v10 =	vadd.s32 s3, v38;
	[tilespmem:v8+s13+$0x0] =	vst.idx.msk $0xffff, v4;
	v4 =	vld.idx.msk [tilespmem:v14+s4+$0x0], $0xffff;
	v8 =	vor.u32 v26, v36  }
0x197: {  	vm14 =	vgt.u32 v10, $0x3F;
	v14 =	vadd.s32 s3, v24;
	[tilespmem:v16+s13+$0x0] =	vst.idx.msk $0xffff, v12;
	v12 =	vld.idx.msk [tilespmem:v19+s4+$0x0], $0xffff;
	v16 =	vadd.s32 v27, v57  }
0x198: {  	v58 =	vsel vm14, v14, v10;
	v14 =	vor.u32 v26, v59;
	[tilespmem:v20+s13+$0x0] =	vst.idx.msk $0xffff, v18;
	v18 =	vld.idx.msk [tilespmem:v33+s4+$0x0], $0xffff  }
0x199: {  	v60 =	vor.u32 v22, v21;
	v22 =	vadd.s32 v31, v52;
	v10 =	vor.u32 v37, v54  }
0x19a: {  	v49 =	vor.u32 v38, v60;
	v20 =	vshll.u32 v58, $0x8;
	v21 =	vshll.u32 v58, $0x7;
	v19 =	vld.idx.msk [tilespmem:v34+s4+$0x0], $0xffff  }
0x19b: {  	v48 =	vor.u32 v37, v55;
	v20 =	vand.u32 $0xFFFFF800, v20;
	v21 =	vand.u32 $0x380, v21;
	[tilespmem:v17+s13+$0x0] =	vst.idx.msk $0xffff, v4  }
0x19c: {  	v61 =	vor.u32 v21, v20;
	v8 =	vld.idx.msk [tilespmem:v8+s4+$0x0], $0xffff;
	[tilespmem:v16+s13+$0x0] =	vst.idx.msk $0xffff, v12;
	v12 =	vadd.s32 v51, v1  }
0x19d: {  	v4 =	vor.u32 v38, v61;
	v16 =	vadd.s32 v51, v57;
	[tilespmem:v6+s13+$0x0] =	vst.idx.msk $0xffff, v18;
	v6 =	vld.idx.msk [tilespmem:v14+s4+$0x0], $0xffff  }
0x19e: {  	v17 =	vadd.s32 v11, v53;
	v14 =	vor.u32 v62, v36;
	v10 =	vld.idx.msk [tilespmem:v10+s4+$0x0], $0xffff  }
0x19f: {  	v33 =	vadd.s32 v3, v56;
	v18 =	vor.u32 v62, v59;
	[tilespmem:v22+s13+$0x0] =	vst.idx.msk $0xffff, v19;
	v22 =	vld.idx.msk [tilespmem:v49+s4+$0x0], $0xffff  }
0x1a0: {  	v20 =	vor.u32 v35, v54;
	v21 =	vadd.s32 v11, v52;
	v19 =	vld.idx.msk [tilespmem:v48+s4+$0x0], $0xffff  }
0x1a1: {  	v34 =	vor.u32 v35, v55;
	v48 =	vmov v35;
	v35 =	vor.u32 v0, v60;
	[tilespmem:v12+s13+$0x0] =	vst.idx.msk $0xffff, v8  }
0x1a2: {  	v62 =	vadd.s32 v3, v58;
	v4 =	vld.idx.msk [tilespmem:v4+s4+$0x0], $0xffff;
	[tilespmem:v16+s13+$0x0] =	vst.idx.msk $0xffff, v6  }
0x1a3: {  	v8 =	vor.u32 v0, v61;
	v12 =	vld.idx.msk [tilespmem:v14+s4+$0x0], $0xffff;
	[tilespmem:v17+s13+$0x0] =	vst.idx.msk $0xffff, v10;
	v10 =	vadd.s32 v30, v1  }
0x1a4: {  	v14 =	vld.idx.msk [tilespmem:v18+s4+$0x0], $0xffff;
	v17 =	vor.u32 v46, v36;
	v18 =	vadd.s32 v30, v57;
	[tilespmem:v33+s13+$0x0] =	vst.idx.msk $0xffff, v22  }
0x1a5: {  	v16 =	vld.idx.msk [tilespmem:v20+s4+$0x0], $0xffff;
	[tilespmem:v21+s13+$0x0] =	vst.idx.msk $0xffff, v19;
	v19 =	vadd.s32 v13, v53;
	v21 =	vor.u32 v46, v59  }
0x1a6: {  	v47 =	vmov v37;
	s31 =	simm.s32 $0x6;
	v37 =	vadd.s32 v5, v56;
	v22 =	vld.idx.msk [tilespmem:v35+s4+$0x0], $0xffff  }
0x1a7: {  	v49 =	vmov v39;
	v33 =	vadd.s32 s31, v38;
	v20 =	vld.idx.msk [tilespmem:v34+s4+$0x0], $0xffff;
	[tilespmem:v62+s13+$0x0] =	vst.idx.msk $0xffff, v4;
	v34 =	vadd.s32 v13, v52  }
0x1a8: {  	v4 =	vor.u32 v39, v54;
	v8 =	vld.idx.msk [tilespmem:v8+s4+$0x0], $0xffff;
	[tilespmem:v10+s13+$0x0] =	vst.idx.msk $0xffff, v12;
	v10 =	vadd.s32 v5, v58  }
0x1a9: {  	v38 =	vor.u32 v39, v55;
	[tilespmem:v18+s13+$0x0] =	vst.idx.msk $0xffff, v14;
	v14 =	vadd.s32 v40, v1;
	v12 =	vld.idx.msk [tilespmem:v17+s4+$0x0], $0xffff  }
0x1aa: {  	v39 =	vor.u32 v28, v60;
	v18 =	vadd.s32 v40, v57;
	[tilespmem:v19+s13+$0x0] =	vst.idx.msk $0xffff, v16;
	v16 =	vld.idx.msk [tilespmem:v21+s4+$0x0], $0xffff  }
0x1ab: {  	v6 =	vadd.s32 s31, v24;
	vm15 =	vgt.u32 v33, $0x3F;
	[tilespmem:v37+s13+$0x0] =	vst.idx.msk $0xffff, v22  }
0x1ac: {  	v63 =	vmov v32;
	v33 =	vsel vm15, v6, v33;
	v6 =	vor.u32 v28, v61;
	[tilespmem:v34+s13+$0x0] =	vst.idx.msk $0xffff, v20  }
0x1ad: {  	v32 =	vmov v40;
	v30 =	vmov v9;
	v19 =	vadd.s32 v15, v53;
	v4 =	vld.idx.msk [tilespmem:v4+s4+$0x0], $0xffff;
	[tilespmem:v10+s13+$0x0] =	vst.idx.msk $0xffff, v8  }
0x1ae: {  	v21 =	vld.idx.msk [tilespmem:v38+s4+$0x0], $0xffff;
	v8 =	vor.u32 v50, v54;
	v10 =	vadd.s32 v15, v52;
	[tilespmem:v14+s13+$0x0] =	vst.idx.msk $0xffff, v12  }
0x1af: {  	v22 =	vld.idx.msk [tilespmem:v39+s4+$0x0], $0xffff;
	v34 =	vadd.s32 v7, v56;
	v39 =	vor.u32 v50, v55;
	[tilespmem:v18+s13+$0x0] =	vst.idx.msk $0xffff, v16  }
0x1b0: {  	v9 =	vmovc v29;
	v35 =	vadd.s32 v23, v1;
	v62 =	vmovc v26;
	v26 =	vmov v49;
	v17 =	vor.u32 v41, v36;
	v2 =	vld [tilespmem:$0x1FCD0]  }
0x1b1: {  	v20 =	vor.u32 v41, v59;
	v6 =	vld.idx.msk [tilespmem:v6+s4+$0x0], $0xffff;
	v12 =	vor.u32 v29, v60;
	v14 =	vadd.s32 v7, v58  }
0x1b2: {  	v16 =	vor.u32 v29, v61;
	v29 =	vmovc v7;
	v7 =	vmov v28;
	v28 =	vmov v5;
	[tilespmem:v19+s13+$0x0] =	vst.idx.msk $0xffff, v4  }
0x1b3: {  	v5 =	vmov v0;
	v0 =	vmov v41;
	v4 =	vadd.s32 v43, v53;
	v41 =	vld.idx.msk [tilespmem:v8+s4+$0x0], $0xffff;
	[tilespmem:v10+s13+$0x0] =	vst.idx.msk $0xffff, v21  }
0x1b4: {  	v37 =	vadd.s32 v27, v53;
	[tilespmem:v34+s13+$0x0] =	vst.idx.msk $0xffff, v22;
	v43 =	vadd.s32 v43, v52;
	v22 =	vld.idx.msk [tilespmem:v39+s4+$0x0], $0xffff  }
0x1b5: {  	v49 =	vmovc v15;
	v38 =	vadd.s32 v45, v1;
	v15 =	vmov v48;
	v18 =	vld.idx.msk [tilespmem:v17+s4+$0x0], $0xffff;
	v1 =	vadd.s32 v2, v1  }
0x1b6: {  	v48 =	vmovc v13;
	v13 =	vmov v47;
	v20 =	vld.idx.msk [tilespmem:v20+s4+$0x0], $0xffff;
	v10 =	vor.u32 v25, v36;
	v40 =	vadd.s32 v2, v57  }
0x1b7: {  	v47 =	vmov v11;
	v19 =	vadd.s32 v30, v56;
	v39 =	vor.u32 v25, v59;
	[tilespmem:v14+s13+$0x0] =	vst.idx.msk $0xffff, v6  }
0x1b8: {  	v11 =	vmov v63;
	v17 =	vld.idx.msk [tilespmem:v12+s4+$0x0], $0xffff;
	v12 =	vmov v42;
	v42 =	vor.u32 v42, v54;
	[tilespmem:v4+s13+$0x0] =	vst.idx.msk $0xffff, v41  }
0x1b9: {  	v63 =	vmov v27;
	v8 =	vadd.s32 v31, v56;
	v21 =	vadd.s32 v30, v58;
	[tilespmem:v43+s13+$0x0] =	vst.idx.msk $0xffff, v22  }
0x1ba: {  	v27 =	vmovc v3;
	v3 =	vlaneseq.u32;
	v6 =	vshll.u32 v33, $0x8;
	v12 =	vor.u32 v12, v55;
	[tilespmem:v1+s13+$0x0] =	vst.idx.msk $0xffff, v18;
	v18 =	vld.idx.msk [tilespmem:v16+s4+$0x0], $0xffff  }
0x1bb: {  	v4 =	vand.u32 $0xFFFFF800, v6;
	v6 =	vor.u32 v44, v36;
	[tilespmem:v40+s13+$0x0] =	vst.idx.msk $0xffff, v20;
	v1 =	vshll.u32 v33, $0x7;
	v14 =	vld.idx.msk [tilespmem:v10+s4+$0x0], $0xffff  }
0x1bc: {  	s28 =	sshllo.u32 s25, $0x1;
	v20 =	vor.u32 v11, v60;
	v40 =	vor.u32 v11, v61;
	v1 =	vand.u32 $0x380, v1;
	v39 =	vld.idx.msk [tilespmem:v39+s4+$0x0], $0xffff  }
0x1bd: {  	s30 =	simm.s32 $0x7;
	s29 =	simm.s32 $0x8;
	s26 =	sshll.u32 s25, $0x1;
	v16 =	vadd.s32 v45, v57;
	v10 =	vld.idx.msk [tilespmem:v42+s4+$0x0], $0xffff;
	v34 =	vor.u32 v1, v4;
	v4 =	vor.u32 v62, v54  }
.LBB2_7:
0x1be: {  	_ =	sdelay $0x3  }
0x1bf: {  	[tilespmem:v19+s13+$0x0] =	vst.idx.msk $0xffff, v17;
	v12 =	vld.idx.msk [tilespmem:v12+s4+$0x0], $0xffff;
	v17 =	vor.u32 v44, v59  }
0x1c0: {  	v1 =	vadd.s32 s30, v3;
	v59 =	vmovc v55;
	v19 =	vadd.s32 s30, v24;
	[tilespmem:v21+s13+$0x0] =	vst.idx.msk $0xffff, v18;
	v18 =	vadd.s32 v63, v52;
	v43 =	vld [tilespmem:$0x1FF10]  }
0x1c1: {  	v41 =	vadd.s32 v31, v58;
	v55 =	vmovc v61;
	vm0 =	vgt.u32 v1, $0x3F;
	v20 =	vld.idx.msk [tilespmem:v20+s4+$0x0], $0xffff;
	v22 =	vor.u32 v62, v59  }
0x1c2: {  	v21 =	vld.idx.msk [tilespmem:v40+s4+$0x0], $0xffff;
	v1 =	vsel vm0, v19, v1;
	v19 =	vor.u32 v13, v60;
	[tilespmem:v38+s13+$0x0] =	vst.idx.msk $0xffff, v14  }
0x1c3: {  	v42 =	vor.u32 v13, v55;
	[tilespmem:v16+s13+$0x0] =	vst.idx.msk $0xffff, v39;
	v36 =	vshll.u32 v1, $0x8;
	v44 =	vshll.u32 v1, $0x7;
	v6 =	vld.idx.msk [tilespmem:v6+s4+$0x0], $0xffff  }
0x1c4: {  	v14 =	vand.u32 $0xFFFFF800, v36;
	v40 =	vand.u32 $0x380, v44;
	[tilespmem:v37+s13+$0x0] =	vst.idx.msk $0xffff, v10;
	v10 =	vld.idx.msk [tilespmem:v17+s4+$0x0], $0xffff  }
0x1c5: {  	v16 =	vor.u32 v3, v34;
	v61 =	vor.u32 v40, v14;
	v4 =	vld.idx.msk [tilespmem:v4+s4+$0x0], $0xffff;
	[tilespmem:v18+s13+$0x0] =	vst.idx.msk $0xffff, v12  }
0x1c6: {  	v12 =	vadd.s32 v23, v57;
	v14 =	vor.u32 v3, v61;
	[tilespmem:v8+s13+$0x0] =	vst.idx.msk $0xffff, v20;
	v17 =	vld.idx.msk [tilespmem:v22+s4+$0x0], $0xffff  }
0x1c7: {  	v57 =	vmov v52;
	v8 =	vadd.s32 v51, v53;
	[tilespmem:v41+s13+$0x0] =	vst.idx.msk $0xffff, v21;
	v18 =	vld.idx.msk [tilespmem:v19+s4+$0x0], $0xffff  }
0x1c8: {  	v37 =	vor.u32 v15, v60;
	v20 =	vadd.s32 v51, v57;
	v22 =	vld.idx.msk [tilespmem:v42+s4+$0x0], $0xffff  }
0x1c9: {  	v52 =	vmovc v58;
	v36 =	vor.u32 v43, v59;
	v21 =	vadd.s32 v47, v56;
	v19 =	vor.u32 v43, v54;
	v43 =	vld [tilespmem:$0x1FF20]  }
0x1ca: {  	v58 =	vmov v1;
	v44 =	vadd.s32 v47, v52;
	v16 =	vld.idx.msk [tilespmem:v16+s4+$0x0], $0xffff;
	[tilespmem:v35+s13+$0x0] =	vst.idx.msk $0xffff, v6  }
0x1cb: {  	v1 =	vmov v56;
	v56 =	vmov v33;
	v6 =	vadd.s32 v27, v33;
	v14 =	vld.idx.msk [tilespmem:v14+s4+$0x0], $0xffff;
	[tilespmem:v12+s13+$0x0] =	vst.idx.msk $0xffff, v10  }
0x1cc: {  	v42 =	vor.u32 v15, v55;
	v33 =	vadd.s32 s29, v3;
	v12 =	vadd.s32 v27, v58;
	[tilespmem:v8+s13+$0x0] =	vst.idx.msk $0xffff, v4  }
0x1cd: {  	v39 =	vmovc v54;
	v54 =	vmov v60;
	v60 =	vmov v34;
	vm15 =	vgt.u32 v33, $0x3F;
	[tilespmem:v20+s13+$0x0] =	vst.idx.msk $0xffff, v17  }
0x1ce: {  	v10 =	vor.u32 v5, v34;
	v8 =	vld.idx.msk [tilespmem:v19+s4+$0x0], $0xffff;
	[tilespmem:v21+s13+$0x0] =	vst.idx.msk $0xffff, v18;
	v18 =	vadd.s32 v43, v53  }
0x1cf: {  	v4 =	vor.u32 v5, v61;
	v19 =	vld.idx.msk [tilespmem:v36+s4+$0x0], $0xffff;
	[tilespmem:v44+s13+$0x0] =	vst.idx.msk $0xffff, v22;
	v22 =	vadd.s32 v43, v57  }
0x1d0: {  	v21 =	vor.u32 v46, v39;
	v20 =	vld.idx.msk [tilespmem:v37+s4+$0x0], $0xffff;
	[tilespmem:v6+s13+$0x0] =	vst.idx.msk $0xffff, v16;
	v6 =	vadd.s32 v48, v1  }
0x1d1: {  	v34 =	vor.u32 v46, v59;
	v16 =	vld.idx.msk [tilespmem:v42+s4+$0x0], $0xffff;
	[tilespmem:v12+s13+$0x0] =	vst.idx.msk $0xffff, v14;
	v14 =	vadd.s32 v48, v52  }
0x1d2: {  	v17 =	vadd.s32 s29, v24;
	v46 =	vadd.s32 v28, v58;
	v12 =	vor.u32 v26, v54  }
0x1d3: {  	v36 =	vadd.s32 v28, v56;
	v37 =	vor.u32 v26, v55;
	v10 =	vld.idx.msk [tilespmem:v10+s4+$0x0], $0xffff;
	[tilespmem:v18+s13+$0x0] =	vst.idx.msk $0xffff, v8  }
0x1d4: {  	v44 =	vor.u32 v7, v60;
	v33 =	vsel vm15, v17, v33;
	v4 =	vld.idx.msk [tilespmem:v4+s4+$0x0], $0xffff;
	[tilespmem:v22+s13+$0x0] =	vst.idx.msk $0xffff, v19  }
0x1d5: {  	v8 =	vor.u32 v7, v61;
	v17 =	vld.idx.msk [tilespmem:v21+s4+$0x0], $0xffff;
	[tilespmem:v6+s13+$0x0] =	vst.idx.msk $0xffff, v20;
	v6 =	vadd.s32 v32, v53  }
0x1d6: {  	v18 =	vld.idx.msk [tilespmem:v34+s4+$0x0], $0xffff;
	[tilespmem:v14+s13+$0x0] =	vst.idx.msk $0xffff, v16;
	v14 =	vor.u32 v0, v39  }
0x1d7: {  	v12 =	vld.idx.msk [tilespmem:v12+s4+$0x0], $0xffff;
	v16 =	vadd.s32 v32, v57  }
0x1d8: {  	v20 =	vor.u32 v0, v59;
	[tilespmem:v36+s13+$0x0] =	vst.idx.msk $0xffff, v10;
	v10 =	vadd.s32 v49, v1;
	v19 =	vld.idx.msk [tilespmem:v37+s4+$0x0], $0xffff  }
0x1d9: {  	v22 =	vadd.s32 v49, v52;
	v21 =	vld.idx.msk [tilespmem:v44+s4+$0x0], $0xffff;
	[tilespmem:v46+s13+$0x0] =	vst.idx.msk $0xffff, v4;
	v4 =	vor.u32 v50, v54  }
0x1da: {  	v40 =	vor.u32 v50, v55;
	v34 =	vadd.s32 v29, v56;
	v36 =	vld.idx.msk [tilespmem:v8+s4+$0x0], $0xffff;
	[tilespmem:v6+s13+$0x0] =	vst.idx.msk $0xffff, v17  }
0x1db: {  	v41 =	vor.u32 v9, v60;
	v42 =	vadd.s32 v29, v58;
	v14 =	vld.idx.msk [tilespmem:v14+s4+$0x0], $0xffff  }
0x1dc: {  	v6 =	vor.u32 v9, v61;
	[tilespmem:v16+s13+$0x0] =	vst.idx.msk $0xffff, v18;
	v18 =	vld [tilespmem:$0x1FEC0]  }
0x1dd: {  	v44 =	vadd.s32 v2, v57;
	[tilespmem:v10+s13+$0x0] =	vst.idx.msk $0xffff, v12;
	v16 =	vld.idx.msk [tilespmem:v20+s4+$0x0], $0xffff  }
0x1de: {  	v4 =	vld.idx.msk [tilespmem:v4+s4+$0x0], $0xffff;
	[tilespmem:v22+s13+$0x0] =	vst.idx.msk $0xffff, v19  }
0x1df: {  	v38 =	vadd.s32 v45, v53;
	[tilespmem:v34+s13+$0x0] =	vst.idx.msk $0xffff, v21;
	v45 =	vld.idx.msk [tilespmem:v40+s4+$0x0], $0xffff  }
0x1e0: {  	v17 =	vld.idx.msk [tilespmem:v41+s4+$0x0], $0xffff;
	[tilespmem:v42+s13+$0x0] =	vst.idx.msk $0xffff, v36  }
0x1e1: {  	v10 =	vadd.s32 v18, v1;
	v41 =	vadd.s32 v18, v52;
	v18 =	vld.idx.msk [tilespmem:v6+s4+$0x0], $0xffff  }
0x1e2: {  	v46 =	vor.u32 v25, v59;
	[tilespmem:v44+s13+$0x0] =	vst.idx.msk $0xffff, v16;
	v44 =	vld [tilespmem:$0x1FE20]  }
0x1e3: {  	v12 =	vld [tilespmem:$0x1FED0]  }
0x1e4: {  	v35 =	vadd.s32 v23, v53;
	v43 =	vadd.s32 v2, v53  }
0x1e5: {  	v53 =	vmovc v1;
	v37 =	vadd.s32 v63, v1;
	v42 =	vshll.u32 v33, $0x8;
	v1 =	vshll.u32 v33, $0x7  }
0x1e6: {  	v22 =	vor.u32 v25, v39;
	v6 =	vand.u32 $0xFFFFF800, v42;
	v1 =	vand.u32 $0x380, v1  }
0x1e7: {  	v34 =	vor.u32 v1, v6;
	v6 =	vor.u32 v44, v39;
	v39 =	vld.idx.msk [tilespmem:v46+s4+$0x0], $0xffff  }
0x1e8: {  	p2 =	slt.u32 s29, $0x3E;
	v36 =	vor.u32 v12, v54;
	[tilespmem:v41+s13+$0x0] =	vst.idx.msk $0xffff, v45;
	v45 =	vld [tilespmem:$0x1FE10]  }
.Ltmp6:
0x1e9: {  	_ = 	snop;
	(pc) =	sbr.rel @p2 .LBB2_7-.Ltmp6, $4  }
0x1ea: {  	[tilespmem:v43+s13+$0x0] =	vst.idx.msk $0xffff, v14  }
0x1eb: {  	v8 =	vadd.s32 v31, v56;
	v19 =	vadd.s32 v30, v56;
	v20 =	vor.u32 v11, v60;
	v14 =	vld.idx.msk [tilespmem:v22+s4+$0x0], $0xffff  }
0x1ec: {  	v21 =	vadd.s32 v30, v58;
	v40 =	vor.u32 v11, v61;
	[tilespmem:v10+s13+$0x0] =	vst.idx.msk $0xffff, v4;
	v46 =	vld [tilespmem:$0x1FE00]  }
0x1ed: {  	s30 =	sadd.s32 $0x1, s29;
	s29 =	sadd.s32 $0x2, s29;
	v12 =	vor.u32 v12, v55;
	v4 =	vor.u32 v62, v54;
	v10 =	vld.idx.msk [tilespmem:v36+s4+$0x0], $0xffff;
	v16 =	vadd.s32 v45, v57  }
0x1ee: {  	v1 =	vadd.s32 s30, v3  }
0x1ef: {  	v22 =	vadd.s32 s30, v24;
	vm0 =	vgt.u32 v1, $0x3F  }
0x1f0: {  	v36 =	vsel vm0, v22, v1  }
0x1f1: {  	v1 =	vshll.u32 v36, $0x8;
	v22 =	vshll.u32 v36, $0x7  }
0x1f2: {  	v1 =	vand.u32 $0xFFFFF800, v1;
	v22 =	vand.u32 $0x380, v22  }
0x1f3: {  	v41 =	vor.u32 v3, v34;
	v1 =	vor.u32 v22, v1  }
0x1f4: {  	v22 =	vor.u32 v3, v1;
	_ =	sdelay $0x3  }
0x1f5: {  	v42 =	vadd.s32 v27, v33;
	v41 =	vld.idx.msk [tilespmem:v41+s4+$0x0], $0xffff  }
0x1f6: {  	v43 =	vor.u32 v5, v34;
	v44 =	vadd.s32 v27, v36;
	v22 =	vld.idx.msk [tilespmem:v22+s4+$0x0], $0xffff  }
0x1f7: {  	v45 =	vor.u32 v5, v1;
	_ =	sdelay $0x2  }
0x1f8: {  	[tilespmem:v42+s13+$0x0] =	vst.idx.msk $0xffff, v41  }
0x1f9: {  	v41 =	vld.idx.msk [tilespmem:v43+s4+$0x0], $0xffff;
	[tilespmem:v44+s13+$0x0] =	vst.idx.msk $0xffff, v22;
	v22 =	vadd.s32 v28, v33  }
0x1fa: {  	v43 =	vor.u32 v7, v34;
	v44 =	vadd.s32 v28, v36;
	v42 =	vld.idx.msk [tilespmem:v45+s4+$0x0], $0xffff  }
0x1fb: {  	v45 =	vor.u32 v7, v1;
	_ =	sdelay $0x2  }
0x1fc: {  	[tilespmem:v22+s13+$0x0] =	vst.idx.msk $0xffff, v41  }
0x1fd: {  	v41 =	vadd.s32 v29, v33;
	v22 =	vld.idx.msk [tilespmem:v43+s4+$0x0], $0xffff;
	[tilespmem:v44+s13+$0x0] =	vst.idx.msk $0xffff, v42  }
0x1fe: {  	v43 =	vor.u32 v9, v34;
	v44 =	vadd.s32 v29, v36;
	v42 =	vld.idx.msk [tilespmem:v45+s4+$0x0], $0xffff  }
0x1ff: {  	v45 =	vor.u32 v9, v1;
	_ =	sdelay $0x2  }
0x200: {  	[tilespmem:v41+s13+$0x0] =	vst.idx.msk $0xffff, v22  }
0x201: {  	v41 =	vadd.s32 v30, v33;
	v22 =	vld.idx.msk [tilespmem:v43+s4+$0x0], $0xffff;
	[tilespmem:v44+s13+$0x0] =	vst.idx.msk $0xffff, v42  }
0x202: {  	v43 =	vor.u32 v11, v34;
	v44 =	vadd.s32 v30, v36;
	v42 =	vld.idx.msk [tilespmem:v45+s4+$0x0], $0xffff  }
0x203: {  	v45 =	vor.u32 v11, v1  }
0x204: {  	[tilespmem:v19+s13+$0x0] =	vst.idx.msk $0xffff, v17  }
0x205: {  	[tilespmem:v21+s13+$0x0] =	vst.idx.msk $0xffff, v18;
	v17 =	vld.idx.msk [tilespmem:v20+s4+$0x0], $0xffff  }
0x206: {  	v18 =	vor.u32 v13, v60;
	v19 =	vld.idx.msk [tilespmem:v40+s4+$0x0], $0xffff;
	v20 =	vadd.s32 v31, v58;
	[tilespmem:v41+s13+$0x0] =	vst.idx.msk $0xffff, v22  }
0x207: {  	v21 =	vor.u32 v13, v61;
	v22 =	vadd.s32 v31, v33;
	v40 =	vld.idx.msk [tilespmem:v43+s4+$0x0], $0xffff;
	[tilespmem:v44+s13+$0x0] =	vst.idx.msk $0xffff, v42  }
0x208: {  	v41 =	vor.u32 v13, v34;
	v43 =	vadd.s32 v31, v36;
	v42 =	vld.idx.msk [tilespmem:v45+s4+$0x0], $0xffff  }
0x209: {  	v44 =	vor.u32 v13, v1  }
0x20a: {  	v45 =	vld [tilespmem:$0x1FE10];
	[tilespmem:v8+s13+$0x0] =	vst.idx.msk $0xffff, v17  }
0x20b: {  	[tilespmem:v20+s13+$0x0] =	vst.idx.msk $0xffff, v19;
	v17 =	vadd.s32 v47, v56;
	v8 =	vld.idx.msk [tilespmem:v18+s4+$0x0], $0xffff  }
0x20c: {  	v19 =	vor.u32 v15, v60;
	v20 =	vadd.s32 v47, v58;
	v18 =	vld.idx.msk [tilespmem:v21+s4+$0x0], $0xffff;
	[tilespmem:v22+s13+$0x0] =	vst.idx.msk $0xffff, v40  }
0x20d: {  	v21 =	vor.u32 v15, v61;
	v40 =	vadd.s32 v47, v33;
	v22 =	vld.idx.msk [tilespmem:v41+s4+$0x0], $0xffff;
	[tilespmem:v43+s13+$0x0] =	vst.idx.msk $0xffff, v42  }
0x20e: {  	v42 =	vor.u32 v15, v34;
	v43 =	vadd.s32 v47, v36;
	v41 =	vld.idx.msk [tilespmem:v44+s4+$0x0], $0xffff  }
0x20f: {  	v44 =	vor.u32 v15, v1  }
0x210: {  	[tilespmem:v17+s13+$0x0] =	vst.idx.msk $0xffff, v8  }
0x211: {  	[tilespmem:v20+s13+$0x0] =	vst.idx.msk $0xffff, v18;
	v17 =	vadd.s32 v48, v56;
	v8 =	vld.idx.msk [tilespmem:v19+s4+$0x0], $0xffff  }
0x212: {  	v20 =	vadd.s32 v48, v58;
	v18 =	vld.idx.msk [tilespmem:v21+s4+$0x0], $0xffff;
	v19 =	vor.u32 v26, v60;
	[tilespmem:v40+s13+$0x0] =	vst.idx.msk $0xffff, v22  }
0x213: {  	v21 =	vor.u32 v26, v61;
	v40 =	vadd.s32 v48, v33;
	v22 =	vld.idx.msk [tilespmem:v42+s4+$0x0], $0xffff;
	[tilespmem:v43+s13+$0x0] =	vst.idx.msk $0xffff, v41  }
0x214: {  	v42 =	vor.u32 v26, v34;
	v43 =	vadd.s32 v48, v36;
	v41 =	vld.idx.msk [tilespmem:v44+s4+$0x0], $0xffff  }
0x215: {  	v44 =	vor.u32 v26, v1  }
0x216: {  	[tilespmem:v17+s13+$0x0] =	vst.idx.msk $0xffff, v8  }
0x217: {  	[tilespmem:v20+s13+$0x0] =	vst.idx.msk $0xffff, v18;
	v8 =	vld.idx.msk [tilespmem:v19+s4+$0x0], $0xffff  }
0x218: {  	v17 =	vadd.s32 v49, v56;
	v18 =	vld.idx.msk [tilespmem:v21+s4+$0x0], $0xffff;
	[tilespmem:v40+s13+$0x0] =	vst.idx.msk $0xffff, v22  }
0x219: {  	v20 =	vadd.s32 v49, v58;
	[tilespmem:v43+s13+$0x0] =	vst.idx.msk $0xffff, v41;
	v22 =	vld.idx.msk [tilespmem:v42+s4+$0x0], $0xffff  }
0x21a: {  	[tilespmem:v38+s13+$0x0] =	vst.idx.msk $0xffff, v14;
	v40 =	vadd.s32 v49, v33;
	v14 =	vld.idx.msk [tilespmem:v44+s4+$0x0], $0xffff  }
0x21b: {  	v44 =	vld [tilespmem:$0x1FE20]  }
0x21c: {  	[tilespmem:v16+s13+$0x0] =	vst.idx.msk $0xffff, v39  }
0x21d: {  	[tilespmem:v17+s13+$0x0] =	vst.idx.msk $0xffff, v8  }
0x21e: {  	[tilespmem:v20+s13+$0x0] =	vst.idx.msk $0xffff, v18  }
0x21f: {  	v19 =	vor.u32 v50, v60;
	v43 =	vld [tilespmem:$0x1FEC0];
	[tilespmem:v40+s13+$0x0] =	vst.idx.msk $0xffff, v22  }
0x220: {  	v21 =	vor.u32 v50, v61;
	v17 =	vor.u32 v44, v59;
	v59 =	vld [tilespmem:$0x1FED0]  }
0x221: {  	v38 =	vor.u32 v50, v34;
	v41 =	vadd.s32 v49, v36  }
0x222: {  	v16 =	vor.u32 v50, v1  }
0x223: {  	v8 =	vld.idx.msk [tilespmem:v12+s4+$0x0], $0xffff;
	v12 =	vadd.s32 v63, v52  }
0x224: {  	v19 =	vld.idx.msk [tilespmem:v19+s4+$0x0], $0xffff;
	v18 =	vadd.s32 v43, v56  }
0x225: {  	v20 =	vld.idx.msk [tilespmem:v21+s4+$0x0], $0xffff;
	v22 =	vadd.s32 v43, v58;
	v21 =	vor.u32 v59, v60  }
0x226: {  	[tilespmem:v41+s13+$0x0] =	vst.idx.msk $0xffff, v14;
	v38 =	vld.idx.msk [tilespmem:v38+s4+$0x0], $0xffff;
	v42 =	vadd.s32 v43, v33;
	v14 =	vor.u32 v59, v61  }
0x227: {  	[tilespmem:v37+s13+$0x0] =	vst.idx.msk $0xffff, v10;
	v10 =	vld.idx.msk [tilespmem:v16+s4+$0x0], $0xffff;
	v40 =	vadd.s32 v43, v36;
	v16 =	vor.u32 v59, v34  }
0x228: {  	v6 =	vld.idx.msk [tilespmem:v6+s4+$0x0], $0xffff;
	[tilespmem:v12+s13+$0x0] =	vst.idx.msk $0xffff, v8;
	v8 =	vor.u32 v59, v1  }
0x229: {  	v12 =	vld.idx.msk [tilespmem:v17+s4+$0x0], $0xffff;
	v17 =	vadd.s32 v23, v57;
	[tilespmem:v18+s13+$0x0] =	vst.idx.msk $0xffff, v19  }
0x22a: {  	[tilespmem:v22+s13+$0x0] =	vst.idx.msk $0xffff, v20;
	v18 =	vor.u32 v62, v55;
	v19 =	vadd.s32 v63, v56;
	v20 =	vld.idx.msk [tilespmem:v21+s4+$0x0], $0xffff  }
0x22b: {  	[tilespmem:v42+s13+$0x0] =	vst.idx.msk $0xffff, v38;
	v22 =	vadd.s32 v63, v58;
	v14 =	vld.idx.msk [tilespmem:v14+s4+$0x0], $0xffff  }
0x22c: {  	v41 =	vadd.s32 v63, v33;
	[tilespmem:v40+s13+$0x0] =	vst.idx.msk $0xffff, v10;
	v16 =	vld.idx.msk [tilespmem:v16+s4+$0x0], $0xffff  }
0x22d: {  	[tilespmem:v35+s13+$0x0] =	vst.idx.msk $0xffff, v6;
	v42 =	vadd.s32 v63, v36;
	v8 =	vld.idx.msk [tilespmem:v8+s4+$0x0], $0xffff  }
0x22e: {  	v4 =	vld.idx.msk [tilespmem:v4+s4+$0x0], $0xffff;
	[tilespmem:v17+s13+$0x0] =	vst.idx.msk $0xffff, v12;
	v12 =	vadd.s32 v51, v53  }
0x22f: {  	v18 =	vld.idx.msk [tilespmem:v18+s4+$0x0], $0xffff;
	[tilespmem:v19+s13+$0x0] =	vst.idx.msk $0xffff, v20;
	v20 =	vadd.s32 v51, v52  }
0x230: {  	v57 =	vld [tilespmem:$0x1FF10];
	[tilespmem:v22+s13+$0x0] =	vst.idx.msk $0xffff, v14  }
0x231: {  	v21 =	vor.u32 v62, v60;
	[tilespmem:v41+s13+$0x0] =	vst.idx.msk $0xffff, v16  }
0x232: {  	v10 =	vor.u32 v62, v61;
	[tilespmem:v42+s13+$0x0] =	vst.idx.msk $0xffff, v8  }
0x233: {  	v6 =	vor.u32 v62, v34;
	[tilespmem:v12+s13+$0x0] =	vst.idx.msk $0xffff, v4  }
0x234: {  	v17 =	vor.u32 v62, v1;
	[tilespmem:v20+s13+$0x0] =	vst.idx.msk $0xffff, v18  }
0x235: {  	v19 =	vor.u32 v57, v54;
	v42 =	vld [tilespmem:$0x1FF20]  }
0x236: {  	v21 =	vld.idx.msk [tilespmem:v21+s4+$0x0], $0xffff;
	v22 =	vadd.s32 v51, v56;
	v14 =	vor.u32 v57, v55  }
0x237: {  	v37 =	vadd.s32 v51, v58;
	v10 =	vld.idx.msk [tilespmem:v10+s4+$0x0], $0xffff;
	v16 =	vor.u32 v57, v60  }
0x238: {  	v35 =	vadd.s32 v51, v33;
	v6 =	vld.idx.msk [tilespmem:v6+s4+$0x0], $0xffff;
	v8 =	vor.u32 v57, v61  }
0x239: {  	v4 =	vld.idx.msk [tilespmem:v17+s4+$0x0], $0xffff;
	v17 =	vadd.s32 v51, v36;
	v12 =	vor.u32 v57, v34  }
0x23a: {  	v20 =	vor.u32 v57, v1;
	v19 =	vld.idx.msk [tilespmem:v19+s4+$0x0], $0xffff;
	v18 =	vadd.s32 v42, v53  }
0x23b: {  	[tilespmem:v22+s13+$0x0] =	vst.idx.msk $0xffff, v21;
	v21 =	vor.u32 v46, v54;
	v14 =	vld.idx.msk [tilespmem:v14+s4+$0x0], $0xffff;
	v22 =	vadd.s32 v42, v52  }
0x23c: {  	[tilespmem:v37+s13+$0x0] =	vst.idx.msk $0xffff, v10;
	v10 =	vor.u32 v46, v55;
	v16 =	vld.idx.msk [tilespmem:v16+s4+$0x0], $0xffff;
	v40 =	vadd.s32 v42, v56  }
0x23d: {  	[tilespmem:v35+s13+$0x0] =	vst.idx.msk $0xffff, v6;
	v6 =	vor.u32 v46, v60;
	v8 =	vld.idx.msk [tilespmem:v8+s4+$0x0], $0xffff;
	v41 =	vadd.s32 v42, v58  }
0x23e: {  	[tilespmem:v17+s13+$0x0] =	vst.idx.msk $0xffff, v4;
	v4 =	vor.u32 v46, v61;
	v12 =	vld.idx.msk [tilespmem:v12+s4+$0x0], $0xffff;
	v17 =	vadd.s32 v42, v33  }
0x23f: {  	[tilespmem:v18+s13+$0x0] =	vst.idx.msk $0xffff, v19;
	v18 =	vld.idx.msk [tilespmem:v20+s4+$0x0], $0xffff;
	v19 =	vor.u32 v46, v34;
	v20 =	vadd.s32 v42, v36  }
0x240: {  	[tilespmem:v22+s13+$0x0] =	vst.idx.msk $0xffff, v14;
	v14 =	vadd.s32 v32, v53;
	v22 =	vor.u32 v46, v1;
	v21 =	vld.idx.msk [tilespmem:v21+s4+$0x0], $0xffff  }
0x241: {  	[tilespmem:v40+s13+$0x0] =	vst.idx.msk $0xffff, v16;
	v16 =	vor.u32 v0, v54;
	v40 =	vadd.s32 v32, v52;
	v10 =	vld.idx.msk [tilespmem:v10+s4+$0x0], $0xffff  }
0x242: {  	[tilespmem:v41+s13+$0x0] =	vst.idx.msk $0xffff, v8;
	v8 =	vor.u32 v0, v55;
	v41 =	vadd.s32 v32, v56;
	v6 =	vld.idx.msk [tilespmem:v6+s4+$0x0], $0xffff  }
0x243: {  	[tilespmem:v17+s13+$0x0] =	vst.idx.msk $0xffff, v12;
	v12 =	vor.u32 v0, v60;
	v17 =	vadd.s32 v32, v58;
	v4 =	vld.idx.msk [tilespmem:v4+s4+$0x0], $0xffff  }
0x244: {  	[tilespmem:v20+s13+$0x0] =	vst.idx.msk $0xffff, v18;
	v18 =	vor.u32 v0, v61;
	v19 =	vld.idx.msk [tilespmem:v19+s4+$0x0], $0xffff;
	v20 =	vadd.s32 v32, v33  }
0x245: {  	[tilespmem:v14+s13+$0x0] =	vst.idx.msk $0xffff, v21;
	v14 =	vld.idx.msk [tilespmem:v22+s4+$0x0], $0xffff;
	v21 =	vor.u32 v0, v34;
	v22 =	vadd.s32 v32, v36  }
0x246: {  	[tilespmem:v40+s13+$0x0] =	vst.idx.msk $0xffff, v10;
	v10 =	vadd.s32 v2, v53;
	v40 =	vor.u32 v0, v1;
	v16 =	vld.idx.msk [tilespmem:v16+s4+$0x0], $0xffff  }
0x247: {  	[tilespmem:v41+s13+$0x0] =	vst.idx.msk $0xffff, v6;
	v6 =	vor.u32 v25, v54;
	v41 =	vadd.s32 v2, v52;
	v8 =	vld.idx.msk [tilespmem:v8+s4+$0x0], $0xffff  }
0x248: {  	[tilespmem:v17+s13+$0x0] =	vst.idx.msk $0xffff, v4;
	v4 =	vor.u32 v25, v55;
	v17 =	vadd.s32 v2, v56;
	v12 =	vld.idx.msk [tilespmem:v12+s4+$0x0], $0xffff  }
0x249: {  	v18 =	vld.idx.msk [tilespmem:v18+s4+$0x0], $0xffff;
	[tilespmem:v20+s13+$0x0] =	vst.idx.msk $0xffff, v19;
	v19 =	vor.u32 v25, v60;
	v20 =	vadd.s32 v2, v58  }
0x24a: {  	[tilespmem:v22+s13+$0x0] =	vst.idx.msk $0xffff, v14;
	v14 =	vor.u32 v25, v61;
	v21 =	vld.idx.msk [tilespmem:v21+s4+$0x0], $0xffff;
	v22 =	vadd.s32 v2, v33  }
0x24b: {  	[tilespmem:v10+s13+$0x0] =	vst.idx.msk $0xffff, v16;
	v10 =	vld.idx.msk [tilespmem:v40+s4+$0x0], $0xffff;
	v16 =	vor.u32 v25, v34;
	v40 =	vadd.s32 v2, v36  }
0x24c: {  	[tilespmem:v41+s13+$0x0] =	vst.idx.msk $0xffff, v8;
	v8 =	vadd.s32 v45, v53;
	v41 =	vor.u32 v25, v1;
	v6 =	vld.idx.msk [tilespmem:v6+s4+$0x0], $0xffff  }
0x24d: {  	[tilespmem:v17+s13+$0x0] =	vst.idx.msk $0xffff, v12;
	v12 =	vor.u32 v44, v54;
	v17 =	vadd.s32 v45, v52;
	v4 =	vld.idx.msk [tilespmem:v4+s4+$0x0], $0xffff  }
0x24e: {  	[tilespmem:v20+s13+$0x0] =	vst.idx.msk $0xffff, v18;
	v18 =	vor.u32 v44, v55;
	v20 =	vadd.s32 v45, v56;
	v19 =	vld.idx.msk [tilespmem:v19+s4+$0x0], $0xffff  }
0x24f: {  	[tilespmem:v22+s13+$0x0] =	vst.idx.msk $0xffff, v21;
	v21 =	vor.u32 v44, v60;
	v14 =	vld.idx.msk [tilespmem:v14+s4+$0x0], $0xffff;
	v22 =	vadd.s32 v45, v58  }
0x250: {  	v60 =	vadd.s32 v45, v33;
	[tilespmem:v40+s13+$0x0] =	vst.idx.msk $0xffff, v10;
	v10 =	vor.u32 v44, v61;
	v16 =	vld.idx.msk [tilespmem:v16+s4+$0x0], $0xffff  }
0x251: {  	v61 =	vadd.s32 v45, v36;
	[tilespmem:v8+s13+$0x0] =	vst.idx.msk $0xffff, v6;
	v6 =	vor.u32 v44, v34;
	v8 =	vld.idx.msk [tilespmem:v41+s4+$0x0], $0xffff  }
0x252: {  	v1 =	vor.u32 v44, v1;
	[tilespmem:v17+s13+$0x0] =	vst.idx.msk $0xffff, v4;
	v4 =	vadd.s32 v23, v53;
	v12 =	vld.idx.msk [tilespmem:v12+s4+$0x0], $0xffff  }
0x253: {  	[tilespmem:v20+s13+$0x0] =	vst.idx.msk $0xffff, v19;
	v17 =	vld.idx.msk [tilespmem:v18+s4+$0x0], $0xffff;
	v18 =	vadd.s32 v23, v52  }
0x254: {  	[tilespmem:v22+s13+$0x0] =	vst.idx.msk $0xffff, v14;
	v14 =	vadd.s32 v23, v56;
	v19 =	vld.idx.msk [tilespmem:v21+s4+$0x0], $0xffff  }
0x255: {  	[tilespmem:v60+s13+$0x0] =	vst.idx.msk $0xffff, v16;
	v10 =	vld.idx.msk [tilespmem:v10+s4+$0x0], $0xffff;
	v16 =	vadd.s32 v23, v58  }
0x256: {  	[tilespmem:v61+s13+$0x0] =	vst.idx.msk $0xffff, v8;
	v8 =	vadd.s32 v23, v33;
	v6 =	vld.idx.msk [tilespmem:v6+s4+$0x0], $0xffff  }
0x257: {  	[tilespmem:v4+s13+$0x0] =	vst.idx.msk $0xffff, v12;
	v1 =	vld.idx.msk [tilespmem:v1+s4+$0x0], $0xffff;
	v4 =	vadd.s32 v23, v36  }
0x258: {  	[tilespmem:v18+s13+$0x0] =	vst.idx.msk $0xffff, v17  }
0x259: {  	[tilespmem:v14+s13+$0x0] =	vst.idx.msk $0xffff, v19  }
0x25a: {  	[tilespmem:v16+s13+$0x0] =	vst.idx.msk $0xffff, v10  }
0x25b: {  	[tilespmem:v8+s13+$0x0] =	vst.idx.msk $0xffff, v6  }
0x25c: {  	[tilespmem:v4+s13+$0x0] =	vst.idx.msk $0xffff, v1  }
0x25d: {  	v1 =	vld [tilespmem:$0xFFF0];
	_ =	sdelay $0x2  }
0x25e: {  	s29 =	sadd.s32 s6, s26  }
0x25f: {  	s29 =	sshll.u32 s29, $0x8  }
0x260: {  	s29 =	smin.u32 s29, $0xF4100;
	v1 =	vadd.f32 $0.0e+00, v1  }
0x261: {  	s29 =	sshll.u32 s29, $0x4  }
0x262: {  	p2 =	seq.s32 s25, $0x3D;
	s29 =	sadd.s32 s5, s29;
	[tilespmem:$0xFFF0] =	vst v1  }
0x263: {  	[hbm4b:s29+s4] =	stream.linear.scatter [tilespmem:s13], [sflag:$0x3], $0x8000, $0x38;
	[tilespmem:$0x18000] =	vst v63  }
0x264: {  	s29 =	sadd.s32 @!p2 s26, s10  }
0x265: {  	s29 =	sshll.u32 @!p2 s29, $0x8  }
0x266: {  	s30 =	simm.s32 @!p2 $0x800;
	s29 =	smin.u32 @!p2 s29, $0xF4100  }
0x267: {  	s31 =	simm.s32 @!p2 $0x7A1400;
	s3 =	simm.s32 @!p2 $0x0;
	s29 =	sadd.s32 @!p2 s0, s29  }
0x268: {  	[tilespmem:s3], [sflag:$0x1] =	stream.strided.gather @!p2 [hbm4b:s29+s30], $0x4000, s31, s30, $0x38;
	[tilespmem:$0x18000] =	vst v63  }
0x269: {  	p2 =	sgt.u32 s28, $0x7A  }
.Ltmp7:
0x26a: {  	v3 =	vmovc v27;
	v27 =	vmov v63;
	v39 =	vmov v26;
	v26 =	vmov v62;
	(pc) =	sbr.rel @p2 .LBB2_12-.Ltmp7, $4  }
0x26b: {  	v38 =	vlaneseq.u32;
	v62 =	vmovc v57;
	v37 =	vmovc v13;
	v35 =	vmov v15;
	v13 =	vmov v48  }
0x26c: {  	v15 =	vmovc v49;
	v40 =	vmovc v32;
	v32 =	vmov v11;
	v11 =	vmov v47;
	v41 =	vmov v0  }
0x26d: {  	v0 =	vmovc v5;
	v5 =	vmovc v28;
	v28 =	vmov v59;
	v22 =	vmov v50;
	v17 =	vmov v9  }
0x26e: {  	v9 =	vmovc v30;
	v30 =	vmovc v42;
	v16 =	vmov v7;
	v7 =	vmov v29;
	v29 =	vmov v43;
	v2 =	vld [tilespmem:$0x1FDB0]  }
0x26f: {  	s3 =	simm.s32 $0x0;
	s29 =	simm.s32 $0x1  }
0x270: {  	_ =	swait.ge [sflag:s19], $0x4000;
	v1 =	vadd.s32 s3, v24;
	v4 =	vadd.s32 s3, v38;
	v6 =	vadd.s32 s29, v38  }
0x271: {  	v26 =	vmovc v24;
	v8 =	vadd.s32 s29, v24;
	v24 =	vld [tilespmem:$0x1FCF0];
	vm0 =	vgt.u32 v4, $0x3F;
	vm1 =	vgt.u32 v6, $0x3F  }
0x272: {  	v42 =	vsel vm0, v1, v4;
	v50 =	vsel vm1, v8, v6  }
0x273: {  	[sflag:s19] =	ssyncset.done $0x0;
	v1 =	vshll.u32 v42, $0x8;
	v4 =	vshll.u32 v50, $0x8;
	v6 =	vshll.u32 v50, $0x7  }
0x274: {  	s3 =	simm.s32 @!p1 $0x4;
	[sflag:s19] =	ssyncadd.s32 $0xFFFFC000;
	v8 =	vshll.u32 v42, $0x7;
	v4 =	vand.u32 $0xFFFFF800, v4;
	v6 =	vand.u32 $0x380, v6  }
0x275: {  	_ =	swait.ge @!p1 [sflag:s3], $0x8000;
	v1 =	vand.u32 $0xFFFFF800, v1;
	v45 =	vor.u32 v6, v4;
	v4 =	vand.u32 $0x380, v8  }
0x276: {  	v25 =	vld [tilespmem:$0x1FCE0];
	v6 =	vadd.s32 v24, v45;
	v23 =	vor.u32 v4, v1  }
0x277: {  	v1 =	vadd.s32 v24, v23;
	_ =	sdelay $0x1  }
0x278: {  	[sflag:s3] =	ssyncset.done @!p1 $0x0  }
0x279: {  	[sflag:s3] =	ssyncadd.s32 @!p1 $0xFFFF8000  }
0x27a: {  	v4 =	vld.idx.msk [tilespmem:v6+s4+$0x0], $0xffff;
	v6 =	vadd.s32 v25, v50  }
0x27b: {  	v10 =	vadd.s32 v25, v42;
	v1 =	vld.idx.msk [tilespmem:v1+s4+$0x0], $0xffff;
	_ =	sdelay $0x3  }
0x27c: {  	[tilespmem:v6+s13+$0x0] =	vst.idx.msk $0xffff, v4  }
0x27d: {  	v36 =	vor.u32 $0x4010, v38;
	[tilespmem:v10+s13+$0x0] =	vst.idx.msk $0xffff, v1  }
0x27e: {  	v12 =	vadd.s32 v36, v45;
	v8 =	vadd.s32 $0x4000, v23;
	v29 =	vld [tilespmem:$0x1FD00]  }
0x27f: {  	v14 =	vor.u32 v0, v8;
	_ =	sdelay $0x3  }
0x280: {  	v4 =	vld.idx.msk [tilespmem:v12+s4+$0x0], $0xffff;
	v1 =	vadd.s32 v29, v50  }
0x281: {  	v10 =	vld.idx.msk [tilespmem:v14+s4+$0x0], $0xffff;
	v6 =	vadd.s32 v29, v42;
	_ =	sdelay $0x3  }
0x282: {  	[tilespmem:v1+s13+$0x0] =	vst.idx.msk $0xffff, v4  }
0x283: {  	v34 =	vor.u32 $0x4020, v38;
	[tilespmem:v6+s13+$0x0] =	vst.idx.msk $0xffff, v10  }
0x284: {  	v12 =	vadd.s32 v34, v45;
	v30 =	vld [tilespmem:$0x1FD10]  }
0x285: {  	v14 =	vor.u32 v16, v8;
	_ =	sdelay $0x3  }
0x286: {  	v1 =	vld.idx.msk [tilespmem:v12+s4+$0x0], $0xffff;
	v4 =	vadd.s32 v30, v50  }
0x287: {  	v10 =	vld.idx.msk [tilespmem:v14+s4+$0x0], $0xffff;
	v6 =	vadd.s32 v30, v42;
	_ =	sdelay $0x1  }
0x288: {  	v11 =	vor.u32 $0x4030, v38  }
0x289: {  	[tilespmem:$0x1FC30] =	vst v11  }
0x28a: {  	[tilespmem:v4+s13+$0x0] =	vst.idx.msk $0xffff, v1  }
0x28b: {  	v12 =	vadd.s32 v11, v45;
	[tilespmem:v6+s13+$0x0] =	vst.idx.msk $0xffff, v10  }
0x28c: {  	v14 =	vor.u32 v17, v8;
	v31 =	vld [tilespmem:$0x1FD20];
	_ =	sdelay $0x3  }
0x28d: {  	v1 =	vld.idx.msk [tilespmem:v12+s4+$0x0], $0xffff  }
0x28e: {  	v13 =	vor.u32 $0x4040, v38;
	v10 =	vld.idx.msk [tilespmem:v14+s4+$0x0], $0xffff;
	v4 =	vadd.s32 v31, v50  }
0x28f: {  	v15 =	vmov v32;
	v12 =	vadd.s32 v13, v45;
	v14 =	vor.u32 v32, v8;
	v32 =	vld [tilespmem:$0x1FF60];
	_ =	sdelay $0x1  }
0x290: {  	v46 =	vor.u32 $0x4050, v38;
	[tilespmem:$0x1FC50] =	vst v13  }
0x291: {  	[tilespmem:$0x1FC60] =	vst v46  }
0x292: {  	v6 =	vadd.s32 v31, v42;
	[tilespmem:v4+s13+$0x0] =	vst.idx.msk $0xffff, v1  }
0x293: {  	v40 =	vmov v17;
	v17 =	vadd.s32 v32, v50;
	v4 =	vld.idx.msk [tilespmem:v12+s4+$0x0], $0xffff;
	_ =	sdelay $0x1  }
0x294: {  	s29 =	simm.s32 $0x3  }
0x295: {  	v21 =	vadd.s32 s29, v38  }
0x296: {  	s31 =	simm.s32 $0x2;
	vm11 =	vgt.u32 v21, $0x3F;
	v1 =	vadd.s32 s29, v26;
	[tilespmem:v6+s13+$0x0] =	vst.idx.msk $0xffff, v10  }
0x297: {  	v18 =	vadd.s32 s31, v26;
	v20 =	vadd.s32 s31, v38;
	v52 =	vsel vm11, v1, v21;
	v1 =	vld.idx.msk [tilespmem:v14+s4+$0x0], $0xffff;
	[tilespmem:v17+s13+$0x0] =	vst.idx.msk $0xffff, v4  }
0x298: {  	v9 =	vmovc v16;
	vm10 =	vgt.u32 v20, $0x3F;
	v19 =	vadd.s32 v46, v45;
	v16 =	vadd.s32 v32, v42;
	v27 =	vld [tilespmem:$0x1FD30]  }
0x299: {  	v54 =	vsel vm10, v18, v20;
	v22 =	vor.u32 v37, v8  }
0x29a: {  	v6 =	vshll.u32 v54, $0x8;
	v10 =	vshll.u32 v52, $0x8;
	v12 =	vshll.u32 v52, $0x7  }
0x29b: {  	v14 =	vshll.u32 v54, $0x7;
	v10 =	vand.u32 $0xFFFFF800, v10;
	v12 =	vand.u32 $0x380, v12  }
0x29c: {  	v6 =	vand.u32 $0xFFFFF800, v6;
	v53 =	vor.u32 v12, v10;
	v10 =	vand.u32 $0x380, v14  }
0x29d: {  	v55 =	vor.u32 v10, v6;
	v6 =	vld.idx.msk [tilespmem:v19+s4+$0x0], $0xffff;
	[tilespmem:v16+s13+$0x0] =	vst.idx.msk $0xffff, v1;
	v10 =	vadd.s32 v27, v50  }
0x29e: {  	v16 =	vld.idx.msk [tilespmem:v22+s4+$0x0], $0xffff;
	v14 =	vadd.s32 v27, v42;
	_ =	sdelay $0x3  }
0x29f: {  	v12 =	vadd.s32 v24, v53;
	[tilespmem:v10+s13+$0x0] =	vst.idx.msk $0xffff, v6  }
0x2a0: {  	v49 =	vor.u32 $0x4060, v38;
	v4 =	vadd.s32 v24, v55;
	[tilespmem:v14+s13+$0x0] =	vst.idx.msk $0xffff, v16  }
0x2a1: {  	v51 =	vmov v37;
	v37 =	vmov v3;
	v17 =	vadd.s32 v49, v45;
	v3 =	vld [tilespmem:$0x1FD40]  }
0x2a2: {  	v18 =	vor.u32 v35, v8;
	_ =	sdelay $0x1  }
0x2a3: {  	v19 =	vadd.s32 v25, v52;
	v12 =	vld.idx.msk [tilespmem:v12+s4+$0x0], $0xffff  }
0x2a4: {  	v20 =	vadd.s32 v25, v54;
	v4 =	vld.idx.msk [tilespmem:v4+s4+$0x0], $0xffff  }
0x2a5: {  	v6 =	vld.idx.msk [tilespmem:v17+s4+$0x0], $0xffff;
	v10 =	vadd.s32 v3, v50  }
0x2a6: {  	v21 =	vadd.s32 v36, v53;
	v16 =	vld.idx.msk [tilespmem:v18+s4+$0x0], $0xffff;
	v14 =	vadd.s32 v3, v42;
	_ =	sdelay $0x1  }
0x2a7: {  	[tilespmem:v19+s13+$0x0] =	vst.idx.msk $0xffff, v12  }
0x2a8: {  	v1 =	vadd.s32 $0x4000, v55;
	[tilespmem:v20+s13+$0x0] =	vst.idx.msk $0xffff, v4  }
0x2a9: {  	v59 =	vor.u32 $0x4070, v38;
	v22 =	vor.u32 v0, v1;
	[tilespmem:v10+s13+$0x0] =	vst.idx.msk $0xffff, v6  }
0x2aa: {  	v17 =	vadd.s32 v59, v45;
	v12 =	vld.idx.msk [tilespmem:v21+s4+$0x0], $0xffff;
	[tilespmem:v14+s13+$0x0] =	vst.idx.msk $0xffff, v16  }
0x2ab: {  	v8 =	vor.u32 v39, v8;
	v21 =	vor.u32 v9, v1;
	v9 =	vld [tilespmem:$0x1FD50];
	_ =	sdelay $0x2  }
0x2ac: {  	v4 =	vadd.s32 v29, v52;
	v19 =	vld.idx.msk [tilespmem:v22+s4+$0x0], $0xffff  }
0x2ad: {  	v18 =	vadd.s32 v29, v54;
	v6 =	vld.idx.msk [tilespmem:v17+s4+$0x0], $0xffff  }
0x2ae: {  	v8 =	vld.idx.msk [tilespmem:v8+s4+$0x0], $0xffff;
	v10 =	vadd.s32 v9, v50  }
0x2af: {  	v5 =	vld [tilespmem:$0x1FD60];
	v14 =	vadd.s32 v9, v42;
	_ =	sdelay $0x1  }
0x2b0: {  	[tilespmem:v4+s13+$0x0] =	vst.idx.msk $0xffff, v12  }
0x2b1: {  	v20 =	vadd.s32 v34, v53;
	[tilespmem:v18+s13+$0x0] =	vst.idx.msk $0xffff, v19  }
0x2b2: {  	v28 =	vld [tilespmem:$0x1FDC0];
	[tilespmem:v10+s13+$0x0] =	vst.idx.msk $0xffff, v6  }
0x2b3: {  	v16 =	vadd.s32 v5, v45;
	[tilespmem:v14+s13+$0x0] =	vst.idx.msk $0xffff, v8  }
0x2b4: {  	v17 =	vadd.s32 v5, v23;
	v7 =	vld [tilespmem:$0x1FD70];
	_ =	sdelay $0x1  }
0x2b5: {  	v4 =	vld.idx.msk [tilespmem:v20+s4+$0x0], $0xffff  }
0x2b6: {  	v12 =	vadd.s32 v30, v52;
	v19 =	vld.idx.msk [tilespmem:v21+s4+$0x0], $0xffff  }
0x2b7: {  	v18 =	vadd.s32 v30, v54;
	v10 =	vld.idx.msk [tilespmem:v16+s4+$0x0], $0xffff  }
0x2b8: {  	v21 =	vadd.s32 v11, v53;
	v17 =	vld.idx.msk [tilespmem:v17+s4+$0x0], $0xffff;
	v8 =	vadd.s32 v7, v50  }
0x2b9: {  	v11 =	vld [tilespmem:$0x1FD80];
	v16 =	vadd.s32 v7, v42;
	_ =	sdelay $0x1  }
0x2ba: {  	v6 =	vor.u32 v40, v1;
	[tilespmem:v12+s13+$0x0] =	vst.idx.msk $0xffff, v4  }
0x2bb: {  	[tilespmem:v18+s13+$0x0] =	vst.idx.msk $0xffff, v19  }
0x2bc: {  	v62 =	vadd.s32 v13, v53;
	v18 =	vld.idx.msk [tilespmem:v21+s4+$0x0], $0xffff;
	[tilespmem:v8+s13+$0x0] =	vst.idx.msk $0xffff, v10  }
0x2bd: {  	v19 =	vadd.s32 v31, v52;
	v22 =	vadd.s32 v11, v45;
	v13 =	vld [tilespmem:$0x1FD90];
	[tilespmem:v16+s13+$0x0] =	vst.idx.msk $0xffff, v17  }
0x2be: {  	v21 =	vor.u32 v15, v1;
	v60 =	vadd.s32 v11, v23;
	v15 =	vld [tilespmem:$0x1FDA0]  }
0x2bf: {  	s30 =	simm.s32 $0x4;
	v12 =	vadd.s32 v31, v54;
	v6 =	vld.idx.msk [tilespmem:v6+s4+$0x0], $0xffff  }
0x2c0: {  	v48 =	vlaneseq.u32;
	v43 =	vadd.s32 s30, v26;
	s29 =	simm.s32 $0x5  }
0x2c1: {  	v41 =	vadd.s32 v32, v54;
	v47 =	vadd.s32 s29, v48;
	v44 =	vadd.s32 v32, v52  }
0x2c2: {  	vm12 =	vgt.u32 v47, $0x3F;
	v22 =	vld.idx.msk [tilespmem:v22+s4+$0x0], $0xffff;
	[tilespmem:v19+s13+$0x0] =	vst.idx.msk $0xffff, v18;
	v18 =	vadd.s32 s30, v48;
	v63 =	vadd.s32 v13, v50  }
0x2c3: {  	v38 =	vld.idx.msk [tilespmem:v60+s4+$0x0], $0xffff;
	v19 =	vadd.s32 s29, v26;
	v48 =	vor.u32 v51, v1;
	v17 =	vadd.s32 v15, v45  }
0x2c4: {  	[tilespmem:v12+s13+$0x0] =	vst.idx.msk $0xffff, v6;
	v56 =	vsel vm12, v19, v47;
	vm13 =	vgt.u32 v18, $0x3F;
	v8 =	vadd.s32 v13, v42  }
0x2c5: {  	v6 =	vld.idx.msk [tilespmem:v21+s4+$0x0], $0xffff;
	v12 =	vshll.u32 v56, $0x8;
	v19 =	vshll.u32 v56, $0x7;
	v16 =	vadd.s32 v15, v23  }
0x2c6: {  	v33 =	vmovc v39;
	v39 =	vld.idx.msk [tilespmem:v62+s4+$0x0], $0xffff;
	v57 =	vsel vm13, v43, v18;
	v12 =	vand.u32 $0xFFFFF800, v12;
	v18 =	vand.u32 $0x380, v19  }
0x2c7: {  	v46 =	vadd.s32 v46, v53;
	v60 =	vor.u32 v18, v12;
	[tilespmem:v63+s13+$0x0] =	vst.idx.msk $0xffff, v22  }
0x2c8: {  	v4 =	vadd.s32 v2, v50;
	v18 =	vadd.s32 v24, v60;
	v17 =	vld.idx.msk [tilespmem:v17+s4+$0x0], $0xffff  }
0x2c9: {  	v20 =	vadd.s32 v28, v45;
	[tilespmem:v8+s13+$0x0] =	vst.idx.msk $0xffff, v38  }
0x2ca: {  	v10 =	vadd.s32 v2, v42;
	v19 =	vshll.u32 v57, $0x8;
	[tilespmem:v41+s13+$0x0] =	vst.idx.msk $0xffff, v6;
	v8 =	vshll.u32 v57, $0x7;
	v16 =	vld.idx.msk [tilespmem:v16+s4+$0x0], $0xffff  }
0x2cb: {  	v12 =	vand.u32 $0xFFFFF800, v19;
	[tilespmem:v44+s13+$0x0] =	vst.idx.msk $0xffff, v39;
	v6 =	vld.idx.msk [tilespmem:v48+s4+$0x0], $0xffff;
	v8 =	vand.u32 $0x380, v8  }
0x2cc: {  	v14 =	vadd.s32 v28, v23;
	v58 =	vor.u32 v8, v12;
	v8 =	vld.idx.msk [tilespmem:v46+s4+$0x0], $0xffff;
	[tilespmem:$0x1FBD0] =	vst v49  }
0x2cd: {  	v19 =	vadd.s32 v24, v58;
	v18 =	vld.idx.msk [tilespmem:v18+s4+$0x0], $0xffff;
	[tilespmem:v4+s13+$0x0] =	vst.idx.msk $0xffff, v17  }
0x2ce: {  	v12 =	vadd.s32 v27, v52;
	v20 =	vld.idx.msk [tilespmem:v20+s4+$0x0], $0xffff  }
0x2cf: {  	v17 =	vor.u32 v35, v1;
	v35 =	vmov v0;
	v0 =	vld [tilespmem:$0x1FDD0];
	[tilespmem:v10+s13+$0x0] =	vst.idx.msk $0xffff, v16  }
0x2d0: {  	v62 =	vld [tilespmem:$0x1FDE0]  }
0x2d1: {  	v21 =	vadd.s32 v49, v53;
	v4 =	vadd.s32 v27, v54;
	v14 =	vld.idx.msk [tilespmem:v14+s4+$0x0], $0xffff  }
0x2d2: {  	v19 =	vld.idx.msk [tilespmem:v19+s4+$0x0], $0xffff;
	[tilespmem:$0x1FBE0] =	vst v36  }
0x2d3: {  	v38 =	vadd.s32 v25, v56;
	[tilespmem:v12+s13+$0x0] =	vst.idx.msk $0xffff, v8  }
0x2d4: {  	v63 =	vld [tilespmem:$0x1FDF0];
	v22 =	vadd.s32 v0, v50;
	_ =	sdelay $0x1  }
0x2d5: {  	v21 =	vld.idx.msk [tilespmem:v21+s4+$0x0], $0xffff;
	[tilespmem:v4+s13+$0x0] =	vst.idx.msk $0xffff, v6;
	v10 =	vadd.s32 v0, v42;
	v16 =	vadd.s32 v62, v45  }
0x2d6: {  	v41 =	vadd.s32 v36, v60;
	v17 =	vld.idx.msk [tilespmem:v17+s4+$0x0], $0xffff;
	[tilespmem:$0x1FBF0] =	vst v59  }
0x2d7: {  	v40 =	vor.u32 v33, v1;
	v47 =	vadd.s32 $0x4000, v58;
	v8 =	vadd.s32 v25, v57;
	[tilespmem:v38+s13+$0x0] =	vst.idx.msk $0xffff, v18  }
0x2d8: {  	v12 =	vor.u32 v35, v47;
	v35 =	vlaneseq.u32;
	v1 =	vadd.s32 v63, v42;
	[tilespmem:v22+s13+$0x0] =	vst.idx.msk $0xffff, v20  }
0x2d9: {  	v39 =	vor.u32 $0x4450, v35;
	v49 =	vadd.s32 v62, v23;
	[tilespmem:$0x1FC10] =	vst v1  }
0x2da: {  	v6 =	vadd.s32 v3, v52;
	v1 =	vadd.s32 v39, v23;
	v16 =	vld.idx.msk [tilespmem:v16+s4+$0x0], $0xffff;
	[tilespmem:v10+s13+$0x0] =	vst.idx.msk $0xffff, v14  }
0x2db: {  	v33 =	vadd.s32 v59, v53;
	v51 =	vadd.s32 v3, v54;
	v22 =	vld.idx.msk [tilespmem:v41+s4+$0x0], $0xffff;
	[tilespmem:$0x1FC20] =	vst v1  }
0x2dc: {  	v36 =	vadd.s32 v63, v50;
	[tilespmem:v8+s13+$0x0] =	vst.idx.msk $0xffff, v19  }
0x2dd: {  	v20 =	vadd.s32 v39, v45;
	v14 =	vadd.s32 v29, v56;
	v4 =	vld [tilespmem:$0x1FFC0]  }
0x2de: {  	v8 =	vld.idx.msk [tilespmem:v49+s4+$0x0], $0xffff;
	[tilespmem:$0x1FC00] =	vst v34  }
0x2df: {  	v12 =	vld.idx.msk [tilespmem:v12+s4+$0x0], $0xffff;
	[tilespmem:v6+s13+$0x0] =	vst.idx.msk $0xffff, v21  }
0x2e0: {  	[tilespmem:v51+s13+$0x0] =	vst.idx.msk $0xffff, v17;
	v18 =	vld.idx.msk [tilespmem:v33+s4+$0x0], $0xffff  }
0x2e1: {  	v38 =	vor.u32 $0xE800, v37;
	v51 =	vld.idx.msk [tilespmem:v40+s4+$0x0], $0xffff;
	[tilespmem:v36+s13+$0x0] =	vst.idx.msk $0xffff, v16  }
0x2e2: {  	[tilespmem:v14+s13+$0x0] =	vst.idx.msk $0xffff, v22;
	v14 =	vld.idx.msk [tilespmem:v20+s4+$0x0], $0xffff;
	v49 =	vor.u32 v4, v47;
	v4 =	vadd.s32 v38, v42  }
0x2e3: {  	[tilespmem:$0x1FC40] =	vst v4;
	v4 =	vld [tilespmem:$0x1FC10];
	_ =	sdelay $0x1  }
0x2e4: {  	v1 =	vadd.s32 v29, v57;
	_ =	sdelay $0x4  }
0x2e5: {  	[tilespmem:v1+s13+$0x0] =	vst.idx.msk $0xffff, v12  }
0x2e6: {  	[tilespmem:v4+s13+$0x0] =	vst.idx.msk $0xffff, v8  }
0x2e7: {  	v1 =	vld [tilespmem:$0x1FC20];
	_ =	sdelay $0x7  }
0x2e8: {  	v19 =	vadd.s32 v34, v60;
	v12 =	vld.idx.msk [tilespmem:v1+s4+$0x0], $0xffff  }
0x2e9: {  	v17 =	vadd.s32 v9, v52;
	v1 =	vld [tilespmem:$0x1FFD0];
	_ =	sdelay $0x1  }
0x2ea: {  	v21 =	vadd.s32 v9, v54;
	v16 =	vadd.s32 v5, v53  }
0x2eb: {  	v41 =	vor.u32 $0x4460, v35;
	v33 =	vadd.s32 v38, v50;
	v20 =	vadd.s32 v5, v55  }
0x2ec: {  	v22 =	vadd.s32 v41, v45;
	v40 =	vor.u32 $0xF000, v37;
	v19 =	vld.idx.msk [tilespmem:v19+s4+$0x0], $0xffff;
	v4 =	vadd.s32 v30, v56  }
0x2ed: {  	v59 =	vor.u32 $0xF800, v37;
	v8 =	vadd.s32 v40, v42;
	v37 =	vor.u32 v1, v47;
	v1 =	vld [tilespmem:$0x1FC30];
	[tilespmem:v17+s13+$0x0] =	vst.idx.msk $0xffff, v18  }
0x2ee: {  	v6 =	vld.idx.msk [tilespmem:v49+s4+$0x0], $0xffff;
	[tilespmem:$0x1FC80] =	vst v8  }
0x2ef: {  	v35 =	vlaneseq.u32;
	v16 =	vld.idx.msk [tilespmem:v16+s4+$0x0], $0xffff;
	[tilespmem:v21+s13+$0x0] =	vst.idx.msk $0xffff, v51  }
0x2f0: {  	v49 =	vadd.s32 v59, v42;
	v42 =	vor.u32 $0x4470, v35;
	[tilespmem:v33+s13+$0x0] =	vst.idx.msk $0xffff, v14;
	v14 =	vld.idx.msk [tilespmem:v20+s4+$0x0], $0xffff  }
0x2f1: {  	[tilespmem:v4+s13+$0x0] =	vst.idx.msk $0xffff, v19;
	v4 =	vadd.s32 v42, v45;
	v18 =	vld.idx.msk [tilespmem:v22+s4+$0x0], $0xffff  }
0x2f2: {  	[tilespmem:$0x1FC70] =	vst v4;
	v4 =	vld [tilespmem:$0x1FC40];
	_ =	sdelay $0x1  }
0x2f3: {  	v10 =	vadd.s32 v30, v57  }
0x2f4: {  	v36 =	vmov v1;
	v1 =	vadd.s32 v1, v60;
	_ =	sdelay $0x3  }
0x2f5: {  	[tilespmem:v10+s13+$0x0] =	vst.idx.msk $0xffff, v6  }
0x2f6: {  	[tilespmem:v4+s13+$0x0] =	vst.idx.msk $0xffff, v12;
	v12 =	vld.idx.msk [tilespmem:v1+s4+$0x0], $0xffff  }
0x2f7: {  	v34 =	vadd.s32 v41, v23;
	v1 =	vld [tilespmem:$0x1FFF0];
	_ =	sdelay $0x3  }
0x2f8: {  	v48 =	vadd.s32 v59, v50;
	v17 =	vadd.s32 v40, v50  }
0x2f9: {  	v50 =	vadd.s32 v7, v52;
	v22 =	vld.idx.msk [tilespmem:v34+s4+$0x0], $0xffff;
	v34 =	vmov v1;
	v1 =	vor.u32 v1, v47  }
0x2fa: {  	[tilespmem:$0x1FC90] =	vst v1;
	v1 =	vld [tilespmem:$0x1FC50];
	_ =	sdelay $0x1  }
0x2fb: {  	v8 =	vadd.s32 v11, v53;
	v21 =	vadd.s32 v7, v54  }
0x2fc: {  	v20 =	vadd.s32 v11, v55  }
0x2fd: {  	v6 =	vadd.s32 v31, v56;
	v4 =	vadd.s32 v13, v52;
	[tilespmem:v50+s13+$0x0] =	vst.idx.msk $0xffff, v16  }
0x2fe: {  	v10 =	vld.idx.msk [tilespmem:v37+s4+$0x0], $0xffff;
	[tilespmem:$0x1FCA0] =	vst v4;
	v33 =	vmov v1;
	v45 =	vadd.s32 v1, v60;
	v1 =	vadd.s32 v13, v54  }
0x2ff: {  	[tilespmem:$0x1FCB0] =	vst v1  }
0x300: {  	[tilespmem:v21+s13+$0x0] =	vst.idx.msk $0xffff, v14;
	v14 =	vld.idx.msk [tilespmem:v8+s4+$0x0], $0xffff;
	v8 =	vadd.s32 v15, v53  }
0x301: {  	[tilespmem:$0x1FCC0] =	vst v8  }
0x302: {  	[tilespmem:v17+s13+$0x0] =	vst.idx.msk $0xffff, v18  }
0x303: {  	v8 =	vld.idx.msk [tilespmem:v20+s4+$0x0], $0xffff;
	[tilespmem:v6+s13+$0x0] =	vst.idx.msk $0xffff, v12  }
0x304: {  	v20 =	vld [tilespmem:$0x1FC80];
	_ =	sdelay $0x1  }
0x305: {  	v19 =	vadd.s32 v31, v57;
	v6 =	vld [tilespmem:$0x1FC60];
	_ =	sdelay $0x3  }
0x306: {  	s31 =	simm.s32 $0x6  }
0x307: {  	v21 =	vadd.s32 s31, v35;
	v37 =	vmov v6;
	v18 =	vadd.s32 v6, v60;
	v6 =	vld [tilespmem:$0x1FC70];
	[tilespmem:v19+s13+$0x0] =	vst.idx.msk $0xffff, v10  }
0x308: {  	vm14 =	vgt.u32 v21, $0x3F;
	v12 =	vadd.s32 s31, v26;
	[tilespmem:v20+s13+$0x0] =	vst.idx.msk $0xffff, v22;
	v20 =	vld.idx.msk [tilespmem:v45+s4+$0x0], $0xffff  }
0x309: {  	v45 =	vsel vm14, v12, v21;
	v12 =	vld [tilespmem:$0x1FC90];
	_ =	sdelay $0x7  }
0x30a: {  	v21 =	vld.idx.msk [tilespmem:v12+s4+$0x0], $0xffff  }
0x30b: {  	v12 =	vld [tilespmem:$0x1FCA0];
	_ =	sdelay $0x2  }
0x30c: {  	v23 =	vadd.s32 v42, v23;
	v10 =	vld [tilespmem:$0x1FFE0];
	_ =	sdelay $0x3  }
0x30d: {  	s29 =	simm.s32 $0x7  }
0x30e: {  	v22 =	vadd.s32 s29, v35;
	v35 =	vmov v10;
	v19 =	vor.u32 v10, v47;
	v10 =	vld.idx.msk [tilespmem:v23+s4+$0x0], $0xffff;
	[tilespmem:v12+s13+$0x0] =	vst.idx.msk $0xffff, v14  }
0x30f: {  	v23 =	vld [tilespmem:$0x1FCB0];
	_ =	sdelay $0x7  }
0x310: {  	[tilespmem:v23+s13+$0x0] =	vst.idx.msk $0xffff, v8  }
0x311: {  	v8 =	vld [tilespmem:$0x1FCC0];
	_ =	sdelay $0x2  }
0x312: {  	v61 =	vadd.s32 v28, v53;
	v43 =	vadd.s32 v28, v55;
	v44 =	vadd.s32 v28, v60  }
0x313: {  	v46 =	vadd.s32 v28, v58;
	v51 =	vadd.s32 v2, v52;
	v16 =	vadd.s32 v32, v57  }
0x314: {  	v50 =	vadd.s32 s29, v26;
	v4 =	vadd.s32 v15, v55;
	vm15 =	vgt.u32 v22, $0x3F;
	v6 =	vld.idx.msk [tilespmem:v6+s4+$0x0], $0xffff  }
0x315: {  	v1 =	vadd.s32 v2, v54;
	v17 =	vadd.s32 v32, v56;
	v50 =	vsel vm15, v50, v22  }
0x316: {  	v22 =	vshll.u32 v50, $0x7;
	v12 =	vshll.u32 v45, $0x8;
	v14 =	vshll.u32 v50, $0x8  }
0x317: {  	s29 =	simm.s32 $0x8;
	v22 =	vand.u32 $0x380, v22;
	v12 =	vand.u32 $0xFFFFF800, v12;
	v14 =	vand.u32 $0xFFFFF800, v14;
	v8 =	vld.idx.msk [tilespmem:v8+s4+$0x0], $0xffff  }
.LBB2_10:
0x318: {  	v23 =	vshll.u32 v45, $0x7  }
0x319: {  	v14 =	vor.u32 v22, v14;
	v4 =	vld.idx.msk [tilespmem:v4+s4+$0x0], $0xffff;
	[tilespmem:v48+s13+$0x0] =	vst.idx.msk $0xffff, v6;
	v22 =	vand.u32 $0x380, v23  }
0x31a: {  	[tilespmem:v17+s13+$0x0] =	vst.idx.msk $0xffff, v20;
	v12 =	vor.u32 v22, v12;
	v22 =	vld [tilespmem:$0x1FBD0]  }
0x31b: {  	[tilespmem:v49+s13+$0x0] =	vst.idx.msk $0xffff, v10;
	v17 =	vld.idx.msk [tilespmem:v18+s4+$0x0], $0xffff  }
0x31c: {  	v6 =	vmov v52;
	[tilespmem:v16+s13+$0x0] =	vst.idx.msk $0xffff, v21;
	v21 =	vld [tilespmem:$0x1FF90]  }
0x31d: {  	v52 =	vmovc v56;
	v23 =	vadd.s32 v24, v14;
	v20 =	vadd.s32 v24, v12;
	v24 =	vadd.s32 v25, v45;
	v25 =	vld [tilespmem:$0x1FCE0]  }
0x31e: {  	v18 =	vadd.s32 v27, v52;
	v16 =	vadd.s32 v27, v57;
	v27 =	vld [tilespmem:$0x1FFB0]  }
0x31f: {  	v48 =	vadd.s32 v28, v14;
	[tilespmem:v51+s13+$0x0] =	vst.idx.msk $0xffff, v8;
	v8 =	vadd.s32 v28, v12;
	v28 =	vld [tilespmem:$0x1FBE0]  }
0x320: {  	v19 =	vld.idx.msk [tilespmem:v19+s4+$0x0], $0xffff  }
0x321: {  	v56 =	vmov v50;
	v50 =	vld.idx.msk [tilespmem:v61+s4+$0x0], $0xffff;
	v22 =	vadd.s32 v22, v60  }
0x322: {  	v51 =	vadd.s32 v0, v6;
	[tilespmem:v1+s13+$0x0] =	vst.idx.msk $0xffff, v4;
	v61 =	vmov v44;
	v44 =	vmov v48;
	v48 =	vld [tilespmem:$0x1FBF0]  }
0x323: {  	v49 =	vadd.s32 v0, v54;
	v26 =	vld.idx.msk [tilespmem:v43+s4+$0x0], $0xffff;
	v21 =	vor.u32 v21, v47  }
0x324: {  	v20 =	vld.idx.msk [tilespmem:v20+s4+$0x0], $0xffff  }
0x325: {  	v23 =	vld.idx.msk [tilespmem:v23+s4+$0x0], $0xffff;
	v25 =	vadd.s32 v25, v56;
	[tilespmem:v18+s13+$0x0] =	vst.idx.msk $0xffff, v17  }
0x326: {  	v4 =	vadd.s32 v62, v53;
	[tilespmem:v16+s13+$0x0] =	vst.idx.msk $0xffff, v19;
	v17 =	vld.idx.msk [tilespmem:v22+s4+$0x0], $0xffff  }
0x327: {  	v28 =	vadd.s32 v28, v14;
	v22 =	vld [tilespmem:$0x1FFA0];
	[tilespmem:v51+s13+$0x0] =	vst.idx.msk $0xffff, v50  }
0x328: {  	v1 =	vadd.s32 v62, v55;
	v21 =	vld.idx.msk [tilespmem:v21+s4+$0x0], $0xffff;
	[tilespmem:v49+s13+$0x0] =	vst.idx.msk $0xffff, v26  }
0x329: {  	v10 =	vadd.s32 $0x4000, v12;
	[tilespmem:v24+s13+$0x0] =	vst.idx.msk $0xffff, v20;
	v20 =	vadd.s32 v29, v45;
	v24 =	vadd.s32 v29, v56;
	v29 =	vld [tilespmem:$0x1FFC0]  }
0x32a: {  	v27 =	vor.u32 v27, v10;
	v19 =	vadd.s32 v3, v52;
	[tilespmem:v25+s13+$0x0] =	vst.idx.msk $0xffff, v23  }
0x32b: {  	v16 =	vadd.s32 v3, v57;
	v4 =	vld.idx.msk [tilespmem:v4+s4+$0x0], $0xffff  }
0x32c: {  	v43 =	vmov v46;
	v18 =	vadd.s32 v63, v6;
	v46 =	vadd.s32 v48, v60;
	v28 =	vld.idx.msk [tilespmem:v28+s4+$0x0], $0xffff  }
0x32d: {  	v1 =	vld.idx.msk [tilespmem:v1+s4+$0x0], $0xffff  }
0x32e: {  	v23 =	vadd.s32 v63, v54;
	v22 =	vor.u32 v22, v47;
	v49 =	vor.u32 v29, v10;
	v29 =	vld [tilespmem:$0x1FC00]  }
0x32f: {  	v27 =	vld.idx.msk [tilespmem:v27+s4+$0x0], $0xffff;
	[tilespmem:v19+s13+$0x0] =	vst.idx.msk $0xffff, v17  }
0x330: {  	v26 =	vadd.s32 v39, v55;
	[tilespmem:v16+s13+$0x0] =	vst.idx.msk $0xffff, v21  }
0x331: {  	v17 =	vld.idx.msk [tilespmem:v46+s4+$0x0], $0xffff;
	[tilespmem:v18+s13+$0x0] =	vst.idx.msk $0xffff, v4  }
0x332: {  	v25 =	vadd.s32 v39, v53;
	v46 =	vmov v8;
	[tilespmem:v24+s13+$0x0] =	vst.idx.msk $0xffff, v28;
	v28 =	vld [tilespmem:$0x1FFD0]  }
0x333: {  	v8 =	vadd.s32 v9, v57;
	v16 =	vld.idx.msk [tilespmem:v22+s4+$0x0], $0xffff;
	[tilespmem:v23+s13+$0x0] =	vst.idx.msk $0xffff, v1;
	v50 =	vadd.s32 v29, v14  }
0x334: {  	v47 =	vmov v10;
	v10 =	vadd.s32 v9, v52;
	[tilespmem:v20+s13+$0x0] =	vst.idx.msk $0xffff, v27  }
0x335: {  	v21 =	vadd.s32 v5, v58;
	v4 =	vadd.s32 v38, v54;
	v26 =	vld.idx.msk [tilespmem:v26+s4+$0x0], $0xffff  }
0x336: {  	v22 =	vadd.s32 v5, v60;
	v20 =	vadd.s32 v30, v45;
	v27 =	vld.idx.msk [tilespmem:v49+s4+$0x0], $0xffff  }
0x337: {  	v19 =	vadd.s32 v38, v6;
	v18 =	vld.idx.msk [tilespmem:v25+s4+$0x0], $0xffff;
	v1 =	vadd.s32 v41, v55  }
0x338: {  	v23 =	vadd.s32 v30, v56;
	v28 =	vor.u32 v28, v47;
	[tilespmem:v8+s13+$0x0] =	vst.idx.msk $0xffff, v16;
	v25 =	vld.idx.msk [tilespmem:v50+s4+$0x0], $0xffff  }
0x339: {  	v24 =	vadd.s32 v41, v53;
	[tilespmem:v10+s13+$0x0] =	vst.idx.msk $0xffff, v17  }
0x33a: {  	v8 =	vadd.s32 v7, v57;
	v50 =	vadd.s32 v36, v14;
	v17 =	vld.idx.msk [tilespmem:v21+s4+$0x0], $0xffff;
	[tilespmem:v4+s13+$0x0] =	vst.idx.msk $0xffff, v26  }
0x33b: {  	v16 =	vadd.s32 v7, v52;
	v10 =	vld.idx.msk [tilespmem:v22+s4+$0x0], $0xffff;
	[tilespmem:v20+s13+$0x0] =	vst.idx.msk $0xffff, v27  }
0x33c: {  	v49 =	vadd.s32 v59, v54;
	v21 =	vadd.s32 v11, v58;
	[tilespmem:v19+s13+$0x0] =	vst.idx.msk $0xffff, v18;
	v26 =	vld.idx.msk [tilespmem:v1+s4+$0x0], $0xffff  }
0x33d: {  	v22 =	vadd.s32 v40, v54;
	v54 =	vadd.s32 v11, v60;
	v27 =	vld.idx.msk [tilespmem:v28+s4+$0x0], $0xffff;
	[tilespmem:v23+s13+$0x0] =	vst.idx.msk $0xffff, v25  }
0x33e: {  	v25 =	vadd.s32 v31, v45;
	v18 =	vld.idx.msk [tilespmem:v24+s4+$0x0], $0xffff  }
0x33f: {  	v48 =	vadd.s32 v59, v6;
	v6 =	vadd.s32 v40, v6;
	[tilespmem:v8+s13+$0x0] =	vst.idx.msk $0xffff, v17;
	v24 =	vld.idx.msk [tilespmem:v50+s4+$0x0], $0xffff  }
0x340: {  	v20 =	vadd.s32 v31, v56;
	v23 =	vadd.s32 v42, v55;
	[tilespmem:v16+s13+$0x0] =	vst.idx.msk $0xffff, v10;
	v10 =	vld [tilespmem:$0x1FF80]  }
0x341: {  	v19 =	vadd.s32 v42, v53;
	v31 =	vld.idx.msk [tilespmem:v21+s4+$0x0], $0xffff  }
0x342: {  	v50 =	vadd.s32 v33, v14;
	v54 =	vld.idx.msk [tilespmem:v54+s4+$0x0], $0xffff;
	[tilespmem:v22+s13+$0x0] =	vst.idx.msk $0xffff, v26  }
0x343: {  	s30 =	smov.u32 s29;
	v30 =	vadd.s32 v13, v52;
	v53 =	vmov v60;
	[tilespmem:v25+s13+$0x0] =	vst.idx.msk $0xffff, v27;
	v27 =	vld [tilespmem:$0x1FD30]  }
0x344: {  	s3 =	sadd.s32 $0x1, s30;
	v8 =	vadd.s32 v15, v53;
	v25 =	vld [tilespmem:$0x1FCE0];
	[tilespmem:v6+s13+$0x0] =	vst.idx.msk $0xffff, v18  }
0x345: {  	v28 =	vor.u32 v34, v47;
	v21 =	vadd.s32 s30, v10;
	v22 =	vadd.s32 s3, v10;
	v10 =	vld.idx.msk [tilespmem:v23+s4+$0x0], $0xffff;
	[tilespmem:v20+s13+$0x0] =	vst.idx.msk $0xffff, v24  }
0x346: {  	v6 =	vld.idx.msk [tilespmem:v19+s4+$0x0], $0xffff  }
0x347: {  	v29 =	vadd.s32 v13, v57;
	v19 =	vlaneseq.u32;
	v20 =	vld.idx.msk [tilespmem:v50+s4+$0x0], $0xffff  }
0x348: {  	v60 =	vmov v14;
	v18 =	vadd.s32 v37, v14;
	[tilespmem:v30+s13+$0x0] =	vst.idx.msk $0xffff, v54;
	v30 =	vld [tilespmem:$0x1FD10];
	v14 =	vadd.s32 s30, v19  }
0x349: {  	p1 =	slt.u32 s29, $0x3E;
	v51 =	vadd.s32 v2, v52;
	v4 =	vadd.s32 v15, v58;
	v8 =	vld.idx.msk [tilespmem:v8+s4+$0x0], $0xffff;
	vm0 =	vgt.u32 v14, $0x3F  }
.Ltmp8:
0x34a: {  	v1 =	vadd.s32 v2, v57;
	v24 =	vadd.s32 s3, v19;
	v23 =	vsel vm0, v21, v14;
	v21 =	vld.idx.msk [tilespmem:v28+s4+$0x0], $0xffff;
	(pc) =	sbr.rel @p1 .LBB2_10-.Ltmp8, $4  }
0x34b: {  	v17 =	vadd.s32 v32, v56;
	v16 =	vadd.s32 v32, v45;
	vm1 =	vgt.u32 v24, $0x3F;
	v28 =	vld [tilespmem:$0x1FDC0]  }
0x34c: {  	v55 =	vmov v58;
	v19 =	vor.u32 v35, v47;
	v50 =	vsel vm1, v22, v24;
	[tilespmem:v29+s13+$0x0] =	vst.idx.msk $0xffff, v31;
	v31 =	vld [tilespmem:$0x1FD20]  }
0x34d: {  	v58 =	vmovc v12;
	v54 =	vmovc v57;
	v29 =	vld [tilespmem:$0x1FD00];
	v14 =	vshll.u32 v23, $0x8;
	v22 =	vshll.u32 v50, $0x8;
	v24 =	vshll.u32 v50, $0x7  }
0x34e: {  	s29 =	sadd.s32 $0x2, s29;
	v57 =	vmovc v45;
	v45 =	vmovc v23;
	v12 =	vand.u32 $0xFFFFF800, v14;
	v14 =	vand.u32 $0xFFFFF800, v22;
	v22 =	vand.u32 $0x380, v24;
	v24 =	vld [tilespmem:$0x1FCF0]  }
0x34f: {  	_ =	sdelay $0x2  }
0x350: {  	v23 =	vshll.u32 v45, $0x7;
	v22 =	vor.u32 v22, v14  }
0x351: {  	v14 =	vand.u32 $0x380, v23;
	v23 =	vadd.s32 v24, v22;
	_ =	sdelay $0x2  }
0x352: {  	v14 =	vor.u32 v14, v12  }
0x353: {  	[tilespmem:$0x1FBC0] =	vst v14  }
0x354: {  	v23 =	vld.idx.msk [tilespmem:v23+s4+$0x0], $0xffff;
	_ =	sdelay $0x2  }
0x355: {  	v12 =	vadd.s32 v24, v14;
	_ =	sdelay $0x1  }
0x356: {  	[tilespmem:$0x1FB80] =	vst v23;
	v23 =	vadd.s32 v25, v50  }
0x357: {  	[tilespmem:$0x1FB90] =	vst v23;
	v23 =	vadd.s32 $0x4000, v14;
	v14 =	vadd.s32 v25, v45  }
0x358: {  	[tilespmem:$0x1FBA0] =	vst v14  }
0x359: {  	v14 =	vld.idx.msk [tilespmem:v12+s4+$0x0], $0xffff  }
0x35a: {  	v12 =	vld [tilespmem:$0x1FFB0]  }
0x35b: {  	v25 =	vld [tilespmem:$0x1FBE0]  }
0x35c: {  	v24 =	vld [tilespmem:$0x1FB90];
	_ =	sdelay $0x2  }
0x35d: {  	v26 =	vor.u32 v12, v23;
	v12 =	vld [tilespmem:$0x1FB80]  }
0x35e: {  	v25 =	vadd.s32 v25, v22;
	_ =	sdelay $0x3  }
0x35f: {  	[tilespmem:v24+s13+$0x0] =	vst.idx.msk $0xffff, v12  }
0x360: {  	v12 =	vld.idx.msk [tilespmem:v25+s4+$0x0], $0xffff;
	_ =	sdelay $0x4  }
0x361: {  	[tilespmem:$0x1FBB0] =	vst v12;
	v12 =	vld [tilespmem:$0x1FBA0];
	_ =	sdelay $0x7  }
0x362: {  	[tilespmem:v12+s13+$0x0] =	vst.idx.msk $0xffff, v14  }
0x363: {  	v14 =	vld [tilespmem:$0x1FFC0];
	_ =	sdelay $0x2  }
0x364: {  	v25 =	vld [tilespmem:$0x1FC00]  }
0x365: {  	v12 =	vadd.s32 v29, v50;
	v29 =	vadd.s32 v29, v45;
	v24 =	vld.idx.msk [tilespmem:v26+s4+$0x0], $0xffff  }
0x366: {  	v26 =	vor.u32 v14, v23;
	v14 =	vld [tilespmem:$0x1FBB0];
	_ =	sdelay $0x2  }
0x367: {  	v25 =	vadd.s32 v25, v22  }
0x368: {  	[tilespmem:v29+s13+$0x0] =	vst.idx.msk $0xffff, v24  }
0x369: {  	[tilespmem:v12+s13+$0x0] =	vst.idx.msk $0xffff, v14;
	v24 =	vld.idx.msk [tilespmem:v26+s4+$0x0], $0xffff  }
0x36a: {  	v26 =	vld [tilespmem:$0x1FFD0];
	_ =	sdelay $0x1  }
0x36b: {  	v14 =	vadd.s32 v30, v50;
	v12 =	vld.idx.msk [tilespmem:v25+s4+$0x0], $0xffff  }
0x36c: {  	v25 =	vadd.s32 v36, v22  }
0x36d: {  	v29 =	vadd.s32 v30, v45  }
0x36e: {  	v26 =	vor.u32 v26, v23;
	_ =	sdelay $0x1  }
0x36f: {  	[tilespmem:v14+s13+$0x0] =	vst.idx.msk $0xffff, v12  }
0x370: {  	v14 =	vadd.s32 v31, v50;
	v12 =	vld.idx.msk [tilespmem:v25+s4+$0x0], $0xffff  }
0x371: {  	[tilespmem:v29+s13+$0x0] =	vst.idx.msk $0xffff, v24;
	v25 =	vadd.s32 v33, v22  }
0x372: {  	v29 =	vadd.s32 v31, v45;
	v24 =	vld.idx.msk [tilespmem:v26+s4+$0x0], $0xffff;
	_ =	sdelay $0x1  }
0x373: {  	[tilespmem:v17+s13+$0x0] =	vst.idx.msk $0xffff, v20  }
0x374: {  	[tilespmem:v14+s13+$0x0] =	vst.idx.msk $0xffff, v12  }
0x375: {  	[tilespmem:v16+s13+$0x0] =	vst.idx.msk $0xffff, v21;
	v26 =	vor.u32 v34, v23;
	v12 =	vadd.s32 v32, v50;
	v14 =	vld.idx.msk [tilespmem:v25+s4+$0x0], $0xffff  }
0x376: {  	v30 =	vmov v22;
	[tilespmem:v29+s13+$0x0] =	vst.idx.msk $0xffff, v24  }
0x377: {  	v24 =	vadd.s32 v37, v30;
	v29 =	vld [tilespmem:$0x1FBD0]  }
0x378: {  	v17 =	vld.idx.msk [tilespmem:v18+s4+$0x0], $0xffff  }
0x379: {  	v18 =	vadd.s32 v27, v56;
	v19 =	vld.idx.msk [tilespmem:v19+s4+$0x0], $0xffff  }
0x37a: {  	v22 =	vadd.s32 v32, v45;
	v25 =	vld.idx.msk [tilespmem:v26+s4+$0x0], $0xffff;
	[tilespmem:v12+s13+$0x0] =	vst.idx.msk $0xffff, v14  }
0x37b: {  	v16 =	vadd.s32 v27, v57;
	v37 =	vmov v35;
	v26 =	vor.u32 v35, v23;
	v35 =	vld [tilespmem:$0x1FF90]  }
0x37c: {  	v21 =	vadd.s32 v27, v50;
	v14 =	vld.idx.msk [tilespmem:v24+s4+$0x0], $0xffff;
	v20 =	vadd.s32 v29, v60;
	_ =	sdelay $0x1  }
0x37d: {  	[tilespmem:v18+s13+$0x0] =	vst.idx.msk $0xffff, v17  }
0x37e: {  	[tilespmem:v22+s13+$0x0] =	vst.idx.msk $0xffff, v25;
	v25 =	vadd.s32 v29, v30  }
0x37f: {  	[tilespmem:v16+s13+$0x0] =	vst.idx.msk $0xffff, v19;
	v22 =	vadd.s32 v27, v45;
	v24 =	vld.idx.msk [tilespmem:v26+s4+$0x0], $0xffff;
	v12 =	vor.u32 v35, v47  }
0x380: {  	v26 =	vor.u32 v35, v23;
	[tilespmem:v21+s13+$0x0] =	vst.idx.msk $0xffff, v14;
	v16 =	vld.idx.msk [tilespmem:v20+s4+$0x0], $0xffff  }
0x381: {  	v27 =	vld [tilespmem:$0x1FBF0]  }
0x382: {  	v17 =	vadd.s32 v3, v56;
	v33 =	vld [tilespmem:$0x1FFA0]  }
0x383: {  	v21 =	vadd.s32 v3, v50;
	v20 =	vld.idx.msk [tilespmem:v25+s4+$0x0], $0xffff  }
0x384: {  	v14 =	vadd.s32 v3, v57;
	[tilespmem:v22+s13+$0x0] =	vst.idx.msk $0xffff, v24;
	v12 =	vld.idx.msk [tilespmem:v12+s4+$0x0], $0xffff  }
0x385: {  	v22 =	vadd.s32 v3, v45;
	v24 =	vld.idx.msk [tilespmem:v26+s4+$0x0], $0xffff;
	_ =	sdelay $0x1  }
0x386: {  	v18 =	vadd.s32 v27, v60;
	[tilespmem:v17+s13+$0x0] =	vst.idx.msk $0xffff, v16  }
0x387: {  	v19 =	vor.u32 v33, v47;
	[tilespmem:v21+s13+$0x0] =	vst.idx.msk $0xffff, v20  }
0x388: {  	v25 =	vadd.s32 v27, v30;
	[tilespmem:v14+s13+$0x0] =	vst.idx.msk $0xffff, v12  }
0x389: {  	v23 =	vor.u32 v33, v23;
	[tilespmem:v22+s13+$0x0] =	vst.idx.msk $0xffff, v24  }
0x38a: {  	v3 =	vld [tilespmem:$0x1FBC0]  }
0x38b: {  	v12 =	vadd.s32 v9, v56;
	v16 =	vld.idx.msk [tilespmem:v18+s4+$0x0], $0xffff  }
0x38c: {  	v14 =	vadd.s32 v9, v57;
	v17 =	vld.idx.msk [tilespmem:v19+s4+$0x0], $0xffff;
	v18 =	vadd.s32 v5, v60  }
0x38d: {  	v21 =	vadd.s32 v9, v50;
	v19 =	vadd.s32 v5, v58;
	v20 =	vld.idx.msk [tilespmem:v25+s4+$0x0], $0xffff  }
0x38e: {  	v22 =	vadd.s32 v9, v45;
	v24 =	vadd.s32 v5, v30;
	v23 =	vld.idx.msk [tilespmem:v23+s4+$0x0], $0xffff  }
0x38f: {  	v25 =	vadd.s32 v5, v3  }
0x390: {  	[tilespmem:v12+s13+$0x0] =	vst.idx.msk $0xffff, v16  }
0x391: {  	[tilespmem:v14+s13+$0x0] =	vst.idx.msk $0xffff, v17;
	v14 =	vadd.s32 v7, v56;
	v12 =	vld.idx.msk [tilespmem:v18+s4+$0x0], $0xffff  }
0x392: {  	v16 =	vadd.s32 v7, v57;
	[tilespmem:v21+s13+$0x0] =	vst.idx.msk $0xffff, v20;
	v17 =	vld.idx.msk [tilespmem:v19+s4+$0x0], $0xffff;
	v18 =	vadd.s32 v11, v60  }
0x393: {  	[tilespmem:v22+s13+$0x0] =	vst.idx.msk $0xffff, v23;
	v21 =	vadd.s32 v7, v50;
	v19 =	vadd.s32 v11, v58;
	v20 =	vld.idx.msk [tilespmem:v24+s4+$0x0], $0xffff  }
0x394: {  	v22 =	vadd.s32 v7, v45;
	v24 =	vadd.s32 v11, v30;
	v23 =	vld.idx.msk [tilespmem:v25+s4+$0x0], $0xffff  }
0x395: {  	v25 =	vadd.s32 v11, v3  }
0x396: {  	[tilespmem:v14+s13+$0x0] =	vst.idx.msk $0xffff, v12  }
0x397: {  	[tilespmem:v16+s13+$0x0] =	vst.idx.msk $0xffff, v17;
	v14 =	vadd.s32 v13, v56;
	v12 =	vld.idx.msk [tilespmem:v18+s4+$0x0], $0xffff  }
0x398: {  	[tilespmem:v21+s13+$0x0] =	vst.idx.msk $0xffff, v20;
	v16 =	vadd.s32 v13, v57;
	v17 =	vadd.s32 v15, v60;
	v18 =	vld.idx.msk [tilespmem:v19+s4+$0x0], $0xffff  }
0x399: {  	v21 =	vadd.s32 v13, v50;
	v19 =	vadd.s32 v15, v58;
	v20 =	vld.idx.msk [tilespmem:v24+s4+$0x0], $0xffff;
	[tilespmem:v22+s13+$0x0] =	vst.idx.msk $0xffff, v23  }
0x39a: {  	[tilespmem:v48+s13+$0x0] =	vst.idx.msk $0xffff, v6;
	v6 =	vadd.s32 v13, v45;
	v22 =	vadd.s32 v15, v30;
	v23 =	vld.idx.msk [tilespmem:v25+s4+$0x0], $0xffff  }
0x39b: {  	[tilespmem:v49+s13+$0x0] =	vst.idx.msk $0xffff, v10;
	v10 =	vadd.s32 v15, v3  }
0x39c: {  	v4 =	vld.idx.msk [tilespmem:v4+s4+$0x0], $0xffff;
	[tilespmem:v14+s13+$0x0] =	vst.idx.msk $0xffff, v12  }
0x39d: {  	[tilespmem:v16+s13+$0x0] =	vst.idx.msk $0xffff, v18;
	v12 =	vadd.s32 v2, v56;
	v14 =	vld.idx.msk [tilespmem:v17+s4+$0x0], $0xffff  }
0x39e: {  	[tilespmem:v21+s13+$0x0] =	vst.idx.msk $0xffff, v20;
	v16 =	vadd.s32 v2, v57;
	v17 =	vld.idx.msk [tilespmem:v19+s4+$0x0], $0xffff  }
0x39f: {  	v18 =	vld.idx.msk [tilespmem:v22+s4+$0x0], $0xffff;
	[tilespmem:v6+s13+$0x0] =	vst.idx.msk $0xffff, v23;
	v6 =	vadd.s32 v2, v50  }
0x3a0: {  	[tilespmem:v51+s13+$0x0] =	vst.idx.msk $0xffff, v8;
	v8 =	vadd.s32 v28, v30;
	v19 =	vadd.s32 v2, v45;
	v10 =	vld.idx.msk [tilespmem:v10+s4+$0x0], $0xffff  }
0x3a1: {  	[tilespmem:v1+s13+$0x0] =	vst.idx.msk $0xffff, v4;
	v4 =	vld.idx.msk [tilespmem:v61+s4+$0x0], $0xffff;
	v1 =	vadd.s32 v28, v3;
	v20 =	vadd.s32 v0, v52  }
0x3a2: {  	v21 =	vld.idx.msk [tilespmem:v43+s4+$0x0], $0xffff;
	[tilespmem:v12+s13+$0x0] =	vst.idx.msk $0xffff, v14;
	v12 =	vadd.s32 v0, v54;
	v14 =	vadd.s32 v62, v53  }
0x3a3: {  	v22 =	vadd.s32 v0, v56;
	[tilespmem:v16+s13+$0x0] =	vst.idx.msk $0xffff, v17;
	v16 =	vadd.s32 v62, v55;
	v17 =	vld.idx.msk [tilespmem:v44+s4+$0x0], $0xffff  }
0x3a4: {  	[tilespmem:v6+s13+$0x0] =	vst.idx.msk $0xffff, v18;
	v6 =	vadd.s32 v0, v57;
	v18 =	vadd.s32 v62, v60;
	v23 =	vld.idx.msk [tilespmem:v46+s4+$0x0], $0xffff  }
0x3a5: {  	[tilespmem:v19+s13+$0x0] =	vst.idx.msk $0xffff, v10;
	v10 =	vadd.s32 v62, v58;
	v8 =	vld.idx.msk [tilespmem:v8+s4+$0x0], $0xffff;
	v19 =	vadd.s32 v0, v50  }
0x3a6: {  	[tilespmem:v20+s13+$0x0] =	vst.idx.msk $0xffff, v4;
	v4 =	vadd.s32 v0, v45;
	v20 =	vadd.s32 v62, v30;
	v1 =	vld.idx.msk [tilespmem:v1+s4+$0x0], $0xffff  }
0x3a7: {  	[tilespmem:v12+s13+$0x0] =	vst.idx.msk $0xffff, v21;
	v12 =	vadd.s32 v63, v52;
	v14 =	vld.idx.msk [tilespmem:v14+s4+$0x0], $0xffff;
	v21 =	vadd.s32 v62, v3  }
0x3a8: {  	[tilespmem:v22+s13+$0x0] =	vst.idx.msk $0xffff, v17;
	v17 =	vadd.s32 v63, v54;
	v22 =	vadd.s32 v39, v53;
	v16 =	vld.idx.msk [tilespmem:v16+s4+$0x0], $0xffff  }
0x3a9: {  	[tilespmem:v6+s13+$0x0] =	vst.idx.msk $0xffff, v23;
	v6 =	vadd.s32 v39, v55;
	v23 =	vadd.s32 v63, v56;
	v18 =	vld.idx.msk [tilespmem:v18+s4+$0x0], $0xffff  }
0x3aa: {  	[tilespmem:v19+s13+$0x0] =	vst.idx.msk $0xffff, v8;
	v8 =	vadd.s32 v63, v57;
	v19 =	vadd.s32 v39, v60;
	v10 =	vld.idx.msk [tilespmem:v10+s4+$0x0], $0xffff  }
0x3ab: {  	[tilespmem:v4+s13+$0x0] =	vst.idx.msk $0xffff, v1;
	v1 =	vadd.s32 v39, v58;
	v4 =	vadd.s32 v63, v50;
	v20 =	vld.idx.msk [tilespmem:v20+s4+$0x0], $0xffff  }
0x3ac: {  	[tilespmem:v12+s13+$0x0] =	vst.idx.msk $0xffff, v14;
	v12 =	vadd.s32 v63, v45;
	v14 =	vadd.s32 v39, v30;
	v21 =	vld.idx.msk [tilespmem:v21+s4+$0x0], $0xffff  }
0x3ad: {  	[tilespmem:v17+s13+$0x0] =	vst.idx.msk $0xffff, v16;
	v16 =	vadd.s32 v38, v52;
	v17 =	vld.idx.msk [tilespmem:v22+s4+$0x0], $0xffff;
	v22 =	vadd.s32 v39, v3  }
0x3ae: {  	[tilespmem:v23+s13+$0x0] =	vst.idx.msk $0xffff, v18;
	v18 =	vadd.s32 v38, v54;
	v23 =	vadd.s32 v41, v53;
	v6 =	vld.idx.msk [tilespmem:v6+s4+$0x0], $0xffff  }
0x3af: {  	[tilespmem:v8+s13+$0x0] =	vst.idx.msk $0xffff, v10;
	v8 =	vadd.s32 v41, v55;
	v10 =	vadd.s32 v38, v56;
	v19 =	vld.idx.msk [tilespmem:v19+s4+$0x0], $0xffff  }
0x3b0: {  	[tilespmem:v4+s13+$0x0] =	vst.idx.msk $0xffff, v20;
	v4 =	vadd.s32 v38, v57;
	v20 =	vadd.s32 v41, v60;
	v1 =	vld.idx.msk [tilespmem:v1+s4+$0x0], $0xffff  }
0x3b1: {  	[tilespmem:v12+s13+$0x0] =	vst.idx.msk $0xffff, v21;
	v12 =	vadd.s32 v41, v58;
	v21 =	vadd.s32 v38, v50;
	v14 =	vld.idx.msk [tilespmem:v14+s4+$0x0], $0xffff  }
0x3b2: {  	[tilespmem:v16+s13+$0x0] =	vst.idx.msk $0xffff, v17;
	v16 =	vadd.s32 v38, v45;
	v17 =	vadd.s32 v41, v30;
	v22 =	vld.idx.msk [tilespmem:v22+s4+$0x0], $0xffff  }
0x3b3: {  	[tilespmem:v18+s13+$0x0] =	vst.idx.msk $0xffff, v6;
	v6 =	vadd.s32 v40, v52;
	v18 =	vld.idx.msk [tilespmem:v23+s4+$0x0], $0xffff;
	v23 =	vadd.s32 v41, v3  }
0x3b4: {  	[tilespmem:v10+s13+$0x0] =	vst.idx.msk $0xffff, v19;
	v10 =	vadd.s32 v40, v54;
	v19 =	vadd.s32 v42, v53;
	v8 =	vld.idx.msk [tilespmem:v8+s4+$0x0], $0xffff  }
0x3b5: {  	[tilespmem:v4+s13+$0x0] =	vst.idx.msk $0xffff, v1;
	v1 =	vadd.s32 v42, v55;
	v4 =	vadd.s32 v40, v56;
	v20 =	vld.idx.msk [tilespmem:v20+s4+$0x0], $0xffff  }
0x3b6: {  	[tilespmem:v21+s13+$0x0] =	vst.idx.msk $0xffff, v14;
	v14 =	vadd.s32 v40, v57;
	v21 =	vadd.s32 v42, v60;
	v12 =	vld.idx.msk [tilespmem:v12+s4+$0x0], $0xffff  }
0x3b7: {  	[tilespmem:v16+s13+$0x0] =	vst.idx.msk $0xffff, v22;
	v16 =	vadd.s32 v42, v58;
	v22 =	vadd.s32 v40, v50;
	v17 =	vld.idx.msk [tilespmem:v17+s4+$0x0], $0xffff  }
0x3b8: {  	[tilespmem:v6+s13+$0x0] =	vst.idx.msk $0xffff, v18;
	v6 =	vadd.s32 v40, v45;
	v18 =	vadd.s32 v42, v30;
	v23 =	vld.idx.msk [tilespmem:v23+s4+$0x0], $0xffff  }
0x3b9: {  	[tilespmem:v10+s13+$0x0] =	vst.idx.msk $0xffff, v8;
	v8 =	vadd.s32 v42, v3;
	v10 =	vadd.s32 v59, v52;
	v19 =	vld.idx.msk [tilespmem:v19+s4+$0x0], $0xffff  }
0x3ba: {  	[tilespmem:v4+s13+$0x0] =	vst.idx.msk $0xffff, v20;
	v4 =	vadd.s32 v59, v54;
	v1 =	vld.idx.msk [tilespmem:v1+s4+$0x0], $0xffff  }
0x3bb: {  	[tilespmem:v14+s13+$0x0] =	vst.idx.msk $0xffff, v12;
	v12 =	vadd.s32 v59, v56;
	v14 =	vld.idx.msk [tilespmem:v21+s4+$0x0], $0xffff  }
0x3bc: {  	[tilespmem:v22+s13+$0x0] =	vst.idx.msk $0xffff, v17;
	v17 =	vadd.s32 v59, v57;
	v16 =	vld.idx.msk [tilespmem:v16+s4+$0x0], $0xffff  }
0x3bd: {  	[tilespmem:v6+s13+$0x0] =	vst.idx.msk $0xffff, v23;
	v6 =	vadd.s32 v59, v50;
	v18 =	vld.idx.msk [tilespmem:v18+s4+$0x0], $0xffff  }
0x3be: {  	[tilespmem:v10+s13+$0x0] =	vst.idx.msk $0xffff, v19;
	v10 =	vadd.s32 v59, v45;
	v8 =	vld.idx.msk [tilespmem:v8+s4+$0x0], $0xffff  }
0x3bf: {  	[tilespmem:v4+s13+$0x0] =	vst.idx.msk $0xffff, v1  }
0x3c0: {  	[tilespmem:v12+s13+$0x0] =	vst.idx.msk $0xffff, v14  }
0x3c1: {  	[tilespmem:v17+s13+$0x0] =	vst.idx.msk $0xffff, v16  }
0x3c2: {  	[tilespmem:v6+s13+$0x0] =	vst.idx.msk $0xffff, v18  }
0x3c3: {  	[tilespmem:v10+s13+$0x0] =	vst.idx.msk $0xffff, v8  }
0x3c4: {  	v1 =	vld [tilespmem:$0x17FF0]  }
0x3c5: {  	v3 =	vld [tilespmem:$0x1FE30]  }
0x3c6: {  	v5 =	vld [tilespmem:$0x1FE40]  }
0x3c7: {  	v7 =	vld [tilespmem:$0x1FE50]  }
0x3c8: {  	v9 =	vld [tilespmem:$0x1FE60]  }
0x3c9: {  	v31 =	vld [tilespmem:$0x1FE70]  }
0x3ca: {  	v11 =	vld [tilespmem:$0x1FE80]  }
0x3cb: {  	v13 =	vld [tilespmem:$0x1FE90]  }
0x3cc: {  	v15 =	vld [tilespmem:$0x1FEA0]  }
0x3cd: {  	v22 =	vld [tilespmem:$0x1FEB0]  }
0x3ce: {  	v29 =	vld [tilespmem:$0x1FEC0]  }
0x3cf: {  	v28 =	vld [tilespmem:$0x1FED0]  }
0x3d0: {  	v27 =	vld [tilespmem:$0x1FEE0]  }
0x3d1: {  	v26 =	vld [tilespmem:$0x1FEF0]  }
0x3d2: {  	v51 =	vld [tilespmem:$0x1FF00]  }
0x3d3: {  	v62 =	vld [tilespmem:$0x1FF10]  }
0x3d4: {  	s3 =	sadd.s32 s6, s28;
	v30 =	vld [tilespmem:$0x1FF20]  }
0x3d5: {  	s3 =	sshll.u32 s3, $0x8;
	v46 =	vld [tilespmem:$0x1FE00]  }
0x3d6: {  	s3 =	smin.u32 s3, $0xF4100;
	v40 =	vld [tilespmem:$0x1FF30];
	v1 =	vadd.f32 $0.0e+00, v1  }
0x3d7: {  	s3 =	sshll.u32 s3, $0x4;
	v41 =	vld [tilespmem:$0x1FF40]  }
0x3d8: {  	p1 =	sgt.u32 s25, $0x3B;
	s3 =	sadd.s32 s5, s3;
	v25 =	vld [tilespmem:$0x1FF70];
	[tilespmem:$0x17FF0] =	vst v1  }
0x3d9: {  	v45 =	vld [tilespmem:$0x1FE10];
	[hbm4b:s3+s4] =	stream.linear.scatter [tilespmem:s20], [sflag:$0x4], $0x8000, $0x38  }
.Ltmp9:
0x3da: {  	v44 =	vld [tilespmem:$0x1FE20];
	s3 =	sadd.s32 @!p1 s26, s11;
	(pc) =	sbr.rel .LBB2_12-.Ltmp9, $4  }
0x3db: {  	v24 =	vld [tilespmem:$0x1FF80];
	s3 =	sshll.u32 @!p1 s3, $0x8  }
0x3dc: {  	s28 =	simm.s32 @!p1 $0x7A1400;
	v0 =	vld [tilespmem:$0x1FFB0];
	s3 =	smin.u32 @!p1 s3, $0xF4100  }
0x3dd: {  	s29 =	simm.s32 @!p1 $0x4000;
	v36 =	vmov v34;
	v16 =	vld [tilespmem:$0x1FFC0];
	s26 =	simm.s32 @!p1 $0x800;
	s3 =	sadd.s32 @!p1 s0, s3  }
0x3de: {  	v32 =	vmovc v36;
	v37 =	vmov v37;
	v39 =	vmov v33;
	v38 =	vlaneseq.u32;
	v17 =	vld [tilespmem:$0x1FFD0];
	[tilespmem:s29], [sflag:$0x2] =	stream.strided.gather @!p1 [hbm4b:s3+s26], $0x4000, s28, s26, $0x38  }
.LBB2_14:
0x3df: {  	_ =	sfence.sel $0x180000  }
0x3e0: {  	[bflag:$0x0] =	sbarrier.arrive $0xFFFF  }
0x3e1: {  	_ =	strace $0x90000047  }
0x3e2: {  	[bflag:$0x2] =	sbarrier.arrive $0xFFFF  }
0x3e3: {  	p0 =	sne.s32 s2, $0x0;
	s0 =	rddreg [dreg:$0x3]  }
0x3e4: {  	s0 =	sadd.s32 @!p0 $0x100000, s0  }
0x3e5: {  	[sflag:s0] =	ssyncadd.tile.s32 @!p0 $0x1;
	_ =	shalt  }
.Lfunc_end2:
_tile_overlayer_lowered:
.L_overlay_start_2:
0x3e6: {  	(tag) =	ssettag $0x2  }
0x3e7: {  	s0 =	rddreg [dreg:$0x0];
	s2 =	stileid.u32  }
0x3e8: {  	s1 =	rddreg [dreg:$0x1];
	p0 =	sne.s32 s2, $0x0  }
0x3e9: {  	s3 =	rddreg [dreg:$0x2];
	[bflag:$0x3] =	sbarrier.arrive $0xFFFF;
	s2 =	simm.s32 @!p0 $0x1C05  }
0x3ea: {  	[timem:s3], [sflag:s2] =	dma.local @!p0 [hbm:s0], s1  }
0x3eb: {  	s0 =	simm.s32 @!p0 $0x5  }
0x3ec: {  	_ =	swait.ge @!p0 [sflag:s0], s1  }
0x3ed: {  	s1 =	ssub.s32 @!p0 $0x0, s1;
	[sflag:s0] =	ssyncset.done @!p0 $0x0  }
0x3ee: {  	[sflag:s0] =	ssyncadd.s32 @!p0 s1  }
0x3ef: {  	[bflag:$0x3] =	sbarrier.arrive $0xFFFF  }
0x3f0: {  	_ =	shalt  }

// kernel: kernel.7.cloned.1.call-start
scs
__scs_entry_jumppad:
0x0: {  	(pc) =	sbr.rel $0x88, $3  }
0x1: {  	(tag) =	ssettag $0x0;
	lr =	simm.s32 $0x1  }
0x2: {  	[smem:$0x3F9F] =	sst lr;
	_ =	strace $0xD0000000  }
0x3: {  	_ = 	snop  }
0x4: {  	_ = 	snop  }
0x5: {  	_ = 	snop  }
0x6: {  	_ = 	snop  }
0x7: {  	_ = 	snop  }
__scs_overlays_trampoline_lowered:
0x8: {  	[smem:$0x3FAE] =	sst s0  }
0x9: {  	[smem:$0x3FAF] =	sst s1  }
0xa: {  	[smem:$0x3FB0] =	sst s2  }
0xb: {  	[smem:$0x3FB1] =	sst s3  }
0xc: {  	[smem:$0x3FB2] =	sst s4  }
0xd: {  	[smem:$0x3FB3] =	sst s5  }
0xe: {  	[smem:$0x3FB4] =	sst s6  }
0xf: {  	[smem:$0x3FB5] =	sst s7  }
0x10: {  	[smem:$0x3FB6] =	sst s8  }
0x11: {  	[smem:$0x3FB7] =	sst s9;
	s0 =	simm.s32 @!p0 $0x0  }
0x12: {  	s1 =	sld [smem:$0x3F9D];
	s0 =	simm.s32 @p0 $0x1  }
0x13: {  	[smem:$0x3FB8] =	sst s0;
	s0 =	simm.s32 @!p1 $0x0  }
0x14: {  	s2 =	sld [smem:$0x3F9C];
	s0 =	simm.s32 @p1 $0x1  }
0x15: {  	[smem:$0x3FB9] =	sst s0;
	s0 =	simm.s32 @!p2 $0x0  }
0x16: {  	s3 =	sld [smem:$0x3FDB];
	s0 =	simm.s32 @p2 $0x1  }
0x17: {  	s4 =	simm.s32 $0x1BF5;
	[smem:$0x3FBB] =	sst s0  }
0x18: {  	s0 =	sld [smem:$0x3F9E];
	_ =	swait.ge [sflag:s4], $0x0  }
0x19: {  	s7 =	sld [smem:$0x3F9F]  }
0x1a: {  	s8 =	sadd.s32 $0xFFFFE003, lr  }
0x1b: {  	s9 =	sadd.s32 $0xFFFFFEF7, lr;
	s5 =	simm.s32 $0xFFFFFFFF;
	p2 =	slt.u32 s8, $0xFFFFF086  }
0x1c: {  	p1 =	slt.u32 s9, $0xF7A;
	s5 =	simm.s32 @!p2 $0x0  }
0x1d: {  	s5 =	simm.s32 @p1 $0x1;
	p0 =	seq.s32 s7, s2  }
0x1e: {  	s7 =	smul.u32 @!p0 $0xF7A, s2;
	p2 =	seq.s32 @!p0 s5, $0x0  }
0x1f: {  	s9 =	smul.u32 $0xF7A, s1;
	s8 =	simm.s32 @!p0 $0x1BF5;
	p2 =	por !p2, p0  }
0x20: {  	[sflag:s8] =	ssyncset.s32 @!p0 $0xFFFFF086;
	s6 =	sadd.s32 @!p0 s3, s7;
	s7 =	simm.s32 @!p0 $0x108  }
0x21: {  	s3 =	sadd.s32 s3, s9;
	s6 =	sadd.s32 @!p0 $0x88, s6;
	s7 =	simm.s32 @p2 $0x1082  }
0x22: {  	[simem:s7], [sflag:s8] =	dma.local @!p0 [hbm:s6], $0xF7A  }
0x23: {  	s9 =	sor.u32 $0xD0000000, s2;
	s6 =	simm.s32 $0x108;
	_ =	swait.ge @!p0 [sflag:s8], $0x0  }
0x24: {  	s3 =	sadd.s32 $0x88, s3;
	s6 =	simm.s32 @!p1 $0x1082;
	[sflag:s4] =	ssyncset.s32 $0xFFFFF086  }
0x25: {  	[simem:s6], [sflag:s4] =	dma.local [hbm:s3], $0xF7A  }
0x26: {  	[smem:$0x3F9F] =	sst s1;
	(tag) =	ssettag s2;
	_ =	strace s9  }
0x27: {  	s1 =	sld [smem:$0x3FAF]  }
0x28: {  	s2 =	sld [smem:$0x3FB0]  }
0x29: {  	s4 =	sld [smem:$0x3FB2]  }
0x2a: {  	p0 =	seq.s32 s5, $0x0;
	s5 =	sld [smem:$0x3FB3]  }
0x2b: {  	s6 =	sld [smem:$0x3FB4]  }
0x2c: {  	s7 =	sld [smem:$0x3FB5]  }
0x2d: {  	s3 =	simm.s32 $0x108;
	s8 =	sld [smem:$0x3FB6]  }
0x2e: {  	s3 =	simm.s32 @!p0 $0x1082;
	s9 =	sld [smem:$0x3FB7]  }
0x2f: {  	lr =	sadd.s32 s0, s3;
	s0 =	sld [smem:$0x3FAE]  }
0x30: {  	s3 =	sld [smem:$0x3FB1]  }
0x31: {  	[smem:$0x3FBA] =	sst s10  }
0x32: {  	s10 =	sld [smem:$0x3FB8];
	_ =	sdelay $0x3  }
0x33: {  	p0 =	seq.s32 s10, $0x1;
	s10 =	sld [smem:$0x3FBA];
	_ =	sdelay $0x3  }
0x34: {  	[smem:$0x3FBA] =	sst s10  }
0x35: {  	s10 =	sld [smem:$0x3FB9];
	_ =	sdelay $0x3  }
0x36: {  	p1 =	seq.s32 s10, $0x1;
	s10 =	sld [smem:$0x3FBA];
	_ =	sdelay $0x3  }
0x37: {  	[smem:$0x3FBA] =	sst s10  }
0x38: {  	s10 =	sld [smem:$0x3FBB]  }
0x39: {  	_ = 	snop;
	(pc) =	sbr.ind lr, $3  }
0x3a: {  	_ = 	snop  }
0x3b: {  	_ = 	snop  }
0x3c: {  	p2 =	seq.s32 s10, $0x1;
	s10 =	sld [smem:$0x3FBA]  }
0x3d: {  	_ =	shalt  }
0x3e: {  	_ =	shalt  }
0x3f: {  	_ =	shalt  }
0x40: {  	_ =	shalt  }
0x41: {  	_ =	shalt  }
0x42: {  	_ =	shalt  }
0x43: {  	_ =	shalt  }
0x44: {  	_ =	shalt  }
0x45: {  	_ =	shalt  }
0x46: {  	_ =	shalt  }
0x47: {  	_ =	shalt  }
0x48: {  	_ =	shalt  }
0x49: {  	_ =	shalt  }
0x4a: {  	_ =	shalt  }
0x4b: {  	_ =	shalt  }
0x4c: {  	_ =	shalt  }
0x4d: {  	_ =	shalt  }
0x4e: {  	_ =	shalt  }
0x4f: {  	_ =	shalt  }
0x50: {  	_ =	shalt  }
0x51: {  	_ =	shalt  }
0x52: {  	_ =	shalt  }
0x53: {  	_ =	shalt  }
0x54: {  	_ =	shalt  }
0x55: {  	_ =	shalt  }
0x56: {  	_ =	shalt  }
0x57: {  	_ =	shalt  }
0x58: {  	_ =	shalt  }
0x59: {  	_ =	shalt  }
0x5a: {  	_ =	shalt  }
0x5b: {  	_ =	shalt  }
0x5c: {  	_ =	shalt  }
0x5d: {  	_ =	shalt  }
0x5e: {  	_ =	shalt  }
0x5f: {  	_ =	shalt  }
0x60: {  	_ =	shalt  }
0x61: {  	_ =	shalt  }
0x62: {  	_ =	shalt  }
0x63: {  	_ =	shalt  }
0x64: {  	_ =	shalt  }
0x65: {  	_ =	shalt  }
0x66: {  	_ =	shalt  }
0x67: {  	_ =	shalt  }
0x68: {  	_ =	shalt  }
0x69: {  	_ =	shalt  }
0x6a: {  	_ =	shalt  }
0x6b: {  	_ =	shalt  }
0x6c: {  	_ =	shalt  }
0x6d: {  	_ =	shalt  }
0x6e: {  	_ =	shalt  }
0x6f: {  	_ =	shalt  }
0x70: {  	_ =	shalt  }
0x71: {  	_ =	shalt  }
0x72: {  	_ =	shalt  }
0x73: {  	_ =	shalt  }
0x74: {  	_ =	shalt  }
0x75: {  	_ =	shalt  }
0x76: {  	_ =	shalt  }
0x77: {  	_ =	shalt  }
0x78: {  	_ =	shalt  }
0x79: {  	_ =	shalt  }
0x7a: {  	_ =	shalt  }
0x7b: {  	_ =	shalt  }
0x7c: {  	_ =	shalt  }
0x7d: {  	_ =	shalt  }
0x7e: {  	_ =	shalt  }
0x7f: {  	_ =	shalt  }
0x80: {  	_ =	shalt  }
0x81: {  	_ =	shalt  }
0x82: {  	_ =	shalt  }
0x83: {  	_ =	shalt  }
0x84: {  	_ =	shalt  }
0x85: {  	_ =	shalt  }
0x86: {  	_ =	shalt  }
0x87: {  	_ =	shalt  }
.Lfunc_end0:
.L_simem_size_0:
called_computation.1_lowered:
.L_overlay_start_0:
0x88: {  	s2 =	sld [smem:$0x3FD9]  }
0x89: {  	s3 =	sld [smem:$0x3FFE];
	_ =	sdelay $0x1  }
0x8a: {  	s1 =	srdreg.scid  }
0x8b: {  	s0 =	sand.u32 $0x1, s1  }
0x8c: {  	s17 =	sshll.u32 s0, $0xA;
	s2 =	sadd.s32 s3, s2  }
0x8d: {  	s2 =	sadd.s32 s2, s17  }
0x8e: {  	[smem:$0x3FC6] =	sst s2  }
0x8f: {  	_ = 	snop  }
0x90: {  	s2 =	sld [smem:$0x3FC9]  }
0x91: {  	s18 =	sld [smem:$0x3FD0];
	(tm) =	ssettm $0x1  }
0x92: {  	s4 =	sld [smem:$0x3FFB];
	_ =	sdelay $0x3  }
0x93: {  	_ =	strace s4  }
0x94: {  	s4 =	sld [smem:$0x3FFC];
	_ =	sdelay $0x3  }
0x95: {  	_ =	strace s4  }
0x96: {  	s4 =	sld [smem:$0x3FFD];
	_ =	sdelay $0x3  }
0x97: {  	_ =	strace s4  }
0x98: {  	_ =	strace $0x8FFFFFFF  }
0x99: {  	s19 =	sld [smem:$0x3FDB];
	_ =	sdelay $0x1  }
0x9a: {  	s5 =	simm.s32 $_scs_section_size  }
0x9b: {  	s6 =	simm.s32 $_size__tile_overlayer_lowered;
	s7 =	simm.s32 $_tile_overlayer_lowered  }
0x9c: {  	s22 =	simm.s32 $0x1BFF;
	s21 =	sshll.u32 s7, $0x1;
	s4 =	sadd.s32 s5, s19  }
0x9d: {  	s8 =	simm.s32 $0x0;
	s20 =	sshll.u32 s6, $0x1;
	s6 =	sadd.s32 s21, s4  }
0x9e: {  	[timem:s8], [sflag:s22] =	dma.local [hbm:s6], s20  }
0x9f: {  	_ =	swait.ge [sflag:s22], s20  }
0xa0: {  	s5 =	ssub.s32 $0x0, s20;
	[sflag:s22] =	ssyncset.done $0x0  }
0xa1: {  	[sflag:s22] =	ssyncadd.s32 s5;
	_ =	sdelay $0x1  }
0xa2: {  	s23 =	simm.s32 $0x1B8B  }
0xa3: {  	_ =	swait.ge [sflag:s23], $0x1  }
0xa4: {  	[sflag:s23] =	ssyncset.done $0x0  }
0xa5: {  	s25 =	simm.s32 $0x1B8E;
	s24 =	sld [smem:$0x3FFE];
	[sflag:s23] =	ssyncadd.s32 $0xFFFFFFFF  }
0xa6: {  	s26 =	simm.s32 $execute0_lowered;
	[smem:$0x3FD2] =	sst s25  }
0xa7: {  	s6 =	sshll.u32 s26, $0x1;
	_ =	strace $0x80000049;
	[dreg:$0x1] =	wrdreg $0xFFFFFFFF  }
0xa8: {  	s28 =	simm.s32 $_size_execute0_lowered;
	s4 =	sadd.s32 s4, s6;
	[dreg:$0x0] =	wrdreg $0x0  }
0xa9: {  	s6 =	sshll.u32 s28, $0x1;
	[dreg:$0x2] =	wrdreg s4  }
0xaa: {  	[dreg:$0x3] =	wrdreg s6  }
0xab: {  	[dreg:$0x4] =	wrdreg $0xC0  }
0xac: {  	_ =	task [dreg:s8], $0x5FFFF  }
0xad: {  	[dreg:$0x1] =	wrdreg $0xFFFFFFFF  }
0xae: {  	[dreg:$0x0] =	wrdreg $0x60  }
0xaf: {  	[dreg:$0x2] =	wrdreg s2  }
0xb0: {  	[dreg:$0x3] =	wrdreg s24  }
0xb1: {  	[dreg:$0x4] =	wrdreg s18  }
0xb2: {  	[dreg:$0x5] =	wrdreg $0x9  }
0xb3: {  	_ =	task.clear_ibuf [dreg:s8], $0x6FFFF;
	_ =	strace $0x90000049  }
0xb4: {  	s29 =	simm.s32 $0x9;
	_ =	strace $0x8000004B  }
0xb5: {  	_ =	swait.ge [sflag:s29], $0x1  }
0xb6: {  	[sflag:s29] =	ssyncadd.s32 $0xFFFFFFFF  }
0xb7: {  	_ =	strace $0x9000004B  }
0xb8: {  	_ =	sfence  }
0xb9: {  	s30 =	sld [smem:$0x0];
	_ =	sdelay $0x2  }
0xba: {  	s31 =	sshll.u32 s1, $0xD;
	s1 =	sshrl.u32 s1, $0x2  }
0xbb: {  	s3 =	sand.u32 $0x4000, s31;
	s1 =	sadd.s32 s1, s30  }
0xbc: {  	s0 =	sor.u32 s3, s0;
	s1 =	sshll.u32 s1, $0x11  }
0xbd: {  	s0 =	sor.u32 s1, s0  }
0xbe: {  	s0 =	sadd.s32 $0x8F2B, s0  }
0xbf: {  	[sflag:s0] =	ssyncadd.remote.s32 $0x1  }
0xc0: {  	_ =	sfence.sel $0xFFFF  }
0xc1: {  	[dreg:$0x0] =	wrdreg $0xFFFFFFFF;
	(pc) =	sbr.abs _section_cstart, $3  }
0xc2: {  	[dreg:$0x1] =	wrdreg $0xFFFFFFFF  }
0xc3: {  	_ =	task.clear_ibuf [dreg:s8], $0x2FFFF;
	_ =	strace $0x9FFFFFFF  }
0xc4: {  	(tm) =	ssettm $0x7FFFFFFF  }
0xc5: {  	_ =	shalt  }
tec
execute0_lowered:
.L_overlay_start_1:
0x0: {  	(tag) =	ssettag $0x1  }
0x1: {  	s6 =	rddreg [dreg:$0x0]  }
0x2: {  	s4 =	rddreg [dreg:$0x1]  }
0x3: {  	v0 =	vlaneseq.u32;
	s1 =	rddreg [dreg:$0x2]  }
0x4: {  	s0 =	rddreg [dreg:$0x3];
	s2 =	simm.s32 $0x0;
	v1 =	vmul.u32 $0x80, v0;
	v2 =	vor.u32 $0xFFFFFFC0, v0  }
0x5: {  	s5 =	srdreg.scid;
	s3 =	stileid.u32;
	s10 =	simm.s32 $0x20000;
	v4 =	vor.u32 $0x10, v0;
	v6 =	vor.u32 $0x20, v0;
	v8 =	vor.u32 $0x30, v0  }
0x6: {  	s11 =	simm.s32 $0x5;
	s12 =	simm.s32 $0x80;
	s13 =	simm.s32 $0x7000;
	v10 =	vor.u32 $0x40, v0;
	v12 =	vor.u32 $0x50, v0;
	v14 =	vor.u32 $0x60, v0  }
0x7: {  	s14 =	simm.s32 $0x400;
	s15 =	simm.s32 $0xB000;
	s16 =	simm.s32 $0x1;
	v16 =	vor.u32 $0x70, v0;
	v18 =	vor.u32 $0x2000, v0;
	v20 =	vor.u32 $0x2010, v0  }
0x8: {  	s17 =	simm.s32 $0xF000;
	s18 =	simm.s32 $0x2;
	s19 =	simm.s32 $0x4;
	v22 =	vor.u32 $0x2020, v0;
	v24 =	vor.u32 $0x2030, v0;
	v26 =	vor.u32 $0x2040, v0  }
0x9: {  	s20 =	simm.s32 $0x11000;
	s21 =	simm.s32 $0x3;
	s22 =	simm.s32 $0x0;
	v28 =	vor.u32 $0x2050, v0;
	v30 =	vor.u32 $0x2060, v0;
	v32 =	vor.u32 $0x2070, v0  }
.Ltmp0:
0xa: {  	[smem:$0x7FF] =	sst s2;
	s5 =	sand.u32 $0x1, s5;
	v3 =	vor.u32 $0x800, v1;
	v5 =	vor.u32 $0x1000, v1;
	v7 =	vor.u32 $0x1800, v1;
	(pc) =	sbr.rel .LBB2_1-.Ltmp0, $4  }
0xb: {  	s8 =	sshll.u32 s3, $0xA;
	s7 =	ssub.s32 $0x2, s5;
	s5 =	sshll.u32 s5, $0x9;
	v9 =	vor.u32 $0x2000, v1;
	v11 =	vor.u32 $0x2800, v1;
	v13 =	vor.u32 $0x3000, v1  }
0xc: {  	s4 =	sadd.s32 $0x800, s4;
	s9 =	sshrl.u32 s7, $0x1;
	s5 =	sor.u32 s5, s8;
	v15 =	vor.u32 $0x3800, v1;
	v17 =	vor.u32 $0x4000, v1;
	v19 =	vor.u32 $0x4800, v1  }
0xd: {  	_ =	strace $0x8000004A;
	v21 =	vor.u32 $0x5000, v1;
	v23 =	vor.u32 $0x5800, v1;
	v25 =	vor.u32 $0x6000, v1;
	s31 =	ssub.s32 s7, s9;
	s6 =	sadd.s32 s6, s5  }
0xe: {  	v27 =	vor.u32 $0x6800, v1;
	v29 =	vor.u32 $0x7000, v1;
	v31 =	vor.u32 $0x7800, v1;
	s7 =	sadd.s32 $0x80, s1;
	s9 =	simm.s32 $0x1000;
	s8 =	smax.u32 s31, $0x1  }
.LBB2_12:
0xf: {  	s22 =	sadd.s32 $0x1, s22  }
0x10: {  	_ =	swait.ge [sflag:s21], $0x2000;
	p0 =	sne.s32 s22, s8  }
.Ltmp1:
0x11: {  	[sflag:s21] =	ssyncset.done $0x0;
	(pc) =	sbr.rel @!p0 .LBB2_13-.Ltmp1, $4  }
0x12: {  	[sflag:s21] =	ssyncadd.s32 $0xFFFFE000  }
0x13: {  	_ =	swait.ge [sflag:s19], $0x2000  }
0x14: {  	[sflag:s19] =	ssyncset.done $0x0  }
0x15: {  	[sflag:s19] =	ssyncadd.s32 $0xFFFFE000  }
.LBB2_1:
0x16: {  	[tilespmem:s2], [sflag:$0x5] =	stream.strided.gather [hbm4b:s6+s9], $0x7000, s10, s9, $0x38;
	[tilespmem:$0x13000] =	vst v63  }
0x17: {  	_ =	swait.ge [sflag:s11], $0x7000  }
0x18: {  	[sflag:s11] =	ssyncset.done $0x0  }
0x19: {  	[sflag:s11] =	ssyncadd.s32 $0xFFFF9000  }
0x1a: {  	[tilespmem:s13], [sflag:$0x1] =	stream.indirect.gather [hbm4b:s4+s12], $0x80, s2, s12, $0xb8;
	[tilespmem:$0x13000] =	vst v63  }
0x1b: {  	s23 =	simm.s32 $0x0  }
0x1c: {  	[tilespmem:s15], [sflag:$0x2] =	stream.indirect.gather [hbm4b:s4+s12], $0x80, s14, s12, $0xb8;
	[tilespmem:$0x13000] =	vst v63  }
.LBB2_2:
0x1d: {  	s24 =	simm.s32 $0x0  }
0x1e: {  	s25 =	simm.s32 $0x1;
	v33 =	vadd.s32 s24, v0  }
0x1f: {  	v34 =	vadd.s32 s24, v2;
	v35 =	vadd.s32 s25, v0;
	vm0 =	vgt.u32 v33, $0x3F  }
0x20: {  	_ =	swait.ge [sflag:s16], $0x4000;
	v51 =	vadd.s32 s25, v2;
	vm10 =	vgt.u32 v35, $0x3F;
	v43 =	vsel vm0, v34, v33  }
0x21: {  	p0 =	seq.s32 s23, $0x0;
	[sflag:s16] =	ssyncset.done $0x0;
	v44 =	vsel vm10, v51, v35;
	v34 =	vadd.s32 v1, v43  }
0x22: {  	s24 =	simm.s32 @!p0 $0x3;
	[sflag:s16] =	ssyncadd.s32 $0xFFFFC000;
	v33 =	vadd.s32 v1, v44  }
0x23: {  	_ =	swait.ge @!p0 [sflag:s24], $0x2000  }
0x24: {  	[sflag:s24] =	ssyncset.done @!p0 $0x0  }
0x25: {  	v42 =	vshll.u32 v43, $0x7;
	[sflag:s24] =	ssyncadd.s32 @!p0 $0xFFFFE000  }
0x26: {  	v41 =	vshll.u32 v44, $0x7;
	v52 =	vor.u32 v0, v42;
	v34 =	vld.idx.msk [tilespmem:v34+s13+$0x0], $0xffff  }
0x27: {  	v36 =	vadd.s32 v3, v43;
	v37 =	vor.u32 v0, v41;
	v33 =	vld.idx.msk [tilespmem:v33+s13+$0x0], $0xffff  }
0x28: {  	v38 =	vadd.s32 v3, v44  }
0x29: {  	s28 =	simm.s32 $0x3  }
0x2a: {  	v45 =	vadd.s32 s28, v0  }
0x2b: {  	v57 =	vadd.s32 s28, v2;
	vm12 =	vgt.u32 v45, $0x3F;
	[tilespmem:v52+s17+$0x0] =	vst.idx.msk $0xffff, v34  }
0x2c: {  	v35 =	vsel vm12, v57, v45;
	v53 =	vor.u32 v4, v42;
	[tilespmem:v37+s17+$0x0] =	vst.idx.msk $0xffff, v33;
	v34 =	vld.idx.msk [tilespmem:v36+s13+$0x0], $0xffff  }
0x2d: {  	s26 =	simm.s32 $0x2;
	v59 =	vadd.s32 v1, v35;
	v39 =	vor.u32 v4, v41;
	v37 =	vld.idx.msk [tilespmem:v38+s13+$0x0], $0xffff  }
0x2e: {  	v55 =	vadd.s32 s26, v0;
	v54 =	vadd.s32 v5, v43  }
0x2f: {  	v56 =	vadd.s32 s26, v2;
	vm11 =	vgt.u32 v55, $0x3F;
	v40 =	vadd.s32 v5, v44  }
0x30: {  	v36 =	vsel vm11, v56, v55  }
0x31: {  	v33 =	vshll.u32 v35, $0x7;
	v58 =	vadd.s32 v1, v36;
	[tilespmem:v53+s17+$0x0] =	vst.idx.msk $0xffff, v34  }
0x32: {  	v63 =	vor.u32 v0, v33;
	[tilespmem:v39+s17+$0x0] =	vst.idx.msk $0xffff, v37;
	v37 =	vld.idx.msk [tilespmem:v59+s13+$0x0], $0xffff  }
0x33: {  	v60 =	vor.u32 v6, v42;
	v38 =	vld.idx.msk [tilespmem:v54+s13+$0x0], $0xffff  }
0x34: {  	v46 =	vor.u32 v6, v41;
	v56 =	vadd.s32 v3, v35;
	v40 =	vld.idx.msk [tilespmem:v40+s13+$0x0], $0xffff  }
0x35: {  	v61 =	vadd.s32 v7, v43;
	v34 =	vshll.u32 v36, $0x7  }
0x36: {  	v47 =	vadd.s32 v7, v44;
	v48 =	vld.idx.msk [tilespmem:v58+s13+$0x0], $0xffff;
	v49 =	vor.u32 v0, v34  }
0x37: {  	v62 =	vadd.s32 v3, v36;
	[tilespmem:v63+s17+$0x0] =	vst.idx.msk $0xffff, v37  }
0x38: {  	s29 =	simm.s32 $0x4;
	v50 =	vadd.s32 v9, v43;
	v57 =	vor.u32 v8, v42;
	[tilespmem:v60+s17+$0x0] =	vst.idx.msk $0xffff, v38  }
0x39: {  	v53 =	vadd.s32 s29, v0;
	[tilespmem:v46+s17+$0x0] =	vst.idx.msk $0xffff, v40;
	v40 =	vld.idx.msk [tilespmem:v56+s13+$0x0], $0xffff;
	v46 =	vor.u32 v4, v33  }
0x3a: {  	s30 =	simm.s32 $0x5;
	v51 =	vor.u32 v8, v41;
	vm13 =	vgt.u32 v53, $0x3F;
	v58 =	vadd.s32 s29, v2;
	v45 =	vld.idx.msk [tilespmem:v61+s13+$0x0], $0xffff  }
0x3b: {  	v37 =	vsel vm13, v58, v53;
	v58 =	vadd.s32 s30, v0;
	[tilespmem:v49+s17+$0x0] =	vst.idx.msk $0xffff, v48;
	v47 =	vld.idx.msk [tilespmem:v47+s13+$0x0], $0xffff  }
0x3c: {  	v55 =	vadd.s32 s30, v2;
	v59 =	vor.u32 v4, v34;
	vm14 =	vgt.u32 v58, $0x3F;
	v38 =	vld.idx.msk [tilespmem:v62+s13+$0x0], $0xffff  }
0x3d: {  	v52 =	vadd.s32 v9, v44;
	v39 =	vsel vm14, v55, v58  }
0x3e: {  	[tilespmem:v46+s17+$0x0] =	vst.idx.msk $0xffff, v40;
	v40 =	vadd.s32 v1, v39  }
0x3f: {  	[tilespmem:v57+s17+$0x0] =	vst.idx.msk $0xffff, v45;
	v45 =	vadd.s32 v5, v36  }
0x40: {  	v60 =	vadd.s32 v5, v35;
	v61 =	vor.u32 v10, v42;
	[tilespmem:v51+s17+$0x0] =	vst.idx.msk $0xffff, v47;
	v48 =	vld.idx.msk [tilespmem:v50+s13+$0x0], $0xffff  }
0x41: {  	[tilespmem:v59+s17+$0x0] =	vst.idx.msk $0xffff, v38;
	v59 =	vadd.s32 v1, v37  }
0x42: {  	v63 =	vadd.s32 v11, v43;
	v57 =	vor.u32 v10, v41;
	v62 =	vld.idx.msk [tilespmem:v52+s13+$0x0], $0xffff  }
0x43: {  	v54 =	vadd.s32 v11, v44;
	v40 =	vld.idx.msk [tilespmem:v40+s13+$0x0], $0xffff  }
0x44: {  	v46 =	vor.u32 v6, v34;
	v45 =	vld.idx.msk [tilespmem:v45+s13+$0x0], $0xffff  }
0x45: {  	v47 =	vld.idx.msk [tilespmem:v60+s13+$0x0], $0xffff;
	[tilespmem:v61+s17+$0x0] =	vst.idx.msk $0xffff, v48;
	v48 =	vadd.s32 v7, v36  }
0x46: {  	v56 =	vld.idx.msk [tilespmem:v59+s13+$0x0], $0xffff  }
0x47: {  	[tilespmem:v57+s17+$0x0] =	vst.idx.msk $0xffff, v62;
	v51 =	vld.idx.msk [tilespmem:v63+s13+$0x0], $0xffff  }
0x48: {  	v53 =	vld.idx.msk [tilespmem:v54+s13+$0x0], $0xffff;
	[tilespmem:$0x1FFD0] =	vst v40  }
0x49: {  	[tilespmem:v46+s17+$0x0] =	vst.idx.msk $0xffff, v45  }
0x4a: {  	v48 =	vld.idx.msk [tilespmem:v48+s13+$0x0], $0xffff  }
0x4b: {  	v55 =	vor.u32 v12, v41  }
0x4c: {  	v57 =	vadd.s32 v13, v44;
	_ =	sdelay $0x2  }
0x4d: {  	v60 =	vor.u32 v6, v33;
	[tilespmem:$0x1FFE0] =	vst v48  }
0x4e: {  	v61 =	vadd.s32 v7, v35;
	v62 =	vor.u32 v12, v42;
	[tilespmem:v55+s17+$0x0] =	vst.idx.msk $0xffff, v53  }
0x4f: {  	v38 =	vshll.u32 v37, $0x7;
	v63 =	vadd.s32 v13, v43;
	v48 =	vld.idx.msk [tilespmem:v57+s13+$0x0], $0xffff  }
0x50: {  	v58 =	vor.u32 v0, v38;
	_ =	sdelay $0x1  }
0x51: {  	[tilespmem:v60+s17+$0x0] =	vst.idx.msk $0xffff, v47  }
0x52: {  	[tilespmem:v62+s17+$0x0] =	vst.idx.msk $0xffff, v51;
	v50 =	vld.idx.msk [tilespmem:v61+s13+$0x0], $0xffff  }
0x53: {  	v61 =	vld.idx.msk [tilespmem:v63+s13+$0x0], $0xffff;
	[tilespmem:$0x1FFF0] =	vst v48  }
0x54: {  	v40 =	vshll.u32 v39, $0x7;
	[tilespmem:v58+s17+$0x0] =	vst.idx.msk $0xffff, v56  }
0x55: {  	v46 =	vor.u32 v0, v40;
	v57 =	vld [tilespmem:$0x1FFD0];
	_ =	sdelay $0x3  }
0x56: {  	v52 =	vor.u32 v8, v33  }
0x57: {  	v63 =	vor.u32 v14, v42;
	[tilespmem:v46+s17+$0x0] =	vst.idx.msk $0xffff, v57  }
0x58: {  	v49 =	vor.u32 v8, v34;
	v58 =	vld [tilespmem:$0x1FFE0];
	_ =	sdelay $0x1  }
0x59: {  	v45 =	vadd.s32 v3, v37  }
0x5a: {  	v47 =	vadd.s32 v3, v39;
	[tilespmem:v52+s17+$0x0] =	vst.idx.msk $0xffff, v50  }
0x5b: {  	v62 =	vadd.s32 v9, v35;
	[tilespmem:v63+s17+$0x0] =	vst.idx.msk $0xffff, v61  }
0x5c: {  	s31 =	simm.s32 $0x6;
	v59 =	vadd.s32 v15, v43;
	v51 =	vadd.s32 v9, v36;
	[tilespmem:v49+s17+$0x0] =	vst.idx.msk $0xffff, v58  }
0x5d: {  	v54 =	vadd.s32 s31, v0;
	v60 =	vor.u32 v14, v41;
	v48 =	vadd.s32 v15, v44;
	v44 =	vld [tilespmem:$0x1FFF0]  }
0x5e: {  	vm15 =	vgt.u32 v54, $0x3F;
	v56 =	vadd.s32 s31, v2;
	v53 =	vld.idx.msk [tilespmem:v45+s13+$0x0], $0xffff  }
0x5f: {  	v55 =	vor.u32 v4, v38;
	v43 =	vsel vm15, v56, v54;
	v54 =	vld.idx.msk [tilespmem:v47+s13+$0x0], $0xffff  }
0x60: {  	v56 =	vadd.s32 v5, v37;
	v57 =	vor.u32 v4, v40;
	v50 =	vld.idx.msk [tilespmem:v62+s13+$0x0], $0xffff  }
0x61: {  	v58 =	vadd.s32 v5, v39;
	v49 =	vld.idx.msk [tilespmem:v51+s13+$0x0], $0xffff;
	v51 =	vor.u32 v10, v34  }
0x62: {  	s26 =	simm.s32 $0x7;
	s25 =	simm.s32 $0x8;
	s24 =	sshll.u32 s23, $0x1;
	v46 =	vadd.s32 v11, v36;
	v52 =	vor.u32 v10, v33;
	v47 =	vld.idx.msk [tilespmem:v59+s13+$0x0], $0xffff;
	[tilespmem:v60+s17+$0x0] =	vst.idx.msk $0xffff, v44  }
.LBB2_3:
0x63: {  	p1 =	slt.u32 s25, $0x3E;
	v44 =	vadd.s32 s26, v0;
	v45 =	vadd.s32 v11, v35;
	v42 =	vor.u32 v16, v42;
	v48 =	vld.idx.msk [tilespmem:v48+s13+$0x0], $0xffff;
	v59 =	vmovc v35  }
0x64: {  	v60 =	vadd.s32 s26, v2;
	v41 =	vor.u32 v16, v41;
	v35 =	vmovc v39;
	vm0 =	vgt.u32 v44, $0x3F;
	[tilespmem:v55+s17+$0x0] =	vst.idx.msk $0xffff, v53  }
0x65: {  	v53 =	vadd.s32 v1, v43;
	v39 =	vsel vm0, v60, v44;
	v44 =	vld.idx.msk [tilespmem:v56+s13+$0x0], $0xffff;
	[tilespmem:v57+s17+$0x0] =	vst.idx.msk $0xffff, v54  }
0x66: {  	v55 =	vor.u32 v6, v38;
	v54 =	vadd.s32 v1, v39;
	v56 =	vld.idx.msk [tilespmem:v58+s13+$0x0], $0xffff;
	[tilespmem:v51+s17+$0x0] =	vst.idx.msk $0xffff, v49  }
0x67: {  	v49 =	vadd.s32 v7, v37;
	v51 =	vor.u32 v6, v40;
	v46 =	vld.idx.msk [tilespmem:v46+s13+$0x0], $0xffff;
	[tilespmem:v52+s17+$0x0] =	vst.idx.msk $0xffff, v50  }
0x68: {  	v50 =	vadd.s32 v7, v35;
	v52 =	vor.u32 v12, v34;
	v45 =	vld.idx.msk [tilespmem:v45+s13+$0x0], $0xffff;
	[tilespmem:v42+s17+$0x0] =	vst.idx.msk $0xffff, v47  }
0x69: {  	v57 =	vor.u32 v12, v33;
	v47 =	vadd.s32 v13, v36;
	v42 =	vmov v34;
	[tilespmem:v41+s17+$0x0] =	vst.idx.msk $0xffff, v48  }
0x6a: {  	v34 =	vmovc v38;
	v38 =	vshll.u32 v43, $0x7;
	v41 =	vmovc v33;
	v33 =	vmov v40;
	v48 =	vld.idx.msk [tilespmem:v53+s13+$0x0], $0xffff;
	v53 =	vadd.s32 v13, v59  }
0x6b: {  	v58 =	vor.u32 v0, v38;
	v40 =	vshll.u32 v39, $0x7;
	v54 =	vld.idx.msk [tilespmem:v54+s13+$0x0], $0xffff;
	[tilespmem:v55+s17+$0x0] =	vst.idx.msk $0xffff, v44;
	v44 =	vmov v36  }
0x6c: {  	v60 =	vor.u32 v0, v40;
	v55 =	vadd.s32 v3, v43;
	v49 =	vld.idx.msk [tilespmem:v49+s13+$0x0], $0xffff;
	[tilespmem:v51+s17+$0x0] =	vst.idx.msk $0xffff, v56  }
0x6d: {  	v51 =	vadd.s32 v3, v39;
	v56 =	vor.u32 v8, v34;
	v50 =	vld.idx.msk [tilespmem:v50+s13+$0x0], $0xffff;
	[tilespmem:v52+s17+$0x0] =	vst.idx.msk $0xffff, v46  }
0x6e: {  	v46 =	vadd.s32 v9, v37;
	v52 =	vor.u32 v8, v33;
	v47 =	vld.idx.msk [tilespmem:v47+s13+$0x0], $0xffff;
	[tilespmem:v57+s17+$0x0] =	vst.idx.msk $0xffff, v45  }
0x6f: {  	v61 =	vor.u32 v14, v42;
	v36 =	vmovc v37;
	v37 =	vmov v43;
	v45 =	vadd.s32 v9, v35;
	v62 =	vld.idx.msk [tilespmem:v53+s13+$0x0], $0xffff  }
0x70: {  	v63 =	vor.u32 v14, v41;
	v44 =	vadd.s32 v15, v44;
	v43 =	vadd.s32 s25, v0;
	[tilespmem:v58+s17+$0x0] =	vst.idx.msk $0xffff, v48  }
.Ltmp2:
0x71: {  	vm0 =	vgt.u32 v43, $0x3F;
	v57 =	vadd.s32 s25, v2;
	v48 =	vadd.s32 v15, v59;
	v53 =	vld.idx.msk [tilespmem:v55+s13+$0x0], $0xffff;
	[tilespmem:v60+s17+$0x0] =	vst.idx.msk $0xffff, v54;
	(pc) =	sbr.rel @p1 .LBB2_3-.Ltmp2, $4  }
0x72: {  	v43 =	vsel vm0, v57, v43;
	v55 =	vor.u32 v4, v38;
	v54 =	vld.idx.msk [tilespmem:v51+s13+$0x0], $0xffff;
	[tilespmem:v56+s17+$0x0] =	vst.idx.msk $0xffff, v49  }
0x73: {  	v57 =	vor.u32 v4, v40;
	v56 =	vadd.s32 v5, v37;
	v49 =	vld.idx.msk [tilespmem:v46+s13+$0x0], $0xffff;
	[tilespmem:v52+s17+$0x0] =	vst.idx.msk $0xffff, v50  }
0x74: {  	v58 =	vadd.s32 v5, v39;
	v51 =	vor.u32 v10, v34;
	v50 =	vld.idx.msk [tilespmem:v45+s13+$0x0], $0xffff;
	[tilespmem:v61+s17+$0x0] =	vst.idx.msk $0xffff, v47  }
0x75: {  	s26 =	sadd.s32 $0x1, s25;
	s25 =	sadd.s32 $0x2, s25;
	v46 =	vadd.s32 v11, v36;
	v52 =	vor.u32 v10, v33;
	v47 =	vld.idx.msk [tilespmem:v44+s13+$0x0], $0xffff;
	[tilespmem:v63+s17+$0x0] =	vst.idx.msk $0xffff, v62  }
0x76: {  	v59 =	vadd.s32 v1, v43;
	_ =	sdelay $0x2  }
0x77: {  	v44 =	vadd.s32 s26, v0;
	v63 =	vshll.u32 v43, $0x7  }
0x78: {  	v45 =	vadd.s32 s26, v2;
	vm0 =	vgt.u32 v44, $0x3F;
	[tilespmem:$0x1FFA0] =	vst v63  }
0x79: {  	v60 =	vsel vm0, v45, v44;
	v62 =	vld.idx.msk [tilespmem:v59+s13+$0x0], $0xffff  }
0x7a: {  	v61 =	vadd.s32 v1, v60;
	_ =	sdelay $0x3  }
0x7b: {  	[tilespmem:$0x1FF40] =	vst v62  }
0x7c: {  	v62 =	vor.u32 v0, v63;
	v63 =	vld.idx.msk [tilespmem:v61+s13+$0x0], $0xffff;
	_ =	sdelay $0x3  }
0x7d: {  	v61 =	vld [tilespmem:$0x1FF40]  }
0x7e: {  	[tilespmem:$0x1FF50] =	vst v63;
	v63 =	vadd.s32 v3, v43;
	_ =	sdelay $0x3  }
0x7f: {  	[tilespmem:v62+s17+$0x0] =	vst.idx.msk $0xffff, v61  }
0x80: {  	v45 =	vshll.u32 v60, $0x7;
	v62 =	vld.idx.msk [tilespmem:v63+s13+$0x0], $0xffff  }
0x81: {  	v44 =	vor.u32 v0, v45;
	v61 =	vld [tilespmem:$0x1FF50];
	_ =	sdelay $0x3  }
0x82: {  	[tilespmem:$0x1FF60] =	vst v62  }
0x83: {  	[tilespmem:v44+s17+$0x0] =	vst.idx.msk $0xffff, v61  }
0x84: {  	v44 =	vld [tilespmem:$0x1FFA0];
	_ =	sdelay $0x1  }
0x85: {  	v59 =	vadd.s32 v3, v60;
	_ =	sdelay $0x2  }
0x86: {  	v61 =	vor.u32 v4, v44  }
0x87: {  	[tilespmem:$0x1FF70] =	vst v61  }
0x88: {  	v59 =	vld.idx.msk [tilespmem:v59+s13+$0x0], $0xffff;
	_ =	sdelay $0x4  }
0x89: {  	[tilespmem:$0x1FF80] =	vst v59  }
0x8a: {  	[tilespmem:v55+s17+$0x0] =	vst.idx.msk $0xffff, v53  }
0x8b: {  	v56 =	vld.idx.msk [tilespmem:v56+s13+$0x0], $0xffff;
	_ =	sdelay $0x4  }
0x8c: {  	[tilespmem:$0x1FF90] =	vst v56  }
0x8d: {  	[tilespmem:v57+s17+$0x0] =	vst.idx.msk $0xffff, v54  }
0x8e: {  	v53 =	vld [tilespmem:$0x1FF70];
	_ =	sdelay $0x1  }
0x8f: {  	v55 =	vld.idx.msk [tilespmem:v58+s13+$0x0], $0xffff  }
0x90: {  	v58 =	vld [tilespmem:$0x1FF60];
	_ =	sdelay $0x4  }
0x91: {  	[tilespmem:v53+s17+$0x0] =	vst.idx.msk $0xffff, v58  }
0x92: {  	v63 =	vmov v45;
	v62 =	vor.u32 v4, v45;
	v61 =	vadd.s32 v5, v43;
	v45 =	vld [tilespmem:$0x1FF80]  }
0x93: {  	v59 =	vadd.s32 v5, v60;
	_ =	sdelay $0x3  }
0x94: {  	v58 =	vld.idx.msk [tilespmem:v61+s13+$0x0], $0xffff;
	[tilespmem:v62+s17+$0x0] =	vst.idx.msk $0xffff, v45  }
0x95: {  	v45 =	vor.u32 v6, v44;
	v44 =	vadd.s32 v7, v60;
	v59 =	vld.idx.msk [tilespmem:v59+s13+$0x0], $0xffff  }
0x96: {  	v54 =	vor.u32 v6, v38;
	[tilespmem:$0x1FFB0] =	vst v44;
	v44 =	vld [tilespmem:$0x1FF90]  }
0x97: {  	v56 =	vadd.s32 v7, v37;
	_ =	sdelay $0x3  }
0x98: {  	v57 =	vor.u32 v6, v40;
	[tilespmem:v54+s17+$0x0] =	vst.idx.msk $0xffff, v44  }
0x99: {  	v54 =	vld.idx.msk [tilespmem:v56+s13+$0x0], $0xffff;
	_ =	sdelay $0x1  }
0x9a: {  	v61 =	vadd.s32 v7, v43;
	v62 =	vor.u32 v6, v63;
	_ =	sdelay $0x1  }
0x9b: {  	[tilespmem:v57+s17+$0x0] =	vst.idx.msk $0xffff, v55  }
0x9c: {  	[tilespmem:$0x1FFC0] =	vst v54  }
0x9d: {  	[tilespmem:v45+s17+$0x0] =	vst.idx.msk $0xffff, v58  }
0x9e: {  	[tilespmem:v62+s17+$0x0] =	vst.idx.msk $0xffff, v59;
	v57 =	vld.idx.msk [tilespmem:v61+s13+$0x0], $0xffff  }
0x9f: {  	v61 =	vld [tilespmem:$0x1FFA0];
	[tilespmem:v51+s17+$0x0] =	vst.idx.msk $0xffff, v49  }
0xa0: {  	v44 =	vld [tilespmem:$0x1FFB0]  }
0xa1: {  	v53 =	vadd.s32 v7, v39;
	_ =	sdelay $0x2  }
0xa2: {  	[tilespmem:v52+s17+$0x0] =	vst.idx.msk $0xffff, v50  }
0xa3: {  	v54 =	vor.u32 v8, v38;
	v52 =	vld [tilespmem:$0x1FFC0]  }
0xa4: {  	v55 =	vor.u32 v8, v40;
	v53 =	vld.idx.msk [tilespmem:v53+s13+$0x0], $0xffff;
	v45 =	vadd.s32 v9, v37  }
0xa5: {  	v56 =	vadd.s32 v9, v39;
	v58 =	vor.u32 v8, v61  }
0xa6: {  	v59 =	vor.u32 v8, v63;
	v51 =	vadd.s32 v9, v43;
	v49 =	vld.idx.msk [tilespmem:v44+s13+$0x0], $0xffff  }
0xa7: {  	v42 =	vor.u32 v16, v42;
	v62 =	vadd.s32 v9, v60  }
0xa8: {  	v41 =	vor.u32 v16, v41;
	v48 =	vld.idx.msk [tilespmem:v48+s13+$0x0], $0xffff;
	[tilespmem:v54+s17+$0x0] =	vst.idx.msk $0xffff, v52  }
0xa9: {  	[tilespmem:v55+s17+$0x0] =	vst.idx.msk $0xffff, v53;
	v52 =	vor.u32 v10, v38;
	v45 =	vld.idx.msk [tilespmem:v45+s13+$0x0], $0xffff;
	v44 =	vadd.s32 v11, v35  }
0xaa: {  	v55 =	vor.u32 v10, v40;
	v53 =	vld.idx.msk [tilespmem:v56+s13+$0x0], $0xffff;
	v54 =	vadd.s32 v11, v37;
	[tilespmem:v58+s17+$0x0] =	vst.idx.msk $0xffff, v57  }
0xab: {  	v56 =	vor.u32 v10, v61;
	v51 =	vld.idx.msk [tilespmem:v51+s13+$0x0], $0xffff;
	[tilespmem:v59+s17+$0x0] =	vst.idx.msk $0xffff, v49;
	v49 =	vadd.s32 v11, v39  }
0xac: {  	v50 =	vor.u32 v10, v63;
	[tilespmem:v42+s17+$0x0] =	vst.idx.msk $0xffff, v47;
	v47 =	vadd.s32 v11, v43;
	v42 =	vld.idx.msk [tilespmem:v62+s13+$0x0], $0xffff  }
0xad: {  	v46 =	vld.idx.msk [tilespmem:v46+s13+$0x0], $0xffff;
	[tilespmem:v41+s17+$0x0] =	vst.idx.msk $0xffff, v48;
	v41 =	vor.u32 v12, v34;
	v62 =	vadd.s32 v11, v60  }
0xae: {  	[tilespmem:v52+s17+$0x0] =	vst.idx.msk $0xffff, v45;
	v45 =	vadd.s32 v13, v36;
	v52 =	vor.u32 v12, v33;
	v44 =	vld.idx.msk [tilespmem:v44+s13+$0x0], $0xffff  }
0xaf: {  	[tilespmem:v55+s17+$0x0] =	vst.idx.msk $0xffff, v53;
	v53 =	vadd.s32 v13, v35;
	v55 =	vor.u32 v12, v38;
	v54 =	vld.idx.msk [tilespmem:v54+s13+$0x0], $0xffff  }
0xb0: {  	[tilespmem:v56+s17+$0x0] =	vst.idx.msk $0xffff, v51;
	v51 =	vadd.s32 v13, v37;
	v56 =	vor.u32 v12, v40;
	v49 =	vld.idx.msk [tilespmem:v49+s13+$0x0], $0xffff  }
0xb1: {  	v59 =	vadd.s32 v13, v39;
	v47 =	vld.idx.msk [tilespmem:v47+s13+$0x0], $0xffff;
	[tilespmem:v50+s17+$0x0] =	vst.idx.msk $0xffff, v42;
	v50 =	vor.u32 v12, v61  }
0xb2: {  	[tilespmem:v41+s17+$0x0] =	vst.idx.msk $0xffff, v46;
	v46 =	vadd.s32 v13, v43;
	v41 =	vld.idx.msk [tilespmem:v62+s13+$0x0], $0xffff;
	v62 =	vor.u32 v12, v63  }
0xb3: {  	v45 =	vld.idx.msk [tilespmem:v45+s13+$0x0], $0xffff;
	[tilespmem:v52+s17+$0x0] =	vst.idx.msk $0xffff, v44;
	v44 =	vor.u32 v14, v34;
	v52 =	vadd.s32 v13, v60  }
0xb4: {  	v57 =	vor.u32 v14, v33;
	v36 =	vadd.s32 v15, v36;
	[tilespmem:v55+s17+$0x0] =	vst.idx.msk $0xffff, v54;
	v53 =	vld.idx.msk [tilespmem:v53+s13+$0x0], $0xffff  }
0xb5: {  	v58 =	vadd.s32 v15, v35;
	v51 =	vld.idx.msk [tilespmem:v51+s13+$0x0], $0xffff;
	[tilespmem:v56+s17+$0x0] =	vst.idx.msk $0xffff, v49;
	v49 =	vor.u32 v14, v38  }
0xb6: {  	v37 =	vadd.s32 v15, v37;
	v42 =	vld.idx.msk [tilespmem:v59+s13+$0x0], $0xffff;
	v59 =	vor.u32 v14, v40;
	[tilespmem:v50+s17+$0x0] =	vst.idx.msk $0xffff, v47  }
0xb7: {  	v39 =	vadd.s32 v15, v39;
	v46 =	vld.idx.msk [tilespmem:v46+s13+$0x0], $0xffff;
	[tilespmem:v62+s17+$0x0] =	vst.idx.msk $0xffff, v41;
	v62 =	vor.u32 v14, v61  }
0xb8: {  	[tilespmem:v44+s17+$0x0] =	vst.idx.msk $0xffff, v45;
	v50 =	vadd.s32 v15, v43;
	v48 =	vld.idx.msk [tilespmem:v52+s13+$0x0], $0xffff;
	v52 =	vor.u32 v14, v63  }
0xb9: {  	v56 =	vor.u32 v16, v34;
	v36 =	vld.idx.msk [tilespmem:v36+s13+$0x0], $0xffff;
	[tilespmem:v57+s17+$0x0] =	vst.idx.msk $0xffff, v53;
	v57 =	vadd.s32 v15, v60  }
0xba: {  	v35 =	vld.idx.msk [tilespmem:v58+s13+$0x0], $0xffff;
	v58 =	vor.u32 v16, v33;
	[tilespmem:v49+s17+$0x0] =	vst.idx.msk $0xffff, v51  }
0xbb: {  	v37 =	vld.idx.msk [tilespmem:v37+s13+$0x0], $0xffff;
	[tilespmem:v59+s17+$0x0] =	vst.idx.msk $0xffff, v42;
	v59 =	vor.u32 v16, v38  }
0xbc: {  	v60 =	vor.u32 v16, v40;
	v39 =	vld.idx.msk [tilespmem:v39+s13+$0x0], $0xffff;
	[tilespmem:v62+s17+$0x0] =	vst.idx.msk $0xffff, v46  }
0xbd: {  	v61 =	vor.u32 v16, v61;
	v41 =	vld.idx.msk [tilespmem:v50+s13+$0x0], $0xffff;
	[tilespmem:v52+s17+$0x0] =	vst.idx.msk $0xffff, v48  }
0xbe: {  	v63 =	vor.u32 v16, v63;
	[tilespmem:v56+s17+$0x0] =	vst.idx.msk $0xffff, v36;
	v62 =	vld.idx.msk [tilespmem:v57+s13+$0x0], $0xffff  }
0xbf: {  	[tilespmem:v58+s17+$0x0] =	vst.idx.msk $0xffff, v35  }
0xc0: {  	[tilespmem:v59+s17+$0x0] =	vst.idx.msk $0xffff, v37  }
0xc1: {  	[tilespmem:v60+s17+$0x0] =	vst.idx.msk $0xffff, v39  }
0xc2: {  	[tilespmem:v61+s17+$0x0] =	vst.idx.msk $0xffff, v41  }
0xc3: {  	[tilespmem:v63+s17+$0x0] =	vst.idx.msk $0xffff, v62  }
0xc4: {  	v33 =	vld [tilespmem:$0x10FF0];
	_ =	sdelay $0x2  }
0xc5: {  	s25 =	sshll.u32 s23, $0x10;
	s30 =	sshll.u32 s23, $0x8;
	p1 =	sne.s32 s23, $0x63  }
.Ltmp3:
0xc6: {  	s25 =	sand.u32 $0x7E0000, s25;
	s26 =	sand.u32 $0x100, s30;
	(pc) =	sbr.rel @p1 .LBB2_6-.Ltmp3, $4  }
0xc7: {  	s25 =	sor.u32 s26, s25;
	v33 =	vadd.f32 $0.0e+00, v33  }
0xc8: {  	s25 =	sor.u32 s5, s25  }
0xc9: {  	s31 =	sadd.s32 s1, s25;
	[tilespmem:$0x10FF0] =	vst v33  }
0xca: {  	[hbm4b:s31+s14] =	stream.strided.scatter [tilespmem:s17], [sflag:$0x3], $0x2000, s10, s14, $0x38;
	[tilespmem:$0x13000] =	vst v63  }
.Ltmp4:
0xcb: {  	(pc) =	sbr.rel .LBB2_7-.Ltmp4, $4  }
0xcc: {  	_ = 	snop  }
0xcd: {  	_ =	swait.ge [sflag:s18], $0x4000  }
0xce: {  	[sflag:s18] =	ssyncset.done $0x0  }
0xcf: {  	[sflag:s18] =	ssyncadd.s32 $0xFFFFC000  }
.LBB2_6:
0xd0: {  	s26 =	sadd.s32 $0x2, s24  }
0xd1: {  	s28 =	sshll.u32 s26, $0x7;
	s29 =	sshll.u32 s26, $0xA  }
0xd2: {  	s26 =	sshll.u32 s26, $0x5;
	s28 =	sand.u32 $0xF000, s28;
	s29 =	sand.u32 $0x800, s29  }
0xd3: {  	s26 =	sand.u32 $0x380, s26;
	s28 =	sor.u32 s29, s28  }
.Ltmp5:
0xd4: {  	s26 =	sor.u32 s26, s28;
	(pc) =	sbr.rel @p0 .LBB2_8-.Ltmp5, $4  }
0xd5: {  	[tilespmem:s13], [sflag:$0x1] =	stream.indirect.gather [hbm4b:s4+s12], $0x80, s26, s12, $0xb8;
	[tilespmem:$0x13000] =	vst v63  }
0xd6: {  	_ =	swait.ge [sflag:s18], $0x4000  }
0xd7: {  	[sflag:s18] =	ssyncset.done $0x0  }
0xd8: {  	[sflag:s18] =	ssyncadd.s32 $0xFFFFC000  }
.LBB2_7:
0xd9: {  	_ =	swait.ge [sflag:s19], $0x2000  }
0xda: {  	[sflag:s19] =	ssyncset.done $0x0  }
0xdb: {  	[sflag:s19] =	ssyncadd.s32 $0xFFFFE000  }
.LBB2_8:
0xdc: {  	s26 =	simm.s32 $0x0  }
0xdd: {  	s28 =	simm.s32 $0x1;
	v33 =	vadd.s32 s26, v0  }
0xde: {  	v34 =	vadd.s32 s26, v2;
	v35 =	vadd.s32 s28, v0;
	vm0 =	vgt.u32 v33, $0x3F  }
0xdf: {  	v51 =	vadd.s32 s28, v2;
	vm10 =	vgt.u32 v35, $0x3F;
	v43 =	vsel vm0, v34, v33  }
0xe0: {  	v44 =	vsel vm10, v51, v35;
	v34 =	vadd.s32 v17, v43  }
0xe1: {  	v33 =	vadd.s32 v17, v44;
	_ =	sdelay $0x2  }
0xe2: {  	v42 =	vshll.u32 v43, $0x7  }
0xe3: {  	v41 =	vshll.u32 v44, $0x7;
	v52 =	vadd.s32 v18, v42;
	v34 =	vld.idx.msk [tilespmem:v34+s13+$0x0], $0xffff  }
0xe4: {  	v36 =	vadd.s32 v19, v43;
	v37 =	vadd.s32 v18, v41;
	v33 =	vld.idx.msk [tilespmem:v33+s13+$0x0], $0xffff  }
0xe5: {  	v38 =	vadd.s32 v19, v44  }
0xe6: {  	s28 =	simm.s32 $0x3  }
0xe7: {  	v45 =	vadd.s32 s28, v0  }
0xe8: {  	v57 =	vadd.s32 s28, v2;
	vm12 =	vgt.u32 v45, $0x3F;
	[tilespmem:v52+s17+$0x0] =	vst.idx.msk $0xffff, v34  }
0xe9: {  	v35 =	vsel vm12, v57, v45;
	v53 =	vadd.s32 v20, v42;
	[tilespmem:v37+s17+$0x0] =	vst.idx.msk $0xffff, v33;
	v34 =	vld.idx.msk [tilespmem:v36+s13+$0x0], $0xffff  }
0xea: {  	s31 =	simm.s32 $0x2;
	v39 =	vadd.s32 v20, v41;
	v59 =	vadd.s32 v17, v35;
	v37 =	vld.idx.msk [tilespmem:v38+s13+$0x0], $0xffff  }
0xeb: {  	v55 =	vadd.s32 s31, v0;
	v54 =	vadd.s32 v21, v43  }
0xec: {  	v56 =	vadd.s32 s31, v2;
	vm11 =	vgt.u32 v55, $0x3F;
	v40 =	vadd.s32 v21, v44  }
0xed: {  	v36 =	vsel vm11, v56, v55  }
0xee: {  	v33 =	vshll.u32 v35, $0x7;
	v58 =	vadd.s32 v17, v36;
	[tilespmem:v53+s17+$0x0] =	vst.idx.msk $0xffff, v34  }
0xef: {  	v63 =	vadd.s32 v18, v33;
	[tilespmem:v39+s17+$0x0] =	vst.idx.msk $0xffff, v37;
	v37 =	vld.idx.msk [tilespmem:v59+s13+$0x0], $0xffff  }
0xf0: {  	v60 =	vadd.s32 v22, v42;
	v38 =	vld.idx.msk [tilespmem:v54+s13+$0x0], $0xffff  }
0xf1: {  	v46 =	vadd.s32 v22, v41;
	v56 =	vadd.s32 v19, v35;
	v40 =	vld.idx.msk [tilespmem:v40+s13+$0x0], $0xffff  }
0xf2: {  	v61 =	vadd.s32 v23, v43;
	v34 =	vshll.u32 v36, $0x7  }
0xf3: {  	v47 =	vadd.s32 v23, v44;
	v48 =	vld.idx.msk [tilespmem:v58+s13+$0x0], $0xffff;
	v49 =	vadd.s32 v18, v34  }
0xf4: {  	v62 =	vadd.s32 v19, v36;
	[tilespmem:v63+s17+$0x0] =	vst.idx.msk $0xffff, v37  }
0xf5: {  	s29 =	simm.s32 $0x4;
	v50 =	vadd.s32 v25, v43;
	v57 =	vadd.s32 v24, v42;
	[tilespmem:v60+s17+$0x0] =	vst.idx.msk $0xffff, v38  }
0xf6: {  	v53 =	vadd.s32 s29, v0;
	[tilespmem:v46+s17+$0x0] =	vst.idx.msk $0xffff, v40;
	v40 =	vld.idx.msk [tilespmem:v56+s13+$0x0], $0xffff;
	v46 =	vadd.s32 v20, v33  }
0xf7: {  	s30 =	simm.s32 $0x5;
	v51 =	vadd.s32 v24, v41;
	vm13 =	vgt.u32 v53, $0x3F;
	v58 =	vadd.s32 s29, v2;
	v45 =	vld.idx.msk [tilespmem:v61+s13+$0x0], $0xffff  }
0xf8: {  	v37 =	vsel vm13, v58, v53;
	v58 =	vadd.s32 s30, v0;
	[tilespmem:v49+s17+$0x0] =	vst.idx.msk $0xffff, v48;
	v47 =	vld.idx.msk [tilespmem:v47+s13+$0x0], $0xffff  }
0xf9: {  	v55 =	vadd.s32 s30, v2;
	v59 =	vadd.s32 v20, v34;
	vm14 =	vgt.u32 v58, $0x3F;
	v38 =	vld.idx.msk [tilespmem:v62+s13+$0x0], $0xffff  }
0xfa: {  	v52 =	vadd.s32 v25, v44;
	v39 =	vsel vm14, v55, v58  }
0xfb: {  	[tilespmem:v46+s17+$0x0] =	vst.idx.msk $0xffff, v40;
	v40 =	vadd.s32 v17, v39  }
0xfc: {  	[tilespmem:v57+s17+$0x0] =	vst.idx.msk $0xffff, v45;
	v45 =	vadd.s32 v21, v36  }
0xfd: {  	v60 =	vadd.s32 v21, v35;
	v61 =	vadd.s32 v26, v42;
	[tilespmem:v51+s17+$0x0] =	vst.idx.msk $0xffff, v47;
	v48 =	vld.idx.msk [tilespmem:v50+s13+$0x0], $0xffff  }
0xfe: {  	[tilespmem:v59+s17+$0x0] =	vst.idx.msk $0xffff, v38;
	v59 =	vadd.s32 v17, v37  }
0xff: {  	v63 =	vadd.s32 v27, v43;
	v57 =	vadd.s32 v26, v41;
	v62 =	vld.idx.msk [tilespmem:v52+s13+$0x0], $0xffff  }
0x100: {  	v54 =	vadd.s32 v27, v44;
	v40 =	vld.idx.msk [tilespmem:v40+s13+$0x0], $0xffff  }
0x101: {  	v46 =	vadd.s32 v22, v34;
	v45 =	vld.idx.msk [tilespmem:v45+s13+$0x0], $0xffff  }
0x102: {  	v47 =	vld.idx.msk [tilespmem:v60+s13+$0x0], $0xffff;
	[tilespmem:v61+s17+$0x0] =	vst.idx.msk $0xffff, v48;
	v48 =	vadd.s32 v23, v36  }
0x103: {  	v56 =	vld.idx.msk [tilespmem:v59+s13+$0x0], $0xffff  }
0x104: {  	[tilespmem:v57+s17+$0x0] =	vst.idx.msk $0xffff, v62;
	v51 =	vld.idx.msk [tilespmem:v63+s13+$0x0], $0xffff  }
0x105: {  	v53 =	vld.idx.msk [tilespmem:v54+s13+$0x0], $0xffff;
	[tilespmem:$0x1FF10] =	vst v40  }
0x106: {  	[tilespmem:v46+s17+$0x0] =	vst.idx.msk $0xffff, v45  }
0x107: {  	v48 =	vld.idx.msk [tilespmem:v48+s13+$0x0], $0xffff  }
0x108: {  	v55 =	vadd.s32 v28, v41  }
0x109: {  	v57 =	vadd.s32 v29, v44;
	_ =	sdelay $0x2  }
0x10a: {  	v60 =	vadd.s32 v22, v33;
	[tilespmem:$0x1FF20] =	vst v48  }
0x10b: {  	v61 =	vadd.s32 v23, v35;
	v62 =	vadd.s32 v28, v42;
	[tilespmem:v55+s17+$0x0] =	vst.idx.msk $0xffff, v53  }
0x10c: {  	v38 =	vshll.u32 v37, $0x7;
	v63 =	vadd.s32 v29, v43;
	v48 =	vld.idx.msk [tilespmem:v57+s13+$0x0], $0xffff  }
0x10d: {  	v58 =	vadd.s32 v18, v38;
	_ =	sdelay $0x1  }
0x10e: {  	[tilespmem:v60+s17+$0x0] =	vst.idx.msk $0xffff, v47  }
0x10f: {  	[tilespmem:v62+s17+$0x0] =	vst.idx.msk $0xffff, v51;
	v50 =	vld.idx.msk [tilespmem:v61+s13+$0x0], $0xffff  }
0x110: {  	v61 =	vld.idx.msk [tilespmem:v63+s13+$0x0], $0xffff;
	[tilespmem:$0x1FF30] =	vst v48  }
0x111: {  	v40 =	vshll.u32 v39, $0x7;
	[tilespmem:v58+s17+$0x0] =	vst.idx.msk $0xffff, v56  }
0x112: {  	v46 =	vadd.s32 v18, v40;
	v57 =	vld [tilespmem:$0x1FF10];
	_ =	sdelay $0x3  }
0x113: {  	v52 =	vadd.s32 v24, v33  }
0x114: {  	v63 =	vadd.s32 v30, v42;
	[tilespmem:v46+s17+$0x0] =	vst.idx.msk $0xffff, v57  }
0x115: {  	v49 =	vadd.s32 v24, v34;
	v58 =	vld [tilespmem:$0x1FF20];
	_ =	sdelay $0x1  }
0x116: {  	v45 =	vadd.s32 v19, v37  }
0x117: {  	v47 =	vadd.s32 v19, v39;
	[tilespmem:v52+s17+$0x0] =	vst.idx.msk $0xffff, v50  }
0x118: {  	v62 =	vadd.s32 v25, v35;
	[tilespmem:v63+s17+$0x0] =	vst.idx.msk $0xffff, v61  }
0x119: {  	s31 =	simm.s32 $0x6;
	v59 =	vadd.s32 v31, v43;
	v51 =	vadd.s32 v25, v36;
	[tilespmem:v49+s17+$0x0] =	vst.idx.msk $0xffff, v58  }
0x11a: {  	v54 =	vadd.s32 s31, v0;
	v60 =	vadd.s32 v30, v41;
	v48 =	vadd.s32 v31, v44;
	v44 =	vld [tilespmem:$0x1FF30]  }
0x11b: {  	vm15 =	vgt.u32 v54, $0x3F;
	v56 =	vadd.s32 s31, v2;
	v53 =	vld.idx.msk [tilespmem:v45+s13+$0x0], $0xffff  }
0x11c: {  	v55 =	vadd.s32 v20, v38;
	v43 =	vsel vm15, v56, v54;
	v54 =	vld.idx.msk [tilespmem:v47+s13+$0x0], $0xffff  }
0x11d: {  	v56 =	vadd.s32 v21, v37;
	v57 =	vadd.s32 v20, v40;
	v50 =	vld.idx.msk [tilespmem:v62+s13+$0x0], $0xffff  }
0x11e: {  	v58 =	vadd.s32 v21, v39;
	v49 =	vld.idx.msk [tilespmem:v51+s13+$0x0], $0xffff;
	v51 =	vadd.s32 v26, v34  }
0x11f: {  	s26 =	simm.s32 $0x8;
	s28 =	simm.s32 $0x7;
	v46 =	vadd.s32 v27, v36;
	v52 =	vadd.s32 v26, v33;
	v47 =	vld.idx.msk [tilespmem:v59+s13+$0x0], $0xffff;
	[tilespmem:v60+s17+$0x0] =	vst.idx.msk $0xffff, v44  }
.LBB2_9:
0x120: {  	p0 =	slt.u32 s26, $0x3E;
	v44 =	vadd.s32 s28, v0;
	v45 =	vadd.s32 v27, v35;
	v42 =	vadd.s32 v32, v42;
	v48 =	vld.idx.msk [tilespmem:v48+s13+$0x0], $0xffff;
	v59 =	vmovc v35  }
0x121: {  	v60 =	vadd.s32 s28, v2;
	v41 =	vadd.s32 v32, v41;
	v35 =	vmovc v39;
	vm0 =	vgt.u32 v44, $0x3F;
	[tilespmem:v55+s17+$0x0] =	vst.idx.msk $0xffff, v53  }
0x122: {  	v53 =	vadd.s32 v17, v43;
	v39 =	vsel vm0, v60, v44;
	v44 =	vld.idx.msk [tilespmem:v56+s13+$0x0], $0xffff;
	[tilespmem:v57+s17+$0x0] =	vst.idx.msk $0xffff, v54  }
0x123: {  	v55 =	vadd.s32 v22, v38;
	v54 =	vadd.s32 v17, v39;
	v56 =	vld.idx.msk [tilespmem:v58+s13+$0x0], $0xffff;
	[tilespmem:v51+s17+$0x0] =	vst.idx.msk $0xffff, v49  }
0x124: {  	v49 =	vadd.s32 v23, v37;
	v51 =	vadd.s32 v22, v40;
	v46 =	vld.idx.msk [tilespmem:v46+s13+$0x0], $0xffff;
	[tilespmem:v52+s17+$0x0] =	vst.idx.msk $0xffff, v50  }
0x125: {  	v50 =	vadd.s32 v23, v35;
	v52 =	vadd.s32 v28, v34;
	v45 =	vld.idx.msk [tilespmem:v45+s13+$0x0], $0xffff;
	[tilespmem:v42+s17+$0x0] =	vst.idx.msk $0xffff, v47  }
0x126: {  	v57 =	vadd.s32 v28, v33;
	v47 =	vadd.s32 v29, v36;
	v42 =	vmov v34;
	[tilespmem:v41+s17+$0x0] =	vst.idx.msk $0xffff, v48  }
0x127: {  	v34 =	vmovc v38;
	v38 =	vshll.u32 v43, $0x7;
	v41 =	vmovc v33;
	v33 =	vmov v40;
	v48 =	vld.idx.msk [tilespmem:v53+s13+$0x0], $0xffff;
	v53 =	vadd.s32 v29, v59  }
0x128: {  	v58 =	vadd.s32 v18, v38;
	v40 =	vshll.u32 v39, $0x7;
	v54 =	vld.idx.msk [tilespmem:v54+s13+$0x0], $0xffff;
	[tilespmem:v55+s17+$0x0] =	vst.idx.msk $0xffff, v44;
	v44 =	vmov v36  }
0x129: {  	v60 =	vadd.s32 v18, v40;
	v55 =	vadd.s32 v19, v43;
	v49 =	vld.idx.msk [tilespmem:v49+s13+$0x0], $0xffff;
	[tilespmem:v51+s17+$0x0] =	vst.idx.msk $0xffff, v56  }
0x12a: {  	v51 =	vadd.s32 v19, v39;
	v56 =	vadd.s32 v24, v34;
	v50 =	vld.idx.msk [tilespmem:v50+s13+$0x0], $0xffff;
	[tilespmem:v52+s17+$0x0] =	vst.idx.msk $0xffff, v46  }
0x12b: {  	v46 =	vadd.s32 v25, v37;
	v52 =	vadd.s32 v24, v33;
	v47 =	vld.idx.msk [tilespmem:v47+s13+$0x0], $0xffff;
	[tilespmem:v57+s17+$0x0] =	vst.idx.msk $0xffff, v45  }
0x12c: {  	v61 =	vadd.s32 v30, v42;
	v36 =	vmovc v37;
	v37 =	vmov v43;
	v45 =	vadd.s32 v25, v35;
	v62 =	vld.idx.msk [tilespmem:v53+s13+$0x0], $0xffff  }
0x12d: {  	v63 =	vadd.s32 v30, v41;
	v44 =	vadd.s32 v31, v44;
	v43 =	vadd.s32 s26, v0;
	[tilespmem:v58+s17+$0x0] =	vst.idx.msk $0xffff, v48  }
.Ltmp6:
0x12e: {  	vm0 =	vgt.u32 v43, $0x3F;
	v57 =	vadd.s32 s26, v2;
	v48 =	vadd.s32 v31, v59;
	v53 =	vld.idx.msk [tilespmem:v55+s13+$0x0], $0xffff;
	[tilespmem:v60+s17+$0x0] =	vst.idx.msk $0xffff, v54;
	(pc) =	sbr.rel @p0 .LBB2_9-.Ltmp6, $4  }
0x12f: {  	v43 =	vsel vm0, v57, v43;
	v55 =	vadd.s32 v20, v38;
	v54 =	vld.idx.msk [tilespmem:v51+s13+$0x0], $0xffff;
	[tilespmem:v56+s17+$0x0] =	vst.idx.msk $0xffff, v49  }
0x130: {  	v57 =	vadd.s32 v20, v40;
	v56 =	vadd.s32 v21, v37;
	v49 =	vld.idx.msk [tilespmem:v46+s13+$0x0], $0xffff;
	[tilespmem:v52+s17+$0x0] =	vst.idx.msk $0xffff, v50  }
0x131: {  	v58 =	vadd.s32 v21, v39;
	v51 =	vadd.s32 v26, v34;
	v50 =	vld.idx.msk [tilespmem:v45+s13+$0x0], $0xffff;
	[tilespmem:v61+s17+$0x0] =	vst.idx.msk $0xffff, v47  }
0x132: {  	s28 =	sadd.s32 $0x1, s26;
	s26 =	sadd.s32 $0x2, s26;
	v46 =	vadd.s32 v27, v36;
	v52 =	vadd.s32 v26, v33;
	v47 =	vld.idx.msk [tilespmem:v44+s13+$0x0], $0xffff;
	[tilespmem:v63+s17+$0x0] =	vst.idx.msk $0xffff, v62  }
0x133: {  	v59 =	vadd.s32 v17, v43;
	_ =	sdelay $0x2  }
0x134: {  	v44 =	vadd.s32 s28, v0;
	v63 =	vshll.u32 v43, $0x7  }
0x135: {  	v45 =	vadd.s32 s28, v2;
	vm0 =	vgt.u32 v44, $0x3F;
	[tilespmem:$0x1FEE0] =	vst v63  }
0x136: {  	v60 =	vsel vm0, v45, v44;
	v62 =	vld.idx.msk [tilespmem:v59+s13+$0x0], $0xffff  }
0x137: {  	v61 =	vadd.s32 v17, v60;
	_ =	sdelay $0x3  }
0x138: {  	[tilespmem:$0x1FE80] =	vst v62  }
0x139: {  	v62 =	vadd.s32 v18, v63;
	v63 =	vld.idx.msk [tilespmem:v61+s13+$0x0], $0xffff;
	_ =	sdelay $0x3  }
0x13a: {  	v61 =	vld [tilespmem:$0x1FE80]  }
0x13b: {  	[tilespmem:$0x1FE90] =	vst v63;
	v63 =	vadd.s32 v19, v43;
	_ =	sdelay $0x3  }
0x13c: {  	[tilespmem:v62+s17+$0x0] =	vst.idx.msk $0xffff, v61  }
0x13d: {  	v45 =	vshll.u32 v60, $0x7;
	v62 =	vld.idx.msk [tilespmem:v63+s13+$0x0], $0xffff  }
0x13e: {  	v44 =	vadd.s32 v18, v45;
	v61 =	vld [tilespmem:$0x1FE90];
	_ =	sdelay $0x3  }
0x13f: {  	[tilespmem:$0x1FEA0] =	vst v62  }
0x140: {  	[tilespmem:v44+s17+$0x0] =	vst.idx.msk $0xffff, v61  }
0x141: {  	v44 =	vld [tilespmem:$0x1FEE0];
	_ =	sdelay $0x1  }
0x142: {  	v59 =	vadd.s32 v19, v60;
	_ =	sdelay $0x2  }
0x143: {  	v61 =	vadd.s32 v20, v44  }
0x144: {  	[tilespmem:$0x1FEB0] =	vst v61  }
0x145: {  	v59 =	vld.idx.msk [tilespmem:v59+s13+$0x0], $0xffff;
	_ =	sdelay $0x4  }
0x146: {  	[tilespmem:$0x1FEC0] =	vst v59  }
0x147: {  	[tilespmem:v55+s17+$0x0] =	vst.idx.msk $0xffff, v53  }
0x148: {  	v56 =	vld.idx.msk [tilespmem:v56+s13+$0x0], $0xffff;
	_ =	sdelay $0x4  }
0x149: {  	[tilespmem:$0x1FED0] =	vst v56  }
0x14a: {  	[tilespmem:v57+s17+$0x0] =	vst.idx.msk $0xffff, v54  }
0x14b: {  	v53 =	vld [tilespmem:$0x1FEB0];
	_ =	sdelay $0x1  }
0x14c: {  	v55 =	vld.idx.msk [tilespmem:v58+s13+$0x0], $0xffff  }
0x14d: {  	v58 =	vld [tilespmem:$0x1FEA0];
	_ =	sdelay $0x4  }
0x14e: {  	[tilespmem:v53+s17+$0x0] =	vst.idx.msk $0xffff, v58  }
0x14f: {  	v63 =	vmov v45;
	v62 =	vadd.s32 v20, v45;
	v61 =	vadd.s32 v21, v43;
	v45 =	vld [tilespmem:$0x1FEC0]  }
0x150: {  	v59 =	vadd.s32 v21, v60;
	_ =	sdelay $0x3  }
0x151: {  	v58 =	vld.idx.msk [tilespmem:v61+s13+$0x0], $0xffff;
	[tilespmem:v62+s17+$0x0] =	vst.idx.msk $0xffff, v45  }
0x152: {  	v45 =	vadd.s32 v22, v44;
	v44 =	vadd.s32 v23, v60;
	v59 =	vld.idx.msk [tilespmem:v59+s13+$0x0], $0xffff  }
0x153: {  	v54 =	vadd.s32 v22, v38;
	[tilespmem:$0x1FEF0] =	vst v44;
	v44 =	vld [tilespmem:$0x1FED0]  }
0x154: {  	v56 =	vadd.s32 v23, v37;
	_ =	sdelay $0x3  }
0x155: {  	v57 =	vadd.s32 v22, v40;
	[tilespmem:v54+s17+$0x0] =	vst.idx.msk $0xffff, v44  }
0x156: {  	v54 =	vld.idx.msk [tilespmem:v56+s13+$0x0], $0xffff;
	_ =	sdelay $0x1  }
0x157: {  	v61 =	vadd.s32 v23, v43;
	v62 =	vadd.s32 v22, v63;
	_ =	sdelay $0x1  }
0x158: {  	[tilespmem:v57+s17+$0x0] =	vst.idx.msk $0xffff, v55  }
0x159: {  	[tilespmem:$0x1FF00] =	vst v54  }
0x15a: {  	[tilespmem:v45+s17+$0x0] =	vst.idx.msk $0xffff, v58  }
0x15b: {  	[tilespmem:v62+s17+$0x0] =	vst.idx.msk $0xffff, v59;
	v57 =	vld.idx.msk [tilespmem:v61+s13+$0x0], $0xffff  }
0x15c: {  	v61 =	vld [tilespmem:$0x1FEE0];
	[tilespmem:v51+s17+$0x0] =	vst.idx.msk $0xffff, v49  }
0x15d: {  	v44 =	vld [tilespmem:$0x1FEF0]  }
0x15e: {  	v53 =	vadd.s32 v23, v39;
	_ =	sdelay $0x2  }
0x15f: {  	[tilespmem:v52+s17+$0x0] =	vst.idx.msk $0xffff, v50  }
0x160: {  	v54 =	vadd.s32 v24, v38;
	v52 =	vld [tilespmem:$0x1FF00]  }
0x161: {  	v55 =	vadd.s32 v24, v40;
	v53 =	vld.idx.msk [tilespmem:v53+s13+$0x0], $0xffff;
	v45 =	vadd.s32 v25, v37  }
0x162: {  	v56 =	vadd.s32 v25, v39;
	v58 =	vadd.s32 v24, v61  }
0x163: {  	v59 =	vadd.s32 v24, v63;
	v51 =	vadd.s32 v25, v43;
	v49 =	vld.idx.msk [tilespmem:v44+s13+$0x0], $0xffff  }
0x164: {  	v42 =	vadd.s32 v32, v42;
	v62 =	vadd.s32 v25, v60  }
0x165: {  	v41 =	vadd.s32 v32, v41;
	v48 =	vld.idx.msk [tilespmem:v48+s13+$0x0], $0xffff;
	[tilespmem:v54+s17+$0x0] =	vst.idx.msk $0xffff, v52  }
0x166: {  	[tilespmem:v55+s17+$0x0] =	vst.idx.msk $0xffff, v53;
	v52 =	vadd.s32 v26, v38;
	v45 =	vld.idx.msk [tilespmem:v45+s13+$0x0], $0xffff;
	v44 =	vadd.s32 v27, v35  }
0x167: {  	v55 =	vadd.s32 v26, v40;
	v53 =	vld.idx.msk [tilespmem:v56+s13+$0x0], $0xffff;
	v54 =	vadd.s32 v27, v37;
	[tilespmem:v58+s17+$0x0] =	vst.idx.msk $0xffff, v57  }
0x168: {  	v56 =	vadd.s32 v26, v61;
	v51 =	vld.idx.msk [tilespmem:v51+s13+$0x0], $0xffff;
	[tilespmem:v59+s17+$0x0] =	vst.idx.msk $0xffff, v49;
	v49 =	vadd.s32 v27, v39  }
0x169: {  	v50 =	vadd.s32 v26, v63;
	[tilespmem:v42+s17+$0x0] =	vst.idx.msk $0xffff, v47;
	v47 =	vadd.s32 v27, v43;
	v42 =	vld.idx.msk [tilespmem:v62+s13+$0x0], $0xffff  }
0x16a: {  	v46 =	vld.idx.msk [tilespmem:v46+s13+$0x0], $0xffff;
	[tilespmem:v41+s17+$0x0] =	vst.idx.msk $0xffff, v48;
	v41 =	vadd.s32 v28, v34;
	v62 =	vadd.s32 v27, v60  }
0x16b: {  	[tilespmem:v52+s17+$0x0] =	vst.idx.msk $0xffff, v45;
	v45 =	vadd.s32 v29, v36;
	v52 =	vadd.s32 v28, v33;
	v44 =	vld.idx.msk [tilespmem:v44+s13+$0x0], $0xffff  }
0x16c: {  	[tilespmem:v55+s17+$0x0] =	vst.idx.msk $0xffff, v53;
	v53 =	vadd.s32 v29, v35;
	v55 =	vadd.s32 v28, v38;
	v54 =	vld.idx.msk [tilespmem:v54+s13+$0x0], $0xffff  }
0x16d: {  	[tilespmem:v56+s17+$0x0] =	vst.idx.msk $0xffff, v51;
	v51 =	vadd.s32 v29, v37;
	v56 =	vadd.s32 v28, v40;
	v49 =	vld.idx.msk [tilespmem:v49+s13+$0x0], $0xffff  }
0x16e: {  	v59 =	vadd.s32 v29, v39;
	v47 =	vld.idx.msk [tilespmem:v47+s13+$0x0], $0xffff;
	[tilespmem:v50+s17+$0x0] =	vst.idx.msk $0xffff, v42;
	v50 =	vadd.s32 v28, v61  }
0x16f: {  	[tilespmem:v41+s17+$0x0] =	vst.idx.msk $0xffff, v46;
	v46 =	vadd.s32 v29, v43;
	v41 =	vld.idx.msk [tilespmem:v62+s13+$0x0], $0xffff;
	v62 =	vadd.s32 v28, v63  }
0x170: {  	v45 =	vld.idx.msk [tilespmem:v45+s13+$0x0], $0xffff;
	[tilespmem:v52+s17+$0x0] =	vst.idx.msk $0xffff, v44;
	v44 =	vadd.s32 v30, v34;
	v52 =	vadd.s32 v29, v60  }
0x171: {  	v57 =	vadd.s32 v30, v33;
	v36 =	vadd.s32 v31, v36;
	[tilespmem:v55+s17+$0x0] =	vst.idx.msk $0xffff, v54;
	v53 =	vld.idx.msk [tilespmem:v53+s13+$0x0], $0xffff  }
0x172: {  	v58 =	vadd.s32 v31, v35;
	v51 =	vld.idx.msk [tilespmem:v51+s13+$0x0], $0xffff;
	[tilespmem:v56+s17+$0x0] =	vst.idx.msk $0xffff, v49;
	v49 =	vadd.s32 v30, v38  }
0x173: {  	v37 =	vadd.s32 v31, v37;
	v42 =	vld.idx.msk [tilespmem:v59+s13+$0x0], $0xffff;
	v59 =	vadd.s32 v30, v40;
	[tilespmem:v50+s17+$0x0] =	vst.idx.msk $0xffff, v47  }
0x174: {  	v39 =	vadd.s32 v31, v39;
	v46 =	vld.idx.msk [tilespmem:v46+s13+$0x0], $0xffff;
	[tilespmem:v62+s17+$0x0] =	vst.idx.msk $0xffff, v41;
	v62 =	vadd.s32 v30, v61  }
0x175: {  	[tilespmem:v44+s17+$0x0] =	vst.idx.msk $0xffff, v45;
	v50 =	vadd.s32 v31, v43;
	v48 =	vld.idx.msk [tilespmem:v52+s13+$0x0], $0xffff;
	v52 =	vadd.s32 v30, v63  }
0x176: {  	v56 =	vadd.s32 v32, v34;
	v36 =	vld.idx.msk [tilespmem:v36+s13+$0x0], $0xffff;
	[tilespmem:v57+s17+$0x0] =	vst.idx.msk $0xffff, v53;
	v57 =	vadd.s32 v31, v60  }
0x177: {  	v35 =	vld.idx.msk [tilespmem:v58+s13+$0x0], $0xffff;
	v58 =	vadd.s32 v32, v33;
	[tilespmem:v49+s17+$0x0] =	vst.idx.msk $0xffff, v51  }
0x178: {  	v37 =	vld.idx.msk [tilespmem:v37+s13+$0x0], $0xffff;
	[tilespmem:v59+s17+$0x0] =	vst.idx.msk $0xffff, v42;
	v59 =	vadd.s32 v32, v38  }
0x179: {  	v60 =	vadd.s32 v32, v40;
	v39 =	vld.idx.msk [tilespmem:v39+s13+$0x0], $0xffff;
	[tilespmem:v62+s17+$0x0] =	vst.idx.msk $0xffff, v46  }
0x17a: {  	v61 =	vadd.s32 v32, v61;
	v41 =	vld.idx.msk [tilespmem:v50+s13+$0x0], $0xffff;
	[tilespmem:v52+s17+$0x0] =	vst.idx.msk $0xffff, v48  }
0x17b: {  	v63 =	vadd.s32 v32, v63;
	[tilespmem:v56+s17+$0x0] =	vst.idx.msk $0xffff, v36;
	v62 =	vld.idx.msk [tilespmem:v57+s13+$0x0], $0xffff  }
0x17c: {  	[tilespmem:v58+s17+$0x0] =	vst.idx.msk $0xffff, v35  }
0x17d: {  	[tilespmem:v59+s17+$0x0] =	vst.idx.msk $0xffff, v37  }
0x17e: {  	[tilespmem:v60+s17+$0x0] =	vst.idx.msk $0xffff, v39  }
0x17f: {  	[tilespmem:v61+s17+$0x0] =	vst.idx.msk $0xffff, v41  }
0x180: {  	[tilespmem:v63+s17+$0x0] =	vst.idx.msk $0xffff, v62  }
0x181: {  	v33 =	vld [tilespmem:$0x12FF0];
	_ =	sdelay $0x2  }
0x182: {  	p0 =	seq.s32 s23, $0x63  }
.Ltmp7:
0x183: {  	_ = 	snop;
	(pc) =	sbr.rel @p0 .LBB2_12-.Ltmp7, $3  }
0x184: {  	v33 =	vadd.f32 $0.0e+00, v33;
	_ =	sdelay $0x1  }
0x185: {  	s25 =	sadd.s32 s25, s7;
	[tilespmem:$0x12FF0] =	vst v33  }
0x186: {  	[hbm4b:s25+s14] =	stream.strided.scatter [tilespmem:s20], [sflag:$0x4], $0x2000, s10, s14, $0x38;
	[tilespmem:$0x13000] =	vst v63  }
0x187: {  	s24 =	sadd.s32 $0x3, s24  }
.Ltmp8:
0x188: {  	s25 =	sshll.u32 s24, $0x7;
	s26 =	sshll.u32 s24, $0xA;
	(pc) =	sbr.rel .LBB2_2-.Ltmp8, $4  }
0x189: {  	s24 =	sshll.u32 s24, $0x5;
	s25 =	sand.u32 $0xF000, s25;
	s26 =	sand.u32 $0xC00, s26  }
0x18a: {  	s24 =	sand.u32 $0x380, s24;
	s25 =	sor.u32 s26, s25  }
0x18b: {  	s23 =	sadd.s32 $0x1, s23;
	s24 =	sor.u32 s24, s25  }
0x18c: {  	[tilespmem:s15], [sflag:$0x2] =	stream.indirect.gather [hbm4b:s4+s12], $0x80, s24, s12, $0xb8;
	[tilespmem:$0x13000] =	vst v63  }
.LBB2_13:
0x18d: {  	_ =	sfence.sel $0x180000  }
0x18e: {  	[bflag:$0x0] =	sbarrier.arrive $0xFFFF  }
0x18f: {  	p0 =	sne.s32 s3, $0x0;
	_ =	strace $0x9000004A  }
0x190: {  	s0 =	sadd.s32 @!p0 $0x100000, s0;
	[bflag:$0x2] =	sbarrier.arrive $0xFFFF  }
0x191: {  	[sflag:s0] =	ssyncadd.tile.s32 @!p0 $0x1;
	_ =	shalt  }
.Lfunc_end2:
_tile_overlayer_lowered:
.L_overlay_start_2:
0x192: {  	(tag) =	ssettag $0x2  }
0x193: {  	s0 =	rddreg [dreg:$0x0];
	s2 =	stileid.u32  }
0x194: {  	s1 =	rddreg [dreg:$0x1];
	p0 =	sne.s32 s2, $0x0  }
0x195: {  	s3 =	rddreg [dreg:$0x2];
	[bflag:$0x3] =	sbarrier.arrive $0xFFFF;
	s2 =	simm.s32 @!p0 $0x1C05  }
0x196: {  	[timem:s3], [sflag:s2] =	dma.local @!p0 [hbm:s0], s1  }
0x197: {  	s0 =	simm.s32 @!p0 $0x5  }
0x198: {  	_ =	swait.ge @!p0 [sflag:s0], s1  }
0x199: {  	s1 =	ssub.s32 @!p0 $0x0, s1;
	[sflag:s0] =	ssyncset.done @!p0 $0x0  }
0x19a: {  	[sflag:s0] =	ssyncadd.s32 @!p0 s1  }
0x19b: {  	[bflag:$0x3] =	sbarrier.arrive $0xFFFF  }
0x19c: {  	_ =	shalt  }

</sc_bundles>
